<compile_context>
chip_gen: v7x
topology: tpu7x:2x2x1
jax: 0.10.2.dev20260603
libtpu: 0.0.44.dev20260713+nightly
codegen_flags: <defaults>
</compile_context>

<pallas_src>
import functools

import jax
import jax.numpy as jnp
from jax import lax
from jax.experimental import pallas as pl
from jax.experimental.pallas import tpu as pltpu
from jax.experimental.pallas import tpu_sc as plsc

BATCH = 16384
K = 64
CHUNK = 128


def _gmf_kernel(uid_hbm, iid_hbm, p_hbm, q_hbm, out_hbm,
                uidx_v, iidx_v, pbuf, qbuf, obuf,
                sem_p0, sem_p1, sem_q0, sem_q1, sem_o0, sem_o1):
    info = plsc.get_sparse_core_info()
    nc = info.num_cores
    nw = nc * info.num_subcores
    lanes = info.num_lanes
    b_per_w = BATCH // nw
    n_chunks = b_per_w // CHUNK

    wid = lax.axis_index("s") * nc + lax.axis_index("c")
    base = wid * b_per_w

    pltpu.sync_copy(uid_hbm.at[pl.ds(base, b_per_w)], uidx_v)
    pltpu.sync_copy(iid_hbm.at[pl.ds(base, b_per_w)], iidx_v)

    sem_ps = (sem_p0, sem_p1)
    sem_qs = (sem_q0, sem_q1)
    sem_os = (sem_o0, sem_o1)

    def issue(ch, b):
        def ibody(g, carry):
            off = ch * CHUNK + g * lanes
            uvec = uidx_v[pl.ds(off, lanes)]
            ivec = iidx_v[pl.ds(off, lanes)]
            for l in range(lanes):
                u = lax.squeeze(lax.slice(uvec, (l,), (l + 1,)), (0,))
                i = lax.squeeze(lax.slice(ivec, (l,), (l + 1,)), (0,))
                d = g * lanes + l
                pltpu.async_copy(p_hbm.at[u], pbuf.at[b, d], sem_ps[b])
                pltpu.async_copy(q_hbm.at[i], qbuf.at[b, d], sem_qs[b])
            return carry
        lax.fori_loop(0, CHUNK // lanes, ibody, 0)

    def drain_rows(buf, sem):
        pltpu.make_async_copy(out_hbm.at[pl.ds(0, CHUNK)], buf, sem).wait()

    issue(0, 0)
    issue(1, 1)

    for ch in range(n_chunks):
        b = ch % 2
        drain_rows(pbuf.at[b], sem_ps[b])
        drain_rows(qbuf.at[b], sem_qs[b])
        if ch >= 2:
            pltpu.make_async_copy(
                obuf.at[b],
                out_hbm.at[pl.ds(base + (ch - 2) * CHUNK, CHUNK)],
                sem_os[b]).wait()

        def cbody(r, carry):
            for g in range(K // lanes):
                sl = pl.ds(g * lanes, lanes)
                obuf[b, r, sl] = pbuf[b, r, sl] * qbuf[b, r, sl]
            return carry
        lax.fori_loop(0, CHUNK, cbody, 0)

        pltpu.async_copy(obuf.at[b],
                         out_hbm.at[pl.ds(base + ch * CHUNK, CHUNK)],
                         sem_os[b])
        if ch + 2 < n_chunks:
            issue(ch + 2, b)

    for b in range(2):
        ch = n_chunks - 2 + b
        pltpu.make_async_copy(obuf.at[b],
                              out_hbm.at[pl.ds(base + ch * CHUNK, CHUNK)],
                              sem_os[b]).wait()


def kernel(user_ids, item_ids, P, Q):
    info = plsc.get_sparse_core_info()
    nw = info.num_cores * info.num_subcores
    b_per_w = BATCH // nw

    mesh = plsc.VectorSubcoreMesh(core_axis_name="c", subcore_axis_name="s")
    run = functools.partial(
        pl.kernel,
        mesh=mesh,
        out_type=jax.ShapeDtypeStruct((BATCH, K), jnp.float32),
        scratch_types=[
            pltpu.VMEM((b_per_w,), jnp.int32),
            pltpu.VMEM((b_per_w,), jnp.int32),
            pltpu.VMEM((2, CHUNK, K), jnp.float32),
            pltpu.VMEM((2, CHUNK, K), jnp.float32),
            pltpu.VMEM((2, CHUNK, K), jnp.float32),
            pltpu.SemaphoreType.DMA,
            pltpu.SemaphoreType.DMA,
            pltpu.SemaphoreType.DMA,
            pltpu.SemaphoreType.DMA,
            pltpu.SemaphoreType.DMA,
            pltpu.SemaphoreType.DMA,
        ],
    )(_gmf_kernel)
    return run(user_ids.astype(jnp.int32), item_ids.astype(jnp.int32), P, Q)

# --- scband reference (transcript-rebuilt; emitter-appended) ---
"""Pipeline reference for scband-gmf-67963562492247 (READ-ONLY COPY).

The authoritative reference and input builder live on the scoring server;
editing this copy changes nothing except your own understanding.
"""

import jax, jax.numpy as jnp
import numpy as np

N_USERS = 1000000
N_ITEMS = 1000000
K = 64
BATCH = 16384

def setup_inputs(seed: int = 0) -> dict:
    key = jax.random.key(seed)
    k1, k2, k3, k4 = jax.random.split(key, 4)
    user_ids = jax.random.randint(k1, (BATCH,), 0, N_USERS, dtype=jnp.int64) if jax.config.jax_enable_x64 else jax.random.randint(k1, (BATCH,), 0, N_USERS, dtype=jnp.int32)
    item_ids = jax.random.randint(k2, (BATCH,), 0, N_ITEMS, dtype=jnp.int64) if jax.config.jax_enable_x64 else jax.random.randint(k2, (BATCH,), 0, N_ITEMS, dtype=jnp.int32)
    P = jax.random.normal(k3, (N_USERS, K), dtype=jnp.float32) * 0.01
    Q = jax.random.normal(k4, (N_ITEMS, K), dtype=jnp.float32) * 0.01
    return {"user_ids": user_ids, "item_ids": item_ids, "P": P, "Q": Q}

def reference(user_ids, item_ids, P, Q):
    pu = jnp.take(P, user_ids, axis=0)
    qi = jnp.take(Q, item_ids, axis=0)
    X = pu * qi
    return X

if __name__ == "__main__":
    import jax
    _d = setup_inputs()
    print(jax.jit(kernel)(*tuple(_d.values())))

</pallas_src>

<mosaic_0001>
#map = affine_map<(d0, d1) -> (0)>
#map1 = affine_map<(d0, d1) -> (0, 0)>
module attributes {stable_mosaic.version = 14 : i64} {
  func.func @_gmf_kernel(%arg0: i32, %arg1: i32, %arg2: memref<16384xi32, #tpu.memory_space<hbm>>, %arg3: memref<16384xi32, #tpu.memory_space<hbm>>, %arg4: memref<1000000x64xf32, #tpu.memory_space<hbm>>, %arg5: memref<1000000x64xf32, #tpu.memory_space<hbm>>, %arg6: memref<16384x64xf32, #tpu.memory_space<hbm>>, %arg7: memref<512xi32, #tpu.memory_space<vmem>>, %arg8: memref<512xi32, #tpu.memory_space<vmem>>, %arg9: memref<2x128x64xf32, #tpu.memory_space<vmem>>, %arg10: memref<2x128x64xf32, #tpu.memory_space<vmem>>, %arg11: memref<2x128x64xf32, #tpu.memory_space<vmem>>, %arg12: memref<!tpu.dma_semaphore, #tpu.memory_space<semaphore_mem>>, %arg13: memref<!tpu.dma_semaphore, #tpu.memory_space<semaphore_mem>>, %arg14: memref<!tpu.dma_semaphore, #tpu.memory_space<semaphore_mem>>, %arg15: memref<!tpu.dma_semaphore, #tpu.memory_space<semaphore_mem>>, %arg16: memref<!tpu.dma_semaphore, #tpu.memory_space<semaphore_mem>>, %arg17: memref<!tpu.dma_semaphore, #tpu.memory_space<semaphore_mem>>) attributes {dimension_semantics = [#tpu.dimension_semantics<core_parallel>, #tpu.dimension_semantics<subcore_parallel>], iteration_bounds = array<i64: 2, 16>, scalar_prefetch = 0 : i64, scratch_operands = 11 : i64, tpu.core_type = #tpu.core_type<sc_vector_subcore>, window_params = [{transform_indices = #map}, {transform_indices = #map}, {transform_indices = #map1}, {transform_indices = #map1}, {transform_indices = #map1}]} {
    %mul3A = arith.constant 2 : i32
    %mul3A_0 = arith.muli %arg1, %mul3A : i32
    %add3A = arith.addi %mul3A_0, %arg0 : i32
    %mul3A_1 = arith.constant 512 : i32
    %mul3A_2 = arith.muli %add3A, %mul3A_1 : i32
    "tpu.region"() ({
      %run_scoped3A = tpu.sem_alloc : memref<!tpu.dma_semaphore, #tpu.memory_space<semaphore_mem>>
      %dma_start3A_288 = tpu.memref_slice %arg2[%mul3A_2] : memref<16384xi32, #tpu.memory_space<hbm>> -> memref<512xi32, #tpu.memory_space<hbm>>
      %dma_start3A_289 = tpu.memref_slice %arg2[%mul3A_2] : memref<16384xi32, #tpu.memory_space<hbm>> -> memref<512xi32, #tpu.memory_space<hbm>>
      tpu.enqueue_dma source(%dma_start3A_289 : memref<512xi32, #tpu.memory_space<hbm>>) target(%arg7 : memref<512xi32, #tpu.memory_space<vmem>>) target_semaphore(%run_scoped3A : memref<!tpu.dma_semaphore, #tpu.memory_space<semaphore_mem>>)
      %dma_wait3A_290 = tpu.memref_slice %arg2[%mul3A_2] : memref<16384xi32, #tpu.memory_space<hbm>> -> memref<512xi32, #tpu.memory_space<hbm>>
      %dma_wait3A_291 = tpu.memref_slice %arg2[%mul3A_2] : memref<16384xi32, #tpu.memory_space<hbm>> -> memref<512xi32, #tpu.memory_space<hbm>>
      tpu.wait_dma2 semaphore(%run_scoped3A : memref<!tpu.dma_semaphore, #tpu.memory_space<semaphore_mem>>) src(%dma_wait3A_291 : memref<512xi32, #tpu.memory_space<hbm>>) dst(%arg7 : memref<512xi32, #tpu.memory_space<vmem>>)
      tpu.yield
    }) : () -> ()
    "tpu.region"() ({
      %run_scoped3A = tpu.sem_alloc : memref<!tpu.dma_semaphore, #tpu.memory_space<semaphore_mem>>
      %dma_start3A_288 = tpu.memref_slice %arg3[%mul3A_2] : memref<16384xi32, #tpu.memory_space<hbm>> -> memref<512xi32, #tpu.memory_space<hbm>>
      %dma_start3A_289 = tpu.memref_slice %arg3[%mul3A_2] : memref<16384xi32, #tpu.memory_space<hbm>> -> memref<512xi32, #tpu.memory_space<hbm>>
      tpu.enqueue_dma source(%dma_start3A_289 : memref<512xi32, #tpu.memory_space<hbm>>) target(%arg8 : memref<512xi32, #tpu.memory_space<vmem>>) target_semaphore(%run_scoped3A : memref<!tpu.dma_semaphore, #tpu.memory_space<semaphore_mem>>)
      %dma_wait3A_290 = tpu.memref_slice %arg3[%mul3A_2] : memref<16384xi32, #tpu.memory_space<hbm>> -> memref<512xi32, #tpu.memory_space<hbm>>
      %dma_wait3A_291 = tpu.memref_slice %arg3[%mul3A_2] : memref<16384xi32, #tpu.memory_space<hbm>> -> memref<512xi32, #tpu.memory_space<hbm>>
      tpu.wait_dma2 semaphore(%run_scoped3A : memref<!tpu.dma_semaphore, #tpu.memory_space<semaphore_mem>>) src(%dma_wait3A_291 : memref<512xi32, #tpu.memory_space<hbm>>) dst(%arg8 : memref<512xi32, #tpu.memory_space<vmem>>)
      tpu.yield
    }) : () -> ()
    %scan3A = arith.constant 0 : i32
    %scan3A_3 = arith.constant 0 : i32
    %scan3A_4 = arith.constant 8 : i32
    %scan3A_5 = arith.addi %scan3A_3, %scan3A_4 : i32
    %scan3A_6 = arith.constant 1 : i32
    scf.for %scan3A_288 = %scan3A_3 to %scan3A_5 step %scan3A_6  : i32 {
      %mul3A_289 = arith.constant 16 : i32
      %mul3A_290 = arith.muli %scan3A_288, %mul3A_289 : i32
      %add3A_291 = arith.constant 0 : i32
      %add3A_292 = arith.addi %add3A_291, %mul3A_290 : i32
      %get3A = arith.index_cast %add3A_292 : i32 to index
      %get3A_293 = tpu.vector_load %arg7[%get3A] {strides = array<i32>} : memref<512xi32, #tpu.memory_space<vmem>>, vector<16xi32>,
      %get3A_294 = vector.shape_cast %get3A_293 : vector<16xi32> to vector<16xi32>
      %get3A_295 = arith.index_cast %add3A_292 : i32 to index
      %get3A_296 = tpu.vector_load %arg8[%get3A_295] {strides = array<i32>} : memref<512xi32, #tpu.memory_space<vmem>>, vector<16xi32>,
      %get3A_297 = vector.shape_cast %get3A_296 : vector<16xi32> to vector<16xi32>
      %slice3A = vector.extract_strided_slice %get3A_294 {offsets = [0], sizes = [1], strides = [1]} : vector<16xi32> to vector<1xi32>
      %squeeze3A = vector.extract %slice3A[0] : i32 from vector<1xi32>
      %slice3A_298 = vector.extract_strided_slice %get3A_297 {offsets = [0], sizes = [1], strides = [1]} : vector<16xi32> to vector<1xi32>
      %squeeze3A_299 = vector.extract %slice3A_298[0] : i32 from vector<1xi32>
      %mul3A_300 = arith.constant 16 : i32
      %mul3A_301 = arith.muli %scan3A_288, %mul3A_300 : i32
      %add3A_302 = arith.constant 0 : i32
      %add3A_303 = arith.addi %mul3A_301, %add3A_302 : i32
      %dma_start3A_304 = arith.constant 0 : i32
      %dma_start3A_305 = arith.constant 0 : i32
      %dma_start3A_306 = tpu.memref_slice %arg9[%dma_start3A_304, %add3A_303, %dma_start3A_305] : memref<2x128x64xf32, #tpu.memory_space<vmem>> -> memref<1x1x64xf32, #tpu.memory_space<vmem>>
      %dma_start3A_307 = tpu.memref_squeeze %dma_start3A_306 : memref<1x1x64xf32, #tpu.memory_space<vmem>> -> memref<64xf32, #tpu.memory_space<vmem>>
      %dma_start3A_308 = arith.constant 0 : i32
      %dma_start3A_309 = tpu.memref_slice %arg4[%squeeze3A, %dma_start3A_308] : memref<1000000x64xf32, #tpu.memory_space<hbm>> -> memref<1x64xf32, #tpu.memory_space<hbm>>
      %dma_start3A_310 = tpu.memref_squeeze %dma_start3A_309 : memref<1x64xf32, #tpu.memory_space<hbm>> -> memref<64xf32, #tpu.memory_space<hbm>>
      %dma_start3A_311 = arith.constant 0 : i32
      %dma_start3A_312 = tpu.memref_slice %arg9[%dma_start3A_304, %add3A_303, %dma_start3A_311] : memref<2x128x64xf32, #tpu.memory_space<vmem>> -> memref<1x1x64xf32, #tpu.memory_space<vmem>>
      %dma_start3A_313 = tpu.memref_squeeze %dma_start3A_312 : memref<1x1x64xf32, #tpu.memory_space<vmem>> -> memref<64xf32, #tpu.memory_space<vmem>>
      %dma_start3A_314 = arith.constant 0 : i32
      %dma_start3A_315 = tpu.memref_slice %arg4[%squeeze3A, %dma_start3A_314] : memref<1000000x64xf32, #tpu.memory_space<hbm>> -> memref<1x64xf32, #tpu.memory_space<hbm>>
      %dma_start3A_316 = tpu.memref_squeeze %dma_start3A_315 : memref<1x64xf32, #tpu.memory_space<hbm>> -> memref<64xf32, #tpu.memory_space<hbm>>
      tpu.enqueue_dma source(%dma_start3A_316 : memref<64xf32, #tpu.memory_space<hbm>>) target(%dma_start3A_313 : memref<64xf32, #tpu.memory_space<vmem>>) target_semaphore(%arg12 : memref<!tpu.dma_semaphore, #tpu.memory_space<semaphore_mem>>)
      %dma_start3A_317 = arith.constant 0 : i32
      %dma_start3A_318 = arith.constant 0 : i32
      %dma_start3A_319 = tpu.memref_slice %arg10[%dma_start3A_317, %add3A_303, %dma_start3A_318] : memref<2x128x64xf32, #tpu.memory_space<vmem>> -> memref<1x1x64xf32, #tpu.memory_space<vmem>>
      %dma_start3A_320 = tpu.memref_squeeze %dma_start3A_319 : memref<1x1x64xf32, #tpu.memory_space<vmem>> -> memref<64xf32, #tpu.memory_space<vmem>>
      %dma_start3A_321 = arith.constant 0 : i32
      %dma_start3A_322 = tpu.memref_slice %arg5[%squeeze3A_299, %dma_start3A_321] : memref<1000000x64xf32, #tpu.memory_space<hbm>> -> memref<1x64xf32, #tpu.memory_space<hbm>>
      %dma_start3A_323 = tpu.memref_squeeze %dma_start3A_322 : memref<1x64xf32, #tpu.memory_space<hbm>> -> memref<64xf32, #tpu.memory_space<hbm>>
      %dma_start3A_324 = arith.constant 0 : i32
      %dma_start3A_325 = tpu.memref_slice %arg10[%dma_start3A_317, %add3A_303, %dma_start3A_324] : memref<2x128x64xf32, #tpu.memory_space<vmem>> -> memref<1x1x64xf32, #tpu.memory_space<vmem>>
      %dma_start3A_326 = tpu.memref_squeeze %dma_start3A_325 : memref<1x1x64xf32, #tpu.memory_space<vmem>> -> memref<64xf32, #tpu.memory_space<vmem>>
      %dma_start3A_327 = arith.constant 0 : i32
      %dma_start3A_328 = tpu.memref_slice %arg5[%squeeze3A_299, %dma_start3A_327] : memref<1000000x64xf32, #tpu.memory_space<hbm>> -> memref<1x64xf32, #tpu.memory_space<hbm>>
      %dma_start3A_329 = tpu.memref_squeeze %dma_start3A_328 : memref<1x64xf32, #tpu.memory_space<hbm>> -> memref<64xf32, #tpu.memory_space<hbm>>
      tpu.enqueue_dma source(%dma_start3A_329 : memref<64xf32, #tpu.memory_space<hbm>>) target(%dma_start3A_326 : memref<64xf32, #tpu.memory_space<vmem>>) target_semaphore(%arg14 : memref<!tpu.dma_semaphore, #tpu.memory_space<semaphore_mem>>)
      %slice3A_330 = vector.extract_strided_slice %get3A_294 {offsets = [1], sizes = [1], strides = [1]} : vector<16xi32> to vector<1xi32>
      %squeeze3A_331 = vector.extract %slice3A_330[0] : i32 from vector<1xi32>
      %slice3A_332 = vector.extract_strided_slice %get3A_297 {offsets = [1], sizes = [1], strides = [1]} : vector<16xi32> to vector<1xi32>
      %squeeze3A_333 = vector.extract %slice3A_332[0] : i32 from vector<1xi32>
      %mul3A_334 = arith.constant 16 : i32
      %mul3A_335 = arith.muli %scan3A_288, %mul3A_334 : i32
      %add3A_336 = arith.constant 1 : i32
      %add3A_337 = arith.addi %mul3A_335, %add3A_336 : i32
      %dma_start3A_338 = arith.constant 0 : i32
      %dma_start3A_339 = arith.constant 0 : i32
      %dma_start3A_340 = tpu.memref_slice %arg9[%dma_start3A_338, %add3A_337, %dma_start3A_339] : memref<2x128x64xf32, #tpu.memory_space<vmem>> -> memref<1x1x64xf32, #tpu.memory_space<vmem>>
      %dma_start3A_341 = tpu.memref_squeeze %dma_start3A_340 : memref<1x1x64xf32, #tpu.memory_space<vmem>> -> memref<64xf32, #tpu.memory_space<vmem>>
      %dma_start3A_342 = arith.constant 0 : i32
      %dma_start3A_343 = tpu.memref_slice %arg4[%squeeze3A_331, %dma_start3A_342] : memref<1000000x64xf32, #tpu.memory_space<hbm>> -> memref<1x64xf32, #tpu.memory_space<hbm>>
      %dma_start3A_344 = tpu.memref_squeeze %dma_start3A_343 : memref<1x64xf32, #tpu.memory_space<hbm>> -> memref<64xf32, #tpu.memory_space<hbm>>
      %dma_start3A_345 = arith.constant 0 : i32
      %dma_start3A_346 = tpu.memref_slice %arg9[%dma_start3A_338, %add3A_337, %dma_start3A_345] : memref<2x128x64xf32, #tpu.memory_space<vmem>> -> memref<1x1x64xf32, #tpu.memory_space<vmem>>
      %dma_start3A_347 = tpu.memref_squeeze %dma_start3A_346 : memref<1x1x64xf32, #tpu.memory_space<vmem>> -> memref<64xf32, #tpu.memory_space<vmem>>
      %dma_start3A_348 = arith.constant 0 : i32
      %dma_start3A_349 = tpu.memref_slice %arg4[%squeeze3A_331, %dma_start3A_348] : memref<1000000x64xf32, #tpu.memory_space<hbm>> -> memref<1x64xf32, #tpu.memory_space<hbm>>
      %dma_start3A_350 = tpu.memref_squeeze %dma_start3A_349 : memref<1x64xf32, #tpu.memory_space<hbm>> -> memref<64xf32, #tpu.memory_space<hbm>>
      tpu.enqueue_dma source(%dma_start3A_350 : memref<64xf32, #tpu.memory_space<hbm>>) target(%dma_start3A_347 : memref<64xf32, #tpu.memory_space<vmem>>) target_semaphore(%arg12 : memref<!tpu.dma_semaphore, #tpu.memory_space<semaphore_mem>>)
      %dma_start3A_351 = arith.constant 0 : i32
      %dma_start3A_352 = arith.constant 0 : i32
      %dma_start3A_353 = tpu.memref_slice %arg10[%dma_start3A_351, %add3A_337, %dma_start3A_352] : memref<2x128x64xf32, #tpu.memory_space<vmem>> -> memref<1x1x64xf32, #tpu.memory_space<vmem>>
      %dma_start3A_354 = tpu.memref_squeeze %dma_start3A_353 : memref<1x1x64xf32, #tpu.memory_space<vmem>> -> memref<64xf32, #tpu.memory_space<vmem>>
      %dma_start3A_355 = arith.constant 0 : i32
      %dma_start3A_356 = tpu.memref_slice %arg5[%squeeze3A_333, %dma_start3A_355] : memref<1000000x64xf32, #tpu.memory_space<hbm>> -> memref<1x64xf32, #tpu.memory_space<hbm>>
      %dma_start3A_357 = tpu.memref_squeeze %dma_start3A_356 : memref<1x64xf32, #tpu.memory_space<hbm>> -> memref<64xf32, #tpu.memory_space<hbm>>
      %dma_start3A_358 = arith.constant 0 : i32
      %dma_start3A_359 = tpu.memref_slice %arg10[%dma_start3A_351, %add3A_337, %dma_start3A_358] : memref<2x128x64xf32, #tpu.memory_space<vmem>> -> memref<1x1x64xf32, #tpu.memory_space<vmem>>
      %dma_start3A_360 = tpu.memref_squeeze %dma_start3A_359 : memref<1x1x64xf32, #tpu.memory_space<vmem>> -> memref<64xf32, #tpu.memory_space<vmem>>
      %dma_start3A_361 = arith.constant 0 : i32
      %dma_start3A_362 = tpu.memref_slice %arg5[%squeeze3A_333, %dma_start3A_361] : memref<1000000x64xf32, #tpu.memory_space<hbm>> -> memref<1x64xf32, #tpu.memory_space<hbm>>
      %dma_start3A_363 = tpu.memref_squeeze %dma_start3A_362 : memref<1x64xf32, #tpu.memory_space<hbm>> -> memref<64xf32, #tpu.memory_space<hbm>>
      tpu.enqueue_dma source(%dma_start3A_363 : memref<64xf32, #tpu.memory_space<hbm>>) target(%dma_start3A_360 : memref<64xf32, #tpu.memory_space<vmem>>) target_semaphore(%arg14 : memref<!tpu.dma_semaphore, #tpu.memory_space<semaphore_mem>>)
      %slice3A_364 = vector.extract_strided_slice %get3A_294 {offsets = [2], sizes = [1], strides = [1]} : vector<16xi32> to vector<1xi32>
      %squeeze3A_365 = vector.extract %slice3A_364[0] : i32 from vector<1xi32>
      %slice3A_366 = vector.extract_strided_slice %get3A_297 {offsets = [2], sizes = [1], strides = [1]} : vector<16xi32> to vector<1xi32>
      %squeeze3A_367 = vector.extract %slice3A_366[0] : i32 from vector<1xi32>
      %mul3A_368 = arith.constant 16 : i32
      %mul3A_369 = arith.muli %scan3A_288, %mul3A_368 : i32
      %add3A_370 = arith.constant 2 : i32
      %add3A_371 = arith.addi %mul3A_369, %add3A_370 : i32
      %dma_start3A_372 = arith.constant 0 : i32
      %dma_start3A_373 = arith.constant 0 : i32
      %dma_start3A_374 = tpu.memref_slice %arg9[%dma_start3A_372, %add3A_371, %dma_start3A_373] : memref<2x128x64xf32, #tpu.memory_space<vmem>> -> memref<1x1x64xf32, #tpu.memory_space<vmem>>
      %dma_start3A_375 = tpu.memref_squeeze %dma_start3A_374 : memref<1x1x64xf32, #tpu.memory_space<vmem>> -> memref<64xf32, #tpu.memory_space<vmem>>
      %dma_start3A_376 = arith.constant 0 : i32
      %dma_start3A_377 = tpu.memref_slice %arg4[%squeeze3A_365, %dma_start3A_376] : memref<1000000x64xf32, #tpu.memory_space<hbm>> -> memref<1x64xf32, #tpu.memory_space<hbm>>
      %dma_start3A_378 = tpu.memref_squeeze %dma_start3A_377 : memref<1x64xf32, #tpu.memory_space<hbm>> -> memref<64xf32, #tpu.memory_space<hbm>>
      %dma_start3A_379 = arith.constant 0 : i32
      %dma_start3A_380 = tpu.memref_slice %arg9[%dma_start3A_372, %add3A_371, %dma_start3A_379] : memref<2x128x64xf32, #tpu.memory_space<vmem>> -> memref<1x1x64xf32, #tpu.memory_space<vmem>>
      %dma_start3A_381 = tpu.memref_squeeze %dma_start3A_380 : memref<1x1x64xf32, #tpu.memory_space<vmem>> -> memref<64xf32, #tpu.memory_space<vmem>>
      %dma_start3A_382 = arith.constant 0 : i32
      %dma_start3A_383 = tpu.memref_slice %arg4[%squeeze3A_365, %dma_start3A_382] : memref<1000000x64xf32, #tpu.memory_space<hbm>> -> memref<1x64xf32, #tpu.memory_space<hbm>>
      %dma_start3A_384 = tpu.memref_squeeze %dma_start3A_383 : memref<1x64xf32, #tpu.memory_space<hbm>> -> memref<64xf32, #tpu.memory_space<hbm>>
      tpu.enqueue_dma source(%dma_start3A_384 : memref<64xf32, #tpu.memory_space<hbm>>) target(%dma_start3A_381 : memref<64xf32, #tpu.memory_space<vmem>>) target_semaphore(%arg12 : memref<!tpu.dma_semaphore, #tpu.memory_space<semaphore_mem>>)
      %dma_start3A_385 = arith.constant 0 : i32
      %dma_start3A_386 = arith.constant 0 : i32
      %dma_start3A_387 = tpu.memref_slice %arg10[%dma_start3A_385, %add3A_371, %dma_start3A_386] : memref<2x128x64xf32, #tpu.memory_space<vmem>> -> memref<1x1x64xf32, #tpu.memory_space<vmem>>
      %dma_start3A_388 = tpu.memref_squeeze %dma_start3A_387 : memref<1x1x64xf32, #tpu.memory_space<vmem>> -> memref<64xf32, #tpu.memory_space<vmem>>
      %dma_start3A_389 = arith.constant 0 : i32
      %dma_start3A_390 = tpu.memref_slice %arg5[%squeeze3A_367, %dma_start3A_389] : memref<1000000x64xf32, #tpu.memory_space<hbm>> -> memref<1x64xf32, #tpu.memory_space<hbm>>
      %dma_start3A_391 = tpu.memref_squeeze %dma_start3A_390 : memref<1x64xf32, #tpu.memory_space<hbm>> -> memref<64xf32, #tpu.memory_space<hbm>>
      %dma_start3A_392 = arith.constant 0 : i32
      %dma_start3A_393 = tpu.memref_slice %arg10[%dma_start3A_385, %add3A_371, %dma_start3A_392] : memref<2x128x64xf32, #tpu.memory_space<vmem>> -> memref<1x1x64xf32, #tpu.memory_space<vmem>>
      %dma_start3A_394 = tpu.memref_squeeze %dma_start3A_393 : memref<1x1x64xf32, #tpu.memory_space<vmem>> -> memref<64xf32, #tpu.memory_space<vmem>>
      %dma_start3A_395 = arith.constant 0 : i32
      %dma_start3A_396 = tpu.memref_slice %arg5[%squeeze3A_367, %dma_start3A_395] : memref<1000000x64xf32, #tpu.memory_space<hbm>> -> memref<1x64xf32, #tpu.memory_space<hbm>>
      %dma_start3A_397 = tpu.memref_squeeze %dma_start3A_396 : memref<1x64xf32, #tpu.memory_space<hbm>> -> memref<64xf32, #tpu.memory_space<hbm>>
      tpu.enqueue_dma source(%dma_start3A_397 : memref<64xf32, #tpu.memory_space<hbm>>) target(%dma_start3A_394 : memref<64xf32, #tpu.memory_space<vmem>>) target_semaphore(%arg14 : memref<!tpu.dma_semaphore, #tpu.memory_space<semaphore_mem>>)
      %slice3A_398 = vector.extract_strided_slice %get3A_294 {offsets = [3], sizes = [1], strides = [1]} : vector<16xi32> to vector<1xi32>
      %squeeze3A_399 = vector.extract %slice3A_398[0] : i32 from vector<1xi32>
      %slice3A_400 = vector.extract_strided_slice %get3A_297 {offsets = [3], sizes = [1], strides = [1]} : vector<16xi32> to vector<1xi32>
      %squeeze3A_401 = vector.extract %slice3A_400[0] : i32 from vector<1xi32>
      %mul3A_402 = arith.constant 16 : i32
      %mul3A_403 = arith.muli %scan3A_288, %mul3A_402 : i32
      %add3A_404 = arith.constant 3 : i32
      %add3A_405 = arith.addi %mul3A_403, %add3A_404 : i32
      %dma_start3A_406 = arith.constant 0 : i32
      %dma_start3A_407 = arith.constant 0 : i32
      %dma_start3A_408 = tpu.memref_slice %arg9[%dma_start3A_406, %add3A_405, %dma_start3A_407] : memref<2x128x64xf32, #tpu.memory_space<vmem>> -> memref<1x1x64xf32, #tpu.memory_space<vmem>>
      %dma_start3A_409 = tpu.memref_squeeze %dma_start3A_408 : memref<1x1x64xf32, #tpu.memory_space<vmem>> -> memref<64xf32, #tpu.memory_space<vmem>>
      %dma_start3A_410 = arith.constant 0 : i32
      %dma_start3A_411 = tpu.memref_slice %arg4[%squeeze3A_399, %dma_start3A_410] : memref<1000000x64xf32, #tpu.memory_space<hbm>> -> memref<1x64xf32, #tpu.memory_space<hbm>>
      %dma_start3A_412 = tpu.memref_squeeze %dma_start3A_411 : memref<1x64xf32, #tpu.memory_space<hbm>> -> memref<64xf32, #tpu.memory_space<hbm>>
      %dma_start3A_413 = arith.constant 0 : i32
      %dma_start3A_414 = tpu.memref_slice %arg9[%dma_start3A_406, %add3A_405, %dma_start3A_413] : memref<2x128x64xf32, #tpu.memory_space<vmem>> -> memref<1x1x64xf32, #tpu.memory_space<vmem>>
      %dma_start3A_415 = tpu.memref_squeeze %dma_start3A_414 : memref<1x1x64xf32, #tpu.memory_space<vmem>> -> memref<64xf32, #tpu.memory_space<vmem>>
      %dma_start3A_416 = arith.constant 0 : i32
      %dma_start3A_417 = tpu.memref_slice %arg4[%squeeze3A_399, %dma_start3A_416] : memref<1000000x64xf32, #tpu.memory_space<hbm>> -> memref<1x64xf32, #tpu.memory_space<hbm>>
      %dma_start3A_418 = tpu.memref_squeeze %dma_start3A_417 : memref<1x64xf32, #tpu.memory_space<hbm>> -> memref<64xf32, #tpu.memory_space<hbm>>
      tpu.enqueue_dma source(%dma_start3A_418 : memref<64xf32, #tpu.memory_space<hbm>>) target(%dma_start3A_415 : memref<64xf32, #tpu.memory_space<vmem>>) target_semaphore(%arg12 : memref<!tpu.dma_semaphore, #tpu.memory_space<semaphore_mem>>)
      %dma_start3A_419 = arith.constant 0 : i32
      %dma_start3A_420 = arith.constant 0 : i32
      %dma_start3A_421 = tpu.memref_slice %arg10[%dma_start3A_419, %add3A_405, %dma_start3A_420] : memref<2x128x64xf32, #tpu.memory_space<vmem>> -> memref<1x1x64xf32, #tpu.memory_space<vmem>>
      %dma_start3A_422 = tpu.memref_squeeze %dma_start3A_421 : memref<1x1x64xf32, #tpu.memory_space<vmem>> -> memref<64xf32, #tpu.memory_space<vmem>>
      %dma_start3A_423 = arith.constant 0 : i32
      %dma_start3A_424 = tpu.memref_slice %arg5[%squeeze3A_401, %dma_start3A_423] : memref<1000000x64xf32, #tpu.memory_space<hbm>> -> memref<1x64xf32, #tpu.memory_space<hbm>>
      %dma_start3A_425 = tpu.memref_squeeze %dma_start3A_424 : memref<1x64xf32, #tpu.memory_space<hbm>> -> memref<64xf32, #tpu.memory_space<hbm>>
      %dma_start3A_426 = arith.constant 0 : i32
      %dma_start3A_427 = tpu.memref_slice %arg10[%dma_start3A_419, %add3A_405, %dma_start3A_426] : memref<2x128x64xf32, #tpu.memory_space<vmem>> -> memref<1x1x64xf32, #tpu.memory_space<vmem>>
      %dma_start3A_428 = tpu.memref_squeeze %dma_start3A_427 : memref<1x1x64xf32, #tpu.memory_space<vmem>> -> memref<64xf32, #tpu.memory_space<vmem>>
      %dma_start3A_429 = arith.constant 0 : i32
      %dma_start3A_430 = tpu.memref_slice %arg5[%squeeze3A_401, %dma_start3A_429] : memref<1000000x64xf32, #tpu.memory_space<hbm>> -> memref<1x64xf32, #tpu.memory_space<hbm>>
      %dma_start3A_431 = tpu.memref_squeeze %dma_start3A_430 : memref<1x64xf32, #tpu.memory_space<hbm>> -> memref<64xf32, #tpu.memory_space<hbm>>
      tpu.enqueue_dma source(%dma_start3A_431 : memref<64xf32, #tpu.memory_space<hbm>>) target(%dma_start3A_428 : memref<64xf32, #tpu.memory_space<vmem>>) target_semaphore(%arg14 : memref<!tpu.dma_semaphore, #tpu.memory_space<semaphore_mem>>)
      %slice3A_432 = vector.extract_strided_slice %get3A_294 {offsets = [4], sizes = [1], strides = [1]} : vector<16xi32> to vector<1xi32>
      %squeeze3A_433 = vector.extract %slice3A_432[0] : i32 from vector<1xi32>
      %slice3A_434 = vector.extract_strided_slice %get3A_297 {offsets = [4], sizes = [1], strides = [1]} : vector<16xi32> to vector<1xi32>
      %squeeze3A_435 = vector.extract %slice3A_434[0] : i32 from vector<1xi32>
      %mul3A_436 = arith.constant 16 : i32
      %mul3A_437 = arith.muli %scan3A_288, %mul3A_436 : i32
      %add3A_438 = arith.constant 4 : i32
      %add3A_439 = arith.addi %mul3A_437, %add3A_438 : i32
      %dma_start3A_440 = arith.constant 0 : i32
      %dma_start3A_441 = arith.constant 0 : i32
      %dma_start3A_442 = tpu.memref_slice %arg9[%dma_start3A_440, %add3A_439, %dma_start3A_441] : memref<2x128x64xf32, #tpu.memory_space<vmem>> -> memref<1x1x64xf32, #tpu.memory_space<vmem>>
      %dma_start3A_443 = tpu.memref_squeeze %dma_start3A_442 : memref<1x1x64xf32, #tpu.memory_space<vmem>> -> memref<64xf32, #tpu.memory_space<vmem>>
      %dma_start3A_444 = arith.constant 0 : i32
      %dma_start3A_445 = tpu.memref_slice %arg4[%squeeze3A_433, %dma_start3A_444] : memref<1000000x64xf32, #tpu.memory_space<hbm>> -> memref<1x64xf32, #tpu.memory_space<hbm>>
      %dma_start3A_446 = tpu.memref_squeeze %dma_start3A_445 : memref<1x64xf32, #tpu.memory_space<hbm>> -> memref<64xf32, #tpu.memory_space<hbm>>
      %dma_start3A_447 = arith.constant 0 : i32
      %dma_start3A_448 = tpu.memref_slice %arg9[%dma_start3A_440, %add3A_439, %dma_start3A_447] : memref<2x128x64xf32, #tpu.memory_space<vmem>> -> memref<1x1x64xf32, #tpu.memory_space<vmem>>
      %dma_start3A_449 = tpu.memref_squeeze %dma_start3A_448 : memref<1x1x64xf32, #tpu.memory_space<vmem>> -> memref<64xf32, #tpu.memory_space<vmem>>
      %dma_start3A_450 = arith.constant 0 : i32
      %dma_start3A_451 = tpu.memref_slice %arg4[%squeeze3A_433, %dma_start3A_450] : memref<1000000x64xf32, #tpu.memory_space<hbm>> -> memref<1x64xf32, #tpu.memory_space<hbm>>
      %dma_start3A_452 = tpu.memref_squeeze %dma_start3A_451 : memref<1x64xf32, #tpu.memory_space<hbm>> -> memref<64xf32, #tpu.memory_space<hbm>>
      tpu.enqueue_dma source(%dma_start3A_452 : memref<64xf32, #tpu.memory_space<hbm>>) target(%dma_start3A_449 : memref<64xf32, #tpu.memory_space<vmem>>) target_semaphore(%arg12 : memref<!tpu.dma_semaphore, #tpu.memory_space<semaphore_mem>>)
      %dma_start3A_453 = arith.constant 0 : i32
      %dma_start3A_454 = arith.constant 0 : i32
      %dma_start3A_455 = tpu.memref_slice %arg10[%dma_start3A_453, %add3A_439, %dma_start3A_454] : memref<2x128x64xf32, #tpu.memory_space<vmem>> -> memref<1x1x64xf32, #tpu.memory_space<vmem>>
      %dma_start3A_456 = tpu.memref_squeeze %dma_start3A_455 : memref<1x1x64xf32, #tpu.memory_space<vmem>> -> memref<64xf32, #tpu.memory_space<vmem>>
      %dma_start3A_457 = arith.constant 0 : i32
      %dma_start3A_458 = tpu.memref_slice %arg5[%squeeze3A_435, %dma_start3A_457] : memref<1000000x64xf32, #tpu.memory_space<hbm>> -> memref<1x64xf32, #tpu.memory_space<hbm>>
      %dma_start3A_459 = tpu.memref_squeeze %dma_start3A_458 : memref<1x64xf32, #tpu.memory_space<hbm>> -> memref<64xf32, #tpu.memory_space<hbm>>
      %dma_start3A_460 = arith.constant 0 : i32
      %dma_start3A_461 = tpu.memref_slice %arg10[%dma_start3A_453, %add3A_439, %dma_start3A_460] : memref<2x128x64xf32, #tpu.memory_space<vmem>> -> memref<1x1x64xf32, #tpu.memory_space<vmem>>
      %dma_start3A_462 = tpu.memref_squeeze %dma_start3A_461 : memref<1x1x64xf32, #tpu.memory_space<vmem>> -> memref<64xf32, #tpu.memory_space<vmem>>
      %dma_start3A_463 = arith.constant 0 : i32
      %dma_start3A_464 = tpu.memref_slice %arg5[%squeeze3A_435, %dma_start3A_463] : memref<1000000x64xf32, #tpu.memory_space<hbm>> -> memref<1x64xf32, #tpu.memory_space<hbm>>
      %dma_start3A_465 = tpu.memref_squeeze %dma_start3A_464 : memref<1x64xf32, #tpu.memory_space<hbm>> -> memref<64xf32, #tpu.memory_space<hbm>>
      tpu.enqueue_dma source(%dma_start3A_465 : memref<64xf32, #tpu.memory_space<hbm>>) target(%dma_start3A_462 : memref<64xf32, #tpu.memory_space<vmem>>) target_semaphore(%arg14 : memref<!tpu.dma_semaphore, #tpu.memory_space<semaphore_mem>>)
      %slice3A_466 = vector.extract_strided_slice %get3A_294 {offsets = [5], sizes = [1], strides = [1]} : vector<16xi32> to vector<1xi32>
      %squeeze3A_467 = vector.extract %slice3A_466[0] : i32 from vector<1xi32>
      %slice3A_468 = vector.extract_strided_slice %get3A_297 {offsets = [5], sizes = [1], strides = [1]} : vector<16xi32> to vector<1xi32>
      %squeeze3A_469 = vector.extract %slice3A_468[0] : i32 from vector<1xi32>
      %mul3A_470 = arith.constant 16 : i32
      %mul3A_471 = arith.muli %scan3A_288, %mul3A_470 : i32
      %add3A_472 = arith.constant 5 : i32
      %add3A_473 = arith.addi %mul3A_471, %add3A_472 : i32
      %dma_start3A_474 = arith.constant 0 : i32
      %dma_start3A_475 = arith.constant 0 : i32
      %dma_start3A_476 = tpu.memref_slice %arg9[%dma_start3A_474, %add3A_473, %dma_start3A_475] : memref<2x128x64xf32, #tpu.memory_space<vmem>> -> memref<1x1x64xf32, #tpu.memory_space<vmem>>
      %dma_start3A_477 = tpu.memref_squeeze %dma_start3A_476 : memref<1x1x64xf32, #tpu.memory_space<vmem>> -> memref<64xf32, #tpu.memory_space<vmem>>
      %dma_start3A_478 = arith.constant 0 : i32
      %dma_start3A_479 = tpu.memref_slice %arg4[%squeeze3A_467, %dma_start3A_478] : memref<1000000x64xf32, #tpu.memory_space<hbm>> -> memref<1x64xf32, #tpu.memory_space<hbm>>
      %dma_start3A_480 = tpu.memref_squeeze %dma_start3A_479 : memref<1x64xf32, #tpu.memory_space<hbm>> -> memref<64xf32, #tpu.memory_space<hbm>>
      %dma_start3A_481 = arith.constant 0 : i32
      %dma_start3A_482 = tpu.memref_slice %arg9[%dma_start3A_474, %add3A_473, %dma_start3A_481] : memref<2x128x64xf32, #tpu.memory_space<vmem>> -> memref<1x1x64xf32, #tpu.memory_space<vmem>>
      %dma_start3A_483 = tpu.memref_squeeze %dma_start3A_482 : memref<1x1x64xf32, #tpu.memory_space<vmem>> -> memref<64xf32, #tpu.memory_space<vmem>>
      %dma_start3A_484 = arith.constant 0 : i32
      %dma_start3A_485 = tpu.memref_slice %arg4[%squeeze3A_467, %dma_start3A_484] : memref<1000000x64xf32, #tpu.memory_space<hbm>> -> memref<1x64xf32, #tpu.memory_space<hbm>>
      %dma_start3A_486 = tpu.memref_squeeze %dma_start3A_485 : memref<1x64xf32, #tpu.memory_space<hbm>> -> memref<64xf32, #tpu.memory_space<hbm>>
      tpu.enqueue_dma source(%dma_start3A_486 : memref<64xf32, #tpu.memory_space<hbm>>) target(%dma_start3A_483 : memref<64xf32, #tpu.memory_space<vmem>>) target_semaphore(%arg12 : memref<!tpu.dma_semaphore, #tpu.memory_space<semaphore_mem>>)
      %dma_start3A_487 = arith.constant 0 : i32
      %dma_start3A_488 = arith.constant 0 : i32
      %dma_start3A_489 = tpu.memref_slice %arg10[%dma_start3A_487, %add3A_473, %dma_start3A_488] : memref<2x128x64xf32, #tpu.memory_space<vmem>> -> memref<1x1x64xf32, #tpu.memory_space<vmem>>
      %dma_start3A_490 = tpu.memref_squeeze %dma_start3A_489 : memref<1x1x64xf32, #tpu.memory_space<vmem>> -> memref<64xf32, #tpu.memory_space<vmem>>
      %dma_start3A_491 = arith.constant 0 : i32
      %dma_start3A_492 = tpu.memref_slice %arg5[%squeeze3A_469, %dma_start3A_491] : memref<1000000x64xf32, #tpu.memory_space<hbm>> -> memref<1x64xf32, #tpu.memory_space<hbm>>
      %dma_start3A_493 = tpu.memref_squeeze %dma_start3A_492 : memref<1x64xf32, #tpu.memory_space<hbm>> -> memref<64xf32, #tpu.memory_space<hbm>>
      %dma_start3A_494 = arith.constant 0 : i32
      %dma_start3A_495 = tpu.memref_slice %arg10[%dma_start3A_487, %add3A_473, %dma_start3A_494] : memref<2x128x64xf32, #tpu.memory_space<vmem>> -> memref<1x1x64xf32, #tpu.memory_space<vmem>>
      %dma_start3A_496 = tpu.memref_squeeze %dma_start3A_495 : memref<1x1x64xf32, #tpu.memory_space<vmem>> -> memref<64xf32, #tpu.memory_space<vmem>>
      %dma_start3A_497 = arith.constant 0 : i32
      %dma_start3A_498 = tpu.memref_slice %arg5[%squeeze3A_469, %dma_start3A_497] : memref<1000000x64xf32, #tpu.memory_space<hbm>> -> memref<1x64xf32, #tpu.memory_space<hbm>>
      %dma_start3A_499 = tpu.memref_squeeze %dma_start3A_498 : memref<1x64xf32, #tpu.memory_space<hbm>> -> memref<64xf32, #tpu.memory_space<hbm>>
      tpu.enqueue_dma source(%dma_start3A_499 : memref<64xf32, #tpu.memory_space<hbm>>) target(%dma_start3A_496 : memref<64xf32, #tpu.memory_space<vmem>>) target_semaphore(%arg14 : memref<!tpu.dma_semaphore, #tpu.memory_space<semaphore_mem>>)
      %slice3A_500 = vector.extract_strided_slice %get3A_294 {offsets = [6], sizes = [1], strides = [1]} : vector<16xi32> to vector<1xi32>
      %squeeze3A_501 = vector.extract %slice3A_500[0] : i32 from vector<1xi32>
      %slice3A_502 = vector.extract_strided_slice %get3A_297 {offsets = [6], sizes = [1], strides = [1]} : vector<16xi32> to vector<1xi32>
      %squeeze3A_503 = vector.extract %slice3A_502[0] : i32 from vector<1xi32>
      %mul3A_504 = arith.constant 16 : i32
      %mul3A_505 = arith.muli %scan3A_288, %mul3A_504 : i32
      %add3A_506 = arith.constant 6 : i32
      %add3A_507 = arith.addi %mul3A_505, %add3A_506 : i32
      %dma_start3A_508 = arith.constant 0 : i32
      %dma_start3A_509 = arith.constant 0 : i32
      %dma_start3A_510 = tpu.memref_slice %arg9[%dma_start3A_508, %add3A_507, %dma_start3A_509] : memref<2x128x64xf32, #tpu.memory_space<vmem>> -> memref<1x1x64xf32, #tpu.memory_space<vmem>>
      %dma_start3A_511 = tpu.memref_squeeze %dma_start3A_510 : memref<1x1x64xf32, #tpu.memory_space<vmem>> -> memref<64xf32, #tpu.memory_space<vmem>>
      %dma_start3A_512 = arith.constant 0 : i32
      %dma_start3A_513 = tpu.memref_slice %arg4[%squeeze3A_501, %dma_start3A_512] : memref<1000000x64xf32, #tpu.memory_space<hbm>> -> memref<1x64xf32, #tpu.memory_space<hbm>>
      %dma_start3A_514 = tpu.memref_squeeze %dma_start3A_513 : memref<1x64xf32, #tpu.memory_space<hbm>> -> memref<64xf32, #tpu.memory_space<hbm>>
      %dma_start3A_515 = arith.constant 0 : i32
      %dma_start3A_516 = tpu.memref_slice %arg9[%dma_start3A_508, %add3A_507, %dma_start3A_515] : memref<2x128x64xf32, #tpu.memory_space<vmem>> -> memref<1x1x64xf32, #tpu.memory_space<vmem>>
      %dma_start3A_517 = tpu.memref_squeeze %dma_start3A_516 : memref<1x1x64xf32, #tpu.memory_space<vmem>> -> memref<64xf32, #tpu.memory_space<vmem>>
      %dma_start3A_518 = arith.constant 0 : i32
      %dma_start3A_519 = tpu.memref_slice %arg4[%squeeze3A_501, %dma_start3A_518] : memref<1000000x64xf32, #tpu.memory_space<hbm>> -> memref<1x64xf32, #tpu.memory_space<hbm>>
      %dma_start3A_520 = tpu.memref_squeeze %dma_start3A_519 : memref<1x64xf32, #tpu.memory_space<hbm>> -> memref<64xf32, #tpu.memory_space<hbm>>
      tpu.enqueue_dma source(%dma_start3A_520 : memref<64xf32, #tpu.memory_space<hbm>>) target(%dma_start3A_517 : memref<64xf32, #tpu.memory_space<vmem>>) target_semaphore(%arg12 : memref<!tpu.dma_semaphore, #tpu.memory_space<semaphore_mem>>)
      %dma_start3A_521 = arith.constant 0 : i32
      %dma_start3A_522 = arith.constant 0 : i32
      %dma_start3A_523 = tpu.memref_slice %arg10[%dma_start3A_521, %add3A_507, %dma_start3A_522] : memref<2x128x64xf32, #tpu.memory_space<vmem>> -> memref<1x1x64xf32, #tpu.memory_space<vmem>>
      %dma_start3A_524 = tpu.memref_squeeze %dma_start3A_523 : memref<1x1x64xf32, #tpu.memory_space<vmem>> -> memref<64xf32, #tpu.memory_space<vmem>>
      %dma_start3A_525 = arith.constant 0 : i32
      %dma_start3A_526 = tpu.memref_slice %arg5[%squeeze3A_503, %dma_start3A_525] : memref<1000000x64xf32, #tpu.memory_space<hbm>> -> memref<1x64xf32, #tpu.memory_space<hbm>>
      %dma_start3A_527 = tpu.memref_squeeze %dma_start3A_526 : memref<1x64xf32, #tpu.memory_space<hbm>> -> memref<64xf32, #tpu.memory_space<hbm>>
      %dma_start3A_528 = arith.constant 0 : i32
      %dma_start3A_529 = tpu.memref_slice %arg10[%dma_start3A_521, %add3A_507, %dma_start3A_528] : memref<2x128x64xf32, #tpu.memory_space<vmem>> -> memref<1x1x64xf32, #tpu.memory_space<vmem>>
      %dma_start3A_530 = tpu.memref_squeeze %dma_start3A_529 : memref<1x1x64xf32, #tpu.memory_space<vmem>> -> memref<64xf32, #tpu.memory_space<vmem>>
      %dma_start3A_531 = arith.constant 0 : i32
      %dma_start3A_532 = tpu.memref_slice %arg5[%squeeze3A_503, %dma_start3A_531] : memref<1000000x64xf32, #tpu.memory_space<hbm>> -> memref<1x64xf32, #tpu.memory_space<hbm>>
      %dma_start3A_533 = tpu.memref_squeeze %dma_start3A_532 : memref<1x64xf32, #tpu.memory_space<hbm>> -> memref<64xf32, #tpu.memory_space<hbm>>
      tpu.enqueue_dma source(%dma_start3A_533 : memref<64xf32, #tpu.memory_space<hbm>>) target(%dma_start3A_530 : memref<64xf32, #tpu.memory_space<vmem>>) target_semaphore(%arg14 : memref<!tpu.dma_semaphore, #tpu.memory_space<semaphore_mem>>)
      %slice3A_534 = vector.extract_strided_slice %get3A_294 {offsets = [7], sizes = [1], strides = [1]} : vector<16xi32> to vector<1xi32>
      %squeeze3A_535 = vector.extract %slice3A_534[0] : i32 from vector<1xi32>
      %slice3A_536 = vector.extract_strided_slice %get3A_297 {offsets = [7], sizes = [1], strides = [1]} : vector<16xi32> to vector<1xi32>
      %squeeze3A_537 = vector.extract %slice3A_536[0] : i32 from vector<1xi32>
      %mul3A_538 = arith.constant 16 : i32
      %mul3A_539 = arith.muli %scan3A_288, %mul3A_538 : i32
      %add3A_540 = arith.constant 7 : i32
      %add3A_541 = arith.addi %mul3A_539, %add3A_540 : i32
      %dma_start3A_542 = arith.constant 0 : i32
      %dma_start3A_543 = arith.constant 0 : i32
      %dma_start3A_544 = tpu.memref_slice %arg9[%dma_start3A_542, %add3A_541, %dma_start3A_543] : memref<2x128x64xf32, #tpu.memory_space<vmem>> -> memref<1x1x64xf32, #tpu.memory_space<vmem>>
      %dma_start3A_545 = tpu.memref_squeeze %dma_start3A_544 : memref<1x1x64xf32, #tpu.memory_space<vmem>> -> memref<64xf32, #tpu.memory_space<vmem>>
      %dma_start3A_546 = arith.constant 0 : i32
      %dma_start3A_547 = tpu.memref_slice %arg4[%squeeze3A_535, %dma_start3A_546] : memref<1000000x64xf32, #tpu.memory_space<hbm>> -> memref<1x64xf32, #tpu.memory_space<hbm>>
      %dma_start3A_548 = tpu.memref_squeeze %dma_start3A_547 : memref<1x64xf32, #tpu.memory_space<hbm>> -> memref<64xf32, #tpu.memory_space<hbm>>
      %dma_start3A_549 = arith.constant 0 : i32
      %dma_start3A_550 = tpu.memref_slice %arg9[%dma_start3A_542, %add3A_541, %dma_start3A_549] : memref<2x128x64xf32, #tpu.memory_space<vmem>> -> memref<1x1x64xf32, #tpu.memory_space<vmem>>
      %dma_start3A_551 = tpu.memref_squeeze %dma_start3A_550 : memref<1x1x64xf32, #tpu.memory_space<vmem>> -> memref<64xf32, #tpu.memory_space<vmem>>
      %dma_start3A_552 = arith.constant 0 : i32
      %dma_start3A_553 = tpu.memref_slice %arg4[%squeeze3A_535, %dma_start3A_552] : memref<1000000x64xf32, #tpu.memory_space<hbm>> -> memref<1x64xf32, #tpu.memory_space<hbm>>
      %dma_start3A_554 = tpu.memref_squeeze %dma_start3A_553 : memref<1x64xf32, #tpu.memory_space<hbm>> -> memref<64xf32, #tpu.memory_space<hbm>>
      tpu.enqueue_dma source(%dma_start3A_554 : memref<64xf32, #tpu.memory_space<hbm>>) target(%dma_start3A_551 : memref<64xf32, #tpu.memory_space<vmem>>) target_semaphore(%arg12 : memref<!tpu.dma_semaphore, #tpu.memory_space<semaphore_mem>>)
      %dma_start3A_555 = arith.constant 0 : i32
      %dma_start3A_556 = arith.constant 0 : i32
      %dma_start3A_557 = tpu.memref_slice %arg10[%dma_start3A_555, %add3A_541, %dma_start3A_556] : memref<2x128x64xf32, #tpu.memory_space<vmem>> -> memref<1x1x64xf32, #tpu.memory_space<vmem>>
      %dma_start3A_558 = tpu.memref_squeeze %dma_start3A_557 : memref<1x1x64xf32, #tpu.memory_space<vmem>> -> memref<64xf32, #tpu.memory_space<vmem>>
      %dma_start3A_559 = arith.constant 0 : i32
      %dma_start3A_560 = tpu.memref_slice %arg5[%squeeze3A_537, %dma_start3A_559] : memref<1000000x64xf32, #tpu.memory_space<hbm>> -> memref<1x64xf32, #tpu.memory_space<hbm>>
      %dma_start3A_561 = tpu.memref_squeeze %dma_start3A_560 : memref<1x64xf32, #tpu.memory_space<hbm>> -> memref<64xf32, #tpu.memory_space<hbm>>
      %dma_start3A_562 = arith.constant 0 : i32
      %dma_start3A_563 = tpu.memref_slice %arg10[%dma_start3A_555, %add3A_541, %dma_start3A_562] : memref<2x128x64xf32, #tpu.memory_space<vmem>> -> memref<1x1x64xf32, #tpu.memory_space<vmem>>
      %dma_start3A_564 = tpu.memref_squeeze %dma_start3A_563 : memref<1x1x64xf32, #tpu.memory_space<vmem>> -> memref<64xf32, #tpu.memory_space<vmem>>
      %dma_start3A_565 = arith.constant 0 : i32
      %dma_start3A_566 = tpu.memref_slice %arg5[%squeeze3A_537, %dma_start3A_565] : memref<1000000x64xf32, #tpu.memory_space<hbm>> -> memref<1x64xf32, #tpu.memory_space<hbm>>
      %dma_start3A_567 = tpu.memref_squeeze %dma_start3A_566 : memref<1x64xf32, #tpu.memory_space<hbm>> -> memref<64xf32, #tpu.memory_space<hbm>>
      tpu.enqueue_dma source(%dma_start3A_567 : memref<64xf32, #tpu.memory_space<hbm>>) target(%dma_start3A_564 : memref<64xf32, #tpu.memory_space<vmem>>) target_semaphore(%arg14 : memref<!tpu.dma_semaphore, #tpu.memory_space<semaphore_mem>>)
      %slice3A_568 = vector.extract_strided_slice %get3A_294 {offsets = [8], sizes = [1], strides = [1]} : vector<16xi32> to vector<1xi32>
      %squeeze3A_569 = vector.extract %slice3A_568[0] : i32 from vector<1xi32>
      %slice3A_570 = vector.extract_strided_slice %get3A_297 {offsets = [8], sizes = [1], strides = [1]} : vector<16xi32> to vector<1xi32>
      %squeeze3A_571 = vector.extract %slice3A_570[0] : i32 from vector<1xi32>
      %mul3A_572 = arith.constant 16 : i32
      %mul3A_573 = arith.muli %scan3A_288, %mul3A_572 : i32
      %add3A_574 = arith.constant 8 : i32
      %add3A_575 = arith.addi %mul3A_573, %add3A_574 : i32
      %dma_start3A_576 = arith.constant 0 : i32
      %dma_start3A_577 = arith.constant 0 : i32
      %dma_start3A_578 = tpu.memref_slice %arg9[%dma_start3A_576, %add3A_575, %dma_start3A_577] : memref<2x128x64xf32, #tpu.memory_space<vmem>> -> memref<1x1x64xf32, #tpu.memory_space<vmem>>
      %dma_start3A_579 = tpu.memref_squeeze %dma_start3A_578 : memref<1x1x64xf32, #tpu.memory_space<vmem>> -> memref<64xf32, #tpu.memory_space<vmem>>
      %dma_start3A_580 = arith.constant 0 : i32
      %dma_start3A_581 = tpu.memref_slice %arg4[%squeeze3A_569, %dma_start3A_580] : memref<1000000x64xf32, #tpu.memory_space<hbm>> -> memref<1x64xf32, #tpu.memory_space<hbm>>
      %dma_start3A_582 = tpu.memref_squeeze %dma_start3A_581 : memref<1x64xf32, #tpu.memory_space<hbm>> -> memref<64xf32, #tpu.memory_space<hbm>>
      %dma_start3A_583 = arith.constant 0 : i32
      %dma_start3A_584 = tpu.memref_slice %arg9[%dma_start3A_576, %add3A_575, %dma_start3A_583] : memref<2x128x64xf32, #tpu.memory_space<vmem>> -> memref<1x1x64xf32, #tpu.memory_space<vmem>>
      %dma_start3A_585 = tpu.memref_squeeze %dma_start3A_584 : memref<1x1x64xf32, #tpu.memory_space<vmem>> -> memref<64xf32, #tpu.memory_space<vmem>>
      %dma_start3A_586 = arith.constant 0 : i32
      %dma_start3A_587 = tpu.memref_slice %arg4[%squeeze3A_569, %dma_start3A_586] : memref<1000000x64xf32, #tpu.memory_space<hbm>> -> memref<1x64xf32, #tpu.memory_space<hbm>>
      %dma_start3A_588 = tpu.memref_squeeze %dma_start3A_587 : memref<1x64xf32, #tpu.memory_space<hbm>> -> memref<64xf32, #tpu.memory_space<hbm>>
      tpu.enqueue_dma source(%dma_start3A_588 : memref<64xf32, #tpu.memory_space<hbm>>) target(%dma_start3A_585 : memref<64xf32, #tpu.memory_space<vmem>>) target_semaphore(%arg12 : memref<!tpu.dma_semaphore, #tpu.memory_space<semaphore_mem>>)
      %dma_start3A_589 = arith.constant 0 : i32
      %dma_start3A_590 = arith.constant 0 : i32
      %dma_start3A_591 = tpu.memref_slice %arg10[%dma_start3A_589, %add3A_575, %dma_start3A_590] : memref<2x128x64xf32, #tpu.memory_space<vmem>> -> memref<1x1x64xf32, #tpu.memory_space<vmem>>
      %dma_start3A_592 = tpu.memref_squeeze %dma_start3A_591 : memref<1x1x64xf32, #tpu.memory_space<vmem>> -> memref<64xf32, #tpu.memory_space<vmem>>
      %dma_start3A_593 = arith.constant 0 : i32
      %dma_start3A_594 = tpu.memref_slice %arg5[%squeeze3A_571, %dma_start3A_593] : memref<1000000x64xf32, #tpu.memory_space<hbm>> -> memref<1x64xf32, #tpu.memory_space<hbm>>
      %dma_start3A_595 = tpu.memref_squeeze %dma_start3A_594 : memref<1x64xf32, #tpu.memory_space<hbm>> -> memref<64xf32, #tpu.memory_space<hbm>>
      %dma_start3A_596 = arith.constant 0 : i32
      %dma_start3A_597 = tpu.memref_slice %arg10[%dma_start3A_589, %add3A_575, %dma_start3A_596] : memref<2x128x64xf32, #tpu.memory_space<vmem>> -> memref<1x1x64xf32, #tpu.memory_space<vmem>>
      %dma_start3A_598 = tpu.memref_squeeze %dma_start3A_597 : memref<1x1x64xf32, #tpu.memory_space<vmem>> -> memref<64xf32, #tpu.memory_space<vmem>>
      %dma_start3A_599 = arith.constant 0 : i32
      %dma_start3A_600 = tpu.memref_slice %arg5[%squeeze3A_571, %dma_start3A_599] : memref<1000000x64xf32, #tpu.memory_space<hbm>> -> memref<1x64xf32, #tpu.memory_space<hbm>>
      %dma_start3A_601 = tpu.memref_squeeze %dma_start3A_600 : memref<1x64xf32, #tpu.memory_space<hbm>> -> memref<64xf32, #tpu.memory_space<hbm>>
      tpu.enqueue_dma source(%dma_start3A_601 : memref<64xf32, #tpu.memory_space<hbm>>) target(%dma_start3A_598 : memref<64xf32, #tpu.memory_space<vmem>>) target_semaphore(%arg14 : memref<!tpu.dma_semaphore, #tpu.memory_space<semaphore_mem>>)
      %slice3A_602 = vector.extract_strided_slice %get3A_294 {offsets = [9], sizes = [1], strides = [1]} : vector<16xi32> to vector<1xi32>
      %squeeze3A_603 = vector.extract %slice3A_602[0] : i32 from vector<1xi32>
      %slice3A_604 = vector.extract_strided_slice %get3A_297 {offsets = [9], sizes = [1], strides = [1]} : vector<16xi32> to vector<1xi32>
      %squeeze3A_605 = vector.extract %slice3A_604[0] : i32 from vector<1xi32>
      %mul3A_606 = arith.constant 16 : i32
      %mul3A_607 = arith.muli %scan3A_288, %mul3A_606 : i32
      %add3A_608 = arith.constant 9 : i32
      %add3A_609 = arith.addi %mul3A_607, %add3A_608 : i32
      %dma_start3A_610 = arith.constant 0 : i32
      %dma_start3A_611 = arith.constant 0 : i32
      %dma_start3A_612 = tpu.memref_slice %arg9[%dma_start3A_610, %add3A_609, %dma_start3A_611] : memref<2x128x64xf32, #tpu.memory_space<vmem>> -> memref<1x1x64xf32, #tpu.memory_space<vmem>>
      %dma_start3A_613 = tpu.memref_squeeze %dma_start3A_612 : memref<1x1x64xf32, #tpu.memory_space<vmem>> -> memref<64xf32, #tpu.memory_space<vmem>>
      %dma_start3A_614 = arith.constant 0 : i32
      %dma_start3A_615 = tpu.memref_slice %arg4[%squeeze3A_603, %dma_start3A_614] : memref<1000000x64xf32, #tpu.memory_space<hbm>> -> memref<1x64xf32, #tpu.memory_space<hbm>>
      %dma_start3A_616 = tpu.memref_squeeze %dma_start3A_615 : memref<1x64xf32, #tpu.memory_space<hbm>> -> memref<64xf32, #tpu.memory_space<hbm>>
      %dma_start3A_617 = arith.constant 0 : i32
      %dma_start3A_618 = tpu.memref_slice %arg9[%dma_start3A_610, %add3A_609, %dma_start3A_617] : memref<2x128x64xf32, #tpu.memory_space<vmem>> -> memref<1x1x64xf32, #tpu.memory_space<vmem>>
      %dma_start3A_619 = tpu.memref_squeeze %dma_start3A_618 : memref<1x1x64xf32, #tpu.memory_space<vmem>> -> memref<64xf32, #tpu.memory_space<vmem>>
      %dma_start3A_620 = arith.constant 0 : i32
      %dma_start3A_621 = tpu.memref_slice %arg4[%squeeze3A_603, %dma_start3A_620] : memref<1000000x64xf32, #tpu.memory_space<hbm>> -> memref<1x64xf32, #tpu.memory_space<hbm>>
      %dma_start3A_622 = tpu.memref_squeeze %dma_start3A_621 : memref<1x64xf32, #tpu.memory_space<hbm>> -> memref<64xf32, #tpu.memory_space<hbm>>
      tpu.enqueue_dma source(%dma_start3A_622 : memref<64xf32, #tpu.memory_space<hbm>>) target(%dma_start3A_619 : memref<64xf32, #tpu.memory_space<vmem>>) target_semaphore(%arg12 : memref<!tpu.dma_semaphore, #tpu.memory_space<semaphore_mem>>)
      %dma_start3A_623 = arith.constant 0 : i32
      %dma_start3A_624 = arith.constant 0 : i32
      %dma_start3A_625 = tpu.memref_slice %arg10[%dma_start3A_623, %add3A_609, %dma_start3A_624] : memref<2x128x64xf32, #tpu.memory_space<vmem>> -> memref<1x1x64xf32, #tpu.memory_space<vmem>>
      %dma_start3A_626 = tpu.memref_squeeze %dma_start3A_625 : memref<1x1x64xf32, #tpu.memory_space<vmem>> -> memref<64xf32, #tpu.memory_space<vmem>>
      %dma_start3A_627 = arith.constant 0 : i32
      %dma_start3A_628 = tpu.memref_slice %arg5[%squeeze3A_605, %dma_start3A_627] : memref<1000000x64xf32, #tpu.memory_space<hbm>> -> memref<1x64xf32, #tpu.memory_space<hbm>>
      %dma_start3A_629 = tpu.memref_squeeze %dma_start3A_628 : memref<1x64xf32, #tpu.memory_space<hbm>> -> memref<64xf32, #tpu.memory_space<hbm>>
      %dma_start3A_630 = arith.constant 0 : i32
      %dma_start3A_631 = tpu.memref_slice %arg10[%dma_start3A_623, %add3A_609, %dma_start3A_630] : memref<2x128x64xf32, #tpu.memory_space<vmem>> -> memref<1x1x64xf32, #tpu.memory_space<vmem>>
      %dma_start3A_632 = tpu.memref_squeeze %dma_start3A_631 : memref<1x1x64xf32, #tpu.memory_space<vmem>> -> memref<64xf32, #tpu.memory_space<vmem>>
      %dma_start3A_633 = arith.constant 0 : i32
      %dma_start3A_634 = tpu.memref_slice %arg5[%squeeze3A_605, %dma_start3A_633] : memref<1000000x64xf32, #tpu.memory_space<hbm>> -> memref<1x64xf32, #tpu.memory_space<hbm>>
      %dma_start3A_635 = tpu.memref_squeeze %dma_start3A_634 : memref<1x64xf32, #tpu.memory_space<hbm>> -> memref<64xf32, #tpu.memory_space<hbm>>
      tpu.enqueue_dma source(%dma_start3A_635 : memref<64xf32, #tpu.memory_space<hbm>>) target(%dma_start3A_632 : memref<64xf32, #tpu.memory_space<vmem>>) target_semaphore(%arg14 : memref<!tpu.dma_semaphore, #tpu.memory_space<semaphore_mem>>)
      %slice3A_636 = vector.extract_strided_slice %get3A_294 {offsets = [10], sizes = [1], strides = [1]} : vector<16xi32> to vector<1xi32>
      %squeeze3A_637 = vector.extract %slice3A_636[0] : i32 from vector<1xi32>
      %slice3A_638 = vector.extract_strided_slice %get3A_297 {offsets = [10], sizes = [1], strides = [1]} : vector<16xi32> to vector<1xi32>
      %squeeze3A_639 = vector.extract %slice3A_638[0] : i32 from vector<1xi32>
      %mul3A_640 = arith.constant 16 : i32
      %mul3A_641 = arith.muli %scan3A_288, %mul3A_640 : i32
      %add3A_642 = arith.constant 10 : i32
      %add3A_643 = arith.addi %mul3A_641, %add3A_642 : i32
      %dma_start3A_644 = arith.constant 0 : i32
      %dma_start3A_645 = arith.constant 0 : i32
      %dma_start3A_646 = tpu.memref_slice %arg9[%dma_start3A_644, %add3A_643, %dma_start3A_645] : memref<2x128x64xf32, #tpu.memory_space<vmem>> -> memref<1x1x64xf32, #tpu.memory_space<vmem>>
      %dma_start3A_647 = tpu.memref_squeeze %dma_start3A_646 : memref<1x1x64xf32, #tpu.memory_space<vmem>> -> memref<64xf32, #tpu.memory_space<vmem>>
      %dma_start3A_648 = arith.constant 0 : i32
      %dma_start3A_649 = tpu.memref_slice %arg4[%squeeze3A_637, %dma_start3A_648] : memref<1000000x64xf32, #tpu.memory_space<hbm>> -> memref<1x64xf32, #tpu.memory_space<hbm>>
      %dma_start3A_650 = tpu.memref_squeeze %dma_start3A_649 : memref<1x64xf32, #tpu.memory_space<hbm>> -> memref<64xf32, #tpu.memory_space<hbm>>
      %dma_start3A_651 = arith.constant 0 : i32
      %dma_start3A_652 = tpu.memref_slice %arg9[%dma_start3A_644, %add3A_643, %dma_start3A_651] : memref<2x128x64xf32, #tpu.memory_space<vmem>> -> memref<1x1x64xf32, #tpu.memory_space<vmem>>
      %dma_start3A_653 = tpu.memref_squeeze %dma_start3A_652 : memref<1x1x64xf32, #tpu.memory_space<vmem>> -> memref<64xf32, #tpu.memory_space<vmem>>
      %dma_start3A_654 = arith.constant 0 : i32
      %dma_start3A_655 = tpu.memref_slice %arg4[%squeeze3A_637, %dma_start3A_654] : memref<1000000x64xf32, #tpu.memory_space<hbm>> -> memref<1x64xf32, #tpu.memory_space<hbm>>
      %dma_start3A_656 = tpu.memref_squeeze %dma_start3A_655 : memref<1x64xf32, #tpu.memory_space<hbm>> -> memref<64xf32, #tpu.memory_space<hbm>>
      tpu.enqueue_dma source(%dma_start3A_656 : memref<64xf32, #tpu.memory_space<hbm>>) target(%dma_start3A_653 : memref<64xf32, #tpu.memory_space<vmem>>) target_semaphore(%arg12 : memref<!tpu.dma_semaphore, #tpu.memory_space<semaphore_mem>>)
      %dma_start3A_657 = arith.constant 0 : i32
      %dma_start3A_658 = arith.constant 0 : i32
      %dma_start3A_659 = tpu.memref_slice %arg10[%dma_start3A_657, %add3A_643, %dma_start3A_658] : memref<2x128x64xf32, #tpu.memory_space<vmem>> -> memref<1x1x64xf32, #tpu.memory_space<vmem>>
      %dma_start3A_660 = tpu.memref_squeeze %dma_start3A_659 : memref<1x1x64xf32, #tpu.memory_space<vmem>> -> memref<64xf32, #tpu.memory_space<vmem>>
      %dma_start3A_661 = arith.constant 0 : i32
      %dma_start3A_662 = tpu.memref_slice %arg5[%squeeze3A_639, %dma_start3A_661] : memref<1000000x64xf32, #tpu.memory_space<hbm>> -> memref<1x64xf32, #tpu.memory_space<hbm>>
      %dma_start3A_663 = tpu.memref_squeeze %dma_start3A_662 : memref<1x64xf32, #tpu.memory_space<hbm>> -> memref<64xf32, #tpu.memory_space<hbm>>
      %dma_start3A_664 = arith.constant 0 : i32
      %dma_start3A_665 = tpu.memref_slice %arg10[%dma_start3A_657, %add3A_643, %dma_start3A_664] : memref<2x128x64xf32, #tpu.memory_space<vmem>> -> memref<1x1x64xf32, #tpu.memory_space<vmem>>
      %dma_start3A_666 = tpu.memref_squeeze %dma_start3A_665 : memref<1x1x64xf32, #tpu.memory_space<vmem>> -> memref<64xf32, #tpu.memory_space<vmem>>
      %dma_start3A_667 = arith.constant 0 : i32
      %dma_start3A_668 = tpu.memref_slice %arg5[%squeeze3A_639, %dma_start3A_667] : memref<1000000x64xf32, #tpu.memory_space<hbm>> -> memref<1x64xf32, #tpu.memory_space<hbm>>
      %dma_start3A_669 = tpu.memref_squeeze %dma_start3A_668 : memref<1x64xf32, #tpu.memory_space<hbm>> -> memref<64xf32, #tpu.memory_space<hbm>>
      tpu.enqueue_dma source(%dma_start3A_669 : memref<64xf32, #tpu.memory_space<hbm>>) target(%dma_start3A_666 : memref<64xf32, #tpu.memory_space<vmem>>) target_semaphore(%arg14 : memref<!tpu.dma_semaphore, #tpu.memory_space<semaphore_mem>>)
      %slice3A_670 = vector.extract_strided_slice %get3A_294 {offsets = [11], sizes = [1], strides = [1]} : vector<16xi32> to vector<1xi32>
      %squeeze3A_671 = vector.extract %slice3A_670[0] : i32 from vector<1xi32>
      %slice3A_672 = vector.extract_strided_slice %get3A_297 {offsets = [11], sizes = [1], strides = [1]} : vector<16xi32> to vector<1xi32>
      %squeeze3A_673 = vector.extract %slice3A_672[0] : i32 from vector<1xi32>
      %mul3A_674 = arith.constant 16 : i32
      %mul3A_675 = arith.muli %scan3A_288, %mul3A_674 : i32
      %add3A_676 = arith.constant 11 : i32
      %add3A_677 = arith.addi %mul3A_675, %add3A_676 : i32
      %dma_start3A_678 = arith.constant 0 : i32
      %dma_start3A_679 = arith.constant 0 : i32
      %dma_start3A_680 = tpu.memref_slice %arg9[%dma_start3A_678, %add3A_677, %dma_start3A_679] : memref<2x128x64xf32, #tpu.memory_space<vmem>> -> memref<1x1x64xf32, #tpu.memory_space<vmem>>
      %dma_start3A_681 = tpu.memref_squeeze %dma_start3A_680 : memref<1x1x64xf32, #tpu.memory_space<vmem>> -> memref<64xf32, #tpu.memory_space<vmem>>
      %dma_start3A_682 = arith.constant 0 : i32
      %dma_start3A_683 = tpu.memref_slice %arg4[%squeeze3A_671, %dma_start3A_682] : memref<1000000x64xf32, #tpu.memory_space<hbm>> -> memref<1x64xf32, #tpu.memory_space<hbm>>
      %dma_start3A_684 = tpu.memref_squeeze %dma_start3A_683 : memref<1x64xf32, #tpu.memory_space<hbm>> -> memref<64xf32, #tpu.memory_space<hbm>>
      %dma_start3A_685 = arith.constant 0 : i32
      %dma_start3A_686 = tpu.memref_slice %arg9[%dma_start3A_678, %add3A_677, %dma_start3A_685] : memref<2x128x64xf32, #tpu.memory_space<vmem>> -> memref<1x1x64xf32, #tpu.memory_space<vmem>>
      %dma_start3A_687 = tpu.memref_squeeze %dma_start3A_686 : memref<1x1x64xf32, #tpu.memory_space<vmem>> -> memref<64xf32, #tpu.memory_space<vmem>>
      %dma_start3A_688 = arith.constant 0 : i32
      %dma_start3A_689 = tpu.memref_slice %arg4[%squeeze3A_671, %dma_start3A_688] : memref<1000000x64xf32, #tpu.memory_space<hbm>> -> memref<1x64xf32, #tpu.memory_space<hbm>>
      %dma_start3A_690 = tpu.memref_squeeze %dma_start3A_689 : memref<1x64xf32, #tpu.memory_space<hbm>> -> memref<64xf32, #tpu.memory_space<hbm>>
      tpu.enqueue_dma source(%dma_start3A_690 : memref<64xf32, #tpu.memory_space<hbm>>) target(%dma_start3A_687 : memref<64xf32, #tpu.memory_space<vmem>>) target_semaphore(%arg12 : memref<!tpu.dma_semaphore, #tpu.memory_space<semaphore_mem>>)
      %dma_start3A_691 = arith.constant 0 : i32
      %dma_start3A_692 = arith.constant 0 : i32
      %dma_start3A_693 = tpu.memref_slice %arg10[%dma_start3A_691, %add3A_677, %dma_start3A_692] : memref<2x128x64xf32, #tpu.memory_space<vmem>> -> memref<1x1x64xf32, #tpu.memory_space<vmem>>
      %dma_start3A_694 = tpu.memref_squeeze %dma_start3A_693 : memref<1x1x64xf32, #tpu.memory_space<vmem>> -> memref<64xf32, #tpu.memory_space<vmem>>
      %dma_start3A_695 = arith.constant 0 : i32
      %dma_start3A_696 = tpu.memref_slice %arg5[%squeeze3A_673, %dma_start3A_695] : memref<1000000x64xf32, #tpu.memory_space<hbm>> -> memref<1x64xf32, #tpu.memory_space<hbm>>
      %dma_start3A_697 = tpu.memref_squeeze %dma_start3A_696 : memref<1x64xf32, #tpu.memory_space<hbm>> -> memref<64xf32, #tpu.memory_space<hbm>>
      %dma_start3A_698 = arith.constant 0 : i32
      %dma_start3A_699 = tpu.memref_slice %arg10[%dma_start3A_691, %add3A_677, %dma_start3A_698] : memref<2x128x64xf32, #tpu.memory_space<vmem>> -> memref<1x1x64xf32, #tpu.memory_space<vmem>>
      %dma_start3A_700 = tpu.memref_squeeze %dma_start3A_699 : memref<1x1x64xf32, #tpu.memory_space<vmem>> -> memref<64xf32, #tpu.memory_space<vmem>>
      %dma_start3A_701 = arith.constant 0 : i32
      %dma_start3A_702 = tpu.memref_slice %arg5[%squeeze3A_673, %dma_start3A_701] : memref<1000000x64xf32, #tpu.memory_space<hbm>> -> memref<1x64xf32, #tpu.memory_space<hbm>>
      %dma_start3A_703 = tpu.memref_squeeze %dma_start3A_702 : memref<1x64xf32, #tpu.memory_space<hbm>> -> memref<64xf32, #tpu.memory_space<hbm>>
      tpu.enqueue_dma source(%dma_start3A_703 : memref<64xf32, #tpu.memory_space<hbm>>) target(%dma_start3A_700 : memref<64xf32, #tpu.memory_space<vmem>>) target_semaphore(%arg14 : memref<!tpu.dma_semaphore, #tpu.memory_space<semaphore_mem>>)
      %slice3A_704 = vector.extract_strided_slice %get3A_294 {offsets = [12], sizes = [1], strides = [1]} : vector<16xi32> to vector<1xi32>
      %squeeze3A_705 = vector.extract %slice3A_704[0] : i32 from vector<1xi32>
      %slice3A_706 = vector.extract_strided_slice %get3A_297 {offsets = [12], sizes = [1], strides = [1]} : vector<16xi32> to vector<1xi32>
      %squeeze3A_707 = vector.extract %slice3A_706[0] : i32 from vector<1xi32>
      %mul3A_708 = arith.constant 16 : i32
      %mul3A_709 = arith.muli %scan3A_288, %mul3A_708 : i32
      %add3A_710 = arith.constant 12 : i32
      %add3A_711 = arith.addi %mul3A_709, %add3A_710 : i32
      %dma_start3A_712 = arith.constant 0 : i32
      %dma_start3A_713 = arith.constant 0 : i32
      %dma_start3A_714 = tpu.memref_slice %arg9[%dma_start3A_712, %add3A_711, %dma_start3A_713] : memref<2x128x64xf32, #tpu.memory_space<vmem>> -> memref<1x1x64xf32, #tpu.memory_space<vmem>>
      %dma_start3A_715 = tpu.memref_squeeze %dma_start3A_714 : memref<1x1x64xf32, #tpu.memory_space<vmem>> -> memref<64xf32, #tpu.memory_space<vmem>>
      %dma_start3A_716 = arith.constant 0 : i32
      %dma_start3A_717 = tpu.memref_slice %arg4[%squeeze3A_705, %dma_start3A_716] : memref<1000000x64xf32, #tpu.memory_space<hbm>> -> memref<1x64xf32, #tpu.memory_space<hbm>>
      %dma_start3A_718 = tpu.memref_squeeze %dma_start3A_717 : memref<1x64xf32, #tpu.memory_space<hbm>> -> memref<64xf32, #tpu.memory_space<hbm>>
      %dma_start3A_719 = arith.constant 0 : i32
      %dma_start3A_720 = tpu.memref_slice %arg9[%dma_start3A_712, %add3A_711, %dma_start3A_719] : memref<2x128x64xf32, #tpu.memory_space<vmem>> -> memref<1x1x64xf32, #tpu.memory_space<vmem>>
      %dma_start3A_721 = tpu.memref_squeeze %dma_start3A_720 : memref<1x1x64xf32, #tpu.memory_space<vmem>> -> memref<64xf32, #tpu.memory_space<vmem>>
      %dma_start3A_722 = arith.constant 0 : i32
      %dma_start3A_723 = tpu.memref_slice %arg4[%squeeze3A_705, %dma_start3A_722] : memref<1000000x64xf32, #tpu.memory_space<hbm>> -> memref<1x64xf32, #tpu.memory_space<hbm>>
      %dma_start3A_724 = tpu.memref_squeeze %dma_start3A_723 : memref<1x64xf32, #tpu.memory_space<hbm>> -> memref<64xf32, #tpu.memory_space<hbm>>
      tpu.enqueue_dma source(%dma_start3A_724 : memref<64xf32, #tpu.memory_space<hbm>>) target(%dma_start3A_721 : memref<64xf32, #tpu.memory_space<vmem>>) target_semaphore(%arg12 : memref<!tpu.dma_semaphore, #tpu.memory_space<semaphore_mem>>)
      %dma_start3A_725 = arith.constant 0 : i32
      %dma_start3A_726 = arith.constant 0 : i32
      %dma_start3A_727 = tpu.memref_slice %arg10[%dma_start3A_725, %add3A_711, %dma_start3A_726] : memref<2x128x64xf32, #tpu.memory_space<vmem>> -> memref<1x1x64xf32, #tpu.memory_space<vmem>>
      %dma_start3A_728 = tpu.memref_squeeze %dma_start3A_727 : memref<1x1x64xf32, #tpu.memory_space<vmem>> -> memref<64xf32, #tpu.memory_space<vmem>>
      %dma_start3A_729 = arith.constant 0 : i32
      %dma_start3A_730 = tpu.memref_slice %arg5[%squeeze3A_707, %dma_start3A_729] : memref<1000000x64xf32, #tpu.memory_space<hbm>> -> memref<1x64xf32, #tpu.memory_space<hbm>>
      %dma_start3A_731 = tpu.memref_squeeze %dma_start3A_730 : memref<1x64xf32, #tpu.memory_space<hbm>> -> memref<64xf32, #tpu.memory_space<hbm>>
      %dma_start3A_732 = arith.constant 0 : i32
      %dma_start3A_733 = tpu.memref_slice %arg10[%dma_start3A_725, %add3A_711, %dma_start3A_732] : memref<2x128x64xf32, #tpu.memory_space<vmem>> -> memref<1x1x64xf32, #tpu.memory_space<vmem>>
      %dma_start3A_734 = tpu.memref_squeeze %dma_start3A_733 : memref<1x1x64xf32, #tpu.memory_space<vmem>> -> memref<64xf32, #tpu.memory_space<vmem>>
      %dma_start3A_735 = arith.constant 0 : i32
      %dma_start3A_736 = tpu.memref_slice %arg5[%squeeze3A_707, %dma_start3A_735] : memref<1000000x64xf32, #tpu.memory_space<hbm>> -> memref<1x64xf32, #tpu.memory_space<hbm>>
      %dma_start3A_737 = tpu.memref_squeeze %dma_start3A_736 : memref<1x64xf32, #tpu.memory_space<hbm>> -> memref<64xf32, #tpu.memory_space<hbm>>
      tpu.enqueue_dma source(%dma_start3A_737 : memref<64xf32, #tpu.memory_space<hbm>>) target(%dma_start3A_734 : memref<64xf32, #tpu.memory_space<vmem>>) target_semaphore(%arg14 : memref<!tpu.dma_semaphore, #tpu.memory_space<semaphore_mem>>)
      %slice3A_738 = vector.extract_strided_slice %get3A_294 {offsets = [13], sizes = [1], strides = [1]} : vector<16xi32> to vector<1xi32>
      %squeeze3A_739 = vector.extract %slice3A_738[0] : i32 from vector<1xi32>
      %slice3A_740 = vector.extract_strided_slice %get3A_297 {offsets = [13], sizes = [1], strides = [1]} : vector<16xi32> to vector<1xi32>
      %squeeze3A_741 = vector.extract %slice3A_740[0] : i32 from vector<1xi32>
      %mul3A_742 = arith.constant 16 : i32
      %mul3A_743 = arith.muli %scan3A_288, %mul3A_742 : i32
      %add3A_744 = arith.constant 13 : i32
      %add3A_745 = arith.addi %mul3A_743, %add3A_744 : i32
      %dma_start3A_746 = arith.constant 0 : i32
      %dma_start3A_747 = arith.constant 0 : i32
      %dma_start3A_748 = tpu.memref_slice %arg9[%dma_start3A_746, %add3A_745, %dma_start3A_747] : memref<2x128x64xf32, #tpu.memory_space<vmem>> -> memref<1x1x64xf32, #tpu.memory_space<vmem>>
      %dma_start3A_749 = tpu.memref_squeeze %dma_start3A_748 : memref<1x1x64xf32, #tpu.memory_space<vmem>> -> memref<64xf32, #tpu.memory_space<vmem>>
      %dma_start3A_750 = arith.constant 0 : i32
      %dma_start3A_751 = tpu.memref_slice %arg4[%squeeze3A_739, %dma_start3A_750] : memref<1000000x64xf32, #tpu.memory_space<hbm>> -> memref<1x64xf32, #tpu.memory_space<hbm>>
      %dma_start3A_752 = tpu.memref_squeeze %dma_start3A_751 : memref<1x64xf32, #tpu.memory_space<hbm>> -> memref<64xf32, #tpu.memory_space<hbm>>
      %dma_start3A_753 = arith.constant 0 : i32
      %dma_start3A_754 = tpu.memref_slice %arg9[%dma_start3A_746, %add3A_745, %dma_start3A_753] : memref<2x128x64xf32, #tpu.memory_space<vmem>> -> memref<1x1x64xf32, #tpu.memory_space<vmem>>
      %dma_start3A_755 = tpu.memref_squeeze %dma_start3A_754 : memref<1x1x64xf32, #tpu.memory_space<vmem>> -> memref<64xf32, #tpu.memory_space<vmem>>
      %dma_start3A_756 = arith.constant 0 : i32
      %dma_start3A_757 = tpu.memref_slice %arg4[%squeeze3A_739, %dma_start3A_756] : memref<1000000x64xf32, #tpu.memory_space<hbm>> -> memref<1x64xf32, #tpu.memory_space<hbm>>
      %dma_start3A_758 = tpu.memref_squeeze %dma_start3A_757 : memref<1x64xf32, #tpu.memory_space<hbm>> -> memref<64xf32, #tpu.memory_space<hbm>>
      tpu.enqueue_dma source(%dma_start3A_758 : memref<64xf32, #tpu.memory_space<hbm>>) target(%dma_start3A_755 : memref<64xf32, #tpu.memory_space<vmem>>) target_semaphore(%arg12 : memref<!tpu.dma_semaphore, #tpu.memory_space<semaphore_mem>>)
      %dma_start3A_759 = arith.constant 0 : i32
      %dma_start3A_760 = arith.constant 0 : i32
      %dma_start3A_761 = tpu.memref_slice %arg10[%dma_start3A_759, %add3A_745, %dma_start3A_760] : memref<2x128x64xf32, #tpu.memory_space<vmem>> -> memref<1x1x64xf32, #tpu.memory_space<vmem>>
      %dma_start3A_762 = tpu.memref_squeeze %dma_start3A_761 : memref<1x1x64xf32, #tpu.memory_space<vmem>> -> memref<64xf32, #tpu.memory_space<vmem>>
      %dma_start3A_763 = arith.constant 0 : i32
      %dma_start3A_764 = tpu.memref_slice %arg5[%squeeze3A_741, %dma_start3A_763] : memref<1000000x64xf32, #tpu.memory_space<hbm>> -> memref<1x64xf32, #tpu.memory_space<hbm>>
      %dma_start3A_765 = tpu.memref_squeeze %dma_start3A_764 : memref<1x64xf32, #tpu.memory_space<hbm>> -> memref<64xf32, #tpu.memory_space<hbm>>
      %dma_start3A_766 = arith.constant 0 : i32
      %dma_start3A_767 = tpu.memref_slice %arg10[%dma_start3A_759, %add3A_745, %dma_start3A_766] : memref<2x128x64xf32, #tpu.memory_space<vmem>> -> memref<1x1x64xf32, #tpu.memory_space<vmem>>
      %dma_start3A_768 = tpu.memref_squeeze %dma_start3A_767 : memref<1x1x64xf32, #tpu.memory_space<vmem>> -> memref<64xf32, #tpu.memory_space<vmem>>
      %dma_start3A_769 = arith.constant 0 : i32
      %dma_start3A_770 = tpu.memref_slice %arg5[%squeeze3A_741, %dma_start3A_769] : memref<1000000x64xf32, #tpu.memory_space<hbm>> -> memref<1x64xf32, #tpu.memory_space<hbm>>
      %dma_start3A_771 = tpu.memref_squeeze %dma_start3A_770 : memref<1x64xf32, #tpu.memory_space<hbm>> -> memref<64xf32, #tpu.memory_space<hbm>>
      tpu.enqueue_dma source(%dma_start3A_771 : memref<64xf32, #tpu.memory_space<hbm>>) target(%dma_start3A_768 : memref<64xf32, #tpu.memory_space<vmem>>) target_semaphore(%arg14 : memref<!tpu.dma_semaphore, #tpu.memory_space<semaphore_mem>>)
      %slice3A_772 = vector.extract_strided_slice %get3A_294 {offsets = [14], sizes = [1], strides = [1]} : vector<16xi32> to vector<1xi32>
      %squeeze3A_773 = vector.extract %slice3A_772[0] : i32 from vector<1xi32>
      %slice3A_774 = vector.extract_strided_slice %get3A_297 {offsets = [14], sizes = [1], strides = [1]} : vector<16xi32> to vector<1xi32>
      %squeeze3A_775 = vector.extract %slice3A_774[0] : i32 from vector<1xi32>
      %mul3A_776 = arith.constant 16 : i32
      %mul3A_777 = arith.muli %scan3A_288, %mul3A_776 : i32
      %add3A_778 = arith.constant 14 : i32
      %add3A_779 = arith.addi %mul3A_777, %add3A_778 : i32
      %dma_start3A_780 = arith.constant 0 : i32
      %dma_start3A_781 = arith.constant 0 : i32
      %dma_start3A_782 = tpu.memref_slice %arg9[%dma_start3A_780, %add3A_779, %dma_start3A_781] : memref<2x128x64xf32, #tpu.memory_space<vmem>> -> memref<1x1x64xf32, #tpu.memory_space<vmem>>
      %dma_start3A_783 = tpu.memref_squeeze %dma_start3A_782 : memref<1x1x64xf32, #tpu.memory_space<vmem>> -> memref<64xf32, #tpu.memory_space<vmem>>
      %dma_start3A_784 = arith.constant 0 : i32
      %dma_start3A_785 = tpu.memref_slice %arg4[%squeeze3A_773, %dma_start3A_784] : memref<1000000x64xf32, #tpu.memory_space<hbm>> -> memref<1x64xf32, #tpu.memory_space<hbm>>
      %dma_start3A_786 = tpu.memref_squeeze %dma_start3A_785 : memref<1x64xf32, #tpu.memory_space<hbm>> -> memref<64xf32, #tpu.memory_space<hbm>>
      %dma_start3A_787 = arith.constant 0 : i32
      %dma_start3A_788 = tpu.memref_slice %arg9[%dma_start3A_780, %add3A_779, %dma_start3A_787] : memref<2x128x64xf32, #tpu.memory_space<vmem>> -> memref<1x1x64xf32, #tpu.memory_space<vmem>>
      %dma_start3A_789 = tpu.memref_squeeze %dma_start3A_788 : memref<1x1x64xf32, #tpu.memory_space<vmem>> -> memref<64xf32, #tpu.memory_space<vmem>>
      %dma_start3A_790 = arith.constant 0 : i32
      %dma_start3A_791 = tpu.memref_slice %arg4[%squeeze3A_773, %dma_start3A_790] : memref<1000000x64xf32, #tpu.memory_space<hbm>> -> memref<1x64xf32, #tpu.memory_space<hbm>>
      %dma_start3A_792 = tpu.memref_squeeze %dma_start3A_791 : memref<1x64xf32, #tpu.memory_space<hbm>> -> memref<64xf32, #tpu.memory_space<hbm>>
      tpu.enqueue_dma source(%dma_start3A_792 : memref<64xf32, #tpu.memory_space<hbm>>) target(%dma_start3A_789 : memref<64xf32, #tpu.memory_space<vmem>>) target_semaphore(%arg12 : memref<!tpu.dma_semaphore, #tpu.memory_space<semaphore_mem>>)
      %dma_start3A_793 = arith.constant 0 : i32
      %dma_start3A_794 = arith.constant 0 : i32
      %dma_start3A_795 = tpu.memref_slice %arg10[%dma_start3A_793, %add3A_779, %dma_start3A_794] : memref<2x128x64xf32, #tpu.memory_space<vmem>> -> memref<1x1x64xf32, #tpu.memory_space<vmem>>
      %dma_start3A_796 = tpu.memref_squeeze %dma_start3A_795 : memref<1x1x64xf32, #tpu.memory_space<vmem>> -> memref<64xf32, #tpu.memory_space<vmem>>
      %dma_start3A_797 = arith.constant 0 : i32
      %dma_start3A_798 = tpu.memref_slice %arg5[%squeeze3A_775, %dma_start3A_797] : memref<1000000x64xf32, #tpu.memory_space<hbm>> -> memref<1x64xf32, #tpu.memory_space<hbm>>
      %dma_start3A_799 = tpu.memref_squeeze %dma_start3A_798 : memref<1x64xf32, #tpu.memory_space<hbm>> -> memref<64xf32, #tpu.memory_space<hbm>>
      %dma_start3A_800 = arith.constant 0 : i32
      %dma_start3A_801 = tpu.memref_slice %arg10[%dma_start3A_793, %add3A_779, %dma_start3A_800] : memref<2x128x64xf32, #tpu.memory_space<vmem>> -> memref<1x1x64xf32, #tpu.memory_space<vmem>>
      %dma_start3A_802 = tpu.memref_squeeze %dma_start3A_801 : memref<1x1x64xf32, #tpu.memory_space<vmem>> -> memref<64xf32, #tpu.memory_space<vmem>>
      %dma_start3A_803 = arith.constant 0 : i32
      %dma_start3A_804 = tpu.memref_slice %arg5[%squeeze3A_775, %dma_start3A_803] : memref<1000000x64xf32, #tpu.memory_space<hbm>> -> memref<1x64xf32, #tpu.memory_space<hbm>>
      %dma_start3A_805 = tpu.memref_squeeze %dma_start3A_804 : memref<1x64xf32, #tpu.memory_space<hbm>> -> memref<64xf32, #tpu.memory_space<hbm>>
      tpu.enqueue_dma source(%dma_start3A_805 : memref<64xf32, #tpu.memory_space<hbm>>) target(%dma_start3A_802 : memref<64xf32, #tpu.memory_space<vmem>>) target_semaphore(%arg14 : memref<!tpu.dma_semaphore, #tpu.memory_space<semaphore_mem>>)
      %slice3A_806 = vector.extract_strided_slice %get3A_294 {offsets = [15], sizes = [1], strides = [1]} : vector<16xi32> to vector<1xi32>
      %squeeze3A_807 = vector.extract %slice3A_806[0] : i32 from vector<1xi32>
      %slice3A_808 = vector.extract_strided_slice %get3A_297 {offsets = [15], sizes = [1], strides = [1]} : vector<16xi32> to vector<1xi32>
      %squeeze3A_809 = vector.extract %slice3A_808[0] : i32 from vector<1xi32>
      %mul3A_810 = arith.constant 16 : i32
      %mul3A_811 = arith.muli %scan3A_288, %mul3A_810 : i32
      %add3A_812 = arith.constant 15 : i32
      %add3A_813 = arith.addi %mul3A_811, %add3A_812 : i32
      %dma_start3A_814 = arith.constant 0 : i32
      %dma_start3A_815 = arith.constant 0 : i32
      %dma_start3A_816 = tpu.memref_slice %arg9[%dma_start3A_814, %add3A_813, %dma_start3A_815] : memref<2x128x64xf32, #tpu.memory_space<vmem>> -> memref<1x1x64xf32, #tpu.memory_space<vmem>>
      %dma_start3A_817 = tpu.memref_squeeze %dma_start3A_816 : memref<1x1x64xf32, #tpu.memory_space<vmem>> -> memref<64xf32, #tpu.memory_space<vmem>>
      %dma_start3A_818 = arith.constant 0 : i32
      %dma_start3A_819 = tpu.memref_slice %arg4[%squeeze3A_807, %dma_start3A_818] : memref<1000000x64xf32, #tpu.memory_space<hbm>> -> memref<1x64xf32, #tpu.memory_space<hbm>>
      %dma_start3A_820 = tpu.memref_squeeze %dma_start3A_819 : memref<1x64xf32, #tpu.memory_space<hbm>> -> memref<64xf32, #tpu.memory_space<hbm>>
      %dma_start3A_821 = arith.constant 0 : i32
      %dma_start3A_822 = tpu.memref_slice %arg9[%dma_start3A_814, %add3A_813, %dma_start3A_821] : memref<2x128x64xf32, #tpu.memory_space<vmem>> -> memref<1x1x64xf32, #tpu.memory_space<vmem>>
      %dma_start3A_823 = tpu.memref_squeeze %dma_start3A_822 : memref<1x1x64xf32, #tpu.memory_space<vmem>> -> memref<64xf32, #tpu.memory_space<vmem>>
      %dma_start3A_824 = arith.constant 0 : i32
      %dma_start3A_825 = tpu.memref_slice %arg4[%squeeze3A_807, %dma_start3A_824] : memref<1000000x64xf32, #tpu.memory_space<hbm>> -> memref<1x64xf32, #tpu.memory_space<hbm>>
      %dma_start3A_826 = tpu.memref_squeeze %dma_start3A_825 : memref<1x64xf32, #tpu.memory_space<hbm>> -> memref<64xf32, #tpu.memory_space<hbm>>
      tpu.enqueue_dma source(%dma_start3A_826 : memref<64xf32, #tpu.memory_space<hbm>>) target(%dma_start3A_823 : memref<64xf32, #tpu.memory_space<vmem>>) target_semaphore(%arg12 : memref<!tpu.dma_semaphore, #tpu.memory_space<semaphore_mem>>)
      %dma_start3A_827 = arith.constant 0 : i32
      %dma_start3A_828 = arith.constant 0 : i32
      %dma_start3A_829 = tpu.memref_slice %arg10[%dma_start3A_827, %add3A_813, %dma_start3A_828] : memref<2x128x64xf32, #tpu.memory_space<vmem>> -> memref<1x1x64xf32, #tpu.memory_space<vmem>>
      %dma_start3A_830 = tpu.memref_squeeze %dma_start3A_829 : memref<1x1x64xf32, #tpu.memory_space<vmem>> -> memref<64xf32, #tpu.memory_space<vmem>>
      %dma_start3A_831 = arith.constant 0 : i32
      %dma_start3A_832 = tpu.memref_slice %arg5[%squeeze3A_809, %dma_start3A_831] : memref<1000000x64xf32, #tpu.memory_space<hbm>> -> memref<1x64xf32, #tpu.memory_space<hbm>>
      %dma_start3A_833 = tpu.memref_squeeze %dma_start3A_832 : memref<1x64xf32, #tpu.memory_space<hbm>> -> memref<64xf32, #tpu.memory_space<hbm>>
      %dma_start3A_834 = arith.constant 0 : i32
      %dma_start3A_835 = tpu.memref_slice %arg10[%dma_start3A_827, %add3A_813, %dma_start3A_834] : memref<2x128x64xf32, #tpu.memory_space<vmem>> -> memref<1x1x64xf32, #tpu.memory_space<vmem>>
      %dma_start3A_836 = tpu.memref_squeeze %dma_start3A_835 : memref<1x1x64xf32, #tpu.memory_space<vmem>> -> memref<64xf32, #tpu.memory_space<vmem>>
      %dma_start3A_837 = arith.constant 0 : i32
      %dma_start3A_838 = tpu.memref_slice %arg5[%squeeze3A_809, %dma_start3A_837] : memref<1000000x64xf32, #tpu.memory_space<hbm>> -> memref<1x64xf32, #tpu.memory_space<hbm>>
      %dma_start3A_839 = tpu.memref_squeeze %dma_start3A_838 : memref<1x64xf32, #tpu.memory_space<hbm>> -> memref<64xf32, #tpu.memory_space<hbm>>
      tpu.enqueue_dma source(%dma_start3A_839 : memref<64xf32, #tpu.memory_space<hbm>>) target(%dma_start3A_836 : memref<64xf32, #tpu.memory_space<vmem>>) target_semaphore(%arg14 : memref<!tpu.dma_semaphore, #tpu.memory_space<semaphore_mem>>)
    }
    %scan3A_7 = arith.constant 8 : i32
    %scan3A_8 = arith.constant 0 : i32
    %scan3A_9 = arith.constant 0 : i32
    %scan3A_10 = arith.constant 8 : i32
    %scan3A_11 = arith.addi %scan3A_9, %scan3A_10 : i32
    %scan3A_12 = arith.constant 1 : i32
    scf.for %scan3A_288 = %scan3A_9 to %scan3A_11 step %scan3A_12  : i32 {
      %mul3A_289 = arith.constant 16 : i32
      %mul3A_290 = arith.muli %scan3A_288, %mul3A_289 : i32
      %add3A_291 = arith.constant 128 : i32
      %add3A_292 = arith.addi %add3A_291, %mul3A_290 : i32
      %get3A = arith.index_cast %add3A_292 : i32 to index
      %get3A_293 = tpu.vector_load %arg7[%get3A] {strides = array<i32>} : memref<512xi32, #tpu.memory_space<vmem>>, vector<16xi32>,
      %get3A_294 = vector.shape_cast %get3A_293 : vector<16xi32> to vector<16xi32>
      %get3A_295 = arith.index_cast %add3A_292 : i32 to index
      %get3A_296 = tpu.vector_load %arg8[%get3A_295] {strides = array<i32>} : memref<512xi32, #tpu.memory_space<vmem>>, vector<16xi32>,
      %get3A_297 = vector.shape_cast %get3A_296 : vector<16xi32> to vector<16xi32>
      %slice3A = vector.extract_strided_slice %get3A_294 {offsets = [0], sizes = [1], strides = [1]} : vector<16xi32> to vector<1xi32>
      %squeeze3A = vector.extract %slice3A[0] : i32 from vector<1xi32>
      %slice3A_298 = vector.extract_strided_slice %get3A_297 {offsets = [0], sizes = [1], strides = [1]} : vector<16xi32> to vector<1xi32>
      %squeeze3A_299 = vector.extract %slice3A_298[0] : i32 from vector<1xi32>
      %mul3A_300 = arith.constant 16 : i32
      %mul3A_301 = arith.muli %scan3A_288, %mul3A_300 : i32
      %add3A_302 = arith.constant 0 : i32
      %add3A_303 = arith.addi %mul3A_301, %add3A_302 : i32
      %dma_start3A_304 = arith.constant 1 : i32
      %dma_start3A_305 = arith.constant 0 : i32
      %dma_start3A_306 = tpu.memref_slice %arg9[%dma_start3A_304, %add3A_303, %dma_start3A_305] : memref<2x128x64xf32, #tpu.memory_space<vmem>> -> memref<1x1x64xf32, #tpu.memory_space<vmem>>
      %dma_start3A_307 = tpu.memref_squeeze %dma_start3A_306 : memref<1x1x64xf32, #tpu.memory_space<vmem>> -> memref<64xf32, #tpu.memory_space<vmem>>
      %dma_start3A_308 = arith.constant 0 : i32
      %dma_start3A_309 = tpu.memref_slice %arg4[%squeeze3A, %dma_start3A_308] : memref<1000000x64xf32, #tpu.memory_space<hbm>> -> memref<1x64xf32, #tpu.memory_space<hbm>>
      %dma_start3A_310 = tpu.memref_squeeze %dma_start3A_309 : memref<1x64xf32, #tpu.memory_space<hbm>> -> memref<64xf32, #tpu.memory_space<hbm>>
      %dma_start3A_311 = arith.constant 0 : i32
      %dma_start3A_312 = tpu.memref_slice %arg9[%dma_start3A_304, %add3A_303, %dma_start3A_311] : memref<2x128x64xf32, #tpu.memory_space<vmem>> -> memref<1x1x64xf32, #tpu.memory_space<vmem>>
      %dma_start3A_313 = tpu.memref_squeeze %dma_start3A_312 : memref<1x1x64xf32, #tpu.memory_space<vmem>> -> memref<64xf32, #tpu.memory_space<vmem>>
      %dma_start3A_314 = arith.constant 0 : i32
      %dma_start3A_315 = tpu.memref_slice %arg4[%squeeze3A, %dma_start3A_314] : memref<1000000x64xf32, #tpu.memory_space<hbm>> -> memref<1x64xf32, #tpu.memory_space<hbm>>
      %dma_start3A_316 = tpu.memref_squeeze %dma_start3A_315 : memref<1x64xf32, #tpu.memory_space<hbm>> -> memref<64xf32, #tpu.memory_space<hbm>>
      tpu.enqueue_dma source(%dma_start3A_316 : memref<64xf32, #tpu.memory_space<hbm>>) target(%dma_start3A_313 : memref<64xf32, #tpu.memory_space<vmem>>) target_semaphore(%arg13 : memref<!tpu.dma_semaphore, #tpu.memory_space<semaphore_mem>>)
      %dma_start3A_317 = arith.constant 1 : i32
      %dma_start3A_318 = arith.constant 0 : i32
      %dma_start3A_319 = tpu.memref_slice %arg10[%dma_start3A_317, %add3A_303, %dma_start3A_318] : memref<2x128x64xf32, #tpu.memory_space<vmem>> -> memref<1x1x64xf32, #tpu.memory_space<vmem>>
      %dma_start3A_320 = tpu.memref_squeeze %dma_start3A_319 : memref<1x1x64xf32, #tpu.memory_space<vmem>> -> memref<64xf32, #tpu.memory_space<vmem>>
      %dma_start3A_321 = arith.constant 0 : i32
      %dma_start3A_322 = tpu.memref_slice %arg5[%squeeze3A_299, %dma_start3A_321] : memref<1000000x64xf32, #tpu.memory_space<hbm>> -> memref<1x64xf32, #tpu.memory_space<hbm>>
      %dma_start3A_323 = tpu.memref_squeeze %dma_start3A_322 : memref<1x64xf32, #tpu.memory_space<hbm>> -> memref<64xf32, #tpu.memory_space<hbm>>
      %dma_start3A_324 = arith.constant 0 : i32
      %dma_start3A_325 = tpu.memref_slice %arg10[%dma_start3A_317, %add3A_303, %dma_start3A_324] : memref<2x128x64xf32, #tpu.memory_space<vmem>> -> memref<1x1x64xf32, #tpu.memory_space<vmem>>
      %dma_start3A_326 = tpu.memref_squeeze %dma_start3A_325 : memref<1x1x64xf32, #tpu.memory_space<vmem>> -> memref<64xf32, #tpu.memory_space<vmem>>
      %dma_start3A_327 = arith.constant 0 : i32
      %dma_start3A_328 = tpu.memref_slice %arg5[%squeeze3A_299, %dma_start3A_327] : memref<1000000x64xf32, #tpu.memory_space<hbm>> -> memref<1x64xf32, #tpu.memory_space<hbm>>
      %dma_start3A_329 = tpu.memref_squeeze %dma_start3A_328 : memref<1x64xf32, #tpu.memory_space<hbm>> -> memref<64xf32, #tpu.memory_space<hbm>>
      tpu.enqueue_dma source(%dma_start3A_329 : memref<64xf32, #tpu.memory_space<hbm>>) target(%dma_start3A_326 : memref<64xf32, #tpu.memory_space<vmem>>) target_semaphore(%arg15 : memref<!tpu.dma_semaphore, #tpu.memory_space<semaphore_mem>>)
      %slice3A_330 = vector.extract_strided_slice %get3A_294 {offsets = [1], sizes = [1], strides = [1]} : vector<16xi32> to vector<1xi32>
      %squeeze3A_331 = vector.extract %slice3A_330[0] : i32 from vector<1xi32>
      %slice3A_332 = vector.extract_strided_slice %get3A_297 {offsets = [1], sizes = [1], strides = [1]} : vector<16xi32> to vector<1xi32>
      %squeeze3A_333 = vector.extract %slice3A_332[0] : i32 from vector<1xi32>
      %mul3A_334 = arith.constant 16 : i32
      %mul3A_335 = arith.muli %scan3A_288, %mul3A_334 : i32
      %add3A_336 = arith.constant 1 : i32
      %add3A_337 = arith.addi %mul3A_335, %add3A_336 : i32
      %dma_start3A_338 = arith.constant 1 : i32
      %dma_start3A_339 = arith.constant 0 : i32
      %dma_start3A_340 = tpu.memref_slice %arg9[%dma_start3A_338, %add3A_337, %dma_start3A_339] : memref<2x128x64xf32, #tpu.memory_space<vmem>> -> memref<1x1x64xf32, #tpu.memory_space<vmem>>
      %dma_start3A_341 = tpu.memref_squeeze %dma_start3A_340 : memref<1x1x64xf32, #tpu.memory_space<vmem>> -> memref<64xf32, #tpu.memory_space<vmem>>
      %dma_start3A_342 = arith.constant 0 : i32
      %dma_start3A_343 = tpu.memref_slice %arg4[%squeeze3A_331, %dma_start3A_342] : memref<1000000x64xf32, #tpu.memory_space<hbm>> -> memref<1x64xf32, #tpu.memory_space<hbm>>
      %dma_start3A_344 = tpu.memref_squeeze %dma_start3A_343 : memref<1x64xf32, #tpu.memory_space<hbm>> -> memref<64xf32, #tpu.memory_space<hbm>>
      %dma_start3A_345 = arith.constant 0 : i32
      %dma_start3A_346 = tpu.memref_slice %arg9[%dma_start3A_338, %add3A_337, %dma_start3A_345] : memref<2x128x64xf32, #tpu.memory_space<vmem>> -> memref<1x1x64xf32, #tpu.memory_space<vmem>>
      %dma_start3A_347 = tpu.memref_squeeze %dma_start3A_346 : memref<1x1x64xf32, #tpu.memory_space<vmem>> -> memref<64xf32, #tpu.memory_space<vmem>>
      %dma_start3A_348 = arith.constant 0 : i32
      %dma_start3A_349 = tpu.memref_slice %arg4[%squeeze3A_331, %dma_start3A_348] : memref<1000000x64xf32, #tpu.memory_space<hbm>> -> memref<1x64xf32, #tpu.memory_space<hbm>>
      %dma_start3A_350 = tpu.memref_squeeze %dma_start3A_349 : memref<1x64xf32, #tpu.memory_space<hbm>> -> memref<64xf32, #tpu.memory_space<hbm>>
      tpu.enqueue_dma source(%dma_start3A_350 : memref<64xf32, #tpu.memory_space<hbm>>) target(%dma_start3A_347 : memref<64xf32, #tpu.memory_space<vmem>>) target_semaphore(%arg13 : memref<!tpu.dma_semaphore, #tpu.memory_space<semaphore_mem>>)
      %dma_start3A_351 = arith.constant 1 : i32
      %dma_start3A_352 = arith.constant 0 : i32
      %dma_start3A_353 = tpu.memref_slice %arg10[%dma_start3A_351, %add3A_337, %dma_start3A_352] : memref<2x128x64xf32, #tpu.memory_space<vmem>> -> memref<1x1x64xf32, #tpu.memory_space<vmem>>
      %dma_start3A_354 = tpu.memref_squeeze %dma_start3A_353 : memref<1x1x64xf32, #tpu.memory_space<vmem>> -> memref<64xf32, #tpu.memory_space<vmem>>
      %dma_start3A_355 = arith.constant 0 : i32
      %dma_start3A_356 = tpu.memref_slice %arg5[%squeeze3A_333, %dma_start3A_355] : memref<1000000x64xf32, #tpu.memory_space<hbm>> -> memref<1x64xf32, #tpu.memory_space<hbm>>
      %dma_start3A_357 = tpu.memref_squeeze %dma_start3A_356 : memref<1x64xf32, #tpu.memory_space<hbm>> -> memref<64xf32, #tpu.memory_space<hbm>>
      %dma_start3A_358 = arith.constant 0 : i32
      %dma_start3A_359 = tpu.memref_slice %arg10[%dma_start3A_351, %add3A_337, %dma_start3A_358] : memref<2x128x64xf32, #tpu.memory_space<vmem>> -> memref<1x1x64xf32, #tpu.memory_space<vmem>>
      %dma_start3A_360 = tpu.memref_squeeze %dma_start3A_359 : memref<1x1x64xf32, #tpu.memory_space<vmem>> -> memref<64xf32, #tpu.memory_space<vmem>>
      %dma_start3A_361 = arith.constant 0 : i32
      %dma_start3A_362 = tpu.memref_slice %arg5[%squeeze3A_333, %dma_start3A_361] : memref<1000000x64xf32, #tpu.memory_space<hbm>> -> memref<1x64xf32, #tpu.memory_space<hbm>>
      %dma_start3A_363 = tpu.memref_squeeze %dma_start3A_362 : memref<1x64xf32, #tpu.memory_space<hbm>> -> memref<64xf32, #tpu.memory_space<hbm>>
      tpu.enqueue_dma source(%dma_start3A_363 : memref<64xf32, #tpu.memory_space<hbm>>) target(%dma_start3A_360 : memref<64xf32, #tpu.memory_space<vmem>>) target_semaphore(%arg15 : memref<!tpu.dma_semaphore, #tpu.memory_space<semaphore_mem>>)
      %slice3A_364 = vector.extract_strided_slice %get3A_294 {offsets = [2], sizes = [1], strides = [1]} : vector<16xi32> to vector<1xi32>
      %squeeze3A_365 = vector.extract %slice3A_364[0] : i32 from vector<1xi32>
      %slice3A_366 = vector.extract_strided_slice %get3A_297 {offsets = [2], sizes = [1], strides = [1]} : vector<16xi32> to vector<1xi32>
      %squeeze3A_367 = vector.extract %slice3A_366[0] : i32 from vector<1xi32>
      %mul3A_368 = arith.constant 16 : i32
      %mul3A_369 = arith.muli %scan3A_288, %mul3A_368 : i32
      %add3A_370 = arith.constant 2 : i32
      %add3A_371 = arith.addi %mul3A_369, %add3A_370 : i32
      %dma_start3A_372 = arith.constant 1 : i32
      %dma_start3A_373 = arith.constant 0 : i32
      %dma_start3A_374 = tpu.memref_slice %arg9[%dma_start3A_372, %add3A_371, %dma_start3A_373] : memref<2x128x64xf32, #tpu.memory_space<vmem>> -> memref<1x1x64xf32, #tpu.memory_space<vmem>>
      %dma_start3A_375 = tpu.memref_squeeze %dma_start3A_374 : memref<1x1x64xf32, #tpu.memory_space<vmem>> -> memref<64xf32, #tpu.memory_space<vmem>>
      %dma_start3A_376 = arith.constant 0 : i32
      %dma_start3A_377 = tpu.memref_slice %arg4[%squeeze3A_365, %dma_start3A_376] : memref<1000000x64xf32, #tpu.memory_space<hbm>> -> memref<1x64xf32, #tpu.memory_space<hbm>>
      %dma_start3A_378 = tpu.memref_squeeze %dma_start3A_377 : memref<1x64xf32, #tpu.memory_space<hbm>> -> memref<64xf32, #tpu.memory_space<hbm>>
      %dma_start3A_379 = arith.constant 0 : i32
      %dma_start3A_380 = tpu.memref_slice %arg9[%dma_start3A_372, %add3A_371, %dma_start3A_379] : memref<2x128x64xf32, #tpu.memory_space<vmem>> -> memref<1x1x64xf32, #tpu.memory_space<vmem>>
      %dma_start3A_381 = tpu.memref_squeeze %dma_start3A_380 : memref<1x1x64xf32, #tpu.memory_space<vmem>> -> memref<64xf32, #tpu.memory_space<vmem>>
      %dma_start3A_382 = arith.constant 0 : i32
      %dma_start3A_383 = tpu.memref_slice %arg4[%squeeze3A_365, %dma_start3A_382] : memref<1000000x64xf32, #tpu.memory_space<hbm>> -> memref<1x64xf32, #tpu.memory_space<hbm>>
      %dma_start3A_384 = tpu.memref_squeeze %dma_start3A_383 : memref<1x64xf32, #tpu.memory_space<hbm>> -> memref<64xf32, #tpu.memory_space<hbm>>
      tpu.enqueue_dma source(%dma_start3A_384 : memref<64xf32, #tpu.memory_space<hbm>>) target(%dma_start3A_381 : memref<64xf32, #tpu.memory_space<vmem>>) target_semaphore(%arg13 : memref<!tpu.dma_semaphore, #tpu.memory_space<semaphore_mem>>)
      %dma_start3A_385 = arith.constant 1 : i32
      %dma_start3A_386 = arith.constant 0 : i32
      %dma_start3A_387 = tpu.memref_slice %arg10[%dma_start3A_385, %add3A_371, %dma_start3A_386] : memref<2x128x64xf32, #tpu.memory_space<vmem>> -> memref<1x1x64xf32, #tpu.memory_space<vmem>>
      %dma_start3A_388 = tpu.memref_squeeze %dma_start3A_387 : memref<1x1x64xf32, #tpu.memory_space<vmem>> -> memref<64xf32, #tpu.memory_space<vmem>>
      %dma_start3A_389 = arith.constant 0 : i32
      %dma_start3A_390 = tpu.memref_slice %arg5[%squeeze3A_367, %dma_start3A_389] : memref<1000000x64xf32, #tpu.memory_space<hbm>> -> memref<1x64xf32, #tpu.memory_space<hbm>>
      %dma_start3A_391 = tpu.memref_squeeze %dma_start3A_390 : memref<1x64xf32, #tpu.memory_space<hbm>> -> memref<64xf32, #tpu.memory_space<hbm>>
      %dma_start3A_392 = arith.constant 0 : i32
      %dma_start3A_393 = tpu.memref_slice %arg10[%dma_start3A_385, %add3A_371, %dma_start3A_392] : memref<2x128x64xf32, #tpu.memory_space<vmem>> -> memref<1x1x64xf32, #tpu.memory_space<vmem>>
      %dma_start3A_394 = tpu.memref_squeeze %dma_start3A_393 : memref<1x1x64xf32, #tpu.memory_space<vmem>> -> memref<64xf32, #tpu.memory_space<vmem>>
      %dma_start3A_395 = arith.constant 0 : i32
      %dma_start3A_396 = tpu.memref_slice %arg5[%squeeze3A_367, %dma_start3A_395] : memref<1000000x64xf32, #tpu.memory_space<hbm>> -> memref<1x64xf32, #tpu.memory_space<hbm>>
      %dma_start3A_397 = tpu.memref_squeeze %dma_start3A_396 : memref<1x64xf32, #tpu.memory_space<hbm>> -> memref<64xf32, #tpu.memory_space<hbm>>
      tpu.enqueue_dma source(%dma_start3A_397 : memref<64xf32, #tpu.memory_space<hbm>>) target(%dma_start3A_394 : memref<64xf32, #tpu.memory_space<vmem>>) target_semaphore(%arg15 : memref<!tpu.dma_semaphore, #tpu.memory_space<semaphore_mem>>)
      %slice3A_398 = vector.extract_strided_slice %get3A_294 {offsets = [3], sizes = [1], strides = [1]} : vector<16xi32> to vector<1xi32>
      %squeeze3A_399 = vector.extract %slice3A_398[0] : i32 from vector<1xi32>
      %slice3A_400 = vector.extract_strided_slice %get3A_297 {offsets = [3], sizes = [1], strides = [1]} : vector<16xi32> to vector<1xi32>
      %squeeze3A_401 = vector.extract %slice3A_400[0] : i32 from vector<1xi32>
      %mul3A_402 = arith.constant 16 : i32
      %mul3A_403 = arith.muli %scan3A_288, %mul3A_402 : i32
      %add3A_404 = arith.constant 3 : i32
      %add3A_405 = arith.addi %mul3A_403, %add3A_404 : i32
      %dma_start3A_406 = arith.constant 1 : i32
      %dma_start3A_407 = arith.constant 0 : i32
      %dma_start3A_408 = tpu.memref_slice %arg9[%dma_start3A_406, %add3A_405, %dma_start3A_407] : memref<2x128x64xf32, #tpu.memory_space<vmem>> -> memref<1x1x64xf32, #tpu.memory_space<vmem>>
      %dma_start3A_409 = tpu.memref_squeeze %dma_start3A_408 : memref<1x1x64xf32, #tpu.memory_space<vmem>> -> memref<64xf32, #tpu.memory_space<vmem>>
      %dma_start3A_410 = arith.constant 0 : i32
      %dma_start3A_411 = tpu.memref_slice %arg4[%squeeze3A_399, %dma_start3A_410] : memref<1000000x64xf32, #tpu.memory_space<hbm>> -> memref<1x64xf32, #tpu.memory_space<hbm>>
      %dma_start3A_412 = tpu.memref_squeeze %dma_start3A_411 : memref<1x64xf32, #tpu.memory_space<hbm>> -> memref<64xf32, #tpu.memory_space<hbm>>
      %dma_start3A_413 = arith.constant 0 : i32
      %dma_start3A_414 = tpu.memref_slice %arg9[%dma_start3A_406, %add3A_405, %dma_start3A_413] : memref<2x128x64xf32, #tpu.memory_space<vmem>> -> memref<1x1x64xf32, #tpu.memory_space<vmem>>
      %dma_start3A_415 = tpu.memref_squeeze %dma_start3A_414 : memref<1x1x64xf32, #tpu.memory_space<vmem>> -> memref<64xf32, #tpu.memory_space<vmem>>
      %dma_start3A_416 = arith.constant 0 : i32
      %dma_start3A_417 = tpu.memref_slice %arg4[%squeeze3A_399, %dma_start3A_416] : memref<1000000x64xf32, #tpu.memory_space<hbm>> -> memref<1x64xf32, #tpu.memory_space<hbm>>
      %dma_start3A_418 = tpu.memref_squeeze %dma_start3A_417 : memref<1x64xf32, #tpu.memory_space<hbm>> -> memref<64xf32, #tpu.memory_space<hbm>>
      tpu.enqueue_dma source(%dma_start3A_418 : memref<64xf32, #tpu.memory_space<hbm>>) target(%dma_start3A_415 : memref<64xf32, #tpu.memory_space<vmem>>) target_semaphore(%arg13 : memref<!tpu.dma_semaphore, #tpu.memory_space<semaphore_mem>>)
      %dma_start3A_419 = arith.constant 1 : i32
      %dma_start3A_420 = arith.constant 0 : i32
      %dma_start3A_421 = tpu.memref_slice %arg10[%dma_start3A_419, %add3A_405, %dma_start3A_420] : memref<2x128x64xf32, #tpu.memory_space<vmem>> -> memref<1x1x64xf32, #tpu.memory_space<vmem>>
      %dma_start3A_422 = tpu.memref_squeeze %dma_start3A_421 : memref<1x1x64xf32, #tpu.memory_space<vmem>> -> memref<64xf32, #tpu.memory_space<vmem>>
      %dma_start3A_423 = arith.constant 0 : i32
      %dma_start3A_424 = tpu.memref_slice %arg5[%squeeze3A_401, %dma_start3A_423] : memref<1000000x64xf32, #tpu.memory_space<hbm>> -> memref<1x64xf32, #tpu.memory_space<hbm>>
      %dma_start3A_425 = tpu.memref_squeeze %dma_start3A_424 : memref<1x64xf32, #tpu.memory_space<hbm>> -> memref<64xf32, #tpu.memory_space<hbm>>
      %dma_start3A_426 = arith.constant 0 : i32
      %dma_start3A_427 = tpu.memref_slice %arg10[%dma_start3A_419, %add3A_405, %dma_start3A_426] : memref<2x128x64xf32, #tpu.memory_space<vmem>> -> memref<1x1x64xf32, #tpu.memory_space<vmem>>
      %dma_start3A_428 = tpu.memref_squeeze %dma_start3A_427 : memref<1x1x64xf32, #tpu.memory_space<vmem>> -> memref<64xf32, #tpu.memory_space<vmem>>
      %dma_start3A_429 = arith.constant 0 : i32
      %dma_start3A_430 = tpu.memref_slice %arg5[%squeeze3A_401, %dma_start3A_429] : memref<1000000x64xf32, #tpu.memory_space<hbm>> -> memref<1x64xf32, #tpu.memory_space<hbm>>
      %dma_start3A_431 = tpu.memref_squeeze %dma_start3A_430 : memref<1x64xf32, #tpu.memory_space<hbm>> -> memref<64xf32, #tpu.memory_space<hbm>>
      tpu.enqueue_dma source(%dma_start3A_431 : memref<64xf32, #tpu.memory_space<hbm>>) target(%dma_start3A_428 : memref<64xf32, #tpu.memory_space<vmem>>) target_semaphore(%arg15 : memref<!tpu.dma_semaphore, #tpu.memory_space<semaphore_mem>>)
      %slice3A_432 = vector.extract_strided_slice %get3A_294 {offsets = [4], sizes = [1], strides = [1]} : vector<16xi32> to vector<1xi32>
      %squeeze3A_433 = vector.extract %slice3A_432[0] : i32 from vector<1xi32>
      %slice3A_434 = vector.extract_strided_slice %get3A_297 {offsets = [4], sizes = [1], strides = [1]} : vector<16xi32> to vector<1xi32>
      %squeeze3A_435 = vector.extract %slice3A_434[0] : i32 from vector<1xi32>
      %mul3A_436 = arith.constant 16 : i32
      %mul3A_437 = arith.muli %scan3A_288, %mul3A_436 : i32
      %add3A_438 = arith.constant 4 : i32
      %add3A_439 = arith.addi %mul3A_437, %add3A_438 : i32
      %dma_start3A_440 = arith.constant 1 : i32
      %dma_start3A_441 = arith.constant 0 : i32
      %dma_start3A_442 = tpu.memref_slice %arg9[%dma_start3A_440, %add3A_439, %dma_start3A_441] : memref<2x128x64xf32, #tpu.memory_space<vmem>> -> memref<1x1x64xf32, #tpu.memory_space<vmem>>
      %dma_start3A_443 = tpu.memref_squeeze %dma_start3A_442 : memref<1x1x64xf32, #tpu.memory_space<vmem>> -> memref<64xf32, #tpu.memory_space<vmem>>
      %dma_start3A_444 = arith.constant 0 : i32
      %dma_start3A_445 = tpu.memref_slice %arg4[%squeeze3A_433, %dma_start3A_444] : memref<1000000x64xf32, #tpu.memory_space<hbm>> -> memref<1x64xf32, #tpu.memory_space<hbm>>
      %dma_start3A_446 = tpu.memref_squeeze %dma_start3A_445 : memref<1x64xf32, #tpu.memory_space<hbm>> -> memref<64xf32, #tpu.memory_space<hbm>>
      %dma_start3A_447 = arith.constant 0 : i32
      %dma_start3A_448 = tpu.memref_slice %arg9[%dma_start3A_440, %add3A_439, %dma_start3A_447] : memref<2x128x64xf32, #tpu.memory_space<vmem>> -> memref<1x1x64xf32, #tpu.memory_space<vmem>>
      %dma_start3A_449 = tpu.memref_squeeze %dma_start3A_448 : memref<1x1x64xf32, #tpu.memory_space<vmem>> -> memref<64xf32, #tpu.memory_space<vmem>>
      %dma_start3A_450 = arith.constant 0 : i32
      %dma_start3A_451 = tpu.memref_slice %arg4[%squeeze3A_433, %dma_start3A_450] : memref<1000000x64xf32, #tpu.memory_space<hbm>> -> memref<1x64xf32, #tpu.memory_space<hbm>>
      %dma_start3A_452 = tpu.memref_squeeze %dma_start3A_451 : memref<1x64xf32, #tpu.memory_space<hbm>> -> memref<64xf32, #tpu.memory_space<hbm>>
      tpu.enqueue_dma source(%dma_start3A_452 : memref<64xf32, #tpu.memory_space<hbm>>) target(%dma_start3A_449 : memref<64xf32, #tpu.memory_space<vmem>>) target_semaphore(%arg13 : memref<!tpu.dma_semaphore, #tpu.memory_space<semaphore_mem>>)
      %dma_start3A_453 = arith.constant 1 : i32
      %dma_start3A_454 = arith.constant 0 : i32
      %dma_start3A_455 = tpu.memref_slice %arg10[%dma_start3A_453, %add3A_439, %dma_start3A_454] : memref<2x128x64xf32, #tpu.memory_space<vmem>> -> memref<1x1x64xf32, #tpu.memory_space<vmem>>
      %dma_start3A_456 = tpu.memref_squeeze %dma_start3A_455 : memref<1x1x64xf32, #tpu.memory_space<vmem>> -> memref<64xf32, #tpu.memory_space<vmem>>
      %dma_start3A_457 = arith.constant 0 : i32
      %dma_start3A_458 = tpu.memref_slice %arg5[%squeeze3A_435, %dma_start3A_457] : memref<1000000x64xf32, #tpu.memory_space<hbm>> -> memref<1x64xf32, #tpu.memory_space<hbm>>
      %dma_start3A_459 = tpu.memref_squeeze %dma_start3A_458 : memref<1x64xf32, #tpu.memory_space<hbm>> -> memref<64xf32, #tpu.memory_space<hbm>>
      %dma_start3A_460 = arith.constant 0 : i32
      %dma_start3A_461 = tpu.memref_slice %arg10[%dma_start3A_453, %add3A_439, %dma_start3A_460] : memref<2x128x64xf32, #tpu.memory_space<vmem>> -> memref<1x1x64xf32, #tpu.memory_space<vmem>>
      %dma_start3A_462 = tpu.memref_squeeze %dma_start3A_461 : memref<1x1x64xf32, #tpu.memory_space<vmem>> -> memref<64xf32, #tpu.memory_space<vmem>>
      %dma_start3A_463 = arith.constant 0 : i32
      %dma_start3A_464 = tpu.memref_slice %arg5[%squeeze3A_435, %dma_start3A_463] : memref<1000000x64xf32, #tpu.memory_space<hbm>> -> memref<1x64xf32, #tpu.memory_space<hbm>>
      %dma_start3A_465 = tpu.memref_squeeze %dma_start3A_464 : memref<1x64xf32, #tpu.memory_space<hbm>> -> memref<64xf32, #tpu.memory_space<hbm>>
      tpu.enqueue_dma source(%dma_start3A_465 : memref<64xf32, #tpu.memory_space<hbm>>) target(%dma_start3A_462 : memref<64xf32, #tpu.memory_space<vmem>>) target_semaphore(%arg15 : memref<!tpu.dma_semaphore, #tpu.memory_space<semaphore_mem>>)
      %slice3A_466 = vector.extract_strided_slice %get3A_294 {offsets = [5], sizes = [1], strides = [1]} : vector<16xi32> to vector<1xi32>
      %squeeze3A_467 = vector.extract %slice3A_466[0] : i32 from vector<1xi32>
      %slice3A_468 = vector.extract_strided_slice %get3A_297 {offsets = [5], sizes = [1], strides = [1]} : vector<16xi32> to vector<1xi32>
      %squeeze3A_469 = vector.extract %slice3A_468[0] : i32 from vector<1xi32>
      %mul3A_470 = arith.constant 16 : i32
      %mul3A_471 = arith.muli %scan3A_288, %mul3A_470 : i32
      %add3A_472 = arith.constant 5 : i32
      %add3A_473 = arith.addi %mul3A_471, %add3A_472 : i32
      %dma_start3A_474 = arith.constant 1 : i32
      %dma_start3A_475 = arith.constant 0 : i32
      %dma_start3A_476 = tpu.memref_slice %arg9[%dma_start3A_474, %add3A_473, %dma_start3A_475] : memref<2x128x64xf32, #tpu.memory_space<vmem>> -> memref<1x1x64xf32, #tpu.memory_space<vmem>>
      %dma_start3A_477 = tpu.memref_squeeze %dma_start3A_476 : memref<1x1x64xf32, #tpu.memory_space<vmem>> -> memref<64xf32, #tpu.memory_space<vmem>>
      %dma_start3A_478 = arith.constant 0 : i32
      %dma_start3A_479 = tpu.memref_slice %arg4[%squeeze3A_467, %dma_start3A_478] : memref<1000000x64xf32, #tpu.memory_space<hbm>> -> memref<1x64xf32, #tpu.memory_space<hbm>>
      %dma_start3A_480 = tpu.memref_squeeze %dma_start3A_479 : memref<1x64xf32, #tpu.memory_space<hbm>> -> memref<64xf32, #tpu.memory_space<hbm>>
      %dma_start3A_481 = arith.constant 0 : i32
      %dma_start3A_482 = tpu.memref_slice %arg9[%dma_start3A_474, %add3A_473, %dma_start3A_481] : memref<2x128x64xf32, #tpu.memory_space<vmem>> -> memref<1x1x64xf32, #tpu.memory_space<vmem>>
      %dma_start3A_483 = tpu.memref_squeeze %dma_start3A_482 : memref<1x1x64xf32, #tpu.memory_space<vmem>> -> memref<64xf32, #tpu.memory_space<vmem>>
      %dma_start3A_484 = arith.constant 0 : i32
      %dma_start3A_485 = tpu.memref_slice %arg4[%squeeze3A_467, %dma_start3A_484] : memref<1000000x64xf32, #tpu.memory_space<hbm>> -> memref<1x64xf32, #tpu.memory_space<hbm>>
      %dma_start3A_486 = tpu.memref_squeeze %dma_start3A_485 : memref<1x64xf32, #tpu.memory_space<hbm>> -> memref<64xf32, #tpu.memory_space<hbm>>
      tpu.enqueue_dma source(%dma_start3A_486 : memref<64xf32, #tpu.memory_space<hbm>>) target(%dma_start3A_483 : memref<64xf32, #tpu.memory_space<vmem>>) target_semaphore(%arg13 : memref<!tpu.dma_semaphore, #tpu.memory_space<semaphore_mem>>)
      %dma_start3A_487 = arith.constant 1 : i32
      %dma_start3A_488 = arith.constant 0 : i32
      %dma_start3A_489 = tpu.memref_slice %arg10[%dma_start3A_487, %add3A_473, %dma_start3A_488] : memref<2x128x64xf32, #tpu.memory_space<vmem>> -> memref<1x1x64xf32, #tpu.memory_space<vmem>>
      %dma_start3A_490 = tpu.memref_squeeze %dma_start3A_489 : memref<1x1x64xf32, #tpu.memory_space<vmem>> -> memref<64xf32, #tpu.memory_space<vmem>>
      %dma_start3A_491 = arith.constant 0 : i32
      %dma_start3A_492 = tpu.memref_slice %arg5[%squeeze3A_469, %dma_start3A_491] : memref<1000000x64xf32, #tpu.memory_space<hbm>> -> memref<1x64xf32, #tpu.memory_space<hbm>>
      %dma_start3A_493 = tpu.memref_squeeze %dma_start3A_492 : memref<1x64xf32, #tpu.memory_space<hbm>> -> memref<64xf32, #tpu.memory_space<hbm>>
      %dma_start3A_494 = arith.constant 0 : i32
      %dma_start3A_495 = tpu.memref_slice %arg10[%dma_start3A_487, %add3A_473, %dma_start3A_494] : memref<2x128x64xf32, #tpu.memory_space<vmem>> -> memref<1x1x64xf32, #tpu.memory_space<vmem>>
      %dma_start3A_496 = tpu.memref_squeeze %dma_start3A_495 : memref<1x1x64xf32, #tpu.memory_space<vmem>> -> memref<64xf32, #tpu.memory_space<vmem>>
      %dma_start3A_497 = arith.constant 0 : i32
      %dma_start3A_498 = tpu.memref_slice %arg5[%squeeze3A_469, %dma_start3A_497] : memref<1000000x64xf32, #tpu.memory_space<hbm>> -> memref<1x64xf32, #tpu.memory_space<hbm>>
      %dma_start3A_499 = tpu.memref_squeeze %dma_start3A_498 : memref<1x64xf32, #tpu.memory_space<hbm>> -> memref<64xf32, #tpu.memory_space<hbm>>
      tpu.enqueue_dma source(%dma_start3A_499 : memref<64xf32, #tpu.memory_space<hbm>>) target(%dma_start3A_496 : memref<64xf32, #tpu.memory_space<vmem>>) target_semaphore(%arg15 : memref<!tpu.dma_semaphore, #tpu.memory_space<semaphore_mem>>)
      %slice3A_500 = vector.extract_strided_slice %get3A_294 {offsets = [6], sizes = [1], strides = [1]} : vector<16xi32> to vector<1xi32>
      %squeeze3A_501 = vector.extract %slice3A_500[0] : i32 from vector<1xi32>
      %slice3A_502 = vector.extract_strided_slice %get3A_297 {offsets = [6], sizes = [1], strides = [1]} : vector<16xi32> to vector<1xi32>
      %squeeze3A_503 = vector.extract %slice3A_502[0] : i32 from vector<1xi32>
      %mul3A_504 = arith.constant 16 : i32
      %mul3A_505 = arith.muli %scan3A_288, %mul3A_504 : i32
      %add3A_506 = arith.constant 6 : i32
      %add3A_507 = arith.addi %mul3A_505, %add3A_506 : i32
      %dma_start3A_508 = arith.constant 1 : i32
      %dma_start3A_509 = arith.constant 0 : i32
      %dma_start3A_510 = tpu.memref_slice %arg9[%dma_start3A_508, %add3A_507, %dma_start3A_509] : memref<2x128x64xf32, #tpu.memory_space<vmem>> -> memref<1x1x64xf32, #tpu.memory_space<vmem>>
      %dma_start3A_511 = tpu.memref_squeeze %dma_start3A_510 : memref<1x1x64xf32, #tpu.memory_space<vmem>> -> memref<64xf32, #tpu.memory_space<vmem>>
      %dma_start3A_512 = arith.constant 0 : i32
      %dma_start3A_513 = tpu.memref_slice %arg4[%squeeze3A_501, %dma_start3A_512] : memref<1000000x64xf32, #tpu.memory_space<hbm>> -> memref<1x64xf32, #tpu.memory_space<hbm>>
      %dma_start3A_514 = tpu.memref_squeeze %dma_start3A_513 : memref<1x64xf32, #tpu.memory_space<hbm>> -> memref<64xf32, #tpu.memory_space<hbm>>
      %dma_start3A_515 = arith.constant 0 : i32
      %dma_start3A_516 = tpu.memref_slice %arg9[%dma_start3A_508, %add3A_507, %dma_start3A_515] : memref<2x128x64xf32, #tpu.memory_space<vmem>> -> memref<1x1x64xf32, #tpu.memory_space<vmem>>
      %dma_start3A_517 = tpu.memref_squeeze %dma_start3A_516 : memref<1x1x64xf32, #tpu.memory_space<vmem>> -> memref<64xf32, #tpu.memory_space<vmem>>
      %dma_start3A_518 = arith.constant 0 : i32
      %dma_start3A_519 = tpu.memref_slice %arg4[%squeeze3A_501, %dma_start3A_518] : memref<1000000x64xf32, #tpu.memory_space<hbm>> -> memref<1x64xf32, #tpu.memory_space<hbm>>
      %dma_start3A_520 = tpu.memref_squeeze %dma_start3A_519 : memref<1x64xf32, #tpu.memory_space<hbm>> -> memref<64xf32, #tpu.memory_space<hbm>>
      tpu.enqueue_dma source(%dma_start3A_520 : memref<64xf32, #tpu.memory_space<hbm>>) target(%dma_start3A_517 : memref<64xf32, #tpu.memory_space<vmem>>) target_semaphore(%arg13 : memref<!tpu.dma_semaphore, #tpu.memory_space<semaphore_mem>>)
      %dma_start3A_521 = arith.constant 1 : i32
      %dma_start3A_522 = arith.constant 0 : i32
      %dma_start3A_523 = tpu.memref_slice %arg10[%dma_start3A_521, %add3A_507, %dma_start3A_522] : memref<2x128x64xf32, #tpu.memory_space<vmem>> -> memref<1x1x64xf32, #tpu.memory_space<vmem>>
      %dma_start3A_524 = tpu.memref_squeeze %dma_start3A_523 : memref<1x1x64xf32, #tpu.memory_space<vmem>> -> memref<64xf32, #tpu.memory_space<vmem>>
      %dma_start3A_525 = arith.constant 0 : i32
      %dma_start3A_526 = tpu.memref_slice %arg5[%squeeze3A_503, %dma_start3A_525] : memref<1000000x64xf32, #tpu.memory_space<hbm>> -> memref<1x64xf32, #tpu.memory_space<hbm>>
      %dma_start3A_527 = tpu.memref_squeeze %dma_start3A_526 : memref<1x64xf32, #tpu.memory_space<hbm>> -> memref<64xf32, #tpu.memory_space<hbm>>
      %dma_start3A_528 = arith.constant 0 : i32
      %dma_start3A_529 = tpu.memref_slice %arg10[%dma_start3A_521, %add3A_507, %dma_start3A_528] : memref<2x128x64xf32, #tpu.memory_space<vmem>> -> memref<1x1x64xf32, #tpu.memory_space<vmem>>
      %dma_start3A_530 = tpu.memref_squeeze %dma_start3A_529 : memref<1x1x64xf32, #tpu.memory_space<vmem>> -> memref<64xf32, #tpu.memory_space<vmem>>
      %dma_start3A_531 = arith.constant 0 : i32
      %dma_start3A_532 = tpu.memref_slice %arg5[%squeeze3A_503, %dma_start3A_531] : memref<1000000x64xf32, #tpu.memory_space<hbm>> -> memref<1x64xf32, #tpu.memory_space<hbm>>
      %dma_start3A_533 = tpu.memref_squeeze %dma_start3A_532 : memref<1x64xf32, #tpu.memory_space<hbm>> -> memref<64xf32, #tpu.memory_space<hbm>>
      tpu.enqueue_dma source(%dma_start3A_533 : memref<64xf32, #tpu.memory_space<hbm>>) target(%dma_start3A_530 : memref<64xf32, #tpu.memory_space<vmem>>) target_semaphore(%arg15 : memref<!tpu.dma_semaphore, #tpu.memory_space<semaphore_mem>>)
      %slice3A_534 = vector.extract_strided_slice %get3A_294 {offsets = [7], sizes = [1], strides = [1]} : vector<16xi32> to vector<1xi32>
      %squeeze3A_535 = vector.extract %slice3A_534[0] : i32 from vector<1xi32>
      %slice3A_536 = vector.extract_strided_slice %get3A_297 {offsets = [7], sizes = [1], strides = [1]} : vector<16xi32> to vector<1xi32>
      %squeeze3A_537 = vector.extract %slice3A_536[0] : i32 from vector<1xi32>
      %mul3A_538 = arith.constant 16 : i32
      %mul3A_539 = arith.muli %scan3A_288, %mul3A_538 : i32
      %add3A_540 = arith.constant 7 : i32
      %add3A_541 = arith.addi %mul3A_539, %add3A_540 : i32
      %dma_start3A_542 = arith.constant 1 : i32
      %dma_start3A_543 = arith.constant 0 : i32
      %dma_start3A_544 = tpu.memref_slice %arg9[%dma_start3A_542, %add3A_541, %dma_start3A_543] : memref<2x128x64xf32, #tpu.memory_space<vmem>> -> memref<1x1x64xf32, #tpu.memory_space<vmem>>
      %dma_start3A_545 = tpu.memref_squeeze %dma_start3A_544 : memref<1x1x64xf32, #tpu.memory_space<vmem>> -> memref<64xf32, #tpu.memory_space<vmem>>
      %dma_start3A_546 = arith.constant 0 : i32
      %dma_start3A_547 = tpu.memref_slice %arg4[%squeeze3A_535, %dma_start3A_546] : memref<1000000x64xf32, #tpu.memory_space<hbm>> -> memref<1x64xf32, #tpu.memory_space<hbm>>
      %dma_start3A_548 = tpu.memref_squeeze %dma_start3A_547 : memref<1x64xf32, #tpu.memory_space<hbm>> -> memref<64xf32, #tpu.memory_space<hbm>>
      %dma_start3A_549 = arith.constant 0 : i32
      %dma_start3A_550 = tpu.memref_slice %arg9[%dma_start3A_542, %add3A_541, %dma_start3A_549] : memref<2x128x64xf32, #tpu.memory_space<vmem>> -> memref<1x1x64xf32, #tpu.memory_space<vmem>>
      %dma_start3A_551 = tpu.memref_squeeze %dma_start3A_550 : memref<1x1x64xf32, #tpu.memory_space<vmem>> -> memref<64xf32, #tpu.memory_space<vmem>>
      %dma_start3A_552 = arith.constant 0 : i32
      %dma_start3A_553 = tpu.memref_slice %arg4[%squeeze3A_535, %dma_start3A_552] : memref<1000000x64xf32, #tpu.memory_space<hbm>> -> memref<1x64xf32, #tpu.memory_space<hbm>>
      %dma_start3A_554 = tpu.memref_squeeze %dma_start3A_553 : memref<1x64xf32, #tpu.memory_space<hbm>> -> memref<64xf32, #tpu.memory_space<hbm>>
      tpu.enqueue_dma source(%dma_start3A_554 : memref<64xf32, #tpu.memory_space<hbm>>) target(%dma_start3A_551 : memref<64xf32, #tpu.memory_space<vmem>>) target_semaphore(%arg13 : memref<!tpu.dma_semaphore, #tpu.memory_space<semaphore_mem>>)
      %dma_start3A_555 = arith.constant 1 : i32
      %dma_start3A_556 = arith.constant 0 : i32
      %dma_start3A_557 = tpu.memref_slice %arg10[%dma_start3A_555, %add3A_541, %dma_start3A_556] : memref<2x128x64xf32, #tpu.memory_space<vmem>> -> memref<1x1x64xf32, #tpu.memory_space<vmem>>
      %dma_start3A_558 = tpu.memref_squeeze %dma_start3A_557 : memref<1x1x64xf32, #tpu.memory_space<vmem>> -> memref<64xf32, #tpu.memory_space<vmem>>
      %dma_start3A_559 = arith.constant 0 : i32
      %dma_start3A_560 = tpu.memref_slice %arg5[%squeeze3A_537, %dma_start3A_559] : memref<1000000x64xf32, #tpu.memory_space<hbm>> -> memref<1x64xf32, #tpu.memory_space<hbm>>
      %dma_start3A_561 = tpu.memref_squeeze %dma_start3A_560 : memref<1x64xf32, #tpu.memory_space<hbm>> -> memref<64xf32, #tpu.memory_space<hbm>>
      %dma_start3A_562 = arith.constant 0 : i32
      %dma_start3A_563 = tpu.memref_slice %arg10[%dma_start3A_555, %add3A_541, %dma_start3A_562] : memref<2x128x64xf32, #tpu.memory_space<vmem>> -> memref<1x1x64xf32, #tpu.memory_space<vmem>>
      %dma_start3A_564 = tpu.memref_squeeze %dma_start3A_563 : memref<1x1x64xf32, #tpu.memory_space<vmem>> -> memref<64xf32, #tpu.memory_space<vmem>>
      %dma_start3A_565 = arith.constant 0 : i32
      %dma_start3A_566 = tpu.memref_slice %arg5[%squeeze3A_537, %dma_start3A_565] : memref<1000000x64xf32, #tpu.memory_space<hbm>> -> memref<1x64xf32, #tpu.memory_space<hbm>>
      %dma_start3A_567 = tpu.memref_squeeze %dma_start3A_566 : memref<1x64xf32, #tpu.memory_space<hbm>> -> memref<64xf32, #tpu.memory_space<hbm>>
      tpu.enqueue_dma source(%dma_start3A_567 : memref<64xf32, #tpu.memory_space<hbm>>) target(%dma_start3A_564 : memref<64xf32, #tpu.memory_space<vmem>>) target_semaphore(%arg15 : memref<!tpu.dma_semaphore, #tpu.memory_space<semaphore_mem>>)
      %slice3A_568 = vector.extract_strided_slice %get3A_294 {offsets = [8], sizes = [1], strides = [1]} : vector<16xi32> to vector<1xi32>
      %squeeze3A_569 = vector.extract %slice3A_568[0] : i32 from vector<1xi32>
      %slice3A_570 = vector.extract_strided_slice %get3A_297 {offsets = [8], sizes = [1], strides = [1]} : vector<16xi32> to vector<1xi32>
      %squeeze3A_571 = vector.extract %slice3A_570[0] : i32 from vector<1xi32>
      %mul3A_572 = arith.constant 16 : i32
      %mul3A_573 = arith.muli %scan3A_288, %mul3A_572 : i32
      %add3A_574 = arith.constant 8 : i32
      %add3A_575 = arith.addi %mul3A_573, %add3A_574 : i32
      %dma_start3A_576 = arith.constant 1 : i32
      %dma_start3A_577 = arith.constant 0 : i32
      %dma_start3A_578 = tpu.memref_slice %arg9[%dma_start3A_576, %add3A_575, %dma_start3A_577] : memref<2x128x64xf32, #tpu.memory_space<vmem>> -> memref<1x1x64xf32, #tpu.memory_space<vmem>>
      %dma_start3A_579 = tpu.memref_squeeze %dma_start3A_578 : memref<1x1x64xf32, #tpu.memory_space<vmem>> -> memref<64xf32, #tpu.memory_space<vmem>>
      %dma_start3A_580 = arith.constant 0 : i32
      %dma_start3A_581 = tpu.memref_slice %arg4[%squeeze3A_569, %dma_start3A_580] : memref<1000000x64xf32, #tpu.memory_space<hbm>> -> memref<1x64xf32, #tpu.memory_space<hbm>>
      %dma_start3A_582 = tpu.memref_squeeze %dma_start3A_581 : memref<1x64xf32, #tpu.memory_space<hbm>> -> memref<64xf32, #tpu.memory_space<hbm>>
      %dma_start3A_583 = arith.constant 0 : i32
      %dma_start3A_584 = tpu.memref_slice %arg9[%dma_start3A_576, %add3A_575, %dma_start3A_583] : memref<2x128x64xf32, #tpu.memory_space<vmem>> -> memref<1x1x64xf32, #tpu.memory_space<vmem>>
      %dma_start3A_585 = tpu.memref_squeeze %dma_start3A_584 : memref<1x1x64xf32, #tpu.memory_space<vmem>> -> memref<64xf32, #tpu.memory_space<vmem>>
      %dma_start3A_586 = arith.constant 0 : i32
      %dma_start3A_587 = tpu.memref_slice %arg4[%squeeze3A_569, %dma_start3A_586] : memref<1000000x64xf32, #tpu.memory_space<hbm>> -> memref<1x64xf32, #tpu.memory_space<hbm>>
      %dma_start3A_588 = tpu.memref_squeeze %dma_start3A_587 : memref<1x64xf32, #tpu.memory_space<hbm>> -> memref<64xf32, #tpu.memory_space<hbm>>
      tpu.enqueue_dma source(%dma_start3A_588 : memref<64xf32, #tpu.memory_space<hbm>>) target(%dma_start3A_585 : memref<64xf32, #tpu.memory_space<vmem>>) target_semaphore(%arg13 : memref<!tpu.dma_semaphore, #tpu.memory_space<semaphore_mem>>)
      %dma_start3A_589 = arith.constant 1 : i32
      %dma_start3A_590 = arith.constant 0 : i32
      %dma_start3A_591 = tpu.memref_slice %arg10[%dma_start3A_589, %add3A_575, %dma_start3A_590] : memref<2x128x64xf32, #tpu.memory_space<vmem>> -> memref<1x1x64xf32, #tpu.memory_space<vmem>>
      %dma_start3A_592 = tpu.memref_squeeze %dma_start3A_591 : memref<1x1x64xf32, #tpu.memory_space<vmem>> -> memref<64xf32, #tpu.memory_space<vmem>>
      %dma_start3A_593 = arith.constant 0 : i32
      %dma_start3A_594 = tpu.memref_slice %arg5[%squeeze3A_571, %dma_start3A_593] : memref<1000000x64xf32, #tpu.memory_space<hbm>> -> memref<1x64xf32, #tpu.memory_space<hbm>>
      %dma_start3A_595 = tpu.memref_squeeze %dma_start3A_594 : memref<1x64xf32, #tpu.memory_space<hbm>> -> memref<64xf32, #tpu.memory_space<hbm>>
      %dma_start3A_596 = arith.constant 0 : i32
      %dma_start3A_597 = tpu.memref_slice %arg10[%dma_start3A_589, %add3A_575, %dma_start3A_596] : memref<2x128x64xf32, #tpu.memory_space<vmem>> -> memref<1x1x64xf32, #tpu.memory_space<vmem>>
      %dma_start3A_598 = tpu.memref_squeeze %dma_start3A_597 : memref<1x1x64xf32, #tpu.memory_space<vmem>> -> memref<64xf32, #tpu.memory_space<vmem>>
      %dma_start3A_599 = arith.constant 0 : i32
      %dma_start3A_600 = tpu.memref_slice %arg5[%squeeze3A_571, %dma_start3A_599] : memref<1000000x64xf32, #tpu.memory_space<hbm>> -> memref<1x64xf32, #tpu.memory_space<hbm>>
      %dma_start3A_601 = tpu.memref_squeeze %dma_start3A_600 : memref<1x64xf32, #tpu.memory_space<hbm>> -> memref<64xf32, #tpu.memory_space<hbm>>
      tpu.enqueue_dma source(%dma_start3A_601 : memref<64xf32, #tpu.memory_space<hbm>>) target(%dma_start3A_598 : memref<64xf32, #tpu.memory_space<vmem>>) target_semaphore(%arg15 : memref<!tpu.dma_semaphore, #tpu.memory_space<semaphore_mem>>)
      %slice3A_602 = vector.extract_strided_slice %get3A_294 {offsets = [9], sizes = [1], strides = [1]} : vector<16xi32> to vector<1xi32>
      %squeeze3A_603 = vector.extract %slice3A_602[0] : i32 from vector<1xi32>
      %slice3A_604 = vector.extract_strided_slice %get3A_297 {offsets = [9], sizes = [1], strides = [1]} : vector<16xi32> to vector<1xi32>
      %squeeze3A_605 = vector.extract %slice3A_604[0] : i32 from vector<1xi32>
      %mul3A_606 = arith.constant 16 : i32
      %mul3A_607 = arith.muli %scan3A_288, %mul3A_606 : i32
      %add3A_608 = arith.constant 9 : i32
      %add3A_609 = arith.addi %mul3A_607, %add3A_608 : i32
      %dma_start3A_610 = arith.constant 1 : i32
      %dma_start3A_611 = arith.constant 0 : i32
      %dma_start3A_612 = tpu.memref_slice %arg9[%dma_start3A_610, %add3A_609, %dma_start3A_611] : memref<2x128x64xf32, #tpu.memory_space<vmem>> -> memref<1x1x64xf32, #tpu.memory_space<vmem>>
      %dma_start3A_613 = tpu.memref_squeeze %dma_start3A_612 : memref<1x1x64xf32, #tpu.memory_space<vmem>> -> memref<64xf32, #tpu.memory_space<vmem>>
      %dma_start3A_614 = arith.constant 0 : i32
      %dma_start3A_615 = tpu.memref_slice %arg4[%squeeze3A_603, %dma_start3A_614] : memref<1000000x64xf32, #tpu.memory_space<hbm>> -> memref<1x64xf32, #tpu.memory_space<hbm>>
      %dma_start3A_616 = tpu.memref_squeeze %dma_start3A_615 : memref<1x64xf32, #tpu.memory_space<hbm>> -> memref<64xf32, #tpu.memory_space<hbm>>
      %dma_start3A_617 = arith.constant 0 : i32
      %dma_start3A_618 = tpu.memref_slice %arg9[%dma_start3A_610, %add3A_609, %dma_start3A_617] : memref<2x128x64xf32, #tpu.memory_space<vmem>> -> memref<1x1x64xf32, #tpu.memory_space<vmem>>
      %dma_start3A_619 = tpu.memref_squeeze %dma_start3A_618 : memref<1x1x64xf32, #tpu.memory_space<vmem>> -> memref<64xf32, #tpu.memory_space<vmem>>
      %dma_start3A_620 = arith.constant 0 : i32
      %dma_start3A_621 = tpu.memref_slice %arg4[%squeeze3A_603, %dma_start3A_620] : memref<1000000x64xf32, #tpu.memory_space<hbm>> -> memref<1x64xf32, #tpu.memory_space<hbm>>
      %dma_start3A_622 = tpu.memref_squeeze %dma_start3A_621 : memref<1x64xf32, #tpu.memory_space<hbm>> -> memref<64xf32, #tpu.memory_space<hbm>>
      tpu.enqueue_dma source(%dma_start3A_622 : memref<64xf32, #tpu.memory_space<hbm>>) target(%dma_start3A_619 : memref<64xf32, #tpu.memory_space<vmem>>) target_semaphore(%arg13 : memref<!tpu.dma_semaphore, #tpu.memory_space<semaphore_mem>>)
      %dma_start3A_623 = arith.constant 1 : i32
      %dma_start3A_624 = arith.constant 0 : i32
      %dma_start3A_625 = tpu.memref_slice %arg10[%dma_start3A_623, %add3A_609, %dma_start3A_624] : memref<2x128x64xf32, #tpu.memory_space<vmem>> -> memref<1x1x64xf32, #tpu.memory_space<vmem>>
      %dma_start3A_626 = tpu.memref_squeeze %dma_start3A_625 : memref<1x1x64xf32, #tpu.memory_space<vmem>> -> memref<64xf32, #tpu.memory_space<vmem>>
      %dma_start3A_627 = arith.constant 0 : i32
      %dma_start3A_628 = tpu.memref_slice %arg5[%squeeze3A_605, %dma_start3A_627] : memref<1000000x64xf32, #tpu.memory_space<hbm>> -> memref<1x64xf32, #tpu.memory_space<hbm>>
      %dma_start3A_629 = tpu.memref_squeeze %dma_start3A_628 : memref<1x64xf32, #tpu.memory_space<hbm>> -> memref<64xf32, #tpu.memory_space<hbm>>
      %dma_start3A_630 = arith.constant 0 : i32
      %dma_start3A_631 = tpu.memref_slice %arg10[%dma_start3A_623, %add3A_609, %dma_start3A_630] : memref<2x128x64xf32, #tpu.memory_space<vmem>> -> memref<1x1x64xf32, #tpu.memory_space<vmem>>
      %dma_start3A_632 = tpu.memref_squeeze %dma_start3A_631 : memref<1x1x64xf32, #tpu.memory_space<vmem>> -> memref<64xf32, #tpu.memory_space<vmem>>
      %dma_start3A_633 = arith.constant 0 : i32
      %dma_start3A_634 = tpu.memref_slice %arg5[%squeeze3A_605, %dma_start3A_633] : memref<1000000x64xf32, #tpu.memory_space<hbm>> -> memref<1x64xf32, #tpu.memory_space<hbm>>
      %dma_start3A_635 = tpu.memref_squeeze %dma_start3A_634 : memref<1x64xf32, #tpu.memory_space<hbm>> -> memref<64xf32, #tpu.memory_space<hbm>>
      tpu.enqueue_dma source(%dma_start3A_635 : memref<64xf32, #tpu.memory_space<hbm>>) target(%dma_start3A_632 : memref<64xf32, #tpu.memory_space<vmem>>) target_semaphore(%arg15 : memref<!tpu.dma_semaphore, #tpu.memory_space<semaphore_mem>>)
      %slice3A_636 = vector.extract_strided_slice %get3A_294 {offsets = [10], sizes = [1], strides = [1]} : vector<16xi32> to vector<1xi32>
      %squeeze3A_637 = vector.extract %slice3A_636[0] : i32 from vector<1xi32>
      %slice3A_638 = vector.extract_strided_slice %get3A_297 {offsets = [10], sizes = [1], strides = [1]} : vector<16xi32> to vector<1xi32>
      %squeeze3A_639 = vector.extract %slice3A_638[0] : i32 from vector<1xi32>
      %mul3A_640 = arith.constant 16 : i32
      %mul3A_641 = arith.muli %scan3A_288, %mul3A_640 : i32
      %add3A_642 = arith.constant 10 : i32
      %add3A_643 = arith.addi %mul3A_641, %add3A_642 : i32
      %dma_start3A_644 = arith.constant 1 : i32
      %dma_start3A_645 = arith.constant 0 : i32
      %dma_start3A_646 = tpu.memref_slice %arg9[%dma_start3A_644, %add3A_643, %dma_start3A_645] : memref<2x128x64xf32, #tpu.memory_space<vmem>> -> memref<1x1x64xf32, #tpu.memory_space<vmem>>
      %dma_start3A_647 = tpu.memref_squeeze %dma_start3A_646 : memref<1x1x64xf32, #tpu.memory_space<vmem>> -> memref<64xf32, #tpu.memory_space<vmem>>
      %dma_start3A_648 = arith.constant 0 : i32
      %dma_start3A_649 = tpu.memref_slice %arg4[%squeeze3A_637, %dma_start3A_648] : memref<1000000x64xf32, #tpu.memory_space<hbm>> -> memref<1x64xf32, #tpu.memory_space<hbm>>
      %dma_start3A_650 = tpu.memref_squeeze %dma_start3A_649 : memref<1x64xf32, #tpu.memory_space<hbm>> -> memref<64xf32, #tpu.memory_space<hbm>>
      %dma_start3A_651 = arith.constant 0 : i32
      %dma_start3A_652 = tpu.memref_slice %arg9[%dma_start3A_644, %add3A_643, %dma_start3A_651] : memref<2x128x64xf32, #tpu.memory_space<vmem>> -> memref<1x1x64xf32, #tpu.memory_space<vmem>>
      %dma_start3A_653 = tpu.memref_squeeze %dma_start3A_652 : memref<1x1x64xf32, #tpu.memory_space<vmem>> -> memref<64xf32, #tpu.memory_space<vmem>>
      %dma_start3A_654 = arith.constant 0 : i32
      %dma_start3A_655 = tpu.memref_slice %arg4[%squeeze3A_637, %dma_start3A_654] : memref<1000000x64xf32, #tpu.memory_space<hbm>> -> memref<1x64xf32, #tpu.memory_space<hbm>>
      %dma_start3A_656 = tpu.memref_squeeze %dma_start3A_655 : memref<1x64xf32, #tpu.memory_space<hbm>> -> memref<64xf32, #tpu.memory_space<hbm>>
      tpu.enqueue_dma source(%dma_start3A_656 : memref<64xf32, #tpu.memory_space<hbm>>) target(%dma_start3A_653 : memref<64xf32, #tpu.memory_space<vmem>>) target_semaphore(%arg13 : memref<!tpu.dma_semaphore, #tpu.memory_space<semaphore_mem>>)
      %dma_start3A_657 = arith.constant 1 : i32
      %dma_start3A_658 = arith.constant 0 : i32
      %dma_start3A_659 = tpu.memref_slice %arg10[%dma_start3A_657, %add3A_643, %dma_start3A_658] : memref<2x128x64xf32, #tpu.memory_space<vmem>> -> memref<1x1x64xf32, #tpu.memory_space<vmem>>
      %dma_start3A_660 = tpu.memref_squeeze %dma_start3A_659 : memref<1x1x64xf32, #tpu.memory_space<vmem>> -> memref<64xf32, #tpu.memory_space<vmem>>
      %dma_start3A_661 = arith.constant 0 : i32
      %dma_start3A_662 = tpu.memref_slice %arg5[%squeeze3A_639, %dma_start3A_661] : memref<1000000x64xf32, #tpu.memory_space<hbm>> -> memref<1x64xf32, #tpu.memory_space<hbm>>
      %dma_start3A_663 = tpu.memref_squeeze %dma_start3A_662 : memref<1x64xf32, #tpu.memory_space<hbm>> -> memref<64xf32, #tpu.memory_space<hbm>>
      %dma_start3A_664 = arith.constant 0 : i32
      %dma_start3A_665 = tpu.memref_slice %arg10[%dma_start3A_657, %add3A_643, %dma_start3A_664] : memref<2x128x64xf32, #tpu.memory_space<vmem>> -> memref<1x1x64xf32, #tpu.memory_space<vmem>>
      %dma_start3A_666 = tpu.memref_squeeze %dma_start3A_665 : memref<1x1x64xf32, #tpu.memory_space<vmem>> -> memref<64xf32, #tpu.memory_space<vmem>>
      %dma_start3A_667 = arith.constant 0 : i32
      %dma_start3A_668 = tpu.memref_slice %arg5[%squeeze3A_639, %dma_start3A_667] : memref<1000000x64xf32, #tpu.memory_space<hbm>> -> memref<1x64xf32, #tpu.memory_space<hbm>>
      %dma_start3A_669 = tpu.memref_squeeze %dma_start3A_668 : memref<1x64xf32, #tpu.memory_space<hbm>> -> memref<64xf32, #tpu.memory_space<hbm>>
      tpu.enqueue_dma source(%dma_start3A_669 : memref<64xf32, #tpu.memory_space<hbm>>) target(%dma_start3A_666 : memref<64xf32, #tpu.memory_space<vmem>>) target_semaphore(%arg15 : memref<!tpu.dma_semaphore, #tpu.memory_space<semaphore_mem>>)
      %slice3A_670 = vector.extract_strided_slice %get3A_294 {offsets = [11], sizes = [1], strides = [1]} : vector<16xi32> to vector<1xi32>
      %squeeze3A_671 = vector.extract %slice3A_670[0] : i32 from vector<1xi32>
      %slice3A_672 = vector.extract_strided_slice %get3A_297 {offsets = [11], sizes = [1], strides = [1]} : vector<16xi32> to vector<1xi32>
      %squeeze3A_673 = vector.extract %slice3A_672[0] : i32 from vector<1xi32>
      %mul3A_674 = arith.constant 16 : i32
      %mul3A_675 = arith.muli %scan3A_288, %mul3A_674 : i32
      %add3A_676 = arith.constant 11 : i32
      %add3A_677 = arith.addi %mul3A_675, %add3A_676 : i32
      %dma_start3A_678 = arith.constant 1 : i32
      %dma_start3A_679 = arith.constant 0 : i32
      %dma_start3A_680 = tpu.memref_slice %arg9[%dma_start3A_678, %add3A_677, %dma_start3A_679] : memref<2x128x64xf32, #tpu.memory_space<vmem>> -> memref<1x1x64xf32, #tpu.memory_space<vmem>>
      %dma_start3A_681 = tpu.memref_squeeze %dma_start3A_680 : memref<1x1x64xf32, #tpu.memory_space<vmem>> -> memref<64xf32, #tpu.memory_space<vmem>>
      %dma_start3A_682 = arith.constant 0 : i32
      %dma_start3A_683 = tpu.memref_slice %arg4[%squeeze3A_671, %dma_start3A_682] : memref<1000000x64xf32, #tpu.memory_space<hbm>> -> memref<1x64xf32, #tpu.memory_space<hbm>>
      %dma_start3A_684 = tpu.memref_squeeze %dma_start3A_683 : memref<1x64xf32, #tpu.memory_space<hbm>> -> memref<64xf32, #tpu.memory_space<hbm>>
      %dma_start3A_685 = arith.constant 0 : i32
      %dma_start3A_686 = tpu.memref_slice %arg9[%dma_start3A_678, %add3A_677, %dma_start3A_685] : memref<2x128x64xf32, #tpu.memory_space<vmem>> -> memref<1x1x64xf32, #tpu.memory_space<vmem>>
      %dma_start3A_687 = tpu.memref_squeeze %dma_start3A_686 : memref<1x1x64xf32, #tpu.memory_space<vmem>> -> memref<64xf32, #tpu.memory_space<vmem>>
      %dma_start3A_688 = arith.constant 0 : i32
      %dma_start3A_689 = tpu.memref_slice %arg4[%squeeze3A_671, %dma_start3A_688] : memref<1000000x64xf32, #tpu.memory_space<hbm>> -> memref<1x64xf32, #tpu.memory_space<hbm>>
      %dma_start3A_690 = tpu.memref_squeeze %dma_start3A_689 : memref<1x64xf32, #tpu.memory_space<hbm>> -> memref<64xf32, #tpu.memory_space<hbm>>
      tpu.enqueue_dma source(%dma_start3A_690 : memref<64xf32, #tpu.memory_space<hbm>>) target(%dma_start3A_687 : memref<64xf32, #tpu.memory_space<vmem>>) target_semaphore(%arg13 : memref<!tpu.dma_semaphore, #tpu.memory_space<semaphore_mem>>)
      %dma_start3A_691 = arith.constant 1 : i32
      %dma_start3A_692 = arith.constant 0 : i32
      %dma_start3A_693 = tpu.memref_slice %arg10[%dma_start3A_691, %add3A_677, %dma_start3A_692] : memref<2x128x64xf32, #tpu.memory_space<vmem>> -> memref<1x1x64xf32, #tpu.memory_space<vmem>>
      %dma_start3A_694 = tpu.memref_squeeze %dma_start3A_693 : memref<1x1x64xf32, #tpu.memory_space<vmem>> -> memref<64xf32, #tpu.memory_space<vmem>>
      %dma_start3A_695 = arith.constant 0 : i32
      %dma_start3A_696 = tpu.memref_slice %arg5[%squeeze3A_673, %dma_start3A_695] : memref<1000000x64xf32, #tpu.memory_space<hbm>> -> memref<1x64xf32, #tpu.memory_space<hbm>>
      %dma_start3A_697 = tpu.memref_squeeze %dma_start3A_696 : memref<1x64xf32, #tpu.memory_space<hbm>> -> memref<64xf32, #tpu.memory_space<hbm>>
      %dma_start3A_698 = arith.constant 0 : i32
      %dma_start3A_699 = tpu.memref_slice %arg10[%dma_start3A_691, %add3A_677, %dma_start3A_698] : memref<2x128x64xf32, #tpu.memory_space<vmem>> -> memref<1x1x64xf32, #tpu.memory_space<vmem>>
      %dma_start3A_700 = tpu.memref_squeeze %dma_start3A_699 : memref<1x1x64xf32, #tpu.memory_space<vmem>> -> memref<64xf32, #tpu.memory_space<vmem>>
      %dma_start3A_701 = arith.constant 0 : i32
      %dma_start3A_702 = tpu.memref_slice %arg5[%squeeze3A_673, %dma_start3A_701] : memref<1000000x64xf32, #tpu.memory_space<hbm>> -> memref<1x64xf32, #tpu.memory_space<hbm>>
      %dma_start3A_703 = tpu.memref_squeeze %dma_start3A_702 : memref<1x64xf32, #tpu.memory_space<hbm>> -> memref<64xf32, #tpu.memory_space<hbm>>
      tpu.enqueue_dma source(%dma_start3A_703 : memref<64xf32, #tpu.memory_space<hbm>>) target(%dma_start3A_700 : memref<64xf32, #tpu.memory_space<vmem>>) target_semaphore(%arg15 : memref<!tpu.dma_semaphore, #tpu.memory_space<semaphore_mem>>)
      %slice3A_704 = vector.extract_strided_slice %get3A_294 {offsets = [12], sizes = [1], strides = [1]} : vector<16xi32> to vector<1xi32>
      %squeeze3A_705 = vector.extract %slice3A_704[0] : i32 from vector<1xi32>
      %slice3A_706 = vector.extract_strided_slice %get3A_297 {offsets = [12], sizes = [1], strides = [1]} : vector<16xi32> to vector<1xi32>
      %squeeze3A_707 = vector.extract %slice3A_706[0] : i32 from vector<1xi32>
      %mul3A_708 = arith.constant 16 : i32
      %mul3A_709 = arith.muli %scan3A_288, %mul3A_708 : i32
      %add3A_710 = arith.constant 12 : i32
      %add3A_711 = arith.addi %mul3A_709, %add3A_710 : i32
      %dma_start3A_712 = arith.constant 1 : i32
      %dma_start3A_713 = arith.constant 0 : i32
      %dma_start3A_714 = tpu.memref_slice %arg9[%dma_start3A_712, %add3A_711, %dma_start3A_713] : memref<2x128x64xf32, #tpu.memory_space<vmem>> -> memref<1x1x64xf32, #tpu.memory_space<vmem>>
      %dma_start3A_715 = tpu.memref_squeeze %dma_start3A_714 : memref<1x1x64xf32, #tpu.memory_space<vmem>> -> memref<64xf32, #tpu.memory_space<vmem>>
      %dma_start3A_716 = arith.constant 0 : i32
      %dma_start3A_717 = tpu.memref_slice %arg4[%squeeze3A_705, %dma_start3A_716] : memref<1000000x64xf32, #tpu.memory_space<hbm>> -> memref<1x64xf32, #tpu.memory_space<hbm>>
      %dma_start3A_718 = tpu.memref_squeeze %dma_start3A_717 : memref<1x64xf32, #tpu.memory_space<hbm>> -> memref<64xf32, #tpu.memory_space<hbm>>
      %dma_start3A_719 = arith.constant 0 : i32
      %dma_start3A_720 = tpu.memref_slice %arg9[%dma_start3A_712, %add3A_711, %dma_start3A_719] : memref<2x128x64xf32, #tpu.memory_space<vmem>> -> memref<1x1x64xf32, #tpu.memory_space<vmem>>
      %dma_start3A_721 = tpu.memref_squeeze %dma_start3A_720 : memref<1x1x64xf32, #tpu.memory_space<vmem>> -> memref<64xf32, #tpu.memory_space<vmem>>
      %dma_start3A_722 = arith.constant 0 : i32
      %dma_start3A_723 = tpu.memref_slice %arg4[%squeeze3A_705, %dma_start3A_722] : memref<1000000x64xf32, #tpu.memory_space<hbm>> -> memref<1x64xf32, #tpu.memory_space<hbm>>
      %dma_start3A_724 = tpu.memref_squeeze %dma_start3A_723 : memref<1x64xf32, #tpu.memory_space<hbm>> -> memref<64xf32, #tpu.memory_space<hbm>>
      tpu.enqueue_dma source(%dma_start3A_724 : memref<64xf32, #tpu.memory_space<hbm>>) target(%dma_start3A_721 : memref<64xf32, #tpu.memory_space<vmem>>) target_semaphore(%arg13 : memref<!tpu.dma_semaphore, #tpu.memory_space<semaphore_mem>>)
      %dma_start3A_725 = arith.constant 1 : i32
      %dma_start3A_726 = arith.constant 0 : i32
      %dma_start3A_727 = tpu.memref_slice %arg10[%dma_start3A_725, %add3A_711, %dma_start3A_726] : memref<2x128x64xf32, #tpu.memory_space<vmem>> -> memref<1x1x64xf32, #tpu.memory_space<vmem>>
      %dma_start3A_728 = tpu.memref_squeeze %dma_start3A_727 : memref<1x1x64xf32, #tpu.memory_space<vmem>> -> memref<64xf32, #tpu.memory_space<vmem>>
      %dma_start3A_729 = arith.constant 0 : i32
      %dma_start3A_730 = tpu.memref_slice %arg5[%squeeze3A_707, %dma_start3A_729] : memref<1000000x64xf32, #tpu.memory_space<hbm>> -> memref<1x64xf32, #tpu.memory_space<hbm>>
      %dma_start3A_731 = tpu.memref_squeeze %dma_start3A_730 : memref<1x64xf32, #tpu.memory_space<hbm>> -> memref<64xf32, #tpu.memory_space<hbm>>
      %dma_start3A_732 = arith.constant 0 : i32
      %dma_start3A_733 = tpu.memref_slice %arg10[%dma_start3A_725, %add3A_711, %dma_start3A_732] : memref<2x128x64xf32, #tpu.memory_space<vmem>> -> memref<1x1x64xf32, #tpu.memory_space<vmem>>
      %dma_start3A_734 = tpu.memref_squeeze %dma_start3A_733 : memref<1x1x64xf32, #tpu.memory_space<vmem>> -> memref<64xf32, #tpu.memory_space<vmem>>
      %dma_start3A_735 = arith.constant 0 : i32
      %dma_start3A_736 = tpu.memref_slice %arg5[%squeeze3A_707, %dma_start3A_735] : memref<1000000x64xf32, #tpu.memory_space<hbm>> -> memref<1x64xf32, #tpu.memory_space<hbm>>
      %dma_start3A_737 = tpu.memref_squeeze %dma_start3A_736 : memref<1x64xf32, #tpu.memory_space<hbm>> -> memref<64xf32, #tpu.memory_space<hbm>>
      tpu.enqueue_dma source(%dma_start3A_737 : memref<64xf32, #tpu.memory_space<hbm>>) target(%dma_start3A_734 : memref<64xf32, #tpu.memory_space<vmem>>) target_semaphore(%arg15 : memref<!tpu.dma_semaphore, #tpu.memory_space<semaphore_mem>>)
      %slice3A_738 = vector.extract_strided_slice %get3A_294 {offsets = [13], sizes = [1], strides = [1]} : vector<16xi32> to vector<1xi32>
      %squeeze3A_739 = vector.extract %slice3A_738[0] : i32 from vector<1xi32>
      %slice3A_740 = vector.extract_strided_slice %get3A_297 {offsets = [13], sizes = [1], strides = [1]} : vector<16xi32> to vector<1xi32>
      %squeeze3A_741 = vector.extract %slice3A_740[0] : i32 from vector<1xi32>
      %mul3A_742 = arith.constant 16 : i32
      %mul3A_743 = arith.muli %scan3A_288, %mul3A_742 : i32
      %add3A_744 = arith.constant 13 : i32
      %add3A_745 = arith.addi %mul3A_743, %add3A_744 : i32
      %dma_start3A_746 = arith.constant 1 : i32
      %dma_start3A_747 = arith.constant 0 : i32
      %dma_start3A_748 = tpu.memref_slice %arg9[%dma_start3A_746, %add3A_745, %dma_start3A_747] : memref<2x128x64xf32, #tpu.memory_space<vmem>> -> memref<1x1x64xf32, #tpu.memory_space<vmem>>
      %dma_start3A_749 = tpu.memref_squeeze %dma_start3A_748 : memref<1x1x64xf32, #tpu.memory_space<vmem>> -> memref<64xf32, #tpu.memory_space<vmem>>
      %dma_start3A_750 = arith.constant 0 : i32
      %dma_start3A_751 = tpu.memref_slice %arg4[%squeeze3A_739, %dma_start3A_750] : memref<1000000x64xf32, #tpu.memory_space<hbm>> -> memref<1x64xf32, #tpu.memory_space<hbm>>
      %dma_start3A_752 = tpu.memref_squeeze %dma_start3A_751 : memref<1x64xf32, #tpu.memory_space<hbm>> -> memref<64xf32, #tpu.memory_space<hbm>>
      %dma_start3A_753 = arith.constant 0 : i32
      %dma_start3A_754 = tpu.memref_slice %arg9[%dma_start3A_746, %add3A_745, %dma_start3A_753] : memref<2x128x64xf32, #tpu.memory_space<vmem>> -> memref<1x1x64xf32, #tpu.memory_space<vmem>>
      %dma_start3A_755 = tpu.memref_squeeze %dma_start3A_754 : memref<1x1x64xf32, #tpu.memory_space<vmem>> -> memref<64xf32, #tpu.memory_space<vmem>>
      %dma_start3A_756 = arith.constant 0 : i32
      %dma_start3A_757 = tpu.memref_slice %arg4[%squeeze3A_739, %dma_start3A_756] : memref<1000000x64xf32, #tpu.memory_space<hbm>> -> memref<1x64xf32, #tpu.memory_space<hbm>>
      %dma_start3A_758 = tpu.memref_squeeze %dma_start3A_757 : memref<1x64xf32, #tpu.memory_space<hbm>> -> memref<64xf32, #tpu.memory_space<hbm>>
      tpu.enqueue_dma source(%dma_start3A_758 : memref<64xf32, #tpu.memory_space<hbm>>) target(%dma_start3A_755 : memref<64xf32, #tpu.memory_space<vmem>>) target_semaphore(%arg13 : memref<!tpu.dma_semaphore, #tpu.memory_space<semaphore_mem>>)
      %dma_start3A_759 = arith.constant 1 : i32
      %dma_start3A_760 = arith.constant 0 : i32
      %dma_start3A_761 = tpu.memref_slice %arg10[%dma_start3A_759, %add3A_745, %dma_start3A_760] : memref<2x128x64xf32, #tpu.memory_space<vmem>> -> memref<1x1x64xf32, #tpu.memory_space<vmem>>
      %dma_start3A_762 = tpu.memref_squeeze %dma_start3A_761 : memref<1x1x64xf32, #tpu.memory_space<vmem>> -> memref<64xf32, #tpu.memory_space<vmem>>
      %dma_start3A_763 = arith.constant 0 : i32
      %dma_start3A_764 = tpu.memref_slice %arg5[%squeeze3A_741, %dma_start3A_763] : memref<1000000x64xf32, #tpu.memory_space<hbm>> -> memref<1x64xf32, #tpu.memory_space<hbm>>
      %dma_start3A_765 = tpu.memref_squeeze %dma_start3A_764 : memref<1x64xf32, #tpu.memory_space<hbm>> -> memref<64xf32, #tpu.memory_space<hbm>>
      %dma_start3A_766 = arith.constant 0 : i32
      %dma_start3A_767 = tpu.memref_slice %arg10[%dma_start3A_759, %add3A_745, %dma_start3A_766] : memref<2x128x64xf32, #tpu.memory_space<vmem>> -> memref<1x1x64xf32, #tpu.memory_space<vmem>>
      %dma_start3A_768 = tpu.memref_squeeze %dma_start3A_767 : memref<1x1x64xf32, #tpu.memory_space<vmem>> -> memref<64xf32, #tpu.memory_space<vmem>>
      %dma_start3A_769 = arith.constant 0 : i32
      %dma_start3A_770 = tpu.memref_slice %arg5[%squeeze3A_741, %dma_start3A_769] : memref<1000000x64xf32, #tpu.memory_space<hbm>> -> memref<1x64xf32, #tpu.memory_space<hbm>>
      %dma_start3A_771 = tpu.memref_squeeze %dma_start3A_770 : memref<1x64xf32, #tpu.memory_space<hbm>> -> memref<64xf32, #tpu.memory_space<hbm>>
      tpu.enqueue_dma source(%dma_start3A_771 : memref<64xf32, #tpu.memory_space<hbm>>) target(%dma_start3A_768 : memref<64xf32, #tpu.memory_space<vmem>>) target_semaphore(%arg15 : memref<!tpu.dma_semaphore, #tpu.memory_space<semaphore_mem>>)
      %slice3A_772 = vector.extract_strided_slice %get3A_294 {offsets = [14], sizes = [1], strides = [1]} : vector<16xi32> to vector<1xi32>
      %squeeze3A_773 = vector.extract %slice3A_772[0] : i32 from vector<1xi32>
      %slice3A_774 = vector.extract_strided_slice %get3A_297 {offsets = [14], sizes = [1], strides = [1]} : vector<16xi32> to vector<1xi32>
      %squeeze3A_775 = vector.extract %slice3A_774[0] : i32 from vector<1xi32>
      %mul3A_776 = arith.constant 16 : i32
      %mul3A_777 = arith.muli %scan3A_288, %mul3A_776 : i32
      %add3A_778 = arith.constant 14 : i32
      %add3A_779 = arith.addi %mul3A_777, %add3A_778 : i32
      %dma_start3A_780 = arith.constant 1 : i32
      %dma_start3A_781 = arith.constant 0 : i32
      %dma_start3A_782 = tpu.memref_slice %arg9[%dma_start3A_780, %add3A_779, %dma_start3A_781] : memref<2x128x64xf32, #tpu.memory_space<vmem>> -> memref<1x1x64xf32, #tpu.memory_space<vmem>>
      %dma_start3A_783 = tpu.memref_squeeze %dma_start3A_782 : memref<1x1x64xf32, #tpu.memory_space<vmem>> -> memref<64xf32, #tpu.memory_space<vmem>>
      %dma_start3A_784 = arith.constant 0 : i32
      %dma_start3A_785 = tpu.memref_slice %arg4[%squeeze3A_773, %dma_start3A_784] : memref<1000000x64xf32, #tpu.memory_space<hbm>> -> memref<1x64xf32, #tpu.memory_space<hbm>>
      %dma_start3A_786 = tpu.memref_squeeze %dma_start3A_785 : memref<1x64xf32, #tpu.memory_space<hbm>> -> memref<64xf32, #tpu.memory_space<hbm>>
      %dma_start3A_787 = arith.constant 0 : i32
      %dma_start3A_788 = tpu.memref_slice %arg9[%dma_start3A_780, %add3A_779, %dma_start3A_787] : memref<2x128x64xf32, #tpu.memory_space<vmem>> -> memref<1x1x64xf32, #tpu.memory_space<vmem>>
      %dma_start3A_789 = tpu.memref_squeeze %dma_start3A_788 : memref<1x1x64xf32, #tpu.memory_space<vmem>> -> memref<64xf32, #tpu.memory_space<vmem>>
      %dma_start3A_790 = arith.constant 0 : i32
      %dma_start3A_791 = tpu.memref_slice %arg4[%squeeze3A_773, %dma_start3A_790] : memref<1000000x64xf32, #tpu.memory_space<hbm>> -> memref<1x64xf32, #tpu.memory_space<hbm>>
      %dma_start3A_792 = tpu.memref_squeeze %dma_start3A_791 : memref<1x64xf32, #tpu.memory_space<hbm>> -> memref<64xf32, #tpu.memory_space<hbm>>
      tpu.enqueue_dma source(%dma_start3A_792 : memref<64xf32, #tpu.memory_space<hbm>>) target(%dma_start3A_789 : memref<64xf32, #tpu.memory_space<vmem>>) target_semaphore(%arg13 : memref<!tpu.dma_semaphore, #tpu.memory_space<semaphore_mem>>)
      %dma_start3A_793 = arith.constant 1 : i32
      %dma_start3A_794 = arith.constant 0 : i32
      %dma_start3A_795 = tpu.memref_slice %arg10[%dma_start3A_793, %add3A_779, %dma_start3A_794] : memref<2x128x64xf32, #tpu.memory_space<vmem>> -> memref<1x1x64xf32, #tpu.memory_space<vmem>>
      %dma_start3A_796 = tpu.memref_squeeze %dma_start3A_795 : memref<1x1x64xf32, #tpu.memory_space<vmem>> -> memref<64xf32, #tpu.memory_space<vmem>>
      %dma_start3A_797 = arith.constant 0 : i32
      %dma_start3A_798 = tpu.memref_slice %arg5[%squeeze3A_775, %dma_start3A_797] : memref<1000000x64xf32, #tpu.memory_space<hbm>> -> memref<1x64xf32, #tpu.memory_space<hbm>>
      %dma_start3A_799 = tpu.memref_squeeze %dma_start3A_798 : memref<1x64xf32, #tpu.memory_space<hbm>> -> memref<64xf32, #tpu.memory_space<hbm>>
      %dma_start3A_800 = arith.constant 0 : i32
      %dma_start3A_801 = tpu.memref_slice %arg10[%dma_start3A_793, %add3A_779, %dma_start3A_800] : memref<2x128x64xf32, #tpu.memory_space<vmem>> -> memref<1x1x64xf32, #tpu.memory_space<vmem>>
      %dma_start3A_802 = tpu.memref_squeeze %dma_start3A_801 : memref<1x1x64xf32, #tpu.memory_space<vmem>> -> memref<64xf32, #tpu.memory_space<vmem>>
      %dma_start3A_803 = arith.constant 0 : i32
      %dma_start3A_804 = tpu.memref_slice %arg5[%squeeze3A_775, %dma_start3A_803] : memref<1000000x64xf32, #tpu.memory_space<hbm>> -> memref<1x64xf32, #tpu.memory_space<hbm>>
      %dma_start3A_805 = tpu.memref_squeeze %dma_start3A_804 : memref<1x64xf32, #tpu.memory_space<hbm>> -> memref<64xf32, #tpu.memory_space<hbm>>
      tpu.enqueue_dma source(%dma_start3A_805 : memref<64xf32, #tpu.memory_space<hbm>>) target(%dma_start3A_802 : memref<64xf32, #tpu.memory_space<vmem>>) target_semaphore(%arg15 : memref<!tpu.dma_semaphore, #tpu.memory_space<semaphore_mem>>)
      %slice3A_806 = vector.extract_strided_slice %get3A_294 {offsets = [15], sizes = [1], strides = [1]} : vector<16xi32> to vector<1xi32>
      %squeeze3A_807 = vector.extract %slice3A_806[0] : i32 from vector<1xi32>
      %slice3A_808 = vector.extract_strided_slice %get3A_297 {offsets = [15], sizes = [1], strides = [1]} : vector<16xi32> to vector<1xi32>
      %squeeze3A_809 = vector.extract %slice3A_808[0] : i32 from vector<1xi32>
      %mul3A_810 = arith.constant 16 : i32
      %mul3A_811 = arith.muli %scan3A_288, %mul3A_810 : i32
      %add3A_812 = arith.constant 15 : i32
      %add3A_813 = arith.addi %mul3A_811, %add3A_812 : i32
      %dma_start3A_814 = arith.constant 1 : i32
      %dma_start3A_815 = arith.constant 0 : i32
      %dma_start3A_816 = tpu.memref_slice %arg9[%dma_start3A_814, %add3A_813, %dma_start3A_815] : memref<2x128x64xf32, #tpu.memory_space<vmem>> -> memref<1x1x64xf32, #tpu.memory_space<vmem>>
      %dma_start3A_817 = tpu.memref_squeeze %dma_start3A_816 : memref<1x1x64xf32, #tpu.memory_space<vmem>> -> memref<64xf32, #tpu.memory_space<vmem>>
      %dma_start3A_818 = arith.constant 0 : i32
      %dma_start3A_819 = tpu.memref_slice %arg4[%squeeze3A_807, %dma_start3A_818] : memref<1000000x64xf32, #tpu.memory_space<hbm>> -> memref<1x64xf32, #tpu.memory_space<hbm>>
      %dma_start3A_820 = tpu.memref_squeeze %dma_start3A_819 : memref<1x64xf32, #tpu.memory_space<hbm>> -> memref<64xf32, #tpu.memory_space<hbm>>
      %dma_start3A_821 = arith.constant 0 : i32
      %dma_start3A_822 = tpu.memref_slice %arg9[%dma_start3A_814, %add3A_813, %dma_start3A_821] : memref<2x128x64xf32, #tpu.memory_space<vmem>> -> memref<1x1x64xf32, #tpu.memory_space<vmem>>
      %dma_start3A_823 = tpu.memref_squeeze %dma_start3A_822 : memref<1x1x64xf32, #tpu.memory_space<vmem>> -> memref<64xf32, #tpu.memory_space<vmem>>
      %dma_start3A_824 = arith.constant 0 : i32
      %dma_start3A_825 = tpu.memref_slice %arg4[%squeeze3A_807, %dma_start3A_824] : memref<1000000x64xf32, #tpu.memory_space<hbm>> -> memref<1x64xf32, #tpu.memory_space<hbm>>
      %dma_start3A_826 = tpu.memref_squeeze %dma_start3A_825 : memref<1x64xf32, #tpu.memory_space<hbm>> -> memref<64xf32, #tpu.memory_space<hbm>>
      tpu.enqueue_dma source(%dma_start3A_826 : memref<64xf32, #tpu.memory_space<hbm>>) target(%dma_start3A_823 : memref<64xf32, #tpu.memory_space<vmem>>) target_semaphore(%arg13 : memref<!tpu.dma_semaphore, #tpu.memory_space<semaphore_mem>>)
      %dma_start3A_827 = arith.constant 1 : i32
      %dma_start3A_828 = arith.constant 0 : i32
      %dma_start3A_829 = tpu.memref_slice %arg10[%dma_start3A_827, %add3A_813, %dma_start3A_828] : memref<2x128x64xf32, #tpu.memory_space<vmem>> -> memref<1x1x64xf32, #tpu.memory_space<vmem>>
      %dma_start3A_830 = tpu.memref_squeeze %dma_start3A_829 : memref<1x1x64xf32, #tpu.memory_space<vmem>> -> memref<64xf32, #tpu.memory_space<vmem>>
      %dma_start3A_831 = arith.constant 0 : i32
      %dma_start3A_832 = tpu.memref_slice %arg5[%squeeze3A_809, %dma_start3A_831] : memref<1000000x64xf32, #tpu.memory_space<hbm>> -> memref<1x64xf32, #tpu.memory_space<hbm>>
      %dma_start3A_833 = tpu.memref_squeeze %dma_start3A_832 : memref<1x64xf32, #tpu.memory_space<hbm>> -> memref<64xf32, #tpu.memory_space<hbm>>
      %dma_start3A_834 = arith.constant 0 : i32
      %dma_start3A_835 = tpu.memref_slice %arg10[%dma_start3A_827, %add3A_813, %dma_start3A_834] : memref<2x128x64xf32, #tpu.memory_space<vmem>> -> memref<1x1x64xf32, #tpu.memory_space<vmem>>
      %dma_start3A_836 = tpu.memref_squeeze %dma_start3A_835 : memref<1x1x64xf32, #tpu.memory_space<vmem>> -> memref<64xf32, #tpu.memory_space<vmem>>
      %dma_start3A_837 = arith.constant 0 : i32
      %dma_start3A_838 = tpu.memref_slice %arg5[%squeeze3A_809, %dma_start3A_837] : memref<1000000x64xf32, #tpu.memory_space<hbm>> -> memref<1x64xf32, #tpu.memory_space<hbm>>
      %dma_start3A_839 = tpu.memref_squeeze %dma_start3A_838 : memref<1x64xf32, #tpu.memory_space<hbm>> -> memref<64xf32, #tpu.memory_space<hbm>>
      tpu.enqueue_dma source(%dma_start3A_839 : memref<64xf32, #tpu.memory_space<hbm>>) target(%dma_start3A_836 : memref<64xf32, #tpu.memory_space<vmem>>) target_semaphore(%arg15 : memref<!tpu.dma_semaphore, #tpu.memory_space<semaphore_mem>>)
    }
    %scan3A_13 = arith.constant 8 : i32
    %dma_wait3A = arith.constant 0 : i32
    %dma_wait3A_14 = arith.constant 0 : i32
    %dma_wait3A_15 = arith.constant 0 : i32
    %dma_wait3A_16 = tpu.memref_slice %arg9[%dma_wait3A, %dma_wait3A_14, %dma_wait3A_15] : memref<2x128x64xf32, #tpu.memory_space<vmem>> -> memref<1x128x64xf32, #tpu.memory_space<vmem>>
    %dma_wait3A_17 = tpu.memref_squeeze %dma_wait3A_16 : memref<1x128x64xf32, #tpu.memory_space<vmem>> -> memref<128x64xf32, #tpu.memory_space<vmem>>
    %dma_wait3A_18 = arith.constant 0 : i32
    %dma_wait3A_19 = arith.constant 0 : i32
    %dma_wait3A_20 = tpu.memref_slice %arg6[%dma_wait3A_18, %dma_wait3A_19] : memref<16384x64xf32, #tpu.memory_space<hbm>> -> memref<128x64xf32, #tpu.memory_space<hbm>>
    %dma_wait3A_21 = arith.constant 0 : i32
    %dma_wait3A_22 = arith.constant 0 : i32
    %dma_wait3A_23 = tpu.memref_slice %arg9[%dma_wait3A, %dma_wait3A_21, %dma_wait3A_22] : memref<2x128x64xf32, #tpu.memory_space<vmem>> -> memref<1x128x64xf32, #tpu.memory_space<vmem>>
    %dma_wait3A_24 = tpu.memref_squeeze %dma_wait3A_23 : memref<1x128x64xf32, #tpu.memory_space<vmem>> -> memref<128x64xf32, #tpu.memory_space<vmem>>
    %dma_wait3A_25 = arith.constant 0 : i32
    %dma_wait3A_26 = arith.constant 0 : i32
    %dma_wait3A_27 = tpu.memref_slice %arg6[%dma_wait3A_25, %dma_wait3A_26] : memref<16384x64xf32, #tpu.memory_space<hbm>> -> memref<128x64xf32, #tpu.memory_space<hbm>>
    tpu.wait_dma2 semaphore(%arg12 : memref<!tpu.dma_semaphore, #tpu.memory_space<semaphore_mem>>) src(%dma_wait3A_27 : memref<128x64xf32, #tpu.memory_space<hbm>>) dst(%dma_wait3A_24 : memref<128x64xf32, #tpu.memory_space<vmem>>)
    %dma_wait3A_28 = arith.constant 0 : i32
    %dma_wait3A_29 = arith.constant 0 : i32
    %dma_wait3A_30 = arith.constant 0 : i32
    %dma_wait3A_31 = tpu.memref_slice %arg10[%dma_wait3A_28, %dma_wait3A_29, %dma_wait3A_30] : memref<2x128x64xf32, #tpu.memory_space<vmem>> -> memref<1x128x64xf32, #tpu.memory_space<vmem>>
    %dma_wait3A_32 = tpu.memref_squeeze %dma_wait3A_31 : memref<1x128x64xf32, #tpu.memory_space<vmem>> -> memref<128x64xf32, #tpu.memory_space<vmem>>
    %dma_wait3A_33 = arith.constant 0 : i32
    %dma_wait3A_34 = arith.constant 0 : i32
    %dma_wait3A_35 = tpu.memref_slice %arg6[%dma_wait3A_33, %dma_wait3A_34] : memref<16384x64xf32, #tpu.memory_space<hbm>> -> memref<128x64xf32, #tpu.memory_space<hbm>>
    %dma_wait3A_36 = arith.constant 0 : i32
    %dma_wait3A_37 = arith.constant 0 : i32
    %dma_wait3A_38 = tpu.memref_slice %arg10[%dma_wait3A_28, %dma_wait3A_36, %dma_wait3A_37] : memref<2x128x64xf32, #tpu.memory_space<vmem>> -> memref<1x128x64xf32, #tpu.memory_space<vmem>>
    %dma_wait3A_39 = tpu.memref_squeeze %dma_wait3A_38 : memref<1x128x64xf32, #tpu.memory_space<vmem>> -> memref<128x64xf32, #tpu.memory_space<vmem>>
    %dma_wait3A_40 = arith.constant 0 : i32
    %dma_wait3A_41 = arith.constant 0 : i32
    %dma_wait3A_42 = tpu.memref_slice %arg6[%dma_wait3A_40, %dma_wait3A_41] : memref<16384x64xf32, #tpu.memory_space<hbm>> -> memref<128x64xf32, #tpu.memory_space<hbm>>
    tpu.wait_dma2 semaphore(%arg14 : memref<!tpu.dma_semaphore, #tpu.memory_space<semaphore_mem>>) src(%dma_wait3A_42 : memref<128x64xf32, #tpu.memory_space<hbm>>) dst(%dma_wait3A_39 : memref<128x64xf32, #tpu.memory_space<vmem>>)
    %scan3A_43 = arith.constant 0 : i32
    %scan3A_44 = arith.constant 0 : i32
    %scan3A_45 = arith.constant 128 : i32
    %scan3A_46 = arith.addi %scan3A_44, %scan3A_45 : i32
    %scan3A_47 = arith.constant 1 : i32
    scf.for %scan3A_288 = %scan3A_44 to %scan3A_46 step %scan3A_47  : i32 {
      %get3A = arith.constant 0 : i32
      %get3A_289 = arith.index_cast %get3A : i32 to index
      %get3A_290 = arith.index_cast %scan3A_288 : i32 to index
      %get3A_291 = arith.constant 0 : index
      %get3A_292 = tpu.vector_load %arg9[%get3A_289, %get3A_290, %get3A_291] {strides = array<i32>} : memref<2x128x64xf32, #tpu.memory_space<vmem>>, vector<1x1x16xf32>,
      %get3A_293 = vector.shape_cast %get3A_292 : vector<1x1x16xf32> to vector<16xf32>
      %get3A_294 = arith.constant 0 : i32
      %get3A_295 = arith.index_cast %get3A_294 : i32 to index
      %get3A_296 = arith.index_cast %scan3A_288 : i32 to index
      %get3A_297 = arith.constant 0 : index
      %get3A_298 = tpu.vector_load %arg10[%get3A_295, %get3A_296, %get3A_297] {strides = array<i32>} : memref<2x128x64xf32, #tpu.memory_space<vmem>>, vector<1x1x16xf32>,
      %get3A_299 = vector.shape_cast %get3A_298 : vector<1x1x16xf32> to vector<16xf32>
      %mul3A_300 = arith.mulf %get3A_293, %get3A_299 : vector<16xf32>
      %swap3A = arith.constant 0 : i32
      %swap3A_301 = arith.index_cast %swap3A : i32 to index
      %swap3A_302 = arith.index_cast %scan3A_288 : i32 to index
      %swap3A_303 = arith.constant 0 : index
      %swap3A_304 = tpu.vector_load %arg11[%swap3A_301, %swap3A_302, %swap3A_303] {strides = array<i32>} : memref<2x128x64xf32, #tpu.memory_space<vmem>>, vector<1x1x16xf32>,
      %swap3A_305 = vector.shape_cast %swap3A_304 : vector<1x1x16xf32> to vector<16xf32>
      %swap3A_306 = vector.shape_cast %mul3A_300 : vector<16xf32> to vector<1x1x16xf32>
      tpu.vector_store %arg11[%swap3A_301, %swap3A_302, %swap3A_303], %swap3A_306 {strides = array<i32>} : memref<2x128x64xf32, #tpu.memory_space<vmem>>, vector<1x1x16xf32>,
      %get3A_307 = arith.constant 0 : i32
      %get3A_308 = arith.index_cast %get3A_307 : i32 to index
      %get3A_309 = arith.index_cast %scan3A_288 : i32 to index
      %get3A_310 = arith.constant 16 : index
      %get3A_311 = tpu.vector_load %arg9[%get3A_308, %get3A_309, %get3A_310] {strides = array<i32>} : memref<2x128x64xf32, #tpu.memory_space<vmem>>, vector<1x1x16xf32>,
      %get3A_312 = vector.shape_cast %get3A_311 : vector<1x1x16xf32> to vector<16xf32>
      %get3A_313 = arith.constant 0 : i32
      %get3A_314 = arith.index_cast %get3A_313 : i32 to index
      %get3A_315 = arith.index_cast %scan3A_288 : i32 to index
      %get3A_316 = arith.constant 16 : index
      %get3A_317 = tpu.vector_load %arg10[%get3A_314, %get3A_315, %get3A_316] {strides = array<i32>} : memref<2x128x64xf32, #tpu.memory_space<vmem>>, vector<1x1x16xf32>,
      %get3A_318 = vector.shape_cast %get3A_317 : vector<1x1x16xf32> to vector<16xf32>
      %mul3A_319 = arith.mulf %get3A_312, %get3A_318 : vector<16xf32>
      %swap3A_320 = arith.constant 0 : i32
      %swap3A_321 = arith.index_cast %swap3A_320 : i32 to index
      %swap3A_322 = arith.index_cast %scan3A_288 : i32 to index
      %swap3A_323 = arith.constant 16 : index
      %swap3A_324 = tpu.vector_load %arg11[%swap3A_321, %swap3A_322, %swap3A_323] {strides = array<i32>} : memref<2x128x64xf32, #tpu.memory_space<vmem>>, vector<1x1x16xf32>,
      %swap3A_325 = vector.shape_cast %swap3A_324 : vector<1x1x16xf32> to vector<16xf32>
      %swap3A_326 = vector.shape_cast %mul3A_319 : vector<16xf32> to vector<1x1x16xf32>
      tpu.vector_store %arg11[%swap3A_321, %swap3A_322, %swap3A_323], %swap3A_326 {strides = array<i32>} : memref<2x128x64xf32, #tpu.memory_space<vmem>>, vector<1x1x16xf32>,
      %get3A_327 = arith.constant 0 : i32
      %get3A_328 = arith.index_cast %get3A_327 : i32 to index
      %get3A_329 = arith.index_cast %scan3A_288 : i32 to index
      %get3A_330 = arith.constant 32 : index
      %get3A_331 = tpu.vector_load %arg9[%get3A_328, %get3A_329, %get3A_330] {strides = array<i32>} : memref<2x128x64xf32, #tpu.memory_space<vmem>>, vector<1x1x16xf32>,
      %get3A_332 = vector.shape_cast %get3A_331 : vector<1x1x16xf32> to vector<16xf32>
      %get3A_333 = arith.constant 0 : i32
      %get3A_334 = arith.index_cast %get3A_333 : i32 to index
      %get3A_335 = arith.index_cast %scan3A_288 : i32 to index
      %get3A_336 = arith.constant 32 : index
      %get3A_337 = tpu.vector_load %arg10[%get3A_334, %get3A_335, %get3A_336] {strides = array<i32>} : memref<2x128x64xf32, #tpu.memory_space<vmem>>, vector<1x1x16xf32>,
      %get3A_338 = vector.shape_cast %get3A_337 : vector<1x1x16xf32> to vector<16xf32>
      %mul3A_339 = arith.mulf %get3A_332, %get3A_338 : vector<16xf32>
      %swap3A_340 = arith.constant 0 : i32
      %swap3A_341 = arith.index_cast %swap3A_340 : i32 to index
      %swap3A_342 = arith.index_cast %scan3A_288 : i32 to index
      %swap3A_343 = arith.constant 32 : index
      %swap3A_344 = tpu.vector_load %arg11[%swap3A_341, %swap3A_342, %swap3A_343] {strides = array<i32>} : memref<2x128x64xf32, #tpu.memory_space<vmem>>, vector<1x1x16xf32>,
      %swap3A_345 = vector.shape_cast %swap3A_344 : vector<1x1x16xf32> to vector<16xf32>
      %swap3A_346 = vector.shape_cast %mul3A_339 : vector<16xf32> to vector<1x1x16xf32>
      tpu.vector_store %arg11[%swap3A_341, %swap3A_342, %swap3A_343], %swap3A_346 {strides = array<i32>} : memref<2x128x64xf32, #tpu.memory_space<vmem>>, vector<1x1x16xf32>,
      %get3A_347 = arith.constant 0 : i32
      %get3A_348 = arith.index_cast %get3A_347 : i32 to index
      %get3A_349 = arith.index_cast %scan3A_288 : i32 to index
      %get3A_350 = arith.constant 48 : index
      %get3A_351 = tpu.vector_load %arg9[%get3A_348, %get3A_349, %get3A_350] {strides = array<i32>} : memref<2x128x64xf32, #tpu.memory_space<vmem>>, vector<1x1x16xf32>,
      %get3A_352 = vector.shape_cast %get3A_351 : vector<1x1x16xf32> to vector<16xf32>
      %get3A_353 = arith.constant 0 : i32
      %get3A_354 = arith.index_cast %get3A_353 : i32 to index
      %get3A_355 = arith.index_cast %scan3A_288 : i32 to index
      %get3A_356 = arith.constant 48 : index
      %get3A_357 = tpu.vector_load %arg10[%get3A_354, %get3A_355, %get3A_356] {strides = array<i32>} : memref<2x128x64xf32, #tpu.memory_space<vmem>>, vector<1x1x16xf32>,
      %get3A_358 = vector.shape_cast %get3A_357 : vector<1x1x16xf32> to vector<16xf32>
      %mul3A_359 = arith.mulf %get3A_352, %get3A_358 : vector<16xf32>
      %swap3A_360 = arith.constant 0 : i32
      %swap3A_361 = arith.index_cast %swap3A_360 : i32 to index
      %swap3A_362 = arith.index_cast %scan3A_288 : i32 to index
      %swap3A_363 = arith.constant 48 : index
      %swap3A_364 = tpu.vector_load %arg11[%swap3A_361, %swap3A_362, %swap3A_363] {strides = array<i32>} : memref<2x128x64xf32, #tpu.memory_space<vmem>>, vector<1x1x16xf32>,
      %swap3A_365 = vector.shape_cast %swap3A_364 : vector<1x1x16xf32> to vector<16xf32>
      %swap3A_366 = vector.shape_cast %mul3A_359 : vector<16xf32> to vector<1x1x16xf32>
      tpu.vector_store %arg11[%swap3A_361, %swap3A_362, %swap3A_363], %swap3A_366 {strides = array<i32>} : memref<2x128x64xf32, #tpu.memory_space<vmem>>, vector<1x1x16xf32>,
    }
    %scan3A_48 = arith.constant 128 : i32
    %add3A_49 = arith.constant 0 : i32
    %add3A_50 = arith.addi %mul3A_2, %add3A_49 : i32
    %dma_start3A = arith.constant 0 : i32
    %dma_start3A_51 = arith.constant 0 : i32
    %dma_start3A_52 = arith.constant 0 : i32
    %dma_start3A_53 = tpu.memref_slice %arg11[%dma_start3A, %dma_start3A_51, %dma_start3A_52] : memref<2x128x64xf32, #tpu.memory_space<vmem>> -> memref<1x128x64xf32, #tpu.memory_space<vmem>>
    %dma_start3A_54 = tpu.memref_squeeze %dma_start3A_53 : memref<1x128x64xf32, #tpu.memory_space<vmem>> -> memref<128x64xf32, #tpu.memory_space<vmem>>
    %dma_start3A_55 = arith.constant 0 : i32
    %dma_start3A_56 = tpu.memref_slice %arg6[%add3A_50, %dma_start3A_55] : memref<16384x64xf32, #tpu.memory_space<hbm>> -> memref<128x64xf32, #tpu.memory_space<hbm>>
    %dma_start3A_57 = arith.constant 0 : i32
    %dma_start3A_58 = tpu.memref_slice %arg6[%add3A_50, %dma_start3A_57] : memref<16384x64xf32, #tpu.memory_space<hbm>> -> memref<128x64xf32, #tpu.memory_space<hbm>>
    %dma_start3A_59 = arith.constant 0 : i32
    %dma_start3A_60 = arith.constant 0 : i32
    %dma_start3A_61 = tpu.memref_slice %arg11[%dma_start3A, %dma_start3A_59, %dma_start3A_60] : memref<2x128x64xf32, #tpu.memory_space<vmem>> -> memref<1x128x64xf32, #tpu.memory_space<vmem>>
    %dma_start3A_62 = tpu.memref_squeeze %dma_start3A_61 : memref<1x128x64xf32, #tpu.memory_space<vmem>> -> memref<128x64xf32, #tpu.memory_space<vmem>>
    tpu.enqueue_dma source(%dma_start3A_62 : memref<128x64xf32, #tpu.memory_space<vmem>>) target(%dma_start3A_58 : memref<128x64xf32, #tpu.memory_space<hbm>>) target_semaphore(%arg16 : memref<!tpu.dma_semaphore, #tpu.memory_space<semaphore_mem>>)
    %scan3A_63 = arith.constant 0 : i32
    %scan3A_64 = arith.constant 0 : i32
    %scan3A_65 = arith.constant 8 : i32
    %scan3A_66 = arith.addi %scan3A_64, %scan3A_65 : i32
    %scan3A_67 = arith.constant 1 : i32
    scf.for %scan3A_288 = %scan3A_64 to %scan3A_66 step %scan3A_67  : i32 {
      %mul3A_289 = arith.constant 16 : i32
      %mul3A_290 = arith.muli %scan3A_288, %mul3A_289 : i32
      %add3A_291 = arith.constant 256 : i32
      %add3A_292 = arith.addi %add3A_291, %mul3A_290 : i32
      %get3A = arith.index_cast %add3A_292 : i32 to index
      %get3A_293 = tpu.vector_load %arg7[%get3A] {strides = array<i32>} : memref<512xi32, #tpu.memory_space<vmem>>, vector<16xi32>,
      %get3A_294 = vector.shape_cast %get3A_293 : vector<16xi32> to vector<16xi32>
      %get3A_295 = arith.index_cast %add3A_292 : i32 to index
      %get3A_296 = tpu.vector_load %arg8[%get3A_295] {strides = array<i32>} : memref<512xi32, #tpu.memory_space<vmem>>, vector<16xi32>,
      %get3A_297 = vector.shape_cast %get3A_296 : vector<16xi32> to vector<16xi32>
      %slice3A = vector.extract_strided_slice %get3A_294 {offsets = [0], sizes = [1], strides = [1]} : vector<16xi32> to vector<1xi32>
      %squeeze3A = vector.extract %slice3A[0] : i32 from vector<1xi32>
      %slice3A_298 = vector.extract_strided_slice %get3A_297 {offsets = [0], sizes = [1], strides = [1]} : vector<16xi32> to vector<1xi32>
      %squeeze3A_299 = vector.extract %slice3A_298[0] : i32 from vector<1xi32>
      %mul3A_300 = arith.constant 16 : i32
      %mul3A_301 = arith.muli %scan3A_288, %mul3A_300 : i32
      %add3A_302 = arith.constant 0 : i32
      %add3A_303 = arith.addi %mul3A_301, %add3A_302 : i32
      %dma_start3A_304 = arith.constant 0 : i32
      %dma_start3A_305 = arith.constant 0 : i32
      %dma_start3A_306 = tpu.memref_slice %arg9[%dma_start3A_304, %add3A_303, %dma_start3A_305] : memref<2x128x64xf32, #tpu.memory_space<vmem>> -> memref<1x1x64xf32, #tpu.memory_space<vmem>>
      %dma_start3A_307 = tpu.memref_squeeze %dma_start3A_306 : memref<1x1x64xf32, #tpu.memory_space<vmem>> -> memref<64xf32, #tpu.memory_space<vmem>>
      %dma_start3A_308 = arith.constant 0 : i32
      %dma_start3A_309 = tpu.memref_slice %arg4[%squeeze3A, %dma_start3A_308] : memref<1000000x64xf32, #tpu.memory_space<hbm>> -> memref<1x64xf32, #tpu.memory_space<hbm>>
      %dma_start3A_310 = tpu.memref_squeeze %dma_start3A_309 : memref<1x64xf32, #tpu.memory_space<hbm>> -> memref<64xf32, #tpu.memory_space<hbm>>
      %dma_start3A_311 = arith.constant 0 : i32
      %dma_start3A_312 = tpu.memref_slice %arg9[%dma_start3A_304, %add3A_303, %dma_start3A_311] : memref<2x128x64xf32, #tpu.memory_space<vmem>> -> memref<1x1x64xf32, #tpu.memory_space<vmem>>
      %dma_start3A_313 = tpu.memref_squeeze %dma_start3A_312 : memref<1x1x64xf32, #tpu.memory_space<vmem>> -> memref<64xf32, #tpu.memory_space<vmem>>
      %dma_start3A_314 = arith.constant 0 : i32
      %dma_start3A_315 = tpu.memref_slice %arg4[%squeeze3A, %dma_start3A_314] : memref<1000000x64xf32, #tpu.memory_space<hbm>> -> memref<1x64xf32, #tpu.memory_space<hbm>>
      %dma_start3A_316 = tpu.memref_squeeze %dma_start3A_315 : memref<1x64xf32, #tpu.memory_space<hbm>> -> memref<64xf32, #tpu.memory_space<hbm>>
      tpu.enqueue_dma source(%dma_start3A_316 : memref<64xf32, #tpu.memory_space<hbm>>) target(%dma_start3A_313 : memref<64xf32, #tpu.memory_space<vmem>>) target_semaphore(%arg12 : memref<!tpu.dma_semaphore, #tpu.memory_space<semaphore_mem>>)
      %dma_start3A_317 = arith.constant 0 : i32
      %dma_start3A_318 = arith.constant 0 : i32
      %dma_start3A_319 = tpu.memref_slice %arg10[%dma_start3A_317, %add3A_303, %dma_start3A_318] : memref<2x128x64xf32, #tpu.memory_space<vmem>> -> memref<1x1x64xf32, #tpu.memory_space<vmem>>
      %dma_start3A_320 = tpu.memref_squeeze %dma_start3A_319 : memref<1x1x64xf32, #tpu.memory_space<vmem>> -> memref<64xf32, #tpu.memory_space<vmem>>
      %dma_start3A_321 = arith.constant 0 : i32
      %dma_start3A_322 = tpu.memref_slice %arg5[%squeeze3A_299, %dma_start3A_321] : memref<1000000x64xf32, #tpu.memory_space<hbm>> -> memref<1x64xf32, #tpu.memory_space<hbm>>
      %dma_start3A_323 = tpu.memref_squeeze %dma_start3A_322 : memref<1x64xf32, #tpu.memory_space<hbm>> -> memref<64xf32, #tpu.memory_space<hbm>>
      %dma_start3A_324 = arith.constant 0 : i32
      %dma_start3A_325 = tpu.memref_slice %arg10[%dma_start3A_317, %add3A_303, %dma_start3A_324] : memref<2x128x64xf32, #tpu.memory_space<vmem>> -> memref<1x1x64xf32, #tpu.memory_space<vmem>>
      %dma_start3A_326 = tpu.memref_squeeze %dma_start3A_325 : memref<1x1x64xf32, #tpu.memory_space<vmem>> -> memref<64xf32, #tpu.memory_space<vmem>>
      %dma_start3A_327 = arith.constant 0 : i32
      %dma_start3A_328 = tpu.memref_slice %arg5[%squeeze3A_299, %dma_start3A_327] : memref<1000000x64xf32, #tpu.memory_space<hbm>> -> memref<1x64xf32, #tpu.memory_space<hbm>>
      %dma_start3A_329 = tpu.memref_squeeze %dma_start3A_328 : memref<1x64xf32, #tpu.memory_space<hbm>> -> memref<64xf32, #tpu.memory_space<hbm>>
      tpu.enqueue_dma source(%dma_start3A_329 : memref<64xf32, #tpu.memory_space<hbm>>) target(%dma_start3A_326 : memref<64xf32, #tpu.memory_space<vmem>>) target_semaphore(%arg14 : memref<!tpu.dma_semaphore, #tpu.memory_space<semaphore_mem>>)
      %slice3A_330 = vector.extract_strided_slice %get3A_294 {offsets = [1], sizes = [1], strides = [1]} : vector<16xi32> to vector<1xi32>
      %squeeze3A_331 = vector.extract %slice3A_330[0] : i32 from vector<1xi32>
      %slice3A_332 = vector.extract_strided_slice %get3A_297 {offsets = [1], sizes = [1], strides = [1]} : vector<16xi32> to vector<1xi32>
      %squeeze3A_333 = vector.extract %slice3A_332[0] : i32 from vector<1xi32>
      %mul3A_334 = arith.constant 16 : i32
      %mul3A_335 = arith.muli %scan3A_288, %mul3A_334 : i32
      %add3A_336 = arith.constant 1 : i32
      %add3A_337 = arith.addi %mul3A_335, %add3A_336 : i32
      %dma_start3A_338 = arith.constant 0 : i32
      %dma_start3A_339 = arith.constant 0 : i32
      %dma_start3A_340 = tpu.memref_slice %arg9[%dma_start3A_338, %add3A_337, %dma_start3A_339] : memref<2x128x64xf32, #tpu.memory_space<vmem>> -> memref<1x1x64xf32, #tpu.memory_space<vmem>>
      %dma_start3A_341 = tpu.memref_squeeze %dma_start3A_340 : memref<1x1x64xf32, #tpu.memory_space<vmem>> -> memref<64xf32, #tpu.memory_space<vmem>>
      %dma_start3A_342 = arith.constant 0 : i32
      %dma_start3A_343 = tpu.memref_slice %arg4[%squeeze3A_331, %dma_start3A_342] : memref<1000000x64xf32, #tpu.memory_space<hbm>> -> memref<1x64xf32, #tpu.memory_space<hbm>>
      %dma_start3A_344 = tpu.memref_squeeze %dma_start3A_343 : memref<1x64xf32, #tpu.memory_space<hbm>> -> memref<64xf32, #tpu.memory_space<hbm>>
      %dma_start3A_345 = arith.constant 0 : i32
      %dma_start3A_346 = tpu.memref_slice %arg9[%dma_start3A_338, %add3A_337, %dma_start3A_345] : memref<2x128x64xf32, #tpu.memory_space<vmem>> -> memref<1x1x64xf32, #tpu.memory_space<vmem>>
      %dma_start3A_347 = tpu.memref_squeeze %dma_start3A_346 : memref<1x1x64xf32, #tpu.memory_space<vmem>> -> memref<64xf32, #tpu.memory_space<vmem>>
      %dma_start3A_348 = arith.constant 0 : i32
      %dma_start3A_349 = tpu.memref_slice %arg4[%squeeze3A_331, %dma_start3A_348] : memref<1000000x64xf32, #tpu.memory_space<hbm>> -> memref<1x64xf32, #tpu.memory_space<hbm>>
      %dma_start3A_350 = tpu.memref_squeeze %dma_start3A_349 : memref<1x64xf32, #tpu.memory_space<hbm>> -> memref<64xf32, #tpu.memory_space<hbm>>
      tpu.enqueue_dma source(%dma_start3A_350 : memref<64xf32, #tpu.memory_space<hbm>>) target(%dma_start3A_347 : memref<64xf32, #tpu.memory_space<vmem>>) target_semaphore(%arg12 : memref<!tpu.dma_semaphore, #tpu.memory_space<semaphore_mem>>)
      %dma_start3A_351 = arith.constant 0 : i32
      %dma_start3A_352 = arith.constant 0 : i32
      %dma_start3A_353 = tpu.memref_slice %arg10[%dma_start3A_351, %add3A_337, %dma_start3A_352] : memref<2x128x64xf32, #tpu.memory_space<vmem>> -> memref<1x1x64xf32, #tpu.memory_space<vmem>>
      %dma_start3A_354 = tpu.memref_squeeze %dma_start3A_353 : memref<1x1x64xf32, #tpu.memory_space<vmem>> -> memref<64xf32, #tpu.memory_space<vmem>>
      %dma_start3A_355 = arith.constant 0 : i32
      %dma_start3A_356 = tpu.memref_slice %arg5[%squeeze3A_333, %dma_start3A_355] : memref<1000000x64xf32, #tpu.memory_space<hbm>> -> memref<1x64xf32, #tpu.memory_space<hbm>>
      %dma_start3A_357 = tpu.memref_squeeze %dma_start3A_356 : memref<1x64xf32, #tpu.memory_space<hbm>> -> memref<64xf32, #tpu.memory_space<hbm>>
      %dma_start3A_358 = arith.constant 0 : i32
      %dma_start3A_359 = tpu.memref_slice %arg10[%dma_start3A_351, %add3A_337, %dma_start3A_358] : memref<2x128x64xf32, #tpu.memory_space<vmem>> -> memref<1x1x64xf32, #tpu.memory_space<vmem>>
      %dma_start3A_360 = tpu.memref_squeeze %dma_start3A_359 : memref<1x1x64xf32, #tpu.memory_space<vmem>> -> memref<64xf32, #tpu.memory_space<vmem>>
      %dma_start3A_361 = arith.constant 0 : i32
      %dma_start3A_362 = tpu.memref_slice %arg5[%squeeze3A_333, %dma_start3A_361] : memref<1000000x64xf32, #tpu.memory_space<hbm>> -> memref<1x64xf32, #tpu.memory_space<hbm>>
      %dma_start3A_363 = tpu.memref_squeeze %dma_start3A_362 : memref<1x64xf32, #tpu.memory_space<hbm>> -> memref<64xf32, #tpu.memory_space<hbm>>
      tpu.enqueue_dma source(%dma_start3A_363 : memref<64xf32, #tpu.memory_space<hbm>>) target(%dma_start3A_360 : memref<64xf32, #tpu.memory_space<vmem>>) target_semaphore(%arg14 : memref<!tpu.dma_semaphore, #tpu.memory_space<semaphore_mem>>)
      %slice3A_364 = vector.extract_strided_slice %get3A_294 {offsets = [2], sizes = [1], strides = [1]} : vector<16xi32> to vector<1xi32>
      %squeeze3A_365 = vector.extract %slice3A_364[0] : i32 from vector<1xi32>
      %slice3A_366 = vector.extract_strided_slice %get3A_297 {offsets = [2], sizes = [1], strides = [1]} : vector<16xi32> to vector<1xi32>
      %squeeze3A_367 = vector.extract %slice3A_366[0] : i32 from vector<1xi32>
      %mul3A_368 = arith.constant 16 : i32
      %mul3A_369 = arith.muli %scan3A_288, %mul3A_368 : i32
      %add3A_370 = arith.constant 2 : i32
      %add3A_371 = arith.addi %mul3A_369, %add3A_370 : i32
      %dma_start3A_372 = arith.constant 0 : i32
      %dma_start3A_373 = arith.constant 0 : i32
      %dma_start3A_374 = tpu.memref_slice %arg9[%dma_start3A_372, %add3A_371, %dma_start3A_373] : memref<2x128x64xf32, #tpu.memory_space<vmem>> -> memref<1x1x64xf32, #tpu.memory_space<vmem>>
      %dma_start3A_375 = tpu.memref_squeeze %dma_start3A_374 : memref<1x1x64xf32, #tpu.memory_space<vmem>> -> memref<64xf32, #tpu.memory_space<vmem>>
      %dma_start3A_376 = arith.constant 0 : i32
      %dma_start3A_377 = tpu.memref_slice %arg4[%squeeze3A_365, %dma_start3A_376] : memref<1000000x64xf32, #tpu.memory_space<hbm>> -> memref<1x64xf32, #tpu.memory_space<hbm>>
      %dma_start3A_378 = tpu.memref_squeeze %dma_start3A_377 : memref<1x64xf32, #tpu.memory_space<hbm>> -> memref<64xf32, #tpu.memory_space<hbm>>
      %dma_start3A_379 = arith.constant 0 : i32
      %dma_start3A_380 = tpu.memref_slice %arg9[%dma_start3A_372, %add3A_371, %dma_start3A_379] : memref<2x128x64xf32, #tpu.memory_space<vmem>> -> memref<1x1x64xf32, #tpu.memory_space<vmem>>
      %dma_start3A_381 = tpu.memref_squeeze %dma_start3A_380 : memref<1x1x64xf32, #tpu.memory_space<vmem>> -> memref<64xf32, #tpu.memory_space<vmem>>
      %dma_start3A_382 = arith.constant 0 : i32
      %dma_start3A_383 = tpu.memref_slice %arg4[%squeeze3A_365, %dma_start3A_382] : memref<1000000x64xf32, #tpu.memory_space<hbm>> -> memref<1x64xf32, #tpu.memory_space<hbm>>
      %dma_start3A_384 = tpu.memref_squeeze %dma_start3A_383 : memref<1x64xf32, #tpu.memory_space<hbm>> -> memref<64xf32, #tpu.memory_space<hbm>>
      tpu.enqueue_dma source(%dma_start3A_384 : memref<64xf32, #tpu.memory_space<hbm>>) target(%dma_start3A_381 : memref<64xf32, #tpu.memory_space<vmem>>) target_semaphore(%arg12 : memref<!tpu.dma_semaphore, #tpu.memory_space<semaphore_mem>>)
      %dma_start3A_385 = arith.constant 0 : i32
      %dma_start3A_386 = arith.constant 0 : i32
      %dma_start3A_387 = tpu.memref_slice %arg10[%dma_start3A_385, %add3A_371, %dma_start3A_386] : memref<2x128x64xf32, #tpu.memory_space<vmem>> -> memref<1x1x64xf32, #tpu.memory_space<vmem>>
      %dma_start3A_388 = tpu.memref_squeeze %dma_start3A_387 : memref<1x1x64xf32, #tpu.memory_space<vmem>> -> memref<64xf32, #tpu.memory_space<vmem>>
      %dma_start3A_389 = arith.constant 0 : i32
      %dma_start3A_390 = tpu.memref_slice %arg5[%squeeze3A_367, %dma_start3A_389] : memref<1000000x64xf32, #tpu.memory_space<hbm>> -> memref<1x64xf32, #tpu.memory_space<hbm>>
      %dma_start3A_391 = tpu.memref_squeeze %dma_start3A_390 : memref<1x64xf32, #tpu.memory_space<hbm>> -> memref<64xf32, #tpu.memory_space<hbm>>
      %dma_start3A_392 = arith.constant 0 : i32
      %dma_start3A_393 = tpu.memref_slice %arg10[%dma_start3A_385, %add3A_371, %dma_start3A_392] : memref<2x128x64xf32, #tpu.memory_space<vmem>> -> memref<1x1x64xf32, #tpu.memory_space<vmem>>
      %dma_start3A_394 = tpu.memref_squeeze %dma_start3A_393 : memref<1x1x64xf32, #tpu.memory_space<vmem>> -> memref<64xf32, #tpu.memory_space<vmem>>
      %dma_start3A_395 = arith.constant 0 : i32
      %dma_start3A_396 = tpu.memref_slice %arg5[%squeeze3A_367, %dma_start3A_395] : memref<1000000x64xf32, #tpu.memory_space<hbm>> -> memref<1x64xf32, #tpu.memory_space<hbm>>
      %dma_start3A_397 = tpu.memref_squeeze %dma_start3A_396 : memref<1x64xf32, #tpu.memory_space<hbm>> -> memref<64xf32, #tpu.memory_space<hbm>>
      tpu.enqueue_dma source(%dma_start3A_397 : memref<64xf32, #tpu.memory_space<hbm>>) target(%dma_start3A_394 : memref<64xf32, #tpu.memory_space<vmem>>) target_semaphore(%arg14 : memref<!tpu.dma_semaphore, #tpu.memory_space<semaphore_mem>>)
      %slice3A_398 = vector.extract_strided_slice %get3A_294 {offsets = [3], sizes = [1], strides = [1]} : vector<16xi32> to vector<1xi32>
      %squeeze3A_399 = vector.extract %slice3A_398[0] : i32 from vector<1xi32>
      %slice3A_400 = vector.extract_strided_slice %get3A_297 {offsets = [3], sizes = [1], strides = [1]} : vector<16xi32> to vector<1xi32>
      %squeeze3A_401 = vector.extract %slice3A_400[0] : i32 from vector<1xi32>
      %mul3A_402 = arith.constant 16 : i32
      %mul3A_403 = arith.muli %scan3A_288, %mul3A_402 : i32
      %add3A_404 = arith.constant 3 : i32
      %add3A_405 = arith.addi %mul3A_403, %add3A_404 : i32
      %dma_start3A_406 = arith.constant 0 : i32
      %dma_start3A_407 = arith.constant 0 : i32
      %dma_start3A_408 = tpu.memref_slice %arg9[%dma_start3A_406, %add3A_405, %dma_start3A_407] : memref<2x128x64xf32, #tpu.memory_space<vmem>> -> memref<1x1x64xf32, #tpu.memory_space<vmem>>
      %dma_start3A_409 = tpu.memref_squeeze %dma_start3A_408 : memref<1x1x64xf32, #tpu.memory_space<vmem>> -> memref<64xf32, #tpu.memory_space<vmem>>
      %dma_start3A_410 = arith.constant 0 : i32
      %dma_start3A_411 = tpu.memref_slice %arg4[%squeeze3A_399, %dma_start3A_410] : memref<1000000x64xf32, #tpu.memory_space<hbm>> -> memref<1x64xf32, #tpu.memory_space<hbm>>
      %dma_start3A_412 = tpu.memref_squeeze %dma_start3A_411 : memref<1x64xf32, #tpu.memory_space<hbm>> -> memref<64xf32, #tpu.memory_space<hbm>>
      %dma_start3A_413 = arith.constant 0 : i32
      %dma_start3A_414 = tpu.memref_slice %arg9[%dma_start3A_406, %add3A_405, %dma_start3A_413] : memref<2x128x64xf32, #tpu.memory_space<vmem>> -> memref<1x1x64xf32, #tpu.memory_space<vmem>>
      %dma_start3A_415 = tpu.memref_squeeze %dma_start3A_414 : memref<1x1x64xf32, #tpu.memory_space<vmem>> -> memref<64xf32, #tpu.memory_space<vmem>>
      %dma_start3A_416 = arith.constant 0 : i32
      %dma_start3A_417 = tpu.memref_slice %arg4[%squeeze3A_399, %dma_start3A_416] : memref<1000000x64xf32, #tpu.memory_space<hbm>> -> memref<1x64xf32, #tpu.memory_space<hbm>>
      %dma_start3A_418 = tpu.memref_squeeze %dma_start3A_417 : memref<1x64xf32, #tpu.memory_space<hbm>> -> memref<64xf32, #tpu.memory_space<hbm>>
      tpu.enqueue_dma source(%dma_start3A_418 : memref<64xf32, #tpu.memory_space<hbm>>) target(%dma_start3A_415 : memref<64xf32, #tpu.memory_space<vmem>>) target_semaphore(%arg12 : memref<!tpu.dma_semaphore, #tpu.memory_space<semaphore_mem>>)
      %dma_start3A_419 = arith.constant 0 : i32
      %dma_start3A_420 = arith.constant 0 : i32
      %dma_start3A_421 = tpu.memref_slice %arg10[%dma_start3A_419, %add3A_405, %dma_start3A_420] : memref<2x128x64xf32, #tpu.memory_space<vmem>> -> memref<1x1x64xf32, #tpu.memory_space<vmem>>
      %dma_start3A_422 = tpu.memref_squeeze %dma_start3A_421 : memref<1x1x64xf32, #tpu.memory_space<vmem>> -> memref<64xf32, #tpu.memory_space<vmem>>
      %dma_start3A_423 = arith.constant 0 : i32
      %dma_start3A_424 = tpu.memref_slice %arg5[%squeeze3A_401, %dma_start3A_423] : memref<1000000x64xf32, #tpu.memory_space<hbm>> -> memref<1x64xf32, #tpu.memory_space<hbm>>
      %dma_start3A_425 = tpu.memref_squeeze %dma_start3A_424 : memref<1x64xf32, #tpu.memory_space<hbm>> -> memref<64xf32, #tpu.memory_space<hbm>>
      %dma_start3A_426 = arith.constant 0 : i32
      %dma_start3A_427 = tpu.memref_slice %arg10[%dma_start3A_419, %add3A_405, %dma_start3A_426] : memref<2x128x64xf32, #tpu.memory_space<vmem>> -> memref<1x1x64xf32, #tpu.memory_space<vmem>>
      %dma_start3A_428 = tpu.memref_squeeze %dma_start3A_427 : memref<1x1x64xf32, #tpu.memory_space<vmem>> -> memref<64xf32, #tpu.memory_space<vmem>>
      %dma_start3A_429 = arith.constant 0 : i32
      %dma_start3A_430 = tpu.memref_slice %arg5[%squeeze3A_401, %dma_start3A_429] : memref<1000000x64xf32, #tpu.memory_space<hbm>> -> memref<1x64xf32, #tpu.memory_space<hbm>>
      %dma_start3A_431 = tpu.memref_squeeze %dma_start3A_430 : memref<1x64xf32, #tpu.memory_space<hbm>> -> memref<64xf32, #tpu.memory_space<hbm>>
      tpu.enqueue_dma source(%dma_start3A_431 : memref<64xf32, #tpu.memory_space<hbm>>) target(%dma_start3A_428 : memref<64xf32, #tpu.memory_space<vmem>>) target_semaphore(%arg14 : memref<!tpu.dma_semaphore, #tpu.memory_space<semaphore_mem>>)
      %slice3A_432 = vector.extract_strided_slice %get3A_294 {offsets = [4], sizes = [1], strides = [1]} : vector<16xi32> to vector<1xi32>
      %squeeze3A_433 = vector.extract %slice3A_432[0] : i32 from vector<1xi32>
      %slice3A_434 = vector.extract_strided_slice %get3A_297 {offsets = [4], sizes = [1], strides = [1]} : vector<16xi32> to vector<1xi32>
      %squeeze3A_435 = vector.extract %slice3A_434[0] : i32 from vector<1xi32>
      %mul3A_436 = arith.constant 16 : i32
      %mul3A_437 = arith.muli %scan3A_288, %mul3A_436 : i32
      %add3A_438 = arith.constant 4 : i32
      %add3A_439 = arith.addi %mul3A_437, %add3A_438 : i32
      %dma_start3A_440 = arith.constant 0 : i32
      %dma_start3A_441 = arith.constant 0 : i32
      %dma_start3A_442 = tpu.memref_slice %arg9[%dma_start3A_440, %add3A_439, %dma_start3A_441] : memref<2x128x64xf32, #tpu.memory_space<vmem>> -> memref<1x1x64xf32, #tpu.memory_space<vmem>>
      %dma_start3A_443 = tpu.memref_squeeze %dma_start3A_442 : memref<1x1x64xf32, #tpu.memory_space<vmem>> -> memref<64xf32, #tpu.memory_space<vmem>>
      %dma_start3A_444 = arith.constant 0 : i32
      %dma_start3A_445 = tpu.memref_slice %arg4[%squeeze3A_433, %dma_start3A_444] : memref<1000000x64xf32, #tpu.memory_space<hbm>> -> memref<1x64xf32, #tpu.memory_space<hbm>>
      %dma_start3A_446 = tpu.memref_squeeze %dma_start3A_445 : memref<1x64xf32, #tpu.memory_space<hbm>> -> memref<64xf32, #tpu.memory_space<hbm>>
      %dma_start3A_447 = arith.constant 0 : i32
      %dma_start3A_448 = tpu.memref_slice %arg9[%dma_start3A_440, %add3A_439, %dma_start3A_447] : memref<2x128x64xf32, #tpu.memory_space<vmem>> -> memref<1x1x64xf32, #tpu.memory_space<vmem>>
      %dma_start3A_449 = tpu.memref_squeeze %dma_start3A_448 : memref<1x1x64xf32, #tpu.memory_space<vmem>> -> memref<64xf32, #tpu.memory_space<vmem>>
      %dma_start3A_450 = arith.constant 0 : i32
      %dma_start3A_451 = tpu.memref_slice %arg4[%squeeze3A_433, %dma_start3A_450] : memref<1000000x64xf32, #tpu.memory_space<hbm>> -> memref<1x64xf32, #tpu.memory_space<hbm>>
      %dma_start3A_452 = tpu.memref_squeeze %dma_start3A_451 : memref<1x64xf32, #tpu.memory_space<hbm>> -> memref<64xf32, #tpu.memory_space<hbm>>
      tpu.enqueue_dma source(%dma_start3A_452 : memref<64xf32, #tpu.memory_space<hbm>>) target(%dma_start3A_449 : memref<64xf32, #tpu.memory_space<vmem>>) target_semaphore(%arg12 : memref<!tpu.dma_semaphore, #tpu.memory_space<semaphore_mem>>)
      %dma_start3A_453 = arith.constant 0 : i32
      %dma_start3A_454 = arith.constant 0 : i32
      %dma_start3A_455 = tpu.memref_slice %arg10[%dma_start3A_453, %add3A_439, %dma_start3A_454] : memref<2x128x64xf32, #tpu.memory_space<vmem>> -> memref<1x1x64xf32, #tpu.memory_space<vmem>>
      %dma_start3A_456 = tpu.memref_squeeze %dma_start3A_455 : memref<1x1x64xf32, #tpu.memory_space<vmem>> -> memref<64xf32, #tpu.memory_space<vmem>>
      %dma_start3A_457 = arith.constant 0 : i32
      %dma_start3A_458 = tpu.memref_slice %arg5[%squeeze3A_435, %dma_start3A_457] : memref<1000000x64xf32, #tpu.memory_space<hbm>> -> memref<1x64xf32, #tpu.memory_space<hbm>>
      %dma_start3A_459 = tpu.memref_squeeze %dma_start3A_458 : memref<1x64xf32, #tpu.memory_space<hbm>> -> memref<64xf32, #tpu.memory_space<hbm>>
      %dma_start3A_460 = arith.constant 0 : i32
      %dma_start3A_461 = tpu.memref_slice %arg10[%dma_start3A_453, %add3A_439, %dma_start3A_460] : memref<2x128x64xf32, #tpu.memory_space<vmem>> -> memref<1x1x64xf32, #tpu.memory_space<vmem>>
      %dma_start3A_462 = tpu.memref_squeeze %dma_start3A_461 : memref<1x1x64xf32, #tpu.memory_space<vmem>> -> memref<64xf32, #tpu.memory_space<vmem>>
      %dma_start3A_463 = arith.constant 0 : i32
      %dma_start3A_464 = tpu.memref_slice %arg5[%squeeze3A_435, %dma_start3A_463] : memref<1000000x64xf32, #tpu.memory_space<hbm>> -> memref<1x64xf32, #tpu.memory_space<hbm>>
      %dma_start3A_465 = tpu.memref_squeeze %dma_start3A_464 : memref<1x64xf32, #tpu.memory_space<hbm>> -> memref<64xf32, #tpu.memory_space<hbm>>
      tpu.enqueue_dma source(%dma_start3A_465 : memref<64xf32, #tpu.memory_space<hbm>>) target(%dma_start3A_462 : memref<64xf32, #tpu.memory_space<vmem>>) target_semaphore(%arg14 : memref<!tpu.dma_semaphore, #tpu.memory_space<semaphore_mem>>)
      %slice3A_466 = vector.extract_strided_slice %get3A_294 {offsets = [5], sizes = [1], strides = [1]} : vector<16xi32> to vector<1xi32>
      %squeeze3A_467 = vector.extract %slice3A_466[0] : i32 from vector<1xi32>
      %slice3A_468 = vector.extract_strided_slice %get3A_297 {offsets = [5], sizes = [1], strides = [1]} : vector<16xi32> to vector<1xi32>
      %squeeze3A_469 = vector.extract %slice3A_468[0] : i32 from vector<1xi32>
      %mul3A_470 = arith.constant 16 : i32
      %mul3A_471 = arith.muli %scan3A_288, %mul3A_470 : i32
      %add3A_472 = arith.constant 5 : i32
      %add3A_473 = arith.addi %mul3A_471, %add3A_472 : i32
      %dma_start3A_474 = arith.constant 0 : i32
      %dma_start3A_475 = arith.constant 0 : i32
      %dma_start3A_476 = tpu.memref_slice %arg9[%dma_start3A_474, %add3A_473, %dma_start3A_475] : memref<2x128x64xf32, #tpu.memory_space<vmem>> -> memref<1x1x64xf32, #tpu.memory_space<vmem>>
      %dma_start3A_477 = tpu.memref_squeeze %dma_start3A_476 : memref<1x1x64xf32, #tpu.memory_space<vmem>> -> memref<64xf32, #tpu.memory_space<vmem>>
      %dma_start3A_478 = arith.constant 0 : i32
      %dma_start3A_479 = tpu.memref_slice %arg4[%squeeze3A_467, %dma_start3A_478] : memref<1000000x64xf32, #tpu.memory_space<hbm>> -> memref<1x64xf32, #tpu.memory_space<hbm>>
      %dma_start3A_480 = tpu.memref_squeeze %dma_start3A_479 : memref<1x64xf32, #tpu.memory_space<hbm>> -> memref<64xf32, #tpu.memory_space<hbm>>
      %dma_start3A_481 = arith.constant 0 : i32
      %dma_start3A_482 = tpu.memref_slice %arg9[%dma_start3A_474, %add3A_473, %dma_start3A_481] : memref<2x128x64xf32, #tpu.memory_space<vmem>> -> memref<1x1x64xf32, #tpu.memory_space<vmem>>
      %dma_start3A_483 = tpu.memref_squeeze %dma_start3A_482 : memref<1x1x64xf32, #tpu.memory_space<vmem>> -> memref<64xf32, #tpu.memory_space<vmem>>
      %dma_start3A_484 = arith.constant 0 : i32
      %dma_start3A_485 = tpu.memref_slice %arg4[%squeeze3A_467, %dma_start3A_484] : memref<1000000x64xf32, #tpu.memory_space<hbm>> -> memref<1x64xf32, #tpu.memory_space<hbm>>
      %dma_start3A_486 = tpu.memref_squeeze %dma_start3A_485 : memref<1x64xf32, #tpu.memory_space<hbm>> -> memref<64xf32, #tpu.memory_space<hbm>>
      tpu.enqueue_dma source(%dma_start3A_486 : memref<64xf32, #tpu.memory_space<hbm>>) target(%dma_start3A_483 : memref<64xf32, #tpu.memory_space<vmem>>) target_semaphore(%arg12 : memref<!tpu.dma_semaphore, #tpu.memory_space<semaphore_mem>>)
      %dma_start3A_487 = arith.constant 0 : i32
      %dma_start3A_488 = arith.constant 0 : i32
      %dma_start3A_489 = tpu.memref_slice %arg10[%dma_start3A_487, %add3A_473, %dma_start3A_488] : memref<2x128x64xf32, #tpu.memory_space<vmem>> -> memref<1x1x64xf32, #tpu.memory_space<vmem>>
      %dma_start3A_490 = tpu.memref_squeeze %dma_start3A_489 : memref<1x1x64xf32, #tpu.memory_space<vmem>> -> memref<64xf32, #tpu.memory_space<vmem>>
      %dma_start3A_491 = arith.constant 0 : i32
      %dma_start3A_492 = tpu.memref_slice %arg5[%squeeze3A_469, %dma_start3A_491] : memref<1000000x64xf32, #tpu.memory_space<hbm>> -> memref<1x64xf32, #tpu.memory_space<hbm>>
      %dma_start3A_493 = tpu.memref_squeeze %dma_start3A_492 : memref<1x64xf32, #tpu.memory_space<hbm>> -> memref<64xf32, #tpu.memory_space<hbm>>
      %dma_start3A_494 = arith.constant 0 : i32
      %dma_start3A_495 = tpu.memref_slice %arg10[%dma_start3A_487, %add3A_473, %dma_start3A_494] : memref<2x128x64xf32, #tpu.memory_space<vmem>> -> memref<1x1x64xf32, #tpu.memory_space<vmem>>
      %dma_start3A_496 = tpu.memref_squeeze %dma_start3A_495 : memref<1x1x64xf32, #tpu.memory_space<vmem>> -> memref<64xf32, #tpu.memory_space<vmem>>
      %dma_start3A_497 = arith.constant 0 : i32
      %dma_start3A_498 = tpu.memref_slice %arg5[%squeeze3A_469, %dma_start3A_497] : memref<1000000x64xf32, #tpu.memory_space<hbm>> -> memref<1x64xf32, #tpu.memory_space<hbm>>
      %dma_start3A_499 = tpu.memref_squeeze %dma_start3A_498 : memref<1x64xf32, #tpu.memory_space<hbm>> -> memref<64xf32, #tpu.memory_space<hbm>>
      tpu.enqueue_dma source(%dma_start3A_499 : memref<64xf32, #tpu.memory_space<hbm>>) target(%dma_start3A_496 : memref<64xf32, #tpu.memory_space<vmem>>) target_semaphore(%arg14 : memref<!tpu.dma_semaphore, #tpu.memory_space<semaphore_mem>>)
      %slice3A_500 = vector.extract_strided_slice %get3A_294 {offsets = [6], sizes = [1], strides = [1]} : vector<16xi32> to vector<1xi32>
      %squeeze3A_501 = vector.extract %slice3A_500[0] : i32 from vector<1xi32>
      %slice3A_502 = vector.extract_strided_slice %get3A_297 {offsets = [6], sizes = [1], strides = [1]} : vector<16xi32> to vector<1xi32>
      %squeeze3A_503 = vector.extract %slice3A_502[0] : i32 from vector<1xi32>
      %mul3A_504 = arith.constant 16 : i32
      %mul3A_505 = arith.muli %scan3A_288, %mul3A_504 : i32
      %add3A_506 = arith.constant 6 : i32
      %add3A_507 = arith.addi %mul3A_505, %add3A_506 : i32
      %dma_start3A_508 = arith.constant 0 : i32
      %dma_start3A_509 = arith.constant 0 : i32
      %dma_start3A_510 = tpu.memref_slice %arg9[%dma_start3A_508, %add3A_507, %dma_start3A_509] : memref<2x128x64xf32, #tpu.memory_space<vmem>> -> memref<1x1x64xf32, #tpu.memory_space<vmem>>
      %dma_start3A_511 = tpu.memref_squeeze %dma_start3A_510 : memref<1x1x64xf32, #tpu.memory_space<vmem>> -> memref<64xf32, #tpu.memory_space<vmem>>
      %dma_start3A_512 = arith.constant 0 : i32
      %dma_start3A_513 = tpu.memref_slice %arg4[%squeeze3A_501, %dma_start3A_512] : memref<1000000x64xf32, #tpu.memory_space<hbm>> -> memref<1x64xf32, #tpu.memory_space<hbm>>
      %dma_start3A_514 = tpu.memref_squeeze %dma_start3A_513 : memref<1x64xf32, #tpu.memory_space<hbm>> -> memref<64xf32, #tpu.memory_space<hbm>>
      %dma_start3A_515 = arith.constant 0 : i32
      %dma_start3A_516 = tpu.memref_slice %arg9[%dma_start3A_508, %add3A_507, %dma_start3A_515] : memref<2x128x64xf32, #tpu.memory_space<vmem>> -> memref<1x1x64xf32, #tpu.memory_space<vmem>>
      %dma_start3A_517 = tpu.memref_squeeze %dma_start3A_516 : memref<1x1x64xf32, #tpu.memory_space<vmem>> -> memref<64xf32, #tpu.memory_space<vmem>>
      %dma_start3A_518 = arith.constant 0 : i32
      %dma_start3A_519 = tpu.memref_slice %arg4[%squeeze3A_501, %dma_start3A_518] : memref<1000000x64xf32, #tpu.memory_space<hbm>> -> memref<1x64xf32, #tpu.memory_space<hbm>>
      %dma_start3A_520 = tpu.memref_squeeze %dma_start3A_519 : memref<1x64xf32, #tpu.memory_space<hbm>> -> memref<64xf32, #tpu.memory_space<hbm>>
      tpu.enqueue_dma source(%dma_start3A_520 : memref<64xf32, #tpu.memory_space<hbm>>) target(%dma_start3A_517 : memref<64xf32, #tpu.memory_space<vmem>>) target_semaphore(%arg12 : memref<!tpu.dma_semaphore, #tpu.memory_space<semaphore_mem>>)
      %dma_start3A_521 = arith.constant 0 : i32
      %dma_start3A_522 = arith.constant 0 : i32
      %dma_start3A_523 = tpu.memref_slice %arg10[%dma_start3A_521, %add3A_507, %dma_start3A_522] : memref<2x128x64xf32, #tpu.memory_space<vmem>> -> memref<1x1x64xf32, #tpu.memory_space<vmem>>
      %dma_start3A_524 = tpu.memref_squeeze %dma_start3A_523 : memref<1x1x64xf32, #tpu.memory_space<vmem>> -> memref<64xf32, #tpu.memory_space<vmem>>
      %dma_start3A_525 = arith.constant 0 : i32
      %dma_start3A_526 = tpu.memref_slice %arg5[%squeeze3A_503, %dma_start3A_525] : memref<1000000x64xf32, #tpu.memory_space<hbm>> -> memref<1x64xf32, #tpu.memory_space<hbm>>
      %dma_start3A_527 = tpu.memref_squeeze %dma_start3A_526 : memref<1x64xf32, #tpu.memory_space<hbm>> -> memref<64xf32, #tpu.memory_space<hbm>>
      %dma_start3A_528 = arith.constant 0 : i32
      %dma_start3A_529 = tpu.memref_slice %arg10[%dma_start3A_521, %add3A_507, %dma_start3A_528] : memref<2x128x64xf32, #tpu.memory_space<vmem>> -> memref<1x1x64xf32, #tpu.memory_space<vmem>>
      %dma_start3A_530 = tpu.memref_squeeze %dma_start3A_529 : memref<1x1x64xf32, #tpu.memory_space<vmem>> -> memref<64xf32, #tpu.memory_space<vmem>>
      %dma_start3A_531 = arith.constant 0 : i32
      %dma_start3A_532 = tpu.memref_slice %arg5[%squeeze3A_503, %dma_start3A_531] : memref<1000000x64xf32, #tpu.memory_space<hbm>> -> memref<1x64xf32, #tpu.memory_space<hbm>>
      %dma_start3A_533 = tpu.memref_squeeze %dma_start3A_532 : memref<1x64xf32, #tpu.memory_space<hbm>> -> memref<64xf32, #tpu.memory_space<hbm>>
      tpu.enqueue_dma source(%dma_start3A_533 : memref<64xf32, #tpu.memory_space<hbm>>) target(%dma_start3A_530 : memref<64xf32, #tpu.memory_space<vmem>>) target_semaphore(%arg14 : memref<!tpu.dma_semaphore, #tpu.memory_space<semaphore_mem>>)
      %slice3A_534 = vector.extract_strided_slice %get3A_294 {offsets = [7], sizes = [1], strides = [1]} : vector<16xi32> to vector<1xi32>
      %squeeze3A_535 = vector.extract %slice3A_534[0] : i32 from vector<1xi32>
      %slice3A_536 = vector.extract_strided_slice %get3A_297 {offsets = [7], sizes = [1], strides = [1]} : vector<16xi32> to vector<1xi32>
      %squeeze3A_537 = vector.extract %slice3A_536[0] : i32 from vector<1xi32>
      %mul3A_538 = arith.constant 16 : i32
      %mul3A_539 = arith.muli %scan3A_288, %mul3A_538 : i32
      %add3A_540 = arith.constant 7 : i32
      %add3A_541 = arith.addi %mul3A_539, %add3A_540 : i32
      %dma_start3A_542 = arith.constant 0 : i32
      %dma_start3A_543 = arith.constant 0 : i32
      %dma_start3A_544 = tpu.memref_slice %arg9[%dma_start3A_542, %add3A_541, %dma_start3A_543] : memref<2x128x64xf32, #tpu.memory_space<vmem>> -> memref<1x1x64xf32, #tpu.memory_space<vmem>>
      %dma_start3A_545 = tpu.memref_squeeze %dma_start3A_544 : memref<1x1x64xf32, #tpu.memory_space<vmem>> -> memref<64xf32, #tpu.memory_space<vmem>>
      %dma_start3A_546 = arith.constant 0 : i32
      %dma_start3A_547 = tpu.memref_slice %arg4[%squeeze3A_535, %dma_start3A_546] : memref<1000000x64xf32, #tpu.memory_space<hbm>> -> memref<1x64xf32, #tpu.memory_space<hbm>>
      %dma_start3A_548 = tpu.memref_squeeze %dma_start3A_547 : memref<1x64xf32, #tpu.memory_space<hbm>> -> memref<64xf32, #tpu.memory_space<hbm>>
      %dma_start3A_549 = arith.constant 0 : i32
      %dma_start3A_550 = tpu.memref_slice %arg9[%dma_start3A_542, %add3A_541, %dma_start3A_549] : memref<2x128x64xf32, #tpu.memory_space<vmem>> -> memref<1x1x64xf32, #tpu.memory_space<vmem>>
      %dma_start3A_551 = tpu.memref_squeeze %dma_start3A_550 : memref<1x1x64xf32, #tpu.memory_space<vmem>> -> memref<64xf32, #tpu.memory_space<vmem>>
      %dma_start3A_552 = arith.constant 0 : i32
      %dma_start3A_553 = tpu.memref_slice %arg4[%squeeze3A_535, %dma_start3A_552] : memref<1000000x64xf32, #tpu.memory_space<hbm>> -> memref<1x64xf32, #tpu.memory_space<hbm>>
      %dma_start3A_554 = tpu.memref_squeeze %dma_start3A_553 : memref<1x64xf32, #tpu.memory_space<hbm>> -> memref<64xf32, #tpu.memory_space<hbm>>
      tpu.enqueue_dma source(%dma_start3A_554 : memref<64xf32, #tpu.memory_space<hbm>>) target(%dma_start3A_551 : memref<64xf32, #tpu.memory_space<vmem>>) target_semaphore(%arg12 : memref<!tpu.dma_semaphore, #tpu.memory_space<semaphore_mem>>)
      %dma_start3A_555 = arith.constant 0 : i32
      %dma_start3A_556 = arith.constant 0 : i32
      %dma_start3A_557 = tpu.memref_slice %arg10[%dma_start3A_555, %add3A_541, %dma_start3A_556] : memref<2x128x64xf32, #tpu.memory_space<vmem>> -> memref<1x1x64xf32, #tpu.memory_space<vmem>>
      %dma_start3A_558 = tpu.memref_squeeze %dma_start3A_557 : memref<1x1x64xf32, #tpu.memory_space<vmem>> -> memref<64xf32, #tpu.memory_space<vmem>>
      %dma_start3A_559 = arith.constant 0 : i32
      %dma_start3A_560 = tpu.memref_slice %arg5[%squeeze3A_537, %dma_start3A_559] : memref<1000000x64xf32, #tpu.memory_space<hbm>> -> memref<1x64xf32, #tpu.memory_space<hbm>>
      %dma_start3A_561 = tpu.memref_squeeze %dma_start3A_560 : memref<1x64xf32, #tpu.memory_space<hbm>> -> memref<64xf32, #tpu.memory_space<hbm>>
      %dma_start3A_562 = arith.constant 0 : i32
      %dma_start3A_563 = tpu.memref_slice %arg10[%dma_start3A_555, %add3A_541, %dma_start3A_562] : memref<2x128x64xf32, #tpu.memory_space<vmem>> -> memref<1x1x64xf32, #tpu.memory_space<vmem>>
      %dma_start3A_564 = tpu.memref_squeeze %dma_start3A_563 : memref<1x1x64xf32, #tpu.memory_space<vmem>> -> memref<64xf32, #tpu.memory_space<vmem>>
      %dma_start3A_565 = arith.constant 0 : i32
      %dma_start3A_566 = tpu.memref_slice %arg5[%squeeze3A_537, %dma_start3A_565] : memref<1000000x64xf32, #tpu.memory_space<hbm>> -> memref<1x64xf32, #tpu.memory_space<hbm>>
      %dma_start3A_567 = tpu.memref_squeeze %dma_start3A_566 : memref<1x64xf32, #tpu.memory_space<hbm>> -> memref<64xf32, #tpu.memory_space<hbm>>
      tpu.enqueue_dma source(%dma_start3A_567 : memref<64xf32, #tpu.memory_space<hbm>>) target(%dma_start3A_564 : memref<64xf32, #tpu.memory_space<vmem>>) target_semaphore(%arg14 : memref<!tpu.dma_semaphore, #tpu.memory_space<semaphore_mem>>)
      %slice3A_568 = vector.extract_strided_slice %get3A_294 {offsets = [8], sizes = [1], strides = [1]} : vector<16xi32> to vector<1xi32>
      %squeeze3A_569 = vector.extract %slice3A_568[0] : i32 from vector<1xi32>
      %slice3A_570 = vector.extract_strided_slice %get3A_297 {offsets = [8], sizes = [1], strides = [1]} : vector<16xi32> to vector<1xi32>
      %squeeze3A_571 = vector.extract %slice3A_570[0] : i32 from vector<1xi32>
      %mul3A_572 = arith.constant 16 : i32
      %mul3A_573 = arith.muli %scan3A_288, %mul3A_572 : i32
      %add3A_574 = arith.constant 8 : i32
      %add3A_575 = arith.addi %mul3A_573, %add3A_574 : i32
      %dma_start3A_576 = arith.constant 0 : i32
      %dma_start3A_577 = arith.constant 0 : i32
      %dma_start3A_578 = tpu.memref_slice %arg9[%dma_start3A_576, %add3A_575, %dma_start3A_577] : memref<2x128x64xf32, #tpu.memory_space<vmem>> -> memref<1x1x64xf32, #tpu.memory_space<vmem>>
      %dma_start3A_579 = tpu.memref_squeeze %dma_start3A_578 : memref<1x1x64xf32, #tpu.memory_space<vmem>> -> memref<64xf32, #tpu.memory_space<vmem>>
      %dma_start3A_580 = arith.constant 0 : i32
      %dma_start3A_581 = tpu.memref_slice %arg4[%squeeze3A_569, %dma_start3A_580] : memref<1000000x64xf32, #tpu.memory_space<hbm>> -> memref<1x64xf32, #tpu.memory_space<hbm>>
      %dma_start3A_582 = tpu.memref_squeeze %dma_start3A_581 : memref<1x64xf32, #tpu.memory_space<hbm>> -> memref<64xf32, #tpu.memory_space<hbm>>
      %dma_start3A_583 = arith.constant 0 : i32
      %dma_start3A_584 = tpu.memref_slice %arg9[%dma_start3A_576, %add3A_575, %dma_start3A_583] : memref<2x128x64xf32, #tpu.memory_space<vmem>> -> memref<1x1x64xf32, #tpu.memory_space<vmem>>
      %dma_start3A_585 = tpu.memref_squeeze %dma_start3A_584 : memref<1x1x64xf32, #tpu.memory_space<vmem>> -> memref<64xf32, #tpu.memory_space<vmem>>
      %dma_start3A_586 = arith.constant 0 : i32
      %dma_start3A_587 = tpu.memref_slice %arg4[%squeeze3A_569, %dma_start3A_586] : memref<1000000x64xf32, #tpu.memory_space<hbm>> -> memref<1x64xf32, #tpu.memory_space<hbm>>
      %dma_start3A_588 = tpu.memref_squeeze %dma_start3A_587 : memref<1x64xf32, #tpu.memory_space<hbm>> -> memref<64xf32, #tpu.memory_space<hbm>>
      tpu.enqueue_dma source(%dma_start3A_588 : memref<64xf32, #tpu.memory_space<hbm>>) target(%dma_start3A_585 : memref<64xf32, #tpu.memory_space<vmem>>) target_semaphore(%arg12 : memref<!tpu.dma_semaphore, #tpu.memory_space<semaphore_mem>>)
      %dma_start3A_589 = arith.constant 0 : i32
      %dma_start3A_590 = arith.constant 0 : i32
      %dma_start3A_591 = tpu.memref_slice %arg10[%dma_start3A_589, %add3A_575, %dma_start3A_590] : memref<2x128x64xf32, #tpu.memory_space<vmem>> -> memref<1x1x64xf32, #tpu.memory_space<vmem>>
      %dma_start3A_592 = tpu.memref_squeeze %dma_start3A_591 : memref<1x1x64xf32, #tpu.memory_space<vmem>> -> memref<64xf32, #tpu.memory_space<vmem>>
      %dma_start3A_593 = arith.constant 0 : i32
      %dma_start3A_594 = tpu.memref_slice %arg5[%squeeze3A_571, %dma_start3A_593] : memref<1000000x64xf32, #tpu.memory_space<hbm>> -> memref<1x64xf32, #tpu.memory_space<hbm>>
      %dma_start3A_595 = tpu.memref_squeeze %dma_start3A_594 : memref<1x64xf32, #tpu.memory_space<hbm>> -> memref<64xf32, #tpu.memory_space<hbm>>
      %dma_start3A_596 = arith.constant 0 : i32
      %dma_start3A_597 = tpu.memref_slice %arg10[%dma_start3A_589, %add3A_575, %dma_start3A_596] : memref<2x128x64xf32, #tpu.memory_space<vmem>> -> memref<1x1x64xf32, #tpu.memory_space<vmem>>
      %dma_start3A_598 = tpu.memref_squeeze %dma_start3A_597 : memref<1x1x64xf32, #tpu.memory_space<vmem>> -> memref<64xf32, #tpu.memory_space<vmem>>
      %dma_start3A_599 = arith.constant 0 : i32
      %dma_start3A_600 = tpu.memref_slice %arg5[%squeeze3A_571, %dma_start3A_599] : memref<1000000x64xf32, #tpu.memory_space<hbm>> -> memref<1x64xf32, #tpu.memory_space<hbm>>
      %dma_start3A_601 = tpu.memref_squeeze %dma_start3A_600 : memref<1x64xf32, #tpu.memory_space<hbm>> -> memref<64xf32, #tpu.memory_space<hbm>>
      tpu.enqueue_dma source(%dma_start3A_601 : memref<64xf32, #tpu.memory_space<hbm>>) target(%dma_start3A_598 : memref<64xf32, #tpu.memory_space<vmem>>) target_semaphore(%arg14 : memref<!tpu.dma_semaphore, #tpu.memory_space<semaphore_mem>>)
      %slice3A_602 = vector.extract_strided_slice %get3A_294 {offsets = [9], sizes = [1], strides = [1]} : vector<16xi32> to vector<1xi32>
      %squeeze3A_603 = vector.extract %slice3A_602[0] : i32 from vector<1xi32>
      %slice3A_604 = vector.extract_strided_slice %get3A_297 {offsets = [9], sizes = [1], strides = [1]} : vector<16xi32> to vector<1xi32>
      %squeeze3A_605 = vector.extract %slice3A_604[0] : i32 from vector<1xi32>
      %mul3A_606 = arith.constant 16 : i32
      %mul3A_607 = arith.muli %scan3A_288, %mul3A_606 : i32
      %add3A_608 = arith.constant 9 : i32
      %add3A_609 = arith.addi %mul3A_607, %add3A_608 : i32
      %dma_start3A_610 = arith.constant 0 : i32
      %dma_start3A_611 = arith.constant 0 : i32
      %dma_start3A_612 = tpu.memref_slice %arg9[%dma_start3A_610, %add3A_609, %dma_start3A_611] : memref<2x128x64xf32, #tpu.memory_space<vmem>> -> memref<1x1x64xf32, #tpu.memory_space<vmem>>
      %dma_start3A_613 = tpu.memref_squeeze %dma_start3A_612 : memref<1x1x64xf32, #tpu.memory_space<vmem>> -> memref<64xf32, #tpu.memory_space<vmem>>
      %dma_start3A_614 = arith.constant 0 : i32
      %dma_start3A_615 = tpu.memref_slice %arg4[%squeeze3A_603, %dma_start3A_614] : memref<1000000x64xf32, #tpu.memory_space<hbm>> -> memref<1x64xf32, #tpu.memory_space<hbm>>
      %dma_start3A_616 = tpu.memref_squeeze %dma_start3A_615 : memref<1x64xf32, #tpu.memory_space<hbm>> -> memref<64xf32, #tpu.memory_space<hbm>>
      %dma_start3A_617 = arith.constant 0 : i32
      %dma_start3A_618 = tpu.memref_slice %arg9[%dma_start3A_610, %add3A_609, %dma_start3A_617] : memref<2x128x64xf32, #tpu.memory_space<vmem>> -> memref<1x1x64xf32, #tpu.memory_space<vmem>>
      %dma_start3A_619 = tpu.memref_squeeze %dma_start3A_618 : memref<1x1x64xf32, #tpu.memory_space<vmem>> -> memref<64xf32, #tpu.memory_space<vmem>>
      %dma_start3A_620 = arith.constant 0 : i32
      %dma_start3A_621 = tpu.memref_slice %arg4[%squeeze3A_603, %dma_start3A_620] : memref<1000000x64xf32, #tpu.memory_space<hbm>> -> memref<1x64xf32, #tpu.memory_space<hbm>>
      %dma_start3A_622 = tpu.memref_squeeze %dma_start3A_621 : memref<1x64xf32, #tpu.memory_space<hbm>> -> memref<64xf32, #tpu.memory_space<hbm>>
      tpu.enqueue_dma source(%dma_start3A_622 : memref<64xf32, #tpu.memory_space<hbm>>) target(%dma_start3A_619 : memref<64xf32, #tpu.memory_space<vmem>>) target_semaphore(%arg12 : memref<!tpu.dma_semaphore, #tpu.memory_space<semaphore_mem>>)
      %dma_start3A_623 = arith.constant 0 : i32
      %dma_start3A_624 = arith.constant 0 : i32
      %dma_start3A_625 = tpu.memref_slice %arg10[%dma_start3A_623, %add3A_609, %dma_start3A_624] : memref<2x128x64xf32, #tpu.memory_space<vmem>> -> memref<1x1x64xf32, #tpu.memory_space<vmem>>
      %dma_start3A_626 = tpu.memref_squeeze %dma_start3A_625 : memref<1x1x64xf32, #tpu.memory_space<vmem>> -> memref<64xf32, #tpu.memory_space<vmem>>
      %dma_start3A_627 = arith.constant 0 : i32
      %dma_start3A_628 = tpu.memref_slice %arg5[%squeeze3A_605, %dma_start3A_627] : memref<1000000x64xf32, #tpu.memory_space<hbm>> -> memref<1x64xf32, #tpu.memory_space<hbm>>
      %dma_start3A_629 = tpu.memref_squeeze %dma_start3A_628 : memref<1x64xf32, #tpu.memory_space<hbm>> -> memref<64xf32, #tpu.memory_space<hbm>>
      %dma_start3A_630 = arith.constant 0 : i32
      %dma_start3A_631 = tpu.memref_slice %arg10[%dma_start3A_623, %add3A_609, %dma_start3A_630] : memref<2x128x64xf32, #tpu.memory_space<vmem>> -> memref<1x1x64xf32, #tpu.memory_space<vmem>>
      %dma_start3A_632 = tpu.memref_squeeze %dma_start3A_631 : memref<1x1x64xf32, #tpu.memory_space<vmem>> -> memref<64xf32, #tpu.memory_space<vmem>>
      %dma_start3A_633 = arith.constant 0 : i32
      %dma_start3A_634 = tpu.memref_slice %arg5[%squeeze3A_605, %dma_start3A_633] : memref<1000000x64xf32, #tpu.memory_space<hbm>> -> memref<1x64xf32, #tpu.memory_space<hbm>>
      %dma_start3A_635 = tpu.memref_squeeze %dma_start3A_634 : memref<1x64xf32, #tpu.memory_space<hbm>> -> memref<64xf32, #tpu.memory_space<hbm>>
      tpu.enqueue_dma source(%dma_start3A_635 : memref<64xf32, #tpu.memory_space<hbm>>) target(%dma_start3A_632 : memref<64xf32, #tpu.memory_space<vmem>>) target_semaphore(%arg14 : memref<!tpu.dma_semaphore, #tpu.memory_space<semaphore_mem>>)
      %slice3A_636 = vector.extract_strided_slice %get3A_294 {offsets = [10], sizes = [1], strides = [1]} : vector<16xi32> to vector<1xi32>
      %squeeze3A_637 = vector.extract %slice3A_636[0] : i32 from vector<1xi32>
      %slice3A_638 = vector.extract_strided_slice %get3A_297 {offsets = [10], sizes = [1], strides = [1]} : vector<16xi32> to vector<1xi32>
      %squeeze3A_639 = vector.extract %slice3A_638[0] : i32 from vector<1xi32>
      %mul3A_640 = arith.constant 16 : i32
      %mul3A_641 = arith.muli %scan3A_288, %mul3A_640 : i32
      %add3A_642 = arith.constant 10 : i32
      %add3A_643 = arith.addi %mul3A_641, %add3A_642 : i32
      %dma_start3A_644 = arith.constant 0 : i32
      %dma_start3A_645 = arith.constant 0 : i32
      %dma_start3A_646 = tpu.memref_slice %arg9[%dma_start3A_644, %add3A_643, %dma_start3A_645] : memref<2x128x64xf32, #tpu.memory_space<vmem>> -> memref<1x1x64xf32, #tpu.memory_space<vmem>>
      %dma_start3A_647 = tpu.memref_squeeze %dma_start3A_646 : memref<1x1x64xf32, #tpu.memory_space<vmem>> -> memref<64xf32, #tpu.memory_space<vmem>>
      %dma_start3A_648 = arith.constant 0 : i32
      %dma_start3A_649 = tpu.memref_slice %arg4[%squeeze3A_637, %dma_start3A_648] : memref<1000000x64xf32, #tpu.memory_space<hbm>> -> memref<1x64xf32, #tpu.memory_space<hbm>>
      %dma_start3A_650 = tpu.memref_squeeze %dma_start3A_649 : memref<1x64xf32, #tpu.memory_space<hbm>> -> memref<64xf32, #tpu.memory_space<hbm>>
      %dma_start3A_651 = arith.constant 0 : i32
      %dma_start3A_652 = tpu.memref_slice %arg9[%dma_start3A_644, %add3A_643, %dma_start3A_651] : memref<2x128x64xf32, #tpu.memory_space<vmem>> -> memref<1x1x64xf32, #tpu.memory_space<vmem>>
      %dma_start3A_653 = tpu.memref_squeeze %dma_start3A_652 : memref<1x1x64xf32, #tpu.memory_space<vmem>> -> memref<64xf32, #tpu.memory_space<vmem>>
      %dma_start3A_654 = arith.constant 0 : i32
      %dma_start3A_655 = tpu.memref_slice %arg4[%squeeze3A_637, %dma_start3A_654] : memref<1000000x64xf32, #tpu.memory_space<hbm>> -> memref<1x64xf32, #tpu.memory_space<hbm>>
      %dma_start3A_656 = tpu.memref_squeeze %dma_start3A_655 : memref<1x64xf32, #tpu.memory_space<hbm>> -> memref<64xf32, #tpu.memory_space<hbm>>
      tpu.enqueue_dma source(%dma_start3A_656 : memref<64xf32, #tpu.memory_space<hbm>>) target(%dma_start3A_653 : memref<64xf32, #tpu.memory_space<vmem>>) target_semaphore(%arg12 : memref<!tpu.dma_semaphore, #tpu.memory_space<semaphore_mem>>)
      %dma_start3A_657 = arith.constant 0 : i32
      %dma_start3A_658 = arith.constant 0 : i32
      %dma_start3A_659 = tpu.memref_slice %arg10[%dma_start3A_657, %add3A_643, %dma_start3A_658] : memref<2x128x64xf32, #tpu.memory_space<vmem>> -> memref<1x1x64xf32, #tpu.memory_space<vmem>>
      %dma_start3A_660 = tpu.memref_squeeze %dma_start3A_659 : memref<1x1x64xf32, #tpu.memory_space<vmem>> -> memref<64xf32, #tpu.memory_space<vmem>>
      %dma_start3A_661 = arith.constant 0 : i32
      %dma_start3A_662 = tpu.memref_slice %arg5[%squeeze3A_639, %dma_start3A_661] : memref<1000000x64xf32, #tpu.memory_space<hbm>> -> memref<1x64xf32, #tpu.memory_space<hbm>>
      %dma_start3A_663 = tpu.memref_squeeze %dma_start3A_662 : memref<1x64xf32, #tpu.memory_space<hbm>> -> memref<64xf32, #tpu.memory_space<hbm>>
      %dma_start3A_664 = arith.constant 0 : i32
      %dma_start3A_665 = tpu.memref_slice %arg10[%dma_start3A_657, %add3A_643, %dma_start3A_664] : memref<2x128x64xf32, #tpu.memory_space<vmem>> -> memref<1x1x64xf32, #tpu.memory_space<vmem>>
      %dma_start3A_666 = tpu.memref_squeeze %dma_start3A_665 : memref<1x1x64xf32, #tpu.memory_space<vmem>> -> memref<64xf32, #tpu.memory_space<vmem>>
      %dma_start3A_667 = arith.constant 0 : i32
      %dma_start3A_668 = tpu.memref_slice %arg5[%squeeze3A_639, %dma_start3A_667] : memref<1000000x64xf32, #tpu.memory_space<hbm>> -> memref<1x64xf32, #tpu.memory_space<hbm>>
      %dma_start3A_669 = tpu.memref_squeeze %dma_start3A_668 : memref<1x64xf32, #tpu.memory_space<hbm>> -> memref<64xf32, #tpu.memory_space<hbm>>
      tpu.enqueue_dma source(%dma_start3A_669 : memref<64xf32, #tpu.memory_space<hbm>>) target(%dma_start3A_666 : memref<64xf32, #tpu.memory_space<vmem>>) target_semaphore(%arg14 : memref<!tpu.dma_semaphore, #tpu.memory_space<semaphore_mem>>)
      %slice3A_670 = vector.extract_strided_slice %get3A_294 {offsets = [11], sizes = [1], strides = [1]} : vector<16xi32> to vector<1xi32>
      %squeeze3A_671 = vector.extract %slice3A_670[0] : i32 from vector<1xi32>
      %slice3A_672 = vector.extract_strided_slice %get3A_297 {offsets = [11], sizes = [1], strides = [1]} : vector<16xi32> to vector<1xi32>
      %squeeze3A_673 = vector.extract %slice3A_672[0] : i32 from vector<1xi32>
      %mul3A_674 = arith.constant 16 : i32
      %mul3A_675 = arith.muli %scan3A_288, %mul3A_674 : i32
      %add3A_676 = arith.constant 11 : i32
      %add3A_677 = arith.addi %mul3A_675, %add3A_676 : i32
      %dma_start3A_678 = arith.constant 0 : i32
      %dma_start3A_679 = arith.constant 0 : i32
      %dma_start3A_680 = tpu.memref_slice %arg9[%dma_start3A_678, %add3A_677, %dma_start3A_679] : memref<2x128x64xf32, #tpu.memory_space<vmem>> -> memref<1x1x64xf32, #tpu.memory_space<vmem>>
      %dma_start3A_681 = tpu.memref_squeeze %dma_start3A_680 : memref<1x1x64xf32, #tpu.memory_space<vmem>> -> memref<64xf32, #tpu.memory_space<vmem>>
      %dma_start3A_682 = arith.constant 0 : i32
      %dma_start3A_683 = tpu.memref_slice %arg4[%squeeze3A_671, %dma_start3A_682] : memref<1000000x64xf32, #tpu.memory_space<hbm>> -> memref<1x64xf32, #tpu.memory_space<hbm>>
      %dma_start3A_684 = tpu.memref_squeeze %dma_start3A_683 : memref<1x64xf32, #tpu.memory_space<hbm>> -> memref<64xf32, #tpu.memory_space<hbm>>
      %dma_start3A_685 = arith.constant 0 : i32
      %dma_start3A_686 = tpu.memref_slice %arg9[%dma_start3A_678, %add3A_677, %dma_start3A_685] : memref<2x128x64xf32, #tpu.memory_space<vmem>> -> memref<1x1x64xf32, #tpu.memory_space<vmem>>
      %dma_start3A_687 = tpu.memref_squeeze %dma_start3A_686 : memref<1x1x64xf32, #tpu.memory_space<vmem>> -> memref<64xf32, #tpu.memory_space<vmem>>
      %dma_start3A_688 = arith.constant 0 : i32
      %dma_start3A_689 = tpu.memref_slice %arg4[%squeeze3A_671, %dma_start3A_688] : memref<1000000x64xf32, #tpu.memory_space<hbm>> -> memref<1x64xf32, #tpu.memory_space<hbm>>
      %dma_start3A_690 = tpu.memref_squeeze %dma_start3A_689 : memref<1x64xf32, #tpu.memory_space<hbm>> -> memref<64xf32, #tpu.memory_space<hbm>>
      tpu.enqueue_dma source(%dma_start3A_690 : memref<64xf32, #tpu.memory_space<hbm>>) target(%dma_start3A_687 : memref<64xf32, #tpu.memory_space<vmem>>) target_semaphore(%arg12 : memref<!tpu.dma_semaphore, #tpu.memory_space<semaphore_mem>>)
      %dma_start3A_691 = arith.constant 0 : i32
      %dma_start3A_692 = arith.constant 0 : i32
      %dma_start3A_693 = tpu.memref_slice %arg10[%dma_start3A_691, %add3A_677, %dma_start3A_692] : memref<2x128x64xf32, #tpu.memory_space<vmem>> -> memref<1x1x64xf32, #tpu.memory_space<vmem>>
      %dma_start3A_694 = tpu.memref_squeeze %dma_start3A_693 : memref<1x1x64xf32, #tpu.memory_space<vmem>> -> memref<64xf32, #tpu.memory_space<vmem>>
      %dma_start3A_695 = arith.constant 0 : i32
      %dma_start3A_696 = tpu.memref_slice %arg5[%squeeze3A_673, %dma_start3A_695] : memref<1000000x64xf32, #tpu.memory_space<hbm>> -> memref<1x64xf32, #tpu.memory_space<hbm>>
      %dma_start3A_697 = tpu.memref_squeeze %dma_start3A_696 : memref<1x64xf32, #tpu.memory_space<hbm>> -> memref<64xf32, #tpu.memory_space<hbm>>
      %dma_start3A_698 = arith.constant 0 : i32
      %dma_start3A_699 = tpu.memref_slice %arg10[%dma_start3A_691, %add3A_677, %dma_start3A_698] : memref<2x128x64xf32, #tpu.memory_space<vmem>> -> memref<1x1x64xf32, #tpu.memory_space<vmem>>
      %dma_start3A_700 = tpu.memref_squeeze %dma_start3A_699 : memref<1x1x64xf32, #tpu.memory_space<vmem>> -> memref<64xf32, #tpu.memory_space<vmem>>
      %dma_start3A_701 = arith.constant 0 : i32
      %dma_start3A_702 = tpu.memref_slice %arg5[%squeeze3A_673, %dma_start3A_701] : memref<1000000x64xf32, #tpu.memory_space<hbm>> -> memref<1x64xf32, #tpu.memory_space<hbm>>
      %dma_start3A_703 = tpu.memref_squeeze %dma_start3A_702 : memref<1x64xf32, #tpu.memory_space<hbm>> -> memref<64xf32, #tpu.memory_space<hbm>>
      tpu.enqueue_dma source(%dma_start3A_703 : memref<64xf32, #tpu.memory_space<hbm>>) target(%dma_start3A_700 : memref<64xf32, #tpu.memory_space<vmem>>) target_semaphore(%arg14 : memref<!tpu.dma_semaphore, #tpu.memory_space<semaphore_mem>>)
      %slice3A_704 = vector.extract_strided_slice %get3A_294 {offsets = [12], sizes = [1], strides = [1]} : vector<16xi32> to vector<1xi32>
      %squeeze3A_705 = vector.extract %slice3A_704[0] : i32 from vector<1xi32>
      %slice3A_706 = vector.extract_strided_slice %get3A_297 {offsets = [12], sizes = [1], strides = [1]} : vector<16xi32> to vector<1xi32>
      %squeeze3A_707 = vector.extract %slice3A_706[0] : i32 from vector<1xi32>
      %mul3A_708 = arith.constant 16 : i32
      %mul3A_709 = arith.muli %scan3A_288, %mul3A_708 : i32
      %add3A_710 = arith.constant 12 : i32
      %add3A_711 = arith.addi %mul3A_709, %add3A_710 : i32
      %dma_start3A_712 = arith.constant 0 : i32
      %dma_start3A_713 = arith.constant 0 : i32
      %dma_start3A_714 = tpu.memref_slice %arg9[%dma_start3A_712, %add3A_711, %dma_start3A_713] : memref<2x128x64xf32, #tpu.memory_space<vmem>> -> memref<1x1x64xf32, #tpu.memory_space<vmem>>
      %dma_start3A_715 = tpu.memref_squeeze %dma_start3A_714 : memref<1x1x64xf32, #tpu.memory_space<vmem>> -> memref<64xf32, #tpu.memory_space<vmem>>
      %dma_start3A_716 = arith.constant 0 : i32
      %dma_start3A_717 = tpu.memref_slice %arg4[%squeeze3A_705, %dma_start3A_716] : memref<1000000x64xf32, #tpu.memory_space<hbm>> -> memref<1x64xf32, #tpu.memory_space<hbm>>
      %dma_start3A_718 = tpu.memref_squeeze %dma_start3A_717 : memref<1x64xf32, #tpu.memory_space<hbm>> -> memref<64xf32, #tpu.memory_space<hbm>>
      %dma_start3A_719 = arith.constant 0 : i32
      %dma_start3A_720 = tpu.memref_slice %arg9[%dma_start3A_712, %add3A_711, %dma_start3A_719] : memref<2x128x64xf32, #tpu.memory_space<vmem>> -> memref<1x1x64xf32, #tpu.memory_space<vmem>>
      %dma_start3A_721 = tpu.memref_squeeze %dma_start3A_720 : memref<1x1x64xf32, #tpu.memory_space<vmem>> -> memref<64xf32, #tpu.memory_space<vmem>>
      %dma_start3A_722 = arith.constant 0 : i32
      %dma_start3A_723 = tpu.memref_slice %arg4[%squeeze3A_705, %dma_start3A_722] : memref<1000000x64xf32, #tpu.memory_space<hbm>> -> memref<1x64xf32, #tpu.memory_space<hbm>>
      %dma_start3A_724 = tpu.memref_squeeze %dma_start3A_723 : memref<1x64xf32, #tpu.memory_space<hbm>> -> memref<64xf32, #tpu.memory_space<hbm>>
      tpu.enqueue_dma source(%dma_start3A_724 : memref<64xf32, #tpu.memory_space<hbm>>) target(%dma_start3A_721 : memref<64xf32, #tpu.memory_space<vmem>>) target_semaphore(%arg12 : memref<!tpu.dma_semaphore, #tpu.memory_space<semaphore_mem>>)
      %dma_start3A_725 = arith.constant 0 : i32
      %dma_start3A_726 = arith.constant 0 : i32
      %dma_start3A_727 = tpu.memref_slice %arg10[%dma_start3A_725, %add3A_711, %dma_start3A_726] : memref<2x128x64xf32, #tpu.memory_space<vmem>> -> memref<1x1x64xf32, #tpu.memory_space<vmem>>
      %dma_start3A_728 = tpu.memref_squeeze %dma_start3A_727 : memref<1x1x64xf32, #tpu.memory_space<vmem>> -> memref<64xf32, #tpu.memory_space<vmem>>
      %dma_start3A_729 = arith.constant 0 : i32
      %dma_start3A_730 = tpu.memref_slice %arg5[%squeeze3A_707, %dma_start3A_729] : memref<1000000x64xf32, #tpu.memory_space<hbm>> -> memref<1x64xf32, #tpu.memory_space<hbm>>
      %dma_start3A_731 = tpu.memref_squeeze %dma_start3A_730 : memref<1x64xf32, #tpu.memory_space<hbm>> -> memref<64xf32, #tpu.memory_space<hbm>>
      %dma_start3A_732 = arith.constant 0 : i32
      %dma_start3A_733 = tpu.memref_slice %arg10[%dma_start3A_725, %add3A_711, %dma_start3A_732] : memref<2x128x64xf32, #tpu.memory_space<vmem>> -> memref<1x1x64xf32, #tpu.memory_space<vmem>>
      %dma_start3A_734 = tpu.memref_squeeze %dma_start3A_733 : memref<1x1x64xf32, #tpu.memory_space<vmem>> -> memref<64xf32, #tpu.memory_space<vmem>>
      %dma_start3A_735 = arith.constant 0 : i32
      %dma_start3A_736 = tpu.memref_slice %arg5[%squeeze3A_707, %dma_start3A_735] : memref<1000000x64xf32, #tpu.memory_space<hbm>> -> memref<1x64xf32, #tpu.memory_space<hbm>>
      %dma_start3A_737 = tpu.memref_squeeze %dma_start3A_736 : memref<1x64xf32, #tpu.memory_space<hbm>> -> memref<64xf32, #tpu.memory_space<hbm>>
      tpu.enqueue_dma source(%dma_start3A_737 : memref<64xf32, #tpu.memory_space<hbm>>) target(%dma_start3A_734 : memref<64xf32, #tpu.memory_space<vmem>>) target_semaphore(%arg14 : memref<!tpu.dma_semaphore, #tpu.memory_space<semaphore_mem>>)
      %slice3A_738 = vector.extract_strided_slice %get3A_294 {offsets = [13], sizes = [1], strides = [1]} : vector<16xi32> to vector<1xi32>
      %squeeze3A_739 = vector.extract %slice3A_738[0] : i32 from vector<1xi32>
      %slice3A_740 = vector.extract_strided_slice %get3A_297 {offsets = [13], sizes = [1], strides = [1]} : vector<16xi32> to vector<1xi32>
      %squeeze3A_741 = vector.extract %slice3A_740[0] : i32 from vector<1xi32>
      %mul3A_742 = arith.constant 16 : i32
      %mul3A_743 = arith.muli %scan3A_288, %mul3A_742 : i32
      %add3A_744 = arith.constant 13 : i32
      %add3A_745 = arith.addi %mul3A_743, %add3A_744 : i32
      %dma_start3A_746 = arith.constant 0 : i32
      %dma_start3A_747 = arith.constant 0 : i32
      %dma_start3A_748 = tpu.memref_slice %arg9[%dma_start3A_746, %add3A_745, %dma_start3A_747] : memref<2x128x64xf32, #tpu.memory_space<vmem>> -> memref<1x1x64xf32, #tpu.memory_space<vmem>>
      %dma_start3A_749 = tpu.memref_squeeze %dma_start3A_748 : memref<1x1x64xf32, #tpu.memory_space<vmem>> -> memref<64xf32, #tpu.memory_space<vmem>>
      %dma_start3A_750 = arith.constant 0 : i32
      %dma_start3A_751 = tpu.memref_slice %arg4[%squeeze3A_739, %dma_start3A_750] : memref<1000000x64xf32, #tpu.memory_space<hbm>> -> memref<1x64xf32, #tpu.memory_space<hbm>>
      %dma_start3A_752 = tpu.memref_squeeze %dma_start3A_751 : memref<1x64xf32, #tpu.memory_space<hbm>> -> memref<64xf32, #tpu.memory_space<hbm>>
      %dma_start3A_753 = arith.constant 0 : i32
      %dma_start3A_754 = tpu.memref_slice %arg9[%dma_start3A_746, %add3A_745, %dma_start3A_753] : memref<2x128x64xf32, #tpu.memory_space<vmem>> -> memref<1x1x64xf32, #tpu.memory_space<vmem>>
      %dma_start3A_755 = tpu.memref_squeeze %dma_start3A_754 : memref<1x1x64xf32, #tpu.memory_space<vmem>> -> memref<64xf32, #tpu.memory_space<vmem>>
      %dma_start3A_756 = arith.constant 0 : i32
      %dma_start3A_757 = tpu.memref_slice %arg4[%squeeze3A_739, %dma_start3A_756] : memref<1000000x64xf32, #tpu.memory_space<hbm>> -> memref<1x64xf32, #tpu.memory_space<hbm>>
      %dma_start3A_758 = tpu.memref_squeeze %dma_start3A_757 : memref<1x64xf32, #tpu.memory_space<hbm>> -> memref<64xf32, #tpu.memory_space<hbm>>
      tpu.enqueue_dma source(%dma_start3A_758 : memref<64xf32, #tpu.memory_space<hbm>>) target(%dma_start3A_755 : memref<64xf32, #tpu.memory_space<vmem>>) target_semaphore(%arg12 : memref<!tpu.dma_semaphore, #tpu.memory_space<semaphore_mem>>)
      %dma_start3A_759 = arith.constant 0 : i32
      %dma_start3A_760 = arith.constant 0 : i32
      %dma_start3A_761 = tpu.memref_slice %arg10[%dma_start3A_759, %add3A_745, %dma_start3A_760] : memref<2x128x64xf32, #tpu.memory_space<vmem>> -> memref<1x1x64xf32, #tpu.memory_space<vmem>>
      %dma_start3A_762 = tpu.memref_squeeze %dma_start3A_761 : memref<1x1x64xf32, #tpu.memory_space<vmem>> -> memref<64xf32, #tpu.memory_space<vmem>>
      %dma_start3A_763 = arith.constant 0 : i32
      %dma_start3A_764 = tpu.memref_slice %arg5[%squeeze3A_741, %dma_start3A_763] : memref<1000000x64xf32, #tpu.memory_space<hbm>> -> memref<1x64xf32, #tpu.memory_space<hbm>>
      %dma_start3A_765 = tpu.memref_squeeze %dma_start3A_764 : memref<1x64xf32, #tpu.memory_space<hbm>> -> memref<64xf32, #tpu.memory_space<hbm>>
      %dma_start3A_766 = arith.constant 0 : i32
      %dma_start3A_767 = tpu.memref_slice %arg10[%dma_start3A_759, %add3A_745, %dma_start3A_766] : memref<2x128x64xf32, #tpu.memory_space<vmem>> -> memref<1x1x64xf32, #tpu.memory_space<vmem>>
      %dma_start3A_768 = tpu.memref_squeeze %dma_start3A_767 : memref<1x1x64xf32, #tpu.memory_space<vmem>> -> memref<64xf32, #tpu.memory_space<vmem>>
      %dma_start3A_769 = arith.constant 0 : i32
      %dma_start3A_770 = tpu.memref_slice %arg5[%squeeze3A_741, %dma_start3A_769] : memref<1000000x64xf32, #tpu.memory_space<hbm>> -> memref<1x64xf32, #tpu.memory_space<hbm>>
      %dma_start3A_771 = tpu.memref_squeeze %dma_start3A_770 : memref<1x64xf32, #tpu.memory_space<hbm>> -> memref<64xf32, #tpu.memory_space<hbm>>
      tpu.enqueue_dma source(%dma_start3A_771 : memref<64xf32, #tpu.memory_space<hbm>>) target(%dma_start3A_768 : memref<64xf32, #tpu.memory_space<vmem>>) target_semaphore(%arg14 : memref<!tpu.dma_semaphore, #tpu.memory_space<semaphore_mem>>)
      %slice3A_772 = vector.extract_strided_slice %get3A_294 {offsets = [14], sizes = [1], strides = [1]} : vector<16xi32> to vector<1xi32>
      %squeeze3A_773 = vector.extract %slice3A_772[0] : i32 from vector<1xi32>
      %slice3A_774 = vector.extract_strided_slice %get3A_297 {offsets = [14], sizes = [1], strides = [1]} : vector<16xi32> to vector<1xi32>
      %squeeze3A_775 = vector.extract %slice3A_774[0] : i32 from vector<1xi32>
      %mul3A_776 = arith.constant 16 : i32
      %mul3A_777 = arith.muli %scan3A_288, %mul3A_776 : i32
      %add3A_778 = arith.constant 14 : i32
      %add3A_779 = arith.addi %mul3A_777, %add3A_778 : i32
      %dma_start3A_780 = arith.constant 0 : i32
      %dma_start3A_781 = arith.constant 0 : i32
      %dma_start3A_782 = tpu.memref_slice %arg9[%dma_start3A_780, %add3A_779, %dma_start3A_781] : memref<2x128x64xf32, #tpu.memory_space<vmem>> -> memref<1x1x64xf32, #tpu.memory_space<vmem>>
      %dma_start3A_783 = tpu.memref_squeeze %dma_start3A_782 : memref<1x1x64xf32, #tpu.memory_space<vmem>> -> memref<64xf32, #tpu.memory_space<vmem>>
      %dma_start3A_784 = arith.constant 0 : i32
      %dma_start3A_785 = tpu.memref_slice %arg4[%squeeze3A_773, %dma_start3A_784] : memref<1000000x64xf32, #tpu.memory_space<hbm>> -> memref<1x64xf32, #tpu.memory_space<hbm>>
      %dma_start3A_786 = tpu.memref_squeeze %dma_start3A_785 : memref<1x64xf32, #tpu.memory_space<hbm>> -> memref<64xf32, #tpu.memory_space<hbm>>
      %dma_start3A_787 = arith.constant 0 : i32
      %dma_start3A_788 = tpu.memref_slice %arg9[%dma_start3A_780, %add3A_779, %dma_start3A_787] : memref<2x128x64xf32, #tpu.memory_space<vmem>> -> memref<1x1x64xf32, #tpu.memory_space<vmem>>
      %dma_start3A_789 = tpu.memref_squeeze %dma_start3A_788 : memref<1x1x64xf32, #tpu.memory_space<vmem>> -> memref<64xf32, #tpu.memory_space<vmem>>
      %dma_start3A_790 = arith.constant 0 : i32
      %dma_start3A_791 = tpu.memref_slice %arg4[%squeeze3A_773, %dma_start3A_790] : memref<1000000x64xf32, #tpu.memory_space<hbm>> -> memref<1x64xf32, #tpu.memory_space<hbm>>
      %dma_start3A_792 = tpu.memref_squeeze %dma_start3A_791 : memref<1x64xf32, #tpu.memory_space<hbm>> -> memref<64xf32, #tpu.memory_space<hbm>>
      tpu.enqueue_dma source(%dma_start3A_792 : memref<64xf32, #tpu.memory_space<hbm>>) target(%dma_start3A_789 : memref<64xf32, #tpu.memory_space<vmem>>) target_semaphore(%arg12 : memref<!tpu.dma_semaphore, #tpu.memory_space<semaphore_mem>>)
      %dma_start3A_793 = arith.constant 0 : i32
      %dma_start3A_794 = arith.constant 0 : i32
      %dma_start3A_795 = tpu.memref_slice %arg10[%dma_start3A_793, %add3A_779, %dma_start3A_794] : memref<2x128x64xf32, #tpu.memory_space<vmem>> -> memref<1x1x64xf32, #tpu.memory_space<vmem>>
      %dma_start3A_796 = tpu.memref_squeeze %dma_start3A_795 : memref<1x1x64xf32, #tpu.memory_space<vmem>> -> memref<64xf32, #tpu.memory_space<vmem>>
      %dma_start3A_797 = arith.constant 0 : i32
      %dma_start3A_798 = tpu.memref_slice %arg5[%squeeze3A_775, %dma_start3A_797] : memref<1000000x64xf32, #tpu.memory_space<hbm>> -> memref<1x64xf32, #tpu.memory_space<hbm>>
      %dma_start3A_799 = tpu.memref_squeeze %dma_start3A_798 : memref<1x64xf32, #tpu.memory_space<hbm>> -> memref<64xf32, #tpu.memory_space<hbm>>
      %dma_start3A_800 = arith.constant 0 : i32
      %dma_start3A_801 = tpu.memref_slice %arg10[%dma_start3A_793, %add3A_779, %dma_start3A_800] : memref<2x128x64xf32, #tpu.memory_space<vmem>> -> memref<1x1x64xf32, #tpu.memory_space<vmem>>
      %dma_start3A_802 = tpu.memref_squeeze %dma_start3A_801 : memref<1x1x64xf32, #tpu.memory_space<vmem>> -> memref<64xf32, #tpu.memory_space<vmem>>
      %dma_start3A_803 = arith.constant 0 : i32
      %dma_start3A_804 = tpu.memref_slice %arg5[%squeeze3A_775, %dma_start3A_803] : memref<1000000x64xf32, #tpu.memory_space<hbm>> -> memref<1x64xf32, #tpu.memory_space<hbm>>
      %dma_start3A_805 = tpu.memref_squeeze %dma_start3A_804 : memref<1x64xf32, #tpu.memory_space<hbm>> -> memref<64xf32, #tpu.memory_space<hbm>>
      tpu.enqueue_dma source(%dma_start3A_805 : memref<64xf32, #tpu.memory_space<hbm>>) target(%dma_start3A_802 : memref<64xf32, #tpu.memory_space<vmem>>) target_semaphore(%arg14 : memref<!tpu.dma_semaphore, #tpu.memory_space<semaphore_mem>>)
      %slice3A_806 = vector.extract_strided_slice %get3A_294 {offsets = [15], sizes = [1], strides = [1]} : vector<16xi32> to vector<1xi32>
      %squeeze3A_807 = vector.extract %slice3A_806[0] : i32 from vector<1xi32>
      %slice3A_808 = vector.extract_strided_slice %get3A_297 {offsets = [15], sizes = [1], strides = [1]} : vector<16xi32> to vector<1xi32>
      %squeeze3A_809 = vector.extract %slice3A_808[0] : i32 from vector<1xi32>
      %mul3A_810 = arith.constant 16 : i32
      %mul3A_811 = arith.muli %scan3A_288, %mul3A_810 : i32
      %add3A_812 = arith.constant 15 : i32
      %add3A_813 = arith.addi %mul3A_811, %add3A_812 : i32
      %dma_start3A_814 = arith.constant 0 : i32
      %dma_start3A_815 = arith.constant 0 : i32
      %dma_start3A_816 = tpu.memref_slice %arg9[%dma_start3A_814, %add3A_813, %dma_start3A_815] : memref<2x128x64xf32, #tpu.memory_space<vmem>> -> memref<1x1x64xf32, #tpu.memory_space<vmem>>
      %dma_start3A_817 = tpu.memref_squeeze %dma_start3A_816 : memref<1x1x64xf32, #tpu.memory_space<vmem>> -> memref<64xf32, #tpu.memory_space<vmem>>
      %dma_start3A_818 = arith.constant 0 : i32
      %dma_start3A_819 = tpu.memref_slice %arg4[%squeeze3A_807, %dma_start3A_818] : memref<1000000x64xf32, #tpu.memory_space<hbm>> -> memref<1x64xf32, #tpu.memory_space<hbm>>
      %dma_start3A_820 = tpu.memref_squeeze %dma_start3A_819 : memref<1x64xf32, #tpu.memory_space<hbm>> -> memref<64xf32, #tpu.memory_space<hbm>>
      %dma_start3A_821 = arith.constant 0 : i32
      %dma_start3A_822 = tpu.memref_slice %arg9[%dma_start3A_814, %add3A_813, %dma_start3A_821] : memref<2x128x64xf32, #tpu.memory_space<vmem>> -> memref<1x1x64xf32, #tpu.memory_space<vmem>>
      %dma_start3A_823 = tpu.memref_squeeze %dma_start3A_822 : memref<1x1x64xf32, #tpu.memory_space<vmem>> -> memref<64xf32, #tpu.memory_space<vmem>>
      %dma_start3A_824 = arith.constant 0 : i32
      %dma_start3A_825 = tpu.memref_slice %arg4[%squeeze3A_807, %dma_start3A_824] : memref<1000000x64xf32, #tpu.memory_space<hbm>> -> memref<1x64xf32, #tpu.memory_space<hbm>>
      %dma_start3A_826 = tpu.memref_squeeze %dma_start3A_825 : memref<1x64xf32, #tpu.memory_space<hbm>> -> memref<64xf32, #tpu.memory_space<hbm>>
      tpu.enqueue_dma source(%dma_start3A_826 : memref<64xf32, #tpu.memory_space<hbm>>) target(%dma_start3A_823 : memref<64xf32, #tpu.memory_space<vmem>>) target_semaphore(%arg12 : memref<!tpu.dma_semaphore, #tpu.memory_space<semaphore_mem>>)
      %dma_start3A_827 = arith.constant 0 : i32
      %dma_start3A_828 = arith.constant 0 : i32
      %dma_start3A_829 = tpu.memref_slice %arg10[%dma_start3A_827, %add3A_813, %dma_start3A_828] : memref<2x128x64xf32, #tpu.memory_space<vmem>> -> memref<1x1x64xf32, #tpu.memory_space<vmem>>
      %dma_start3A_830 = tpu.memref_squeeze %dma_start3A_829 : memref<1x1x64xf32, #tpu.memory_space<vmem>> -> memref<64xf32, #tpu.memory_space<vmem>>
      %dma_start3A_831 = arith.constant 0 : i32
      %dma_start3A_832 = tpu.memref_slice %arg5[%squeeze3A_809, %dma_start3A_831] : memref<1000000x64xf32, #tpu.memory_space<hbm>> -> memref<1x64xf32, #tpu.memory_space<hbm>>
      %dma_start3A_833 = tpu.memref_squeeze %dma_start3A_832 : memref<1x64xf32, #tpu.memory_space<hbm>> -> memref<64xf32, #tpu.memory_space<hbm>>
      %dma_start3A_834 = arith.constant 0 : i32
      %dma_start3A_835 = tpu.memref_slice %arg10[%dma_start3A_827, %add3A_813, %dma_start3A_834] : memref<2x128x64xf32, #tpu.memory_space<vmem>> -> memref<1x1x64xf32, #tpu.memory_space<vmem>>
      %dma_start3A_836 = tpu.memref_squeeze %dma_start3A_835 : memref<1x1x64xf32, #tpu.memory_space<vmem>> -> memref<64xf32, #tpu.memory_space<vmem>>
      %dma_start3A_837 = arith.constant 0 : i32
      %dma_start3A_838 = tpu.memref_slice %arg5[%squeeze3A_809, %dma_start3A_837] : memref<1000000x64xf32, #tpu.memory_space<hbm>> -> memref<1x64xf32, #tpu.memory_space<hbm>>
      %dma_start3A_839 = tpu.memref_squeeze %dma_start3A_838 : memref<1x64xf32, #tpu.memory_space<hbm>> -> memref<64xf32, #tpu.memory_space<hbm>>
      tpu.enqueue_dma source(%dma_start3A_839 : memref<64xf32, #tpu.memory_space<hbm>>) target(%dma_start3A_836 : memref<64xf32, #tpu.memory_space<vmem>>) target_semaphore(%arg14 : memref<!tpu.dma_semaphore, #tpu.memory_space<semaphore_mem>>)
    }
    %scan3A_68 = arith.constant 8 : i32
    %dma_wait3A_69 = arith.constant 1 : i32
    %dma_wait3A_70 = arith.constant 0 : i32
    %dma_wait3A_71 = arith.constant 0 : i32
    %dma_wait3A_72 = tpu.memref_slice %arg9[%dma_wait3A_69, %dma_wait3A_70, %dma_wait3A_71] : memref<2x128x64xf32, #tpu.memory_space<vmem>> -> memref<1x128x64xf32, #tpu.memory_space<vmem>>
    %dma_wait3A_73 = tpu.memref_squeeze %dma_wait3A_72 : memref<1x128x64xf32, #tpu.memory_space<vmem>> -> memref<128x64xf32, #tpu.memory_space<vmem>>
    %dma_wait3A_74 = arith.constant 0 : i32
    %dma_wait3A_75 = arith.constant 0 : i32
    %dma_wait3A_76 = tpu.memref_slice %arg6[%dma_wait3A_74, %dma_wait3A_75] : memref<16384x64xf32, #tpu.memory_space<hbm>> -> memref<128x64xf32, #tpu.memory_space<hbm>>
    %dma_wait3A_77 = arith.constant 0 : i32
    %dma_wait3A_78 = arith.constant 0 : i32
    %dma_wait3A_79 = tpu.memref_slice %arg9[%dma_wait3A_69, %dma_wait3A_77, %dma_wait3A_78] : memref<2x128x64xf32, #tpu.memory_space<vmem>> -> memref<1x128x64xf32, #tpu.memory_space<vmem>>
    %dma_wait3A_80 = tpu.memref_squeeze %dma_wait3A_79 : memref<1x128x64xf32, #tpu.memory_space<vmem>> -> memref<128x64xf32, #tpu.memory_space<vmem>>
    %dma_wait3A_81 = arith.constant 0 : i32
    %dma_wait3A_82 = arith.constant 0 : i32
    %dma_wait3A_83 = tpu.memref_slice %arg6[%dma_wait3A_81, %dma_wait3A_82] : memref<16384x64xf32, #tpu.memory_space<hbm>> -> memref<128x64xf32, #tpu.memory_space<hbm>>
    tpu.wait_dma2 semaphore(%arg13 : memref<!tpu.dma_semaphore, #tpu.memory_space<semaphore_mem>>) src(%dma_wait3A_83 : memref<128x64xf32, #tpu.memory_space<hbm>>) dst(%dma_wait3A_80 : memref<128x64xf32, #tpu.memory_space<vmem>>)
    %dma_wait3A_84 = arith.constant 1 : i32
    %dma_wait3A_85 = arith.constant 0 : i32
    %dma_wait3A_86 = arith.constant 0 : i32
    %dma_wait3A_87 = tpu.memref_slice %arg10[%dma_wait3A_84, %dma_wait3A_85, %dma_wait3A_86] : memref<2x128x64xf32, #tpu.memory_space<vmem>> -> memref<1x128x64xf32, #tpu.memory_space<vmem>>
    %dma_wait3A_88 = tpu.memref_squeeze %dma_wait3A_87 : memref<1x128x64xf32, #tpu.memory_space<vmem>> -> memref<128x64xf32, #tpu.memory_space<vmem>>
    %dma_wait3A_89 = arith.constant 0 : i32
    %dma_wait3A_90 = arith.constant 0 : i32
    %dma_wait3A_91 = tpu.memref_slice %arg6[%dma_wait3A_89, %dma_wait3A_90] : memref<16384x64xf32, #tpu.memory_space<hbm>> -> memref<128x64xf32, #tpu.memory_space<hbm>>
    %dma_wait3A_92 = arith.constant 0 : i32
    %dma_wait3A_93 = arith.constant 0 : i32
    %dma_wait3A_94 = tpu.memref_slice %arg10[%dma_wait3A_84, %dma_wait3A_92, %dma_wait3A_93] : memref<2x128x64xf32, #tpu.memory_space<vmem>> -> memref<1x128x64xf32, #tpu.memory_space<vmem>>
    %dma_wait3A_95 = tpu.memref_squeeze %dma_wait3A_94 : memref<1x128x64xf32, #tpu.memory_space<vmem>> -> memref<128x64xf32, #tpu.memory_space<vmem>>
    %dma_wait3A_96 = arith.constant 0 : i32
    %dma_wait3A_97 = arith.constant 0 : i32
    %dma_wait3A_98 = tpu.memref_slice %arg6[%dma_wait3A_96, %dma_wait3A_97] : memref<16384x64xf32, #tpu.memory_space<hbm>> -> memref<128x64xf32, #tpu.memory_space<hbm>>
    tpu.wait_dma2 semaphore(%arg15 : memref<!tpu.dma_semaphore, #tpu.memory_space<semaphore_mem>>) src(%dma_wait3A_98 : memref<128x64xf32, #tpu.memory_space<hbm>>) dst(%dma_wait3A_95 : memref<128x64xf32, #tpu.memory_space<vmem>>)
    %scan3A_99 = arith.constant 0 : i32
    %scan3A_100 = arith.constant 0 : i32
    %scan3A_101 = arith.constant 128 : i32
    %scan3A_102 = arith.addi %scan3A_100, %scan3A_101 : i32
    %scan3A_103 = arith.constant 1 : i32
    scf.for %scan3A_288 = %scan3A_100 to %scan3A_102 step %scan3A_103  : i32 {
      %get3A = arith.constant 1 : i32
      %get3A_289 = arith.index_cast %get3A : i32 to index
      %get3A_290 = arith.index_cast %scan3A_288 : i32 to index
      %get3A_291 = arith.constant 0 : index
      %get3A_292 = tpu.vector_load %arg9[%get3A_289, %get3A_290, %get3A_291] {strides = array<i32>} : memref<2x128x64xf32, #tpu.memory_space<vmem>>, vector<1x1x16xf32>,
      %get3A_293 = vector.shape_cast %get3A_292 : vector<1x1x16xf32> to vector<16xf32>
      %get3A_294 = arith.constant 1 : i32
      %get3A_295 = arith.index_cast %get3A_294 : i32 to index
      %get3A_296 = arith.index_cast %scan3A_288 : i32 to index
      %get3A_297 = arith.constant 0 : index
      %get3A_298 = tpu.vector_load %arg10[%get3A_295, %get3A_296, %get3A_297] {strides = array<i32>} : memref<2x128x64xf32, #tpu.memory_space<vmem>>, vector<1x1x16xf32>,
      %get3A_299 = vector.shape_cast %get3A_298 : vector<1x1x16xf32> to vector<16xf32>
      %mul3A_300 = arith.mulf %get3A_293, %get3A_299 : vector<16xf32>
      %swap3A = arith.constant 1 : i32
      %swap3A_301 = arith.index_cast %swap3A : i32 to index
      %swap3A_302 = arith.index_cast %scan3A_288 : i32 to index
      %swap3A_303 = arith.constant 0 : index
      %swap3A_304 = tpu.vector_load %arg11[%swap3A_301, %swap3A_302, %swap3A_303] {strides = array<i32>} : memref<2x128x64xf32, #tpu.memory_space<vmem>>, vector<1x1x16xf32>,
      %swap3A_305 = vector.shape_cast %swap3A_304 : vector<1x1x16xf32> to vector<16xf32>
      %swap3A_306 = vector.shape_cast %mul3A_300 : vector<16xf32> to vector<1x1x16xf32>
      tpu.vector_store %arg11[%swap3A_301, %swap3A_302, %swap3A_303], %swap3A_306 {strides = array<i32>} : memref<2x128x64xf32, #tpu.memory_space<vmem>>, vector<1x1x16xf32>,
      %get3A_307 = arith.constant 1 : i32
      %get3A_308 = arith.index_cast %get3A_307 : i32 to index
      %get3A_309 = arith.index_cast %scan3A_288 : i32 to index
      %get3A_310 = arith.constant 16 : index
      %get3A_311 = tpu.vector_load %arg9[%get3A_308, %get3A_309, %get3A_310] {strides = array<i32>} : memref<2x128x64xf32, #tpu.memory_space<vmem>>, vector<1x1x16xf32>,
      %get3A_312 = vector.shape_cast %get3A_311 : vector<1x1x16xf32> to vector<16xf32>
      %get3A_313 = arith.constant 1 : i32
      %get3A_314 = arith.index_cast %get3A_313 : i32 to index
      %get3A_315 = arith.index_cast %scan3A_288 : i32 to index
      %get3A_316 = arith.constant 16 : index
      %get3A_317 = tpu.vector_load %arg10[%get3A_314, %get3A_315, %get3A_316] {strides = array<i32>} : memref<2x128x64xf32, #tpu.memory_space<vmem>>, vector<1x1x16xf32>,
      %get3A_318 = vector.shape_cast %get3A_317 : vector<1x1x16xf32> to vector<16xf32>
      %mul3A_319 = arith.mulf %get3A_312, %get3A_318 : vector<16xf32>
      %swap3A_320 = arith.constant 1 : i32
      %swap3A_321 = arith.index_cast %swap3A_320 : i32 to index
      %swap3A_322 = arith.index_cast %scan3A_288 : i32 to index
      %swap3A_323 = arith.constant 16 : index
      %swap3A_324 = tpu.vector_load %arg11[%swap3A_321, %swap3A_322, %swap3A_323] {strides = array<i32>} : memref<2x128x64xf32, #tpu.memory_space<vmem>>, vector<1x1x16xf32>,
      %swap3A_325 = vector.shape_cast %swap3A_324 : vector<1x1x16xf32> to vector<16xf32>
      %swap3A_326 = vector.shape_cast %mul3A_319 : vector<16xf32> to vector<1x1x16xf32>
      tpu.vector_store %arg11[%swap3A_321, %swap3A_322, %swap3A_323], %swap3A_326 {strides = array<i32>} : memref<2x128x64xf32, #tpu.memory_space<vmem>>, vector<1x1x16xf32>,
      %get3A_327 = arith.constant 1 : i32
      %get3A_328 = arith.index_cast %get3A_327 : i32 to index
      %get3A_329 = arith.index_cast %scan3A_288 : i32 to index
      %get3A_330 = arith.constant 32 : index
      %get3A_331 = tpu.vector_load %arg9[%get3A_328, %get3A_329, %get3A_330] {strides = array<i32>} : memref<2x128x64xf32, #tpu.memory_space<vmem>>, vector<1x1x16xf32>,
      %get3A_332 = vector.shape_cast %get3A_331 : vector<1x1x16xf32> to vector<16xf32>
      %get3A_333 = arith.constant 1 : i32
      %get3A_334 = arith.index_cast %get3A_333 : i32 to index
      %get3A_335 = arith.index_cast %scan3A_288 : i32 to index
      %get3A_336 = arith.constant 32 : index
      %get3A_337 = tpu.vector_load %arg10[%get3A_334, %get3A_335, %get3A_336] {strides = array<i32>} : memref<2x128x64xf32, #tpu.memory_space<vmem>>, vector<1x1x16xf32>,
      %get3A_338 = vector.shape_cast %get3A_337 : vector<1x1x16xf32> to vector<16xf32>
      %mul3A_339 = arith.mulf %get3A_332, %get3A_338 : vector<16xf32>
      %swap3A_340 = arith.constant 1 : i32
      %swap3A_341 = arith.index_cast %swap3A_340 : i32 to index
      %swap3A_342 = arith.index_cast %scan3A_288 : i32 to index
      %swap3A_343 = arith.constant 32 : index
      %swap3A_344 = tpu.vector_load %arg11[%swap3A_341, %swap3A_342, %swap3A_343] {strides = array<i32>} : memref<2x128x64xf32, #tpu.memory_space<vmem>>, vector<1x1x16xf32>,
      %swap3A_345 = vector.shape_cast %swap3A_344 : vector<1x1x16xf32> to vector<16xf32>
      %swap3A_346 = vector.shape_cast %mul3A_339 : vector<16xf32> to vector<1x1x16xf32>
      tpu.vector_store %arg11[%swap3A_341, %swap3A_342, %swap3A_343], %swap3A_346 {strides = array<i32>} : memref<2x128x64xf32, #tpu.memory_space<vmem>>, vector<1x1x16xf32>,
      %get3A_347 = arith.constant 1 : i32
      %get3A_348 = arith.index_cast %get3A_347 : i32 to index
      %get3A_349 = arith.index_cast %scan3A_288 : i32 to index
      %get3A_350 = arith.constant 48 : index
      %get3A_351 = tpu.vector_load %arg9[%get3A_348, %get3A_349, %get3A_350] {strides = array<i32>} : memref<2x128x64xf32, #tpu.memory_space<vmem>>, vector<1x1x16xf32>,
      %get3A_352 = vector.shape_cast %get3A_351 : vector<1x1x16xf32> to vector<16xf32>
      %get3A_353 = arith.constant 1 : i32
      %get3A_354 = arith.index_cast %get3A_353 : i32 to index
      %get3A_355 = arith.index_cast %scan3A_288 : i32 to index
      %get3A_356 = arith.constant 48 : index
      %get3A_357 = tpu.vector_load %arg10[%get3A_354, %get3A_355, %get3A_356] {strides = array<i32>} : memref<2x128x64xf32, #tpu.memory_space<vmem>>, vector<1x1x16xf32>,
      %get3A_358 = vector.shape_cast %get3A_357 : vector<1x1x16xf32> to vector<16xf32>
      %mul3A_359 = arith.mulf %get3A_352, %get3A_358 : vector<16xf32>
      %swap3A_360 = arith.constant 1 : i32
      %swap3A_361 = arith.index_cast %swap3A_360 : i32 to index
      %swap3A_362 = arith.index_cast %scan3A_288 : i32 to index
      %swap3A_363 = arith.constant 48 : index
      %swap3A_364 = tpu.vector_load %arg11[%swap3A_361, %swap3A_362, %swap3A_363] {strides = array<i32>} : memref<2x128x64xf32, #tpu.memory_space<vmem>>, vector<1x1x16xf32>,
      %swap3A_365 = vector.shape_cast %swap3A_364 : vector<1x1x16xf32> to vector<16xf32>
      %swap3A_366 = vector.shape_cast %mul3A_359 : vector<16xf32> to vector<1x1x16xf32>
      tpu.vector_store %arg11[%swap3A_361, %swap3A_362, %swap3A_363], %swap3A_366 {strides = array<i32>} : memref<2x128x64xf32, #tpu.memory_space<vmem>>, vector<1x1x16xf32>,
    }
    %scan3A_104 = arith.constant 128 : i32
    %add3A_105 = arith.constant 128 : i32
    %add3A_106 = arith.addi %mul3A_2, %add3A_105 : i32
    %dma_start3A_107 = arith.constant 1 : i32
    %dma_start3A_108 = arith.constant 0 : i32
    %dma_start3A_109 = arith.constant 0 : i32
    %dma_start3A_110 = tpu.memref_slice %arg11[%dma_start3A_107, %dma_start3A_108, %dma_start3A_109] : memref<2x128x64xf32, #tpu.memory_space<vmem>> -> memref<1x128x64xf32, #tpu.memory_space<vmem>>
    %dma_start3A_111 = tpu.memref_squeeze %dma_start3A_110 : memref<1x128x64xf32, #tpu.memory_space<vmem>> -> memref<128x64xf32, #tpu.memory_space<vmem>>
    %dma_start3A_112 = arith.constant 0 : i32
    %dma_start3A_113 = tpu.memref_slice %arg6[%add3A_106, %dma_start3A_112] : memref<16384x64xf32, #tpu.memory_space<hbm>> -> memref<128x64xf32, #tpu.memory_space<hbm>>
    %dma_start3A_114 = arith.constant 0 : i32
    %dma_start3A_115 = tpu.memref_slice %arg6[%add3A_106, %dma_start3A_114] : memref<16384x64xf32, #tpu.memory_space<hbm>> -> memref<128x64xf32, #tpu.memory_space<hbm>>
    %dma_start3A_116 = arith.constant 0 : i32
    %dma_start3A_117 = arith.constant 0 : i32
    %dma_start3A_118 = tpu.memref_slice %arg11[%dma_start3A_107, %dma_start3A_116, %dma_start3A_117] : memref<2x128x64xf32, #tpu.memory_space<vmem>> -> memref<1x128x64xf32, #tpu.memory_space<vmem>>
    %dma_start3A_119 = tpu.memref_squeeze %dma_start3A_118 : memref<1x128x64xf32, #tpu.memory_space<vmem>> -> memref<128x64xf32, #tpu.memory_space<vmem>>
    tpu.enqueue_dma source(%dma_start3A_119 : memref<128x64xf32, #tpu.memory_space<vmem>>) target(%dma_start3A_115 : memref<128x64xf32, #tpu.memory_space<hbm>>) target_semaphore(%arg17 : memref<!tpu.dma_semaphore, #tpu.memory_space<semaphore_mem>>)
    %scan3A_120 = arith.constant 0 : i32
    %scan3A_121 = arith.constant 0 : i32
    %scan3A_122 = arith.constant 8 : i32
    %scan3A_123 = arith.addi %scan3A_121, %scan3A_122 : i32
    %scan3A_124 = arith.constant 1 : i32
    scf.for %scan3A_288 = %scan3A_121 to %scan3A_123 step %scan3A_124  : i32 {
      %mul3A_289 = arith.constant 16 : i32
      %mul3A_290 = arith.muli %scan3A_288, %mul3A_289 : i32
      %add3A_291 = arith.constant 384 : i32
      %add3A_292 = arith.addi %add3A_291, %mul3A_290 : i32
      %get3A = arith.index_cast %add3A_292 : i32 to index
      %get3A_293 = tpu.vector_load %arg7[%get3A] {strides = array<i32>} : memref<512xi32, #tpu.memory_space<vmem>>, vector<16xi32>,
      %get3A_294 = vector.shape_cast %get3A_293 : vector<16xi32> to vector<16xi32>
      %get3A_295 = arith.index_cast %add3A_292 : i32 to index
      %get3A_296 = tpu.vector_load %arg8[%get3A_295] {strides = array<i32>} : memref<512xi32, #tpu.memory_space<vmem>>, vector<16xi32>,
      %get3A_297 = vector.shape_cast %get3A_296 : vector<16xi32> to vector<16xi32>
      %slice3A = vector.extract_strided_slice %get3A_294 {offsets = [0], sizes = [1], strides = [1]} : vector<16xi32> to vector<1xi32>
      %squeeze3A = vector.extract %slice3A[0] : i32 from vector<1xi32>
      %slice3A_298 = vector.extract_strided_slice %get3A_297 {offsets = [0], sizes = [1], strides = [1]} : vector<16xi32> to vector<1xi32>
      %squeeze3A_299 = vector.extract %slice3A_298[0] : i32 from vector<1xi32>
      %mul3A_300 = arith.constant 16 : i32
      %mul3A_301 = arith.muli %scan3A_288, %mul3A_300 : i32
      %add3A_302 = arith.constant 0 : i32
      %add3A_303 = arith.addi %mul3A_301, %add3A_302 : i32
      %dma_start3A_304 = arith.constant 1 : i32
      %dma_start3A_305 = arith.constant 0 : i32
      %dma_start3A_306 = tpu.memref_slice %arg9[%dma_start3A_304, %add3A_303, %dma_start3A_305] : memref<2x128x64xf32, #tpu.memory_space<vmem>> -> memref<1x1x64xf32, #tpu.memory_space<vmem>>
      %dma_start3A_307 = tpu.memref_squeeze %dma_start3A_306 : memref<1x1x64xf32, #tpu.memory_space<vmem>> -> memref<64xf32, #tpu.memory_space<vmem>>
      %dma_start3A_308 = arith.constant 0 : i32
      %dma_start3A_309 = tpu.memref_slice %arg4[%squeeze3A, %dma_start3A_308] : memref<1000000x64xf32, #tpu.memory_space<hbm>> -> memref<1x64xf32, #tpu.memory_space<hbm>>
      %dma_start3A_310 = tpu.memref_squeeze %dma_start3A_309 : memref<1x64xf32, #tpu.memory_space<hbm>> -> memref<64xf32, #tpu.memory_space<hbm>>
      %dma_start3A_311 = arith.constant 0 : i32
      %dma_start3A_312 = tpu.memref_slice %arg9[%dma_start3A_304, %add3A_303, %dma_start3A_311] : memref<2x128x64xf32, #tpu.memory_space<vmem>> -> memref<1x1x64xf32, #tpu.memory_space<vmem>>
      %dma_start3A_313 = tpu.memref_squeeze %dma_start3A_312 : memref<1x1x64xf32, #tpu.memory_space<vmem>> -> memref<64xf32, #tpu.memory_space<vmem>>
      %dma_start3A_314 = arith.constant 0 : i32
      %dma_start3A_315 = tpu.memref_slice %arg4[%squeeze3A, %dma_start3A_314] : memref<1000000x64xf32, #tpu.memory_space<hbm>> -> memref<1x64xf32, #tpu.memory_space<hbm>>
      %dma_start3A_316 = tpu.memref_squeeze %dma_start3A_315 : memref<1x64xf32, #tpu.memory_space<hbm>> -> memref<64xf32, #tpu.memory_space<hbm>>
      tpu.enqueue_dma source(%dma_start3A_316 : memref<64xf32, #tpu.memory_space<hbm>>) target(%dma_start3A_313 : memref<64xf32, #tpu.memory_space<vmem>>) target_semaphore(%arg13 : memref<!tpu.dma_semaphore, #tpu.memory_space<semaphore_mem>>)
      %dma_start3A_317 = arith.constant 1 : i32
      %dma_start3A_318 = arith.constant 0 : i32
      %dma_start3A_319 = tpu.memref_slice %arg10[%dma_start3A_317, %add3A_303, %dma_start3A_318] : memref<2x128x64xf32, #tpu.memory_space<vmem>> -> memref<1x1x64xf32, #tpu.memory_space<vmem>>
      %dma_start3A_320 = tpu.memref_squeeze %dma_start3A_319 : memref<1x1x64xf32, #tpu.memory_space<vmem>> -> memref<64xf32, #tpu.memory_space<vmem>>
      %dma_start3A_321 = arith.constant 0 : i32
      %dma_start3A_322 = tpu.memref_slice %arg5[%squeeze3A_299, %dma_start3A_321] : memref<1000000x64xf32, #tpu.memory_space<hbm>> -> memref<1x64xf32, #tpu.memory_space<hbm>>
      %dma_start3A_323 = tpu.memref_squeeze %dma_start3A_322 : memref<1x64xf32, #tpu.memory_space<hbm>> -> memref<64xf32, #tpu.memory_space<hbm>>
      %dma_start3A_324 = arith.constant 0 : i32
      %dma_start3A_325 = tpu.memref_slice %arg10[%dma_start3A_317, %add3A_303, %dma_start3A_324] : memref<2x128x64xf32, #tpu.memory_space<vmem>> -> memref<1x1x64xf32, #tpu.memory_space<vmem>>
      %dma_start3A_326 = tpu.memref_squeeze %dma_start3A_325 : memref<1x1x64xf32, #tpu.memory_space<vmem>> -> memref<64xf32, #tpu.memory_space<vmem>>
      %dma_start3A_327 = arith.constant 0 : i32
      %dma_start3A_328 = tpu.memref_slice %arg5[%squeeze3A_299, %dma_start3A_327] : memref<1000000x64xf32, #tpu.memory_space<hbm>> -> memref<1x64xf32, #tpu.memory_space<hbm>>
      %dma_start3A_329 = tpu.memref_squeeze %dma_start3A_328 : memref<1x64xf32, #tpu.memory_space<hbm>> -> memref<64xf32, #tpu.memory_space<hbm>>
      tpu.enqueue_dma source(%dma_start3A_329 : memref<64xf32, #tpu.memory_space<hbm>>) target(%dma_start3A_326 : memref<64xf32, #tpu.memory_space<vmem>>) target_semaphore(%arg15 : memref<!tpu.dma_semaphore, #tpu.memory_space<semaphore_mem>>)
      %slice3A_330 = vector.extract_strided_slice %get3A_294 {offsets = [1], sizes = [1], strides = [1]} : vector<16xi32> to vector<1xi32>
      %squeeze3A_331 = vector.extract %slice3A_330[0] : i32 from vector<1xi32>
      %slice3A_332 = vector.extract_strided_slice %get3A_297 {offsets = [1], sizes = [1], strides = [1]} : vector<16xi32> to vector<1xi32>
      %squeeze3A_333 = vector.extract %slice3A_332[0] : i32 from vector<1xi32>
      %mul3A_334 = arith.constant 16 : i32
      %mul3A_335 = arith.muli %scan3A_288, %mul3A_334 : i32
      %add3A_336 = arith.constant 1 : i32
      %add3A_337 = arith.addi %mul3A_335, %add3A_336 : i32
      %dma_start3A_338 = arith.constant 1 : i32
      %dma_start3A_339 = arith.constant 0 : i32
      %dma_start3A_340 = tpu.memref_slice %arg9[%dma_start3A_338, %add3A_337, %dma_start3A_339] : memref<2x128x64xf32, #tpu.memory_space<vmem>> -> memref<1x1x64xf32, #tpu.memory_space<vmem>>
      %dma_start3A_341 = tpu.memref_squeeze %dma_start3A_340 : memref<1x1x64xf32, #tpu.memory_space<vmem>> -> memref<64xf32, #tpu.memory_space<vmem>>
      %dma_start3A_342 = arith.constant 0 : i32
      %dma_start3A_343 = tpu.memref_slice %arg4[%squeeze3A_331, %dma_start3A_342] : memref<1000000x64xf32, #tpu.memory_space<hbm>> -> memref<1x64xf32, #tpu.memory_space<hbm>>
      %dma_start3A_344 = tpu.memref_squeeze %dma_start3A_343 : memref<1x64xf32, #tpu.memory_space<hbm>> -> memref<64xf32, #tpu.memory_space<hbm>>
      %dma_start3A_345 = arith.constant 0 : i32
      %dma_start3A_346 = tpu.memref_slice %arg9[%dma_start3A_338, %add3A_337, %dma_start3A_345] : memref<2x128x64xf32, #tpu.memory_space<vmem>> -> memref<1x1x64xf32, #tpu.memory_space<vmem>>
      %dma_start3A_347 = tpu.memref_squeeze %dma_start3A_346 : memref<1x1x64xf32, #tpu.memory_space<vmem>> -> memref<64xf32, #tpu.memory_space<vmem>>
      %dma_start3A_348 = arith.constant 0 : i32
      %dma_start3A_349 = tpu.memref_slice %arg4[%squeeze3A_331, %dma_start3A_348] : memref<1000000x64xf32, #tpu.memory_space<hbm>> -> memref<1x64xf32, #tpu.memory_space<hbm>>
      %dma_start3A_350 = tpu.memref_squeeze %dma_start3A_349 : memref<1x64xf32, #tpu.memory_space<hbm>> -> memref<64xf32, #tpu.memory_space<hbm>>
      tpu.enqueue_dma source(%dma_start3A_350 : memref<64xf32, #tpu.memory_space<hbm>>) target(%dma_start3A_347 : memref<64xf32, #tpu.memory_space<vmem>>) target_semaphore(%arg13 : memref<!tpu.dma_semaphore, #tpu.memory_space<semaphore_mem>>)
      %dma_start3A_351 = arith.constant 1 : i32
      %dma_start3A_352 = arith.constant 0 : i32
      %dma_start3A_353 = tpu.memref_slice %arg10[%dma_start3A_351, %add3A_337, %dma_start3A_352] : memref<2x128x64xf32, #tpu.memory_space<vmem>> -> memref<1x1x64xf32, #tpu.memory_space<vmem>>
      %dma_start3A_354 = tpu.memref_squeeze %dma_start3A_353 : memref<1x1x64xf32, #tpu.memory_space<vmem>> -> memref<64xf32, #tpu.memory_space<vmem>>
      %dma_start3A_355 = arith.constant 0 : i32
      %dma_start3A_356 = tpu.memref_slice %arg5[%squeeze3A_333, %dma_start3A_355] : memref<1000000x64xf32, #tpu.memory_space<hbm>> -> memref<1x64xf32, #tpu.memory_space<hbm>>
      %dma_start3A_357 = tpu.memref_squeeze %dma_start3A_356 : memref<1x64xf32, #tpu.memory_space<hbm>> -> memref<64xf32, #tpu.memory_space<hbm>>
      %dma_start3A_358 = arith.constant 0 : i32
      %dma_start3A_359 = tpu.memref_slice %arg10[%dma_start3A_351, %add3A_337, %dma_start3A_358] : memref<2x128x64xf32, #tpu.memory_space<vmem>> -> memref<1x1x64xf32, #tpu.memory_space<vmem>>
      %dma_start3A_360 = tpu.memref_squeeze %dma_start3A_359 : memref<1x1x64xf32, #tpu.memory_space<vmem>> -> memref<64xf32, #tpu.memory_space<vmem>>
      %dma_start3A_361 = arith.constant 0 : i32
      %dma_start3A_362 = tpu.memref_slice %arg5[%squeeze3A_333, %dma_start3A_361] : memref<1000000x64xf32, #tpu.memory_space<hbm>> -> memref<1x64xf32, #tpu.memory_space<hbm>>
      %dma_start3A_363 = tpu.memref_squeeze %dma_start3A_362 : memref<1x64xf32, #tpu.memory_space<hbm>> -> memref<64xf32, #tpu.memory_space<hbm>>
      tpu.enqueue_dma source(%dma_start3A_363 : memref<64xf32, #tpu.memory_space<hbm>>) target(%dma_start3A_360 : memref<64xf32, #tpu.memory_space<vmem>>) target_semaphore(%arg15 : memref<!tpu.dma_semaphore, #tpu.memory_space<semaphore_mem>>)
      %slice3A_364 = vector.extract_strided_slice %get3A_294 {offsets = [2], sizes = [1], strides = [1]} : vector<16xi32> to vector<1xi32>
      %squeeze3A_365 = vector.extract %slice3A_364[0] : i32 from vector<1xi32>
      %slice3A_366 = vector.extract_strided_slice %get3A_297 {offsets = [2], sizes = [1], strides = [1]} : vector<16xi32> to vector<1xi32>
      %squeeze3A_367 = vector.extract %slice3A_366[0] : i32 from vector<1xi32>
      %mul3A_368 = arith.constant 16 : i32
      %mul3A_369 = arith.muli %scan3A_288, %mul3A_368 : i32
      %add3A_370 = arith.constant 2 : i32
      %add3A_371 = arith.addi %mul3A_369, %add3A_370 : i32
      %dma_start3A_372 = arith.constant 1 : i32
      %dma_start3A_373 = arith.constant 0 : i32
      %dma_start3A_374 = tpu.memref_slice %arg9[%dma_start3A_372, %add3A_371, %dma_start3A_373] : memref<2x128x64xf32, #tpu.memory_space<vmem>> -> memref<1x1x64xf32, #tpu.memory_space<vmem>>
      %dma_start3A_375 = tpu.memref_squeeze %dma_start3A_374 : memref<1x1x64xf32, #tpu.memory_space<vmem>> -> memref<64xf32, #tpu.memory_space<vmem>>
      %dma_start3A_376 = arith.constant 0 : i32
      %dma_start3A_377 = tpu.memref_slice %arg4[%squeeze3A_365, %dma_start3A_376] : memref<1000000x64xf32, #tpu.memory_space<hbm>> -> memref<1x64xf32, #tpu.memory_space<hbm>>
      %dma_start3A_378 = tpu.memref_squeeze %dma_start3A_377 : memref<1x64xf32, #tpu.memory_space<hbm>> -> memref<64xf32, #tpu.memory_space<hbm>>
      %dma_start3A_379 = arith.constant 0 : i32
      %dma_start3A_380 = tpu.memref_slice %arg9[%dma_start3A_372, %add3A_371, %dma_start3A_379] : memref<2x128x64xf32, #tpu.memory_space<vmem>> -> memref<1x1x64xf32, #tpu.memory_space<vmem>>
      %dma_start3A_381 = tpu.memref_squeeze %dma_start3A_380 : memref<1x1x64xf32, #tpu.memory_space<vmem>> -> memref<64xf32, #tpu.memory_space<vmem>>
      %dma_start3A_382 = arith.constant 0 : i32
      %dma_start3A_383 = tpu.memref_slice %arg4[%squeeze3A_365, %dma_start3A_382] : memref<1000000x64xf32, #tpu.memory_space<hbm>> -> memref<1x64xf32, #tpu.memory_space<hbm>>
      %dma_start3A_384 = tpu.memref_squeeze %dma_start3A_383 : memref<1x64xf32, #tpu.memory_space<hbm>> -> memref<64xf32, #tpu.memory_space<hbm>>
      tpu.enqueue_dma source(%dma_start3A_384 : memref<64xf32, #tpu.memory_space<hbm>>) target(%dma_start3A_381 : memref<64xf32, #tpu.memory_space<vmem>>) target_semaphore(%arg13 : memref<!tpu.dma_semaphore, #tpu.memory_space<semaphore_mem>>)
      %dma_start3A_385 = arith.constant 1 : i32
      %dma_start3A_386 = arith.constant 0 : i32
      %dma_start3A_387 = tpu.memref_slice %arg10[%dma_start3A_385, %add3A_371, %dma_start3A_386] : memref<2x128x64xf32, #tpu.memory_space<vmem>> -> memref<1x1x64xf32, #tpu.memory_space<vmem>>
      %dma_start3A_388 = tpu.memref_squeeze %dma_start3A_387 : memref<1x1x64xf32, #tpu.memory_space<vmem>> -> memref<64xf32, #tpu.memory_space<vmem>>
      %dma_start3A_389 = arith.constant 0 : i32
      %dma_start3A_390 = tpu.memref_slice %arg5[%squeeze3A_367, %dma_start3A_389] : memref<1000000x64xf32, #tpu.memory_space<hbm>> -> memref<1x64xf32, #tpu.memory_space<hbm>>
      %dma_start3A_391 = tpu.memref_squeeze %dma_start3A_390 : memref<1x64xf32, #tpu.memory_space<hbm>> -> memref<64xf32, #tpu.memory_space<hbm>>
      %dma_start3A_392 = arith.constant 0 : i32
      %dma_start3A_393 = tpu.memref_slice %arg10[%dma_start3A_385, %add3A_371, %dma_start3A_392] : memref<2x128x64xf32, #tpu.memory_space<vmem>> -> memref<1x1x64xf32, #tpu.memory_space<vmem>>
      %dma_start3A_394 = tpu.memref_squeeze %dma_start3A_393 : memref<1x1x64xf32, #tpu.memory_space<vmem>> -> memref<64xf32, #tpu.memory_space<vmem>>
      %dma_start3A_395 = arith.constant 0 : i32
      %dma_start3A_396 = tpu.memref_slice %arg5[%squeeze3A_367, %dma_start3A_395] : memref<1000000x64xf32, #tpu.memory_space<hbm>> -> memref<1x64xf32, #tpu.memory_space<hbm>>
      %dma_start3A_397 = tpu.memref_squeeze %dma_start3A_396 : memref<1x64xf32, #tpu.memory_space<hbm>> -> memref<64xf32, #tpu.memory_space<hbm>>
      tpu.enqueue_dma source(%dma_start3A_397 : memref<64xf32, #tpu.memory_space<hbm>>) target(%dma_start3A_394 : memref<64xf32, #tpu.memory_space<vmem>>) target_semaphore(%arg15 : memref<!tpu.dma_semaphore, #tpu.memory_space<semaphore_mem>>)
      %slice3A_398 = vector.extract_strided_slice %get3A_294 {offsets = [3], sizes = [1], strides = [1]} : vector<16xi32> to vector<1xi32>
      %squeeze3A_399 = vector.extract %slice3A_398[0] : i32 from vector<1xi32>
      %slice3A_400 = vector.extract_strided_slice %get3A_297 {offsets = [3], sizes = [1], strides = [1]} : vector<16xi32> to vector<1xi32>
      %squeeze3A_401 = vector.extract %slice3A_400[0] : i32 from vector<1xi32>
      %mul3A_402 = arith.constant 16 : i32
      %mul3A_403 = arith.muli %scan3A_288, %mul3A_402 : i32
      %add3A_404 = arith.constant 3 : i32
      %add3A_405 = arith.addi %mul3A_403, %add3A_404 : i32
      %dma_start3A_406 = arith.constant 1 : i32
      %dma_start3A_407 = arith.constant 0 : i32
      %dma_start3A_408 = tpu.memref_slice %arg9[%dma_start3A_406, %add3A_405, %dma_start3A_407] : memref<2x128x64xf32, #tpu.memory_space<vmem>> -> memref<1x1x64xf32, #tpu.memory_space<vmem>>
      %dma_start3A_409 = tpu.memref_squeeze %dma_start3A_408 : memref<1x1x64xf32, #tpu.memory_space<vmem>> -> memref<64xf32, #tpu.memory_space<vmem>>
      %dma_start3A_410 = arith.constant 0 : i32
      %dma_start3A_411 = tpu.memref_slice %arg4[%squeeze3A_399, %dma_start3A_410] : memref<1000000x64xf32, #tpu.memory_space<hbm>> -> memref<1x64xf32, #tpu.memory_space<hbm>>
      %dma_start3A_412 = tpu.memref_squeeze %dma_start3A_411 : memref<1x64xf32, #tpu.memory_space<hbm>> -> memref<64xf32, #tpu.memory_space<hbm>>
      %dma_start3A_413 = arith.constant 0 : i32
      %dma_start3A_414 = tpu.memref_slice %arg9[%dma_start3A_406, %add3A_405, %dma_start3A_413] : memref<2x128x64xf32, #tpu.memory_space<vmem>> -> memref<1x1x64xf32, #tpu.memory_space<vmem>>
      %dma_start3A_415 = tpu.memref_squeeze %dma_start3A_414 : memref<1x1x64xf32, #tpu.memory_space<vmem>> -> memref<64xf32, #tpu.memory_space<vmem>>
      %dma_start3A_416 = arith.constant 0 : i32
      %dma_start3A_417 = tpu.memref_slice %arg4[%squeeze3A_399, %dma_start3A_416] : memref<1000000x64xf32, #tpu.memory_space<hbm>> -> memref<1x64xf32, #tpu.memory_space<hbm>>
      %dma_start3A_418 = tpu.memref_squeeze %dma_start3A_417 : memref<1x64xf32, #tpu.memory_space<hbm>> -> memref<64xf32, #tpu.memory_space<hbm>>
      tpu.enqueue_dma source(%dma_start3A_418 : memref<64xf32, #tpu.memory_space<hbm>>) target(%dma_start3A_415 : memref<64xf32, #tpu.memory_space<vmem>>) target_semaphore(%arg13 : memref<!tpu.dma_semaphore, #tpu.memory_space<semaphore_mem>>)
      %dma_start3A_419 = arith.constant 1 : i32
      %dma_start3A_420 = arith.constant 0 : i32
      %dma_start3A_421 = tpu.memref_slice %arg10[%dma_start3A_419, %add3A_405, %dma_start3A_420] : memref<2x128x64xf32, #tpu.memory_space<vmem>> -> memref<1x1x64xf32, #tpu.memory_space<vmem>>
      %dma_start3A_422 = tpu.memref_squeeze %dma_start3A_421 : memref<1x1x64xf32, #tpu.memory_space<vmem>> -> memref<64xf32, #tpu.memory_space<vmem>>
      %dma_start3A_423 = arith.constant 0 : i32
      %dma_start3A_424 = tpu.memref_slice %arg5[%squeeze3A_401, %dma_start3A_423] : memref<1000000x64xf32, #tpu.memory_space<hbm>> -> memref<1x64xf32, #tpu.memory_space<hbm>>
      %dma_start3A_425 = tpu.memref_squeeze %dma_start3A_424 : memref<1x64xf32, #tpu.memory_space<hbm>> -> memref<64xf32, #tpu.memory_space<hbm>>
      %dma_start3A_426 = arith.constant 0 : i32
      %dma_start3A_427 = tpu.memref_slice %arg10[%dma_start3A_419, %add3A_405, %dma_start3A_426] : memref<2x128x64xf32, #tpu.memory_space<vmem>> -> memref<1x1x64xf32, #tpu.memory_space<vmem>>
      %dma_start3A_428 = tpu.memref_squeeze %dma_start3A_427 : memref<1x1x64xf32, #tpu.memory_space<vmem>> -> memref<64xf32, #tpu.memory_space<vmem>>
      %dma_start3A_429 = arith.constant 0 : i32
      %dma_start3A_430 = tpu.memref_slice %arg5[%squeeze3A_401, %dma_start3A_429] : memref<1000000x64xf32, #tpu.memory_space<hbm>> -> memref<1x64xf32, #tpu.memory_space<hbm>>
      %dma_start3A_431 = tpu.memref_squeeze %dma_start3A_430 : memref<1x64xf32, #tpu.memory_space<hbm>> -> memref<64xf32, #tpu.memory_space<hbm>>
      tpu.enqueue_dma source(%dma_start3A_431 : memref<64xf32, #tpu.memory_space<hbm>>) target(%dma_start3A_428 : memref<64xf32, #tpu.memory_space<vmem>>) target_semaphore(%arg15 : memref<!tpu.dma_semaphore, #tpu.memory_space<semaphore_mem>>)
      %slice3A_432 = vector.extract_strided_slice %get3A_294 {offsets = [4], sizes = [1], strides = [1]} : vector<16xi32> to vector<1xi32>
      %squeeze3A_433 = vector.extract %slice3A_432[0] : i32 from vector<1xi32>
      %slice3A_434 = vector.extract_strided_slice %get3A_297 {offsets = [4], sizes = [1], strides = [1]} : vector<16xi32> to vector<1xi32>
      %squeeze3A_435 = vector.extract %slice3A_434[0] : i32 from vector<1xi32>
      %mul3A_436 = arith.constant 16 : i32
      %mul3A_437 = arith.muli %scan3A_288, %mul3A_436 : i32
      %add3A_438 = arith.constant 4 : i32
      %add3A_439 = arith.addi %mul3A_437, %add3A_438 : i32
      %dma_start3A_440 = arith.constant 1 : i32
      %dma_start3A_441 = arith.constant 0 : i32
      %dma_start3A_442 = tpu.memref_slice %arg9[%dma_start3A_440, %add3A_439, %dma_start3A_441] : memref<2x128x64xf32, #tpu.memory_space<vmem>> -> memref<1x1x64xf32, #tpu.memory_space<vmem>>
      %dma_start3A_443 = tpu.memref_squeeze %dma_start3A_442 : memref<1x1x64xf32, #tpu.memory_space<vmem>> -> memref<64xf32, #tpu.memory_space<vmem>>
      %dma_start3A_444 = arith.constant 0 : i32
      %dma_start3A_445 = tpu.memref_slice %arg4[%squeeze3A_433, %dma_start3A_444] : memref<1000000x64xf32, #tpu.memory_space<hbm>> -> memref<1x64xf32, #tpu.memory_space<hbm>>
      %dma_start3A_446 = tpu.memref_squeeze %dma_start3A_445 : memref<1x64xf32, #tpu.memory_space<hbm>> -> memref<64xf32, #tpu.memory_space<hbm>>
      %dma_start3A_447 = arith.constant 0 : i32
      %dma_start3A_448 = tpu.memref_slice %arg9[%dma_start3A_440, %add3A_439, %dma_start3A_447] : memref<2x128x64xf32, #tpu.memory_space<vmem>> -> memref<1x1x64xf32, #tpu.memory_space<vmem>>
      %dma_start3A_449 = tpu.memref_squeeze %dma_start3A_448 : memref<1x1x64xf32, #tpu.memory_space<vmem>> -> memref<64xf32, #tpu.memory_space<vmem>>
      %dma_start3A_450 = arith.constant 0 : i32
      %dma_start3A_451 = tpu.memref_slice %arg4[%squeeze3A_433, %dma_start3A_450] : memref<1000000x64xf32, #tpu.memory_space<hbm>> -> memref<1x64xf32, #tpu.memory_space<hbm>>
      %dma_start3A_452 = tpu.memref_squeeze %dma_start3A_451 : memref<1x64xf32, #tpu.memory_space<hbm>> -> memref<64xf32, #tpu.memory_space<hbm>>
      tpu.enqueue_dma source(%dma_start3A_452 : memref<64xf32, #tpu.memory_space<hbm>>) target(%dma_start3A_449 : memref<64xf32, #tpu.memory_space<vmem>>) target_semaphore(%arg13 : memref<!tpu.dma_semaphore, #tpu.memory_space<semaphore_mem>>)
      %dma_start3A_453 = arith.constant 1 : i32
      %dma_start3A_454 = arith.constant 0 : i32
      %dma_start3A_455 = tpu.memref_slice %arg10[%dma_start3A_453, %add3A_439, %dma_start3A_454] : memref<2x128x64xf32, #tpu.memory_space<vmem>> -> memref<1x1x64xf32, #tpu.memory_space<vmem>>
      %dma_start3A_456 = tpu.memref_squeeze %dma_start3A_455 : memref<1x1x64xf32, #tpu.memory_space<vmem>> -> memref<64xf32, #tpu.memory_space<vmem>>
      %dma_start3A_457 = arith.constant 0 : i32
      %dma_start3A_458 = tpu.memref_slice %arg5[%squeeze3A_435, %dma_start3A_457] : memref<1000000x64xf32, #tpu.memory_space<hbm>> -> memref<1x64xf32, #tpu.memory_space<hbm>>
      %dma_start3A_459 = tpu.memref_squeeze %dma_start3A_458 : memref<1x64xf32, #tpu.memory_space<hbm>> -> memref<64xf32, #tpu.memory_space<hbm>>
      %dma_start3A_460 = arith.constant 0 : i32
      %dma_start3A_461 = tpu.memref_slice %arg10[%dma_start3A_453, %add3A_439, %dma_start3A_460] : memref<2x128x64xf32, #tpu.memory_space<vmem>> -> memref<1x1x64xf32, #tpu.memory_space<vmem>>
      %dma_start3A_462 = tpu.memref_squeeze %dma_start3A_461 : memref<1x1x64xf32, #tpu.memory_space<vmem>> -> memref<64xf32, #tpu.memory_space<vmem>>
      %dma_start3A_463 = arith.constant 0 : i32
      %dma_start3A_464 = tpu.memref_slice %arg5[%squeeze3A_435, %dma_start3A_463] : memref<1000000x64xf32, #tpu.memory_space<hbm>> -> memref<1x64xf32, #tpu.memory_space<hbm>>
      %dma_start3A_465 = tpu.memref_squeeze %dma_start3A_464 : memref<1x64xf32, #tpu.memory_space<hbm>> -> memref<64xf32, #tpu.memory_space<hbm>>
      tpu.enqueue_dma source(%dma_start3A_465 : memref<64xf32, #tpu.memory_space<hbm>>) target(%dma_start3A_462 : memref<64xf32, #tpu.memory_space<vmem>>) target_semaphore(%arg15 : memref<!tpu.dma_semaphore, #tpu.memory_space<semaphore_mem>>)
      %slice3A_466 = vector.extract_strided_slice %get3A_294 {offsets = [5], sizes = [1], strides = [1]} : vector<16xi32> to vector<1xi32>
      %squeeze3A_467 = vector.extract %slice3A_466[0] : i32 from vector<1xi32>
      %slice3A_468 = vector.extract_strided_slice %get3A_297 {offsets = [5], sizes = [1], strides = [1]} : vector<16xi32> to vector<1xi32>
      %squeeze3A_469 = vector.extract %slice3A_468[0] : i32 from vector<1xi32>
      %mul3A_470 = arith.constant 16 : i32
      %mul3A_471 = arith.muli %scan3A_288, %mul3A_470 : i32
      %add3A_472 = arith.constant 5 : i32
      %add3A_473 = arith.addi %mul3A_471, %add3A_472 : i32
      %dma_start3A_474 = arith.constant 1 : i32
      %dma_start3A_475 = arith.constant 0 : i32
      %dma_start3A_476 = tpu.memref_slice %arg9[%dma_start3A_474, %add3A_473, %dma_start3A_475] : memref<2x128x64xf32, #tpu.memory_space<vmem>> -> memref<1x1x64xf32, #tpu.memory_space<vmem>>
      %dma_start3A_477 = tpu.memref_squeeze %dma_start3A_476 : memref<1x1x64xf32, #tpu.memory_space<vmem>> -> memref<64xf32, #tpu.memory_space<vmem>>
      %dma_start3A_478 = arith.constant 0 : i32
      %dma_start3A_479 = tpu.memref_slice %arg4[%squeeze3A_467, %dma_start3A_478] : memref<1000000x64xf32, #tpu.memory_space<hbm>> -> memref<1x64xf32, #tpu.memory_space<hbm>>
      %dma_start3A_480 = tpu.memref_squeeze %dma_start3A_479 : memref<1x64xf32, #tpu.memory_space<hbm>> -> memref<64xf32, #tpu.memory_space<hbm>>
      %dma_start3A_481 = arith.constant 0 : i32
      %dma_start3A_482 = tpu.memref_slice %arg9[%dma_start3A_474, %add3A_473, %dma_start3A_481] : memref<2x128x64xf32, #tpu.memory_space<vmem>> -> memref<1x1x64xf32, #tpu.memory_space<vmem>>
      %dma_start3A_483 = tpu.memref_squeeze %dma_start3A_482 : memref<1x1x64xf32, #tpu.memory_space<vmem>> -> memref<64xf32, #tpu.memory_space<vmem>>
      %dma_start3A_484 = arith.constant 0 : i32
      %dma_start3A_485 = tpu.memref_slice %arg4[%squeeze3A_467, %dma_start3A_484] : memref<1000000x64xf32, #tpu.memory_space<hbm>> -> memref<1x64xf32, #tpu.memory_space<hbm>>
      %dma_start3A_486 = tpu.memref_squeeze %dma_start3A_485 : memref<1x64xf32, #tpu.memory_space<hbm>> -> memref<64xf32, #tpu.memory_space<hbm>>
      tpu.enqueue_dma source(%dma_start3A_486 : memref<64xf32, #tpu.memory_space<hbm>>) target(%dma_start3A_483 : memref<64xf32, #tpu.memory_space<vmem>>) target_semaphore(%arg13 : memref<!tpu.dma_semaphore, #tpu.memory_space<semaphore_mem>>)
      %dma_start3A_487 = arith.constant 1 : i32
      %dma_start3A_488 = arith.constant 0 : i32
      %dma_start3A_489 = tpu.memref_slice %arg10[%dma_start3A_487, %add3A_473, %dma_start3A_488] : memref<2x128x64xf32, #tpu.memory_space<vmem>> -> memref<1x1x64xf32, #tpu.memory_space<vmem>>
      %dma_start3A_490 = tpu.memref_squeeze %dma_start3A_489 : memref<1x1x64xf32, #tpu.memory_space<vmem>> -> memref<64xf32, #tpu.memory_space<vmem>>
      %dma_start3A_491 = arith.constant 0 : i32
      %dma_start3A_492 = tpu.memref_slice %arg5[%squeeze3A_469, %dma_start3A_491] : memref<1000000x64xf32, #tpu.memory_space<hbm>> -> memref<1x64xf32, #tpu.memory_space<hbm>>
      %dma_start3A_493 = tpu.memref_squeeze %dma_start3A_492 : memref<1x64xf32, #tpu.memory_space<hbm>> -> memref<64xf32, #tpu.memory_space<hbm>>
      %dma_start3A_494 = arith.constant 0 : i32
      %dma_start3A_495 = tpu.memref_slice %arg10[%dma_start3A_487, %add3A_473, %dma_start3A_494] : memref<2x128x64xf32, #tpu.memory_space<vmem>> -> memref<1x1x64xf32, #tpu.memory_space<vmem>>
      %dma_start3A_496 = tpu.memref_squeeze %dma_start3A_495 : memref<1x1x64xf32, #tpu.memory_space<vmem>> -> memref<64xf32, #tpu.memory_space<vmem>>
      %dma_start3A_497 = arith.constant 0 : i32
      %dma_start3A_498 = tpu.memref_slice %arg5[%squeeze3A_469, %dma_start3A_497] : memref<1000000x64xf32, #tpu.memory_space<hbm>> -> memref<1x64xf32, #tpu.memory_space<hbm>>
      %dma_start3A_499 = tpu.memref_squeeze %dma_start3A_498 : memref<1x64xf32, #tpu.memory_space<hbm>> -> memref<64xf32, #tpu.memory_space<hbm>>
      tpu.enqueue_dma source(%dma_start3A_499 : memref<64xf32, #tpu.memory_space<hbm>>) target(%dma_start3A_496 : memref<64xf32, #tpu.memory_space<vmem>>) target_semaphore(%arg15 : memref<!tpu.dma_semaphore, #tpu.memory_space<semaphore_mem>>)
      %slice3A_500 = vector.extract_strided_slice %get3A_294 {offsets = [6], sizes = [1], strides = [1]} : vector<16xi32> to vector<1xi32>
      %squeeze3A_501 = vector.extract %slice3A_500[0] : i32 from vector<1xi32>
      %slice3A_502 = vector.extract_strided_slice %get3A_297 {offsets = [6], sizes = [1], strides = [1]} : vector<16xi32> to vector<1xi32>
      %squeeze3A_503 = vector.extract %slice3A_502[0] : i32 from vector<1xi32>
      %mul3A_504 = arith.constant 16 : i32
      %mul3A_505 = arith.muli %scan3A_288, %mul3A_504 : i32
      %add3A_506 = arith.constant 6 : i32
      %add3A_507 = arith.addi %mul3A_505, %add3A_506 : i32
      %dma_start3A_508 = arith.constant 1 : i32
      %dma_start3A_509 = arith.constant 0 : i32
      %dma_start3A_510 = tpu.memref_slice %arg9[%dma_start3A_508, %add3A_507, %dma_start3A_509] : memref<2x128x64xf32, #tpu.memory_space<vmem>> -> memref<1x1x64xf32, #tpu.memory_space<vmem>>
      %dma_start3A_511 = tpu.memref_squeeze %dma_start3A_510 : memref<1x1x64xf32, #tpu.memory_space<vmem>> -> memref<64xf32, #tpu.memory_space<vmem>>
      %dma_start3A_512 = arith.constant 0 : i32
      %dma_start3A_513 = tpu.memref_slice %arg4[%squeeze3A_501, %dma_start3A_512] : memref<1000000x64xf32, #tpu.memory_space<hbm>> -> memref<1x64xf32, #tpu.memory_space<hbm>>
      %dma_start3A_514 = tpu.memref_squeeze %dma_start3A_513 : memref<1x64xf32, #tpu.memory_space<hbm>> -> memref<64xf32, #tpu.memory_space<hbm>>
      %dma_start3A_515 = arith.constant 0 : i32
      %dma_start3A_516 = tpu.memref_slice %arg9[%dma_start3A_508, %add3A_507, %dma_start3A_515] : memref<2x128x64xf32, #tpu.memory_space<vmem>> -> memref<1x1x64xf32, #tpu.memory_space<vmem>>
      %dma_start3A_517 = tpu.memref_squeeze %dma_start3A_516 : memref<1x1x64xf32, #tpu.memory_space<vmem>> -> memref<64xf32, #tpu.memory_space<vmem>>
      %dma_start3A_518 = arith.constant 0 : i32
      %dma_start3A_519 = tpu.memref_slice %arg4[%squeeze3A_501, %dma_start3A_518] : memref<1000000x64xf32, #tpu.memory_space<hbm>> -> memref<1x64xf32, #tpu.memory_space<hbm>>
      %dma_start3A_520 = tpu.memref_squeeze %dma_start3A_519 : memref<1x64xf32, #tpu.memory_space<hbm>> -> memref<64xf32, #tpu.memory_space<hbm>>
      tpu.enqueue_dma source(%dma_start3A_520 : memref<64xf32, #tpu.memory_space<hbm>>) target(%dma_start3A_517 : memref<64xf32, #tpu.memory_space<vmem>>) target_semaphore(%arg13 : memref<!tpu.dma_semaphore, #tpu.memory_space<semaphore_mem>>)
      %dma_start3A_521 = arith.constant 1 : i32
      %dma_start3A_522 = arith.constant 0 : i32
      %dma_start3A_523 = tpu.memref_slice %arg10[%dma_start3A_521, %add3A_507, %dma_start3A_522] : memref<2x128x64xf32, #tpu.memory_space<vmem>> -> memref<1x1x64xf32, #tpu.memory_space<vmem>>
      %dma_start3A_524 = tpu.memref_squeeze %dma_start3A_523 : memref<1x1x64xf32, #tpu.memory_space<vmem>> -> memref<64xf32, #tpu.memory_space<vmem>>
      %dma_start3A_525 = arith.constant 0 : i32
      %dma_start3A_526 = tpu.memref_slice %arg5[%squeeze3A_503, %dma_start3A_525] : memref<1000000x64xf32, #tpu.memory_space<hbm>> -> memref<1x64xf32, #tpu.memory_space<hbm>>
      %dma_start3A_527 = tpu.memref_squeeze %dma_start3A_526 : memref<1x64xf32, #tpu.memory_space<hbm>> -> memref<64xf32, #tpu.memory_space<hbm>>
      %dma_start3A_528 = arith.constant 0 : i32
      %dma_start3A_529 = tpu.memref_slice %arg10[%dma_start3A_521, %add3A_507, %dma_start3A_528] : memref<2x128x64xf32, #tpu.memory_space<vmem>> -> memref<1x1x64xf32, #tpu.memory_space<vmem>>
      %dma_start3A_530 = tpu.memref_squeeze %dma_start3A_529 : memref<1x1x64xf32, #tpu.memory_space<vmem>> -> memref<64xf32, #tpu.memory_space<vmem>>
      %dma_start3A_531 = arith.constant 0 : i32
      %dma_start3A_532 = tpu.memref_slice %arg5[%squeeze3A_503, %dma_start3A_531] : memref<1000000x64xf32, #tpu.memory_space<hbm>> -> memref<1x64xf32, #tpu.memory_space<hbm>>
      %dma_start3A_533 = tpu.memref_squeeze %dma_start3A_532 : memref<1x64xf32, #tpu.memory_space<hbm>> -> memref<64xf32, #tpu.memory_space<hbm>>
      tpu.enqueue_dma source(%dma_start3A_533 : memref<64xf32, #tpu.memory_space<hbm>>) target(%dma_start3A_530 : memref<64xf32, #tpu.memory_space<vmem>>) target_semaphore(%arg15 : memref<!tpu.dma_semaphore, #tpu.memory_space<semaphore_mem>>)
      %slice3A_534 = vector.extract_strided_slice %get3A_294 {offsets = [7], sizes = [1], strides = [1]} : vector<16xi32> to vector<1xi32>
      %squeeze3A_535 = vector.extract %slice3A_534[0] : i32 from vector<1xi32>
      %slice3A_536 = vector.extract_strided_slice %get3A_297 {offsets = [7], sizes = [1], strides = [1]} : vector<16xi32> to vector<1xi32>
      %squeeze3A_537 = vector.extract %slice3A_536[0] : i32 from vector<1xi32>
      %mul3A_538 = arith.constant 16 : i32
      %mul3A_539 = arith.muli %scan3A_288, %mul3A_538 : i32
      %add3A_540 = arith.constant 7 : i32
      %add3A_541 = arith.addi %mul3A_539, %add3A_540 : i32
      %dma_start3A_542 = arith.constant 1 : i32
      %dma_start3A_543 = arith.constant 0 : i32
      %dma_start3A_544 = tpu.memref_slice %arg9[%dma_start3A_542, %add3A_541, %dma_start3A_543] : memref<2x128x64xf32, #tpu.memory_space<vmem>> -> memref<1x1x64xf32, #tpu.memory_space<vmem>>
      %dma_start3A_545 = tpu.memref_squeeze %dma_start3A_544 : memref<1x1x64xf32, #tpu.memory_space<vmem>> -> memref<64xf32, #tpu.memory_space<vmem>>
      %dma_start3A_546 = arith.constant 0 : i32
      %dma_start3A_547 = tpu.memref_slice %arg4[%squeeze3A_535, %dma_start3A_546] : memref<1000000x64xf32, #tpu.memory_space<hbm>> -> memref<1x64xf32, #tpu.memory_space<hbm>>
      %dma_start3A_548 = tpu.memref_squeeze %dma_start3A_547 : memref<1x64xf32, #tpu.memory_space<hbm>> -> memref<64xf32, #tpu.memory_space<hbm>>
      %dma_start3A_549 = arith.constant 0 : i32
      %dma_start3A_550 = tpu.memref_slice %arg9[%dma_start3A_542, %add3A_541, %dma_start3A_549] : memref<2x128x64xf32, #tpu.memory_space<vmem>> -> memref<1x1x64xf32, #tpu.memory_space<vmem>>
      %dma_start3A_551 = tpu.memref_squeeze %dma_start3A_550 : memref<1x1x64xf32, #tpu.memory_space<vmem>> -> memref<64xf32, #tpu.memory_space<vmem>>
      %dma_start3A_552 = arith.constant 0 : i32
      %dma_start3A_553 = tpu.memref_slice %arg4[%squeeze3A_535, %dma_start3A_552] : memref<1000000x64xf32, #tpu.memory_space<hbm>> -> memref<1x64xf32, #tpu.memory_space<hbm>>
      %dma_start3A_554 = tpu.memref_squeeze %dma_start3A_553 : memref<1x64xf32, #tpu.memory_space<hbm>> -> memref<64xf32, #tpu.memory_space<hbm>>
      tpu.enqueue_dma source(%dma_start3A_554 : memref<64xf32, #tpu.memory_space<hbm>>) target(%dma_start3A_551 : memref<64xf32, #tpu.memory_space<vmem>>) target_semaphore(%arg13 : memref<!tpu.dma_semaphore, #tpu.memory_space<semaphore_mem>>)
      %dma_start3A_555 = arith.constant 1 : i32
      %dma_start3A_556 = arith.constant 0 : i32
      %dma_start3A_557 = tpu.memref_slice %arg10[%dma_start3A_555, %add3A_541, %dma_start3A_556] : memref<2x128x64xf32, #tpu.memory_space<vmem>> -> memref<1x1x64xf32, #tpu.memory_space<vmem>>
      %dma_start3A_558 = tpu.memref_squeeze %dma_start3A_557 : memref<1x1x64xf32, #tpu.memory_space<vmem>> -> memref<64xf32, #tpu.memory_space<vmem>>
      %dma_start3A_559 = arith.constant 0 : i32
      %dma_start3A_560 = tpu.memref_slice %arg5[%squeeze3A_537, %dma_start3A_559] : memref<1000000x64xf32, #tpu.memory_space<hbm>> -> memref<1x64xf32, #tpu.memory_space<hbm>>
      %dma_start3A_561 = tpu.memref_squeeze %dma_start3A_560 : memref<1x64xf32, #tpu.memory_space<hbm>> -> memref<64xf32, #tpu.memory_space<hbm>>
      %dma_start3A_562 = arith.constant 0 : i32
      %dma_start3A_563 = tpu.memref_slice %arg10[%dma_start3A_555, %add3A_541, %dma_start3A_562] : memref<2x128x64xf32, #tpu.memory_space<vmem>> -> memref<1x1x64xf32, #tpu.memory_space<vmem>>
      %dma_start3A_564 = tpu.memref_squeeze %dma_start3A_563 : memref<1x1x64xf32, #tpu.memory_space<vmem>> -> memref<64xf32, #tpu.memory_space<vmem>>
      %dma_start3A_565 = arith.constant 0 : i32
      %dma_start3A_566 = tpu.memref_slice %arg5[%squeeze3A_537, %dma_start3A_565] : memref<1000000x64xf32, #tpu.memory_space<hbm>> -> memref<1x64xf32, #tpu.memory_space<hbm>>
      %dma_start3A_567 = tpu.memref_squeeze %dma_start3A_566 : memref<1x64xf32, #tpu.memory_space<hbm>> -> memref<64xf32, #tpu.memory_space<hbm>>
      tpu.enqueue_dma source(%dma_start3A_567 : memref<64xf32, #tpu.memory_space<hbm>>) target(%dma_start3A_564 : memref<64xf32, #tpu.memory_space<vmem>>) target_semaphore(%arg15 : memref<!tpu.dma_semaphore, #tpu.memory_space<semaphore_mem>>)
      %slice3A_568 = vector.extract_strided_slice %get3A_294 {offsets = [8], sizes = [1], strides = [1]} : vector<16xi32> to vector<1xi32>
      %squeeze3A_569 = vector.extract %slice3A_568[0] : i32 from vector<1xi32>
      %slice3A_570 = vector.extract_strided_slice %get3A_297 {offsets = [8], sizes = [1], strides = [1]} : vector<16xi32> to vector<1xi32>
      %squeeze3A_571 = vector.extract %slice3A_570[0] : i32 from vector<1xi32>
      %mul3A_572 = arith.constant 16 : i32
      %mul3A_573 = arith.muli %scan3A_288, %mul3A_572 : i32
      %add3A_574 = arith.constant 8 : i32
      %add3A_575 = arith.addi %mul3A_573, %add3A_574 : i32
      %dma_start3A_576 = arith.constant 1 : i32
      %dma_start3A_577 = arith.constant 0 : i32
      %dma_start3A_578 = tpu.memref_slice %arg9[%dma_start3A_576, %add3A_575, %dma_start3A_577] : memref<2x128x64xf32, #tpu.memory_space<vmem>> -> memref<1x1x64xf32, #tpu.memory_space<vmem>>
      %dma_start3A_579 = tpu.memref_squeeze %dma_start3A_578 : memref<1x1x64xf32, #tpu.memory_space<vmem>> -> memref<64xf32, #tpu.memory_space<vmem>>
      %dma_start3A_580 = arith.constant 0 : i32
      %dma_start3A_581 = tpu.memref_slice %arg4[%squeeze3A_569, %dma_start3A_580] : memref<1000000x64xf32, #tpu.memory_space<hbm>> -> memref<1x64xf32, #tpu.memory_space<hbm>>
      %dma_start3A_582 = tpu.memref_squeeze %dma_start3A_581 : memref<1x64xf32, #tpu.memory_space<hbm>> -> memref<64xf32, #tpu.memory_space<hbm>>
      %dma_start3A_583 = arith.constant 0 : i32
      %dma_start3A_584 = tpu.memref_slice %arg9[%dma_start3A_576, %add3A_575, %dma_start3A_583] : memref<2x128x64xf32, #tpu.memory_space<vmem>> -> memref<1x1x64xf32, #tpu.memory_space<vmem>>
      %dma_start3A_585 = tpu.memref_squeeze %dma_start3A_584 : memref<1x1x64xf32, #tpu.memory_space<vmem>> -> memref<64xf32, #tpu.memory_space<vmem>>
      %dma_start3A_586 = arith.constant 0 : i32
      %dma_start3A_587 = tpu.memref_slice %arg4[%squeeze3A_569, %dma_start3A_586] : memref<1000000x64xf32, #tpu.memory_space<hbm>> -> memref<1x64xf32, #tpu.memory_space<hbm>>
      %dma_start3A_588 = tpu.memref_squeeze %dma_start3A_587 : memref<1x64xf32, #tpu.memory_space<hbm>> -> memref<64xf32, #tpu.memory_space<hbm>>
      tpu.enqueue_dma source(%dma_start3A_588 : memref<64xf32, #tpu.memory_space<hbm>>) target(%dma_start3A_585 : memref<64xf32, #tpu.memory_space<vmem>>) target_semaphore(%arg13 : memref<!tpu.dma_semaphore, #tpu.memory_space<semaphore_mem>>)
      %dma_start3A_589 = arith.constant 1 : i32
      %dma_start3A_590 = arith.constant 0 : i32
      %dma_start3A_591 = tpu.memref_slice %arg10[%dma_start3A_589, %add3A_575, %dma_start3A_590] : memref<2x128x64xf32, #tpu.memory_space<vmem>> -> memref<1x1x64xf32, #tpu.memory_space<vmem>>
      %dma_start3A_592 = tpu.memref_squeeze %dma_start3A_591 : memref<1x1x64xf32, #tpu.memory_space<vmem>> -> memref<64xf32, #tpu.memory_space<vmem>>
      %dma_start3A_593 = arith.constant 0 : i32
      %dma_start3A_594 = tpu.memref_slice %arg5[%squeeze3A_571, %dma_start3A_593] : memref<1000000x64xf32, #tpu.memory_space<hbm>> -> memref<1x64xf32, #tpu.memory_space<hbm>>
      %dma_start3A_595 = tpu.memref_squeeze %dma_start3A_594 : memref<1x64xf32, #tpu.memory_space<hbm>> -> memref<64xf32, #tpu.memory_space<hbm>>
      %dma_start3A_596 = arith.constant 0 : i32
      %dma_start3A_597 = tpu.memref_slice %arg10[%dma_start3A_589, %add3A_575, %dma_start3A_596] : memref<2x128x64xf32, #tpu.memory_space<vmem>> -> memref<1x1x64xf32, #tpu.memory_space<vmem>>
      %dma_start3A_598 = tpu.memref_squeeze %dma_start3A_597 : memref<1x1x64xf32, #tpu.memory_space<vmem>> -> memref<64xf32, #tpu.memory_space<vmem>>
      %dma_start3A_599 = arith.constant 0 : i32
      %dma_start3A_600 = tpu.memref_slice %arg5[%squeeze3A_571, %dma_start3A_599] : memref<1000000x64xf32, #tpu.memory_space<hbm>> -> memref<1x64xf32, #tpu.memory_space<hbm>>
      %dma_start3A_601 = tpu.memref_squeeze %dma_start3A_600 : memref<1x64xf32, #tpu.memory_space<hbm>> -> memref<64xf32, #tpu.memory_space<hbm>>
      tpu.enqueue_dma source(%dma_start3A_601 : memref<64xf32, #tpu.memory_space<hbm>>) target(%dma_start3A_598 : memref<64xf32, #tpu.memory_space<vmem>>) target_semaphore(%arg15 : memref<!tpu.dma_semaphore, #tpu.memory_space<semaphore_mem>>)
      %slice3A_602 = vector.extract_strided_slice %get3A_294 {offsets = [9], sizes = [1], strides = [1]} : vector<16xi32> to vector<1xi32>
      %squeeze3A_603 = vector.extract %slice3A_602[0] : i32 from vector<1xi32>
      %slice3A_604 = vector.extract_strided_slice %get3A_297 {offsets = [9], sizes = [1], strides = [1]} : vector<16xi32> to vector<1xi32>
      %squeeze3A_605 = vector.extract %slice3A_604[0] : i32 from vector<1xi32>
      %mul3A_606 = arith.constant 16 : i32
      %mul3A_607 = arith.muli %scan3A_288, %mul3A_606 : i32
      %add3A_608 = arith.constant 9 : i32
      %add3A_609 = arith.addi %mul3A_607, %add3A_608 : i32
      %dma_start3A_610 = arith.constant 1 : i32
      %dma_start3A_611 = arith.constant 0 : i32
      %dma_start3A_612 = tpu.memref_slice %arg9[%dma_start3A_610, %add3A_609, %dma_start3A_611] : memref<2x128x64xf32, #tpu.memory_space<vmem>> -> memref<1x1x64xf32, #tpu.memory_space<vmem>>
      %dma_start3A_613 = tpu.memref_squeeze %dma_start3A_612 : memref<1x1x64xf32, #tpu.memory_space<vmem>> -> memref<64xf32, #tpu.memory_space<vmem>>
      %dma_start3A_614 = arith.constant 0 : i32
      %dma_start3A_615 = tpu.memref_slice %arg4[%squeeze3A_603, %dma_start3A_614] : memref<1000000x64xf32, #tpu.memory_space<hbm>> -> memref<1x64xf32, #tpu.memory_space<hbm>>
      %dma_start3A_616 = tpu.memref_squeeze %dma_start3A_615 : memref<1x64xf32, #tpu.memory_space<hbm>> -> memref<64xf32, #tpu.memory_space<hbm>>
      %dma_start3A_617 = arith.constant 0 : i32
      %dma_start3A_618 = tpu.memref_slice %arg9[%dma_start3A_610, %add3A_609, %dma_start3A_617] : memref<2x128x64xf32, #tpu.memory_space<vmem>> -> memref<1x1x64xf32, #tpu.memory_space<vmem>>
      %dma_start3A_619 = tpu.memref_squeeze %dma_start3A_618 : memref<1x1x64xf32, #tpu.memory_space<vmem>> -> memref<64xf32, #tpu.memory_space<vmem>>
      %dma_start3A_620 = arith.constant 0 : i32
      %dma_start3A_621 = tpu.memref_slice %arg4[%squeeze3A_603, %dma_start3A_620] : memref<1000000x64xf32, #tpu.memory_space<hbm>> -> memref<1x64xf32, #tpu.memory_space<hbm>>
      %dma_start3A_622 = tpu.memref_squeeze %dma_start3A_621 : memref<1x64xf32, #tpu.memory_space<hbm>> -> memref<64xf32, #tpu.memory_space<hbm>>
      tpu.enqueue_dma source(%dma_start3A_622 : memref<64xf32, #tpu.memory_space<hbm>>) target(%dma_start3A_619 : memref<64xf32, #tpu.memory_space<vmem>>) target_semaphore(%arg13 : memref<!tpu.dma_semaphore, #tpu.memory_space<semaphore_mem>>)
      %dma_start3A_623 = arith.constant 1 : i32
      %dma_start3A_624 = arith.constant 0 : i32
      %dma_start3A_625 = tpu.memref_slice %arg10[%dma_start3A_623, %add3A_609, %dma_start3A_624] : memref<2x128x64xf32, #tpu.memory_space<vmem>> -> memref<1x1x64xf32, #tpu.memory_space<vmem>>
      %dma_start3A_626 = tpu.memref_squeeze %dma_start3A_625 : memref<1x1x64xf32, #tpu.memory_space<vmem>> -> memref<64xf32, #tpu.memory_space<vmem>>
      %dma_start3A_627 = arith.constant 0 : i32
      %dma_start3A_628 = tpu.memref_slice %arg5[%squeeze3A_605, %dma_start3A_627] : memref<1000000x64xf32, #tpu.memory_space<hbm>> -> memref<1x64xf32, #tpu.memory_space<hbm>>
      %dma_start3A_629 = tpu.memref_squeeze %dma_start3A_628 : memref<1x64xf32, #tpu.memory_space<hbm>> -> memref<64xf32, #tpu.memory_space<hbm>>
      %dma_start3A_630 = arith.constant 0 : i32
      %dma_start3A_631 = tpu.memref_slice %arg10[%dma_start3A_623, %add3A_609, %dma_start3A_630] : memref<2x128x64xf32, #tpu.memory_space<vmem>> -> memref<1x1x64xf32, #tpu.memory_space<vmem>>
      %dma_start3A_632 = tpu.memref_squeeze %dma_start3A_631 : memref<1x1x64xf32, #tpu.memory_space<vmem>> -> memref<64xf32, #tpu.memory_space<vmem>>
      %dma_start3A_633 = arith.constant 0 : i32
      %dma_start3A_634 = tpu.memref_slice %arg5[%squeeze3A_605, %dma_start3A_633] : memref<1000000x64xf32, #tpu.memory_space<hbm>> -> memref<1x64xf32, #tpu.memory_space<hbm>>
      %dma_start3A_635 = tpu.memref_squeeze %dma_start3A_634 : memref<1x64xf32, #tpu.memory_space<hbm>> -> memref<64xf32, #tpu.memory_space<hbm>>
      tpu.enqueue_dma source(%dma_start3A_635 : memref<64xf32, #tpu.memory_space<hbm>>) target(%dma_start3A_632 : memref<64xf32, #tpu.memory_space<vmem>>) target_semaphore(%arg15 : memref<!tpu.dma_semaphore, #tpu.memory_space<semaphore_mem>>)
      %slice3A_636 = vector.extract_strided_slice %get3A_294 {offsets = [10], sizes = [1], strides = [1]} : vector<16xi32> to vector<1xi32>
      %squeeze3A_637 = vector.extract %slice3A_636[0] : i32 from vector<1xi32>
      %slice3A_638 = vector.extract_strided_slice %get3A_297 {offsets = [10], sizes = [1], strides = [1]} : vector<16xi32> to vector<1xi32>
      %squeeze3A_639 = vector.extract %slice3A_638[0] : i32 from vector<1xi32>
      %mul3A_640 = arith.constant 16 : i32
      %mul3A_641 = arith.muli %scan3A_288, %mul3A_640 : i32
      %add3A_642 = arith.constant 10 : i32
      %add3A_643 = arith.addi %mul3A_641, %add3A_642 : i32
      %dma_start3A_644 = arith.constant 1 : i32
      %dma_start3A_645 = arith.constant 0 : i32
      %dma_start3A_646 = tpu.memref_slice %arg9[%dma_start3A_644, %add3A_643, %dma_start3A_645] : memref<2x128x64xf32, #tpu.memory_space<vmem>> -> memref<1x1x64xf32, #tpu.memory_space<vmem>>
      %dma_start3A_647 = tpu.memref_squeeze %dma_start3A_646 : memref<1x1x64xf32, #tpu.memory_space<vmem>> -> memref<64xf32, #tpu.memory_space<vmem>>
      %dma_start3A_648 = arith.constant 0 : i32
      %dma_start3A_649 = tpu.memref_slice %arg4[%squeeze3A_637, %dma_start3A_648] : memref<1000000x64xf32, #tpu.memory_space<hbm>> -> memref<1x64xf32, #tpu.memory_space<hbm>>
      %dma_start3A_650 = tpu.memref_squeeze %dma_start3A_649 : memref<1x64xf32, #tpu.memory_space<hbm>> -> memref<64xf32, #tpu.memory_space<hbm>>
      %dma_start3A_651 = arith.constant 0 : i32
      %dma_start3A_652 = tpu.memref_slice %arg9[%dma_start3A_644, %add3A_643, %dma_start3A_651] : memref<2x128x64xf32, #tpu.memory_space<vmem>> -> memref<1x1x64xf32, #tpu.memory_space<vmem>>
      %dma_start3A_653 = tpu.memref_squeeze %dma_start3A_652 : memref<1x1x64xf32, #tpu.memory_space<vmem>> -> memref<64xf32, #tpu.memory_space<vmem>>
      %dma_start3A_654 = arith.constant 0 : i32
      %dma_start3A_655 = tpu.memref_slice %arg4[%squeeze3A_637, %dma_start3A_654] : memref<1000000x64xf32, #tpu.memory_space<hbm>> -> memref<1x64xf32, #tpu.memory_space<hbm>>
      %dma_start3A_656 = tpu.memref_squeeze %dma_start3A_655 : memref<1x64xf32, #tpu.memory_space<hbm>> -> memref<64xf32, #tpu.memory_space<hbm>>
      tpu.enqueue_dma source(%dma_start3A_656 : memref<64xf32, #tpu.memory_space<hbm>>) target(%dma_start3A_653 : memref<64xf32, #tpu.memory_space<vmem>>) target_semaphore(%arg13 : memref<!tpu.dma_semaphore, #tpu.memory_space<semaphore_mem>>)
      %dma_start3A_657 = arith.constant 1 : i32
      %dma_start3A_658 = arith.constant 0 : i32
      %dma_start3A_659 = tpu.memref_slice %arg10[%dma_start3A_657, %add3A_643, %dma_start3A_658] : memref<2x128x64xf32, #tpu.memory_space<vmem>> -> memref<1x1x64xf32, #tpu.memory_space<vmem>>
      %dma_start3A_660 = tpu.memref_squeeze %dma_start3A_659 : memref<1x1x64xf32, #tpu.memory_space<vmem>> -> memref<64xf32, #tpu.memory_space<vmem>>
      %dma_start3A_661 = arith.constant 0 : i32
      %dma_start3A_662 = tpu.memref_slice %arg5[%squeeze3A_639, %dma_start3A_661] : memref<1000000x64xf32, #tpu.memory_space<hbm>> -> memref<1x64xf32, #tpu.memory_space<hbm>>
      %dma_start3A_663 = tpu.memref_squeeze %dma_start3A_662 : memref<1x64xf32, #tpu.memory_space<hbm>> -> memref<64xf32, #tpu.memory_space<hbm>>
      %dma_start3A_664 = arith.constant 0 : i32
      %dma_start3A_665 = tpu.memref_slice %arg10[%dma_start3A_657, %add3A_643, %dma_start3A_664] : memref<2x128x64xf32, #tpu.memory_space<vmem>> -> memref<1x1x64xf32, #tpu.memory_space<vmem>>
      %dma_start3A_666 = tpu.memref_squeeze %dma_start3A_665 : memref<1x1x64xf32, #tpu.memory_space<vmem>> -> memref<64xf32, #tpu.memory_space<vmem>>
      %dma_start3A_667 = arith.constant 0 : i32
      %dma_start3A_668 = tpu.memref_slice %arg5[%squeeze3A_639, %dma_start3A_667] : memref<1000000x64xf32, #tpu.memory_space<hbm>> -> memref<1x64xf32, #tpu.memory_space<hbm>>
      %dma_start3A_669 = tpu.memref_squeeze %dma_start3A_668 : memref<1x64xf32, #tpu.memory_space<hbm>> -> memref<64xf32, #tpu.memory_space<hbm>>
      tpu.enqueue_dma source(%dma_start3A_669 : memref<64xf32, #tpu.memory_space<hbm>>) target(%dma_start3A_666 : memref<64xf32, #tpu.memory_space<vmem>>) target_semaphore(%arg15 : memref<!tpu.dma_semaphore, #tpu.memory_space<semaphore_mem>>)
      %slice3A_670 = vector.extract_strided_slice %get3A_294 {offsets = [11], sizes = [1], strides = [1]} : vector<16xi32> to vector<1xi32>
      %squeeze3A_671 = vector.extract %slice3A_670[0] : i32 from vector<1xi32>
      %slice3A_672 = vector.extract_strided_slice %get3A_297 {offsets = [11], sizes = [1], strides = [1]} : vector<16xi32> to vector<1xi32>
      %squeeze3A_673 = vector.extract %slice3A_672[0] : i32 from vector<1xi32>
      %mul3A_674 = arith.constant 16 : i32
      %mul3A_675 = arith.muli %scan3A_288, %mul3A_674 : i32
      %add3A_676 = arith.constant 11 : i32
      %add3A_677 = arith.addi %mul3A_675, %add3A_676 : i32
      %dma_start3A_678 = arith.constant 1 : i32
      %dma_start3A_679 = arith.constant 0 : i32
      %dma_start3A_680 = tpu.memref_slice %arg9[%dma_start3A_678, %add3A_677, %dma_start3A_679] : memref<2x128x64xf32, #tpu.memory_space<vmem>> -> memref<1x1x64xf32, #tpu.memory_space<vmem>>
      %dma_start3A_681 = tpu.memref_squeeze %dma_start3A_680 : memref<1x1x64xf32, #tpu.memory_space<vmem>> -> memref<64xf32, #tpu.memory_space<vmem>>
      %dma_start3A_682 = arith.constant 0 : i32
      %dma_start3A_683 = tpu.memref_slice %arg4[%squeeze3A_671, %dma_start3A_682] : memref<1000000x64xf32, #tpu.memory_space<hbm>> -> memref<1x64xf32, #tpu.memory_space<hbm>>
      %dma_start3A_684 = tpu.memref_squeeze %dma_start3A_683 : memref<1x64xf32, #tpu.memory_space<hbm>> -> memref<64xf32, #tpu.memory_space<hbm>>
      %dma_start3A_685 = arith.constant 0 : i32
      %dma_start3A_686 = tpu.memref_slice %arg9[%dma_start3A_678, %add3A_677, %dma_start3A_685] : memref<2x128x64xf32, #tpu.memory_space<vmem>> -> memref<1x1x64xf32, #tpu.memory_space<vmem>>
      %dma_start3A_687 = tpu.memref_squeeze %dma_start3A_686 : memref<1x1x64xf32, #tpu.memory_space<vmem>> -> memref<64xf32, #tpu.memory_space<vmem>>
      %dma_start3A_688 = arith.constant 0 : i32
      %dma_start3A_689 = tpu.memref_slice %arg4[%squeeze3A_671, %dma_start3A_688] : memref<1000000x64xf32, #tpu.memory_space<hbm>> -> memref<1x64xf32, #tpu.memory_space<hbm>>
      %dma_start3A_690 = tpu.memref_squeeze %dma_start3A_689 : memref<1x64xf32, #tpu.memory_space<hbm>> -> memref<64xf32, #tpu.memory_space<hbm>>
      tpu.enqueue_dma source(%dma_start3A_690 : memref<64xf32, #tpu.memory_space<hbm>>) target(%dma_start3A_687 : memref<64xf32, #tpu.memory_space<vmem>>) target_semaphore(%arg13 : memref<!tpu.dma_semaphore, #tpu.memory_space<semaphore_mem>>)
      %dma_start3A_691 = arith.constant 1 : i32
      %dma_start3A_692 = arith.constant 0 : i32
      %dma_start3A_693 = tpu.memref_slice %arg10[%dma_start3A_691, %add3A_677, %dma_start3A_692] : memref<2x128x64xf32, #tpu.memory_space<vmem>> -> memref<1x1x64xf32, #tpu.memory_space<vmem>>
      %dma_start3A_694 = tpu.memref_squeeze %dma_start3A_693 : memref<1x1x64xf32, #tpu.memory_space<vmem>> -> memref<64xf32, #tpu.memory_space<vmem>>
      %dma_start3A_695 = arith.constant 0 : i32
      %dma_start3A_696 = tpu.memref_slice %arg5[%squeeze3A_673, %dma_start3A_695] : memref<1000000x64xf32, #tpu.memory_space<hbm>> -> memref<1x64xf32, #tpu.memory_space<hbm>>
      %dma_start3A_697 = tpu.memref_squeeze %dma_start3A_696 : memref<1x64xf32, #tpu.memory_space<hbm>> -> memref<64xf32, #tpu.memory_space<hbm>>
      %dma_start3A_698 = arith.constant 0 : i32
      %dma_start3A_699 = tpu.memref_slice %arg10[%dma_start3A_691, %add3A_677, %dma_start3A_698] : memref<2x128x64xf32, #tpu.memory_space<vmem>> -> memref<1x1x64xf32, #tpu.memory_space<vmem>>
      %dma_start3A_700 = tpu.memref_squeeze %dma_start3A_699 : memref<1x1x64xf32, #tpu.memory_space<vmem>> -> memref<64xf32, #tpu.memory_space<vmem>>
      %dma_start3A_701 = arith.constant 0 : i32
      %dma_start3A_702 = tpu.memref_slice %arg5[%squeeze3A_673, %dma_start3A_701] : memref<1000000x64xf32, #tpu.memory_space<hbm>> -> memref<1x64xf32, #tpu.memory_space<hbm>>
      %dma_start3A_703 = tpu.memref_squeeze %dma_start3A_702 : memref<1x64xf32, #tpu.memory_space<hbm>> -> memref<64xf32, #tpu.memory_space<hbm>>
      tpu.enqueue_dma source(%dma_start3A_703 : memref<64xf32, #tpu.memory_space<hbm>>) target(%dma_start3A_700 : memref<64xf32, #tpu.memory_space<vmem>>) target_semaphore(%arg15 : memref<!tpu.dma_semaphore, #tpu.memory_space<semaphore_mem>>)
      %slice3A_704 = vector.extract_strided_slice %get3A_294 {offsets = [12], sizes = [1], strides = [1]} : vector<16xi32> to vector<1xi32>
      %squeeze3A_705 = vector.extract %slice3A_704[0] : i32 from vector<1xi32>
      %slice3A_706 = vector.extract_strided_slice %get3A_297 {offsets = [12], sizes = [1], strides = [1]} : vector<16xi32> to vector<1xi32>
      %squeeze3A_707 = vector.extract %slice3A_706[0] : i32 from vector<1xi32>
      %mul3A_708 = arith.constant 16 : i32
      %mul3A_709 = arith.muli %scan3A_288, %mul3A_708 : i32
      %add3A_710 = arith.constant 12 : i32
      %add3A_711 = arith.addi %mul3A_709, %add3A_710 : i32
      %dma_start3A_712 = arith.constant 1 : i32
      %dma_start3A_713 = arith.constant 0 : i32
      %dma_start3A_714 = tpu.memref_slice %arg9[%dma_start3A_712, %add3A_711, %dma_start3A_713] : memref<2x128x64xf32, #tpu.memory_space<vmem>> -> memref<1x1x64xf32, #tpu.memory_space<vmem>>
      %dma_start3A_715 = tpu.memref_squeeze %dma_start3A_714 : memref<1x1x64xf32, #tpu.memory_space<vmem>> -> memref<64xf32, #tpu.memory_space<vmem>>
      %dma_start3A_716 = arith.constant 0 : i32
      %dma_start3A_717 = tpu.memref_slice %arg4[%squeeze3A_705, %dma_start3A_716] : memref<1000000x64xf32, #tpu.memory_space<hbm>> -> memref<1x64xf32, #tpu.memory_space<hbm>>
      %dma_start3A_718 = tpu.memref_squeeze %dma_start3A_717 : memref<1x64xf32, #tpu.memory_space<hbm>> -> memref<64xf32, #tpu.memory_space<hbm>>
      %dma_start3A_719 = arith.constant 0 : i32
      %dma_start3A_720 = tpu.memref_slice %arg9[%dma_start3A_712, %add3A_711, %dma_start3A_719] : memref<2x128x64xf32, #tpu.memory_space<vmem>> -> memref<1x1x64xf32, #tpu.memory_space<vmem>>
      %dma_start3A_721 = tpu.memref_squeeze %dma_start3A_720 : memref<1x1x64xf32, #tpu.memory_space<vmem>> -> memref<64xf32, #tpu.memory_space<vmem>>
      %dma_start3A_722 = arith.constant 0 : i32
      %dma_start3A_723 = tpu.memref_slice %arg4[%squeeze3A_705, %dma_start3A_722] : memref<1000000x64xf32, #tpu.memory_space<hbm>> -> memref<1x64xf32, #tpu.memory_space<hbm>>
      %dma_start3A_724 = tpu.memref_squeeze %dma_start3A_723 : memref<1x64xf32, #tpu.memory_space<hbm>> -> memref<64xf32, #tpu.memory_space<hbm>>
      tpu.enqueue_dma source(%dma_start3A_724 : memref<64xf32, #tpu.memory_space<hbm>>) target(%dma_start3A_721 : memref<64xf32, #tpu.memory_space<vmem>>) target_semaphore(%arg13 : memref<!tpu.dma_semaphore, #tpu.memory_space<semaphore_mem>>)
      %dma_start3A_725 = arith.constant 1 : i32
      %dma_start3A_726 = arith.constant 0 : i32
      %dma_start3A_727 = tpu.memref_slice %arg10[%dma_start3A_725, %add3A_711, %dma_start3A_726] : memref<2x128x64xf32, #tpu.memory_space<vmem>> -> memref<1x1x64xf32, #tpu.memory_space<vmem>>
      %dma_start3A_728 = tpu.memref_squeeze %dma_start3A_727 : memref<1x1x64xf32, #tpu.memory_space<vmem>> -> memref<64xf32, #tpu.memory_space<vmem>>
      %dma_start3A_729 = arith.constant 0 : i32
      %dma_start3A_730 = tpu.memref_slice %arg5[%squeeze3A_707, %dma_start3A_729] : memref<1000000x64xf32, #tpu.memory_space<hbm>> -> memref<1x64xf32, #tpu.memory_space<hbm>>
      %dma_start3A_731 = tpu.memref_squeeze %dma_start3A_730 : memref<1x64xf32, #tpu.memory_space<hbm>> -> memref<64xf32, #tpu.memory_space<hbm>>
      %dma_start3A_732 = arith.constant 0 : i32
      %dma_start3A_733 = tpu.memref_slice %arg10[%dma_start3A_725, %add3A_711, %dma_start3A_732] : memref<2x128x64xf32, #tpu.memory_space<vmem>> -> memref<1x1x64xf32, #tpu.memory_space<vmem>>
      %dma_start3A_734 = tpu.memref_squeeze %dma_start3A_733 : memref<1x1x64xf32, #tpu.memory_space<vmem>> -> memref<64xf32, #tpu.memory_space<vmem>>
      %dma_start3A_735 = arith.constant 0 : i32
      %dma_start3A_736 = tpu.memref_slice %arg5[%squeeze3A_707, %dma_start3A_735] : memref<1000000x64xf32, #tpu.memory_space<hbm>> -> memref<1x64xf32, #tpu.memory_space<hbm>>
      %dma_start3A_737 = tpu.memref_squeeze %dma_start3A_736 : memref<1x64xf32, #tpu.memory_space<hbm>> -> memref<64xf32, #tpu.memory_space<hbm>>
      tpu.enqueue_dma source(%dma_start3A_737 : memref<64xf32, #tpu.memory_space<hbm>>) target(%dma_start3A_734 : memref<64xf32, #tpu.memory_space<vmem>>) target_semaphore(%arg15 : memref<!tpu.dma_semaphore, #tpu.memory_space<semaphore_mem>>)
      %slice3A_738 = vector.extract_strided_slice %get3A_294 {offsets = [13], sizes = [1], strides = [1]} : vector<16xi32> to vector<1xi32>
      %squeeze3A_739 = vector.extract %slice3A_738[0] : i32 from vector<1xi32>
      %slice3A_740 = vector.extract_strided_slice %get3A_297 {offsets = [13], sizes = [1], strides = [1]} : vector<16xi32> to vector<1xi32>
      %squeeze3A_741 = vector.extract %slice3A_740[0] : i32 from vector<1xi32>
      %mul3A_742 = arith.constant 16 : i32
      %mul3A_743 = arith.muli %scan3A_288, %mul3A_742 : i32
      %add3A_744 = arith.constant 13 : i32
      %add3A_745 = arith.addi %mul3A_743, %add3A_744 : i32
      %dma_start3A_746 = arith.constant 1 : i32
      %dma_start3A_747 = arith.constant 0 : i32
      %dma_start3A_748 = tpu.memref_slice %arg9[%dma_start3A_746, %add3A_745, %dma_start3A_747] : memref<2x128x64xf32, #tpu.memory_space<vmem>> -> memref<1x1x64xf32, #tpu.memory_space<vmem>>
      %dma_start3A_749 = tpu.memref_squeeze %dma_start3A_748 : memref<1x1x64xf32, #tpu.memory_space<vmem>> -> memref<64xf32, #tpu.memory_space<vmem>>
      %dma_start3A_750 = arith.constant 0 : i32
      %dma_start3A_751 = tpu.memref_slice %arg4[%squeeze3A_739, %dma_start3A_750] : memref<1000000x64xf32, #tpu.memory_space<hbm>> -> memref<1x64xf32, #tpu.memory_space<hbm>>
      %dma_start3A_752 = tpu.memref_squeeze %dma_start3A_751 : memref<1x64xf32, #tpu.memory_space<hbm>> -> memref<64xf32, #tpu.memory_space<hbm>>
      %dma_start3A_753 = arith.constant 0 : i32
      %dma_start3A_754 = tpu.memref_slice %arg9[%dma_start3A_746, %add3A_745, %dma_start3A_753] : memref<2x128x64xf32, #tpu.memory_space<vmem>> -> memref<1x1x64xf32, #tpu.memory_space<vmem>>
      %dma_start3A_755 = tpu.memref_squeeze %dma_start3A_754 : memref<1x1x64xf32, #tpu.memory_space<vmem>> -> memref<64xf32, #tpu.memory_space<vmem>>
      %dma_start3A_756 = arith.constant 0 : i32
      %dma_start3A_757 = tpu.memref_slice %arg4[%squeeze3A_739, %dma_start3A_756] : memref<1000000x64xf32, #tpu.memory_space<hbm>> -> memref<1x64xf32, #tpu.memory_space<hbm>>
      %dma_start3A_758 = tpu.memref_squeeze %dma_start3A_757 : memref<1x64xf32, #tpu.memory_space<hbm>> -> memref<64xf32, #tpu.memory_space<hbm>>
      tpu.enqueue_dma source(%dma_start3A_758 : memref<64xf32, #tpu.memory_space<hbm>>) target(%dma_start3A_755 : memref<64xf32, #tpu.memory_space<vmem>>) target_semaphore(%arg13 : memref<!tpu.dma_semaphore, #tpu.memory_space<semaphore_mem>>)
      %dma_start3A_759 = arith.constant 1 : i32
      %dma_start3A_760 = arith.constant 0 : i32
      %dma_start3A_761 = tpu.memref_slice %arg10[%dma_start3A_759, %add3A_745, %dma_start3A_760] : memref<2x128x64xf32, #tpu.memory_space<vmem>> -> memref<1x1x64xf32, #tpu.memory_space<vmem>>
      %dma_start3A_762 = tpu.memref_squeeze %dma_start3A_761 : memref<1x1x64xf32, #tpu.memory_space<vmem>> -> memref<64xf32, #tpu.memory_space<vmem>>
      %dma_start3A_763 = arith.constant 0 : i32
      %dma_start3A_764 = tpu.memref_slice %arg5[%squeeze3A_741, %dma_start3A_763] : memref<1000000x64xf32, #tpu.memory_space<hbm>> -> memref<1x64xf32, #tpu.memory_space<hbm>>
      %dma_start3A_765 = tpu.memref_squeeze %dma_start3A_764 : memref<1x64xf32, #tpu.memory_space<hbm>> -> memref<64xf32, #tpu.memory_space<hbm>>
      %dma_start3A_766 = arith.constant 0 : i32
      %dma_start3A_767 = tpu.memref_slice %arg10[%dma_start3A_759, %add3A_745, %dma_start3A_766] : memref<2x128x64xf32, #tpu.memory_space<vmem>> -> memref<1x1x64xf32, #tpu.memory_space<vmem>>
      %dma_start3A_768 = tpu.memref_squeeze %dma_start3A_767 : memref<1x1x64xf32, #tpu.memory_space<vmem>> -> memref<64xf32, #tpu.memory_space<vmem>>
      %dma_start3A_769 = arith.constant 0 : i32
      %dma_start3A_770 = tpu.memref_slice %arg5[%squeeze3A_741, %dma_start3A_769] : memref<1000000x64xf32, #tpu.memory_space<hbm>> -> memref<1x64xf32, #tpu.memory_space<hbm>>
      %dma_start3A_771 = tpu.memref_squeeze %dma_start3A_770 : memref<1x64xf32, #tpu.memory_space<hbm>> -> memref<64xf32, #tpu.memory_space<hbm>>
      tpu.enqueue_dma source(%dma_start3A_771 : memref<64xf32, #tpu.memory_space<hbm>>) target(%dma_start3A_768 : memref<64xf32, #tpu.memory_space<vmem>>) target_semaphore(%arg15 : memref<!tpu.dma_semaphore, #tpu.memory_space<semaphore_mem>>)
      %slice3A_772 = vector.extract_strided_slice %get3A_294 {offsets = [14], sizes = [1], strides = [1]} : vector<16xi32> to vector<1xi32>
      %squeeze3A_773 = vector.extract %slice3A_772[0] : i32 from vector<1xi32>
      %slice3A_774 = vector.extract_strided_slice %get3A_297 {offsets = [14], sizes = [1], strides = [1]} : vector<16xi32> to vector<1xi32>
      %squeeze3A_775 = vector.extract %slice3A_774[0] : i32 from vector<1xi32>
      %mul3A_776 = arith.constant 16 : i32
      %mul3A_777 = arith.muli %scan3A_288, %mul3A_776 : i32
      %add3A_778 = arith.constant 14 : i32
      %add3A_779 = arith.addi %mul3A_777, %add3A_778 : i32
      %dma_start3A_780 = arith.constant 1 : i32
      %dma_start3A_781 = arith.constant 0 : i32
      %dma_start3A_782 = tpu.memref_slice %arg9[%dma_start3A_780, %add3A_779, %dma_start3A_781] : memref<2x128x64xf32, #tpu.memory_space<vmem>> -> memref<1x1x64xf32, #tpu.memory_space<vmem>>
      %dma_start3A_783 = tpu.memref_squeeze %dma_start3A_782 : memref<1x1x64xf32, #tpu.memory_space<vmem>> -> memref<64xf32, #tpu.memory_space<vmem>>
      %dma_start3A_784 = arith.constant 0 : i32
      %dma_start3A_785 = tpu.memref_slice %arg4[%squeeze3A_773, %dma_start3A_784] : memref<1000000x64xf32, #tpu.memory_space<hbm>> -> memref<1x64xf32, #tpu.memory_space<hbm>>
      %dma_start3A_786 = tpu.memref_squeeze %dma_start3A_785 : memref<1x64xf32, #tpu.memory_space<hbm>> -> memref<64xf32, #tpu.memory_space<hbm>>
      %dma_start3A_787 = arith.constant 0 : i32
      %dma_start3A_788 = tpu.memref_slice %arg9[%dma_start3A_780, %add3A_779, %dma_start3A_787] : memref<2x128x64xf32, #tpu.memory_space<vmem>> -> memref<1x1x64xf32, #tpu.memory_space<vmem>>
      %dma_start3A_789 = tpu.memref_squeeze %dma_start3A_788 : memref<1x1x64xf32, #tpu.memory_space<vmem>> -> memref<64xf32, #tpu.memory_space<vmem>>
      %dma_start3A_790 = arith.constant 0 : i32
      %dma_start3A_791 = tpu.memref_slice %arg4[%squeeze3A_773, %dma_start3A_790] : memref<1000000x64xf32, #tpu.memory_space<hbm>> -> memref<1x64xf32, #tpu.memory_space<hbm>>
      %dma_start3A_792 = tpu.memref_squeeze %dma_start3A_791 : memref<1x64xf32, #tpu.memory_space<hbm>> -> memref<64xf32, #tpu.memory_space<hbm>>
      tpu.enqueue_dma source(%dma_start3A_792 : memref<64xf32, #tpu.memory_space<hbm>>) target(%dma_start3A_789 : memref<64xf32, #tpu.memory_space<vmem>>) target_semaphore(%arg13 : memref<!tpu.dma_semaphore, #tpu.memory_space<semaphore_mem>>)
      %dma_start3A_793 = arith.constant 1 : i32
      %dma_start3A_794 = arith.constant 0 : i32
      %dma_start3A_795 = tpu.memref_slice %arg10[%dma_start3A_793, %add3A_779, %dma_start3A_794] : memref<2x128x64xf32, #tpu.memory_space<vmem>> -> memref<1x1x64xf32, #tpu.memory_space<vmem>>
      %dma_start3A_796 = tpu.memref_squeeze %dma_start3A_795 : memref<1x1x64xf32, #tpu.memory_space<vmem>> -> memref<64xf32, #tpu.memory_space<vmem>>
      %dma_start3A_797 = arith.constant 0 : i32
      %dma_start3A_798 = tpu.memref_slice %arg5[%squeeze3A_775, %dma_start3A_797] : memref<1000000x64xf32, #tpu.memory_space<hbm>> -> memref<1x64xf32, #tpu.memory_space<hbm>>
      %dma_start3A_799 = tpu.memref_squeeze %dma_start3A_798 : memref<1x64xf32, #tpu.memory_space<hbm>> -> memref<64xf32, #tpu.memory_space<hbm>>
      %dma_start3A_800 = arith.constant 0 : i32
      %dma_start3A_801 = tpu.memref_slice %arg10[%dma_start3A_793, %add3A_779, %dma_start3A_800] : memref<2x128x64xf32, #tpu.memory_space<vmem>> -> memref<1x1x64xf32, #tpu.memory_space<vmem>>
      %dma_start3A_802 = tpu.memref_squeeze %dma_start3A_801 : memref<1x1x64xf32, #tpu.memory_space<vmem>> -> memref<64xf32, #tpu.memory_space<vmem>>
      %dma_start3A_803 = arith.constant 0 : i32
      %dma_start3A_804 = tpu.memref_slice %arg5[%squeeze3A_775, %dma_start3A_803] : memref<1000000x64xf32, #tpu.memory_space<hbm>> -> memref<1x64xf32, #tpu.memory_space<hbm>>
      %dma_start3A_805 = tpu.memref_squeeze %dma_start3A_804 : memref<1x64xf32, #tpu.memory_space<hbm>> -> memref<64xf32, #tpu.memory_space<hbm>>
      tpu.enqueue_dma source(%dma_start3A_805 : memref<64xf32, #tpu.memory_space<hbm>>) target(%dma_start3A_802 : memref<64xf32, #tpu.memory_space<vmem>>) target_semaphore(%arg15 : memref<!tpu.dma_semaphore, #tpu.memory_space<semaphore_mem>>)
      %slice3A_806 = vector.extract_strided_slice %get3A_294 {offsets = [15], sizes = [1], strides = [1]} : vector<16xi32> to vector<1xi32>
      %squeeze3A_807 = vector.extract %slice3A_806[0] : i32 from vector<1xi32>
      %slice3A_808 = vector.extract_strided_slice %get3A_297 {offsets = [15], sizes = [1], strides = [1]} : vector<16xi32> to vector<1xi32>
      %squeeze3A_809 = vector.extract %slice3A_808[0] : i32 from vector<1xi32>
      %mul3A_810 = arith.constant 16 : i32
      %mul3A_811 = arith.muli %scan3A_288, %mul3A_810 : i32
      %add3A_812 = arith.constant 15 : i32
      %add3A_813 = arith.addi %mul3A_811, %add3A_812 : i32
      %dma_start3A_814 = arith.constant 1 : i32
      %dma_start3A_815 = arith.constant 0 : i32
      %dma_start3A_816 = tpu.memref_slice %arg9[%dma_start3A_814, %add3A_813, %dma_start3A_815] : memref<2x128x64xf32, #tpu.memory_space<vmem>> -> memref<1x1x64xf32, #tpu.memory_space<vmem>>
      %dma_start3A_817 = tpu.memref_squeeze %dma_start3A_816 : memref<1x1x64xf32, #tpu.memory_space<vmem>> -> memref<64xf32, #tpu.memory_space<vmem>>
      %dma_start3A_818 = arith.constant 0 : i32
      %dma_start3A_819 = tpu.memref_slice %arg4[%squeeze3A_807, %dma_start3A_818] : memref<1000000x64xf32, #tpu.memory_space<hbm>> -> memref<1x64xf32, #tpu.memory_space<hbm>>
      %dma_start3A_820 = tpu.memref_squeeze %dma_start3A_819 : memref<1x64xf32, #tpu.memory_space<hbm>> -> memref<64xf32, #tpu.memory_space<hbm>>
      %dma_start3A_821 = arith.constant 0 : i32
      %dma_start3A_822 = tpu.memref_slice %arg9[%dma_start3A_814, %add3A_813, %dma_start3A_821] : memref<2x128x64xf32, #tpu.memory_space<vmem>> -> memref<1x1x64xf32, #tpu.memory_space<vmem>>
      %dma_start3A_823 = tpu.memref_squeeze %dma_start3A_822 : memref<1x1x64xf32, #tpu.memory_space<vmem>> -> memref<64xf32, #tpu.memory_space<vmem>>
      %dma_start3A_824 = arith.constant 0 : i32
      %dma_start3A_825 = tpu.memref_slice %arg4[%squeeze3A_807, %dma_start3A_824] : memref<1000000x64xf32, #tpu.memory_space<hbm>> -> memref<1x64xf32, #tpu.memory_space<hbm>>
      %dma_start3A_826 = tpu.memref_squeeze %dma_start3A_825 : memref<1x64xf32, #tpu.memory_space<hbm>> -> memref<64xf32, #tpu.memory_space<hbm>>
      tpu.enqueue_dma source(%dma_start3A_826 : memref<64xf32, #tpu.memory_space<hbm>>) target(%dma_start3A_823 : memref<64xf32, #tpu.memory_space<vmem>>) target_semaphore(%arg13 : memref<!tpu.dma_semaphore, #tpu.memory_space<semaphore_mem>>)
      %dma_start3A_827 = arith.constant 1 : i32
      %dma_start3A_828 = arith.constant 0 : i32
      %dma_start3A_829 = tpu.memref_slice %arg10[%dma_start3A_827, %add3A_813, %dma_start3A_828] : memref<2x128x64xf32, #tpu.memory_space<vmem>> -> memref<1x1x64xf32, #tpu.memory_space<vmem>>
      %dma_start3A_830 = tpu.memref_squeeze %dma_start3A_829 : memref<1x1x64xf32, #tpu.memory_space<vmem>> -> memref<64xf32, #tpu.memory_space<vmem>>
      %dma_start3A_831 = arith.constant 0 : i32
      %dma_start3A_832 = tpu.memref_slice %arg5[%squeeze3A_809, %dma_start3A_831] : memref<1000000x64xf32, #tpu.memory_space<hbm>> -> memref<1x64xf32, #tpu.memory_space<hbm>>
      %dma_start3A_833 = tpu.memref_squeeze %dma_start3A_832 : memref<1x64xf32, #tpu.memory_space<hbm>> -> memref<64xf32, #tpu.memory_space<hbm>>
      %dma_start3A_834 = arith.constant 0 : i32
      %dma_start3A_835 = tpu.memref_slice %arg10[%dma_start3A_827, %add3A_813, %dma_start3A_834] : memref<2x128x64xf32, #tpu.memory_space<vmem>> -> memref<1x1x64xf32, #tpu.memory_space<vmem>>
      %dma_start3A_836 = tpu.memref_squeeze %dma_start3A_835 : memref<1x1x64xf32, #tpu.memory_space<vmem>> -> memref<64xf32, #tpu.memory_space<vmem>>
      %dma_start3A_837 = arith.constant 0 : i32
      %dma_start3A_838 = tpu.memref_slice %arg5[%squeeze3A_809, %dma_start3A_837] : memref<1000000x64xf32, #tpu.memory_space<hbm>> -> memref<1x64xf32, #tpu.memory_space<hbm>>
      %dma_start3A_839 = tpu.memref_squeeze %dma_start3A_838 : memref<1x64xf32, #tpu.memory_space<hbm>> -> memref<64xf32, #tpu.memory_space<hbm>>
      tpu.enqueue_dma source(%dma_start3A_839 : memref<64xf32, #tpu.memory_space<hbm>>) target(%dma_start3A_836 : memref<64xf32, #tpu.memory_space<vmem>>) target_semaphore(%arg15 : memref<!tpu.dma_semaphore, #tpu.memory_space<semaphore_mem>>)
    }
    %scan3A_125 = arith.constant 8 : i32
    %dma_wait3A_126 = arith.constant 0 : i32
    %dma_wait3A_127 = arith.constant 0 : i32
    %dma_wait3A_128 = arith.constant 0 : i32
    %dma_wait3A_129 = tpu.memref_slice %arg9[%dma_wait3A_126, %dma_wait3A_127, %dma_wait3A_128] : memref<2x128x64xf32, #tpu.memory_space<vmem>> -> memref<1x128x64xf32, #tpu.memory_space<vmem>>
    %dma_wait3A_130 = tpu.memref_squeeze %dma_wait3A_129 : memref<1x128x64xf32, #tpu.memory_space<vmem>> -> memref<128x64xf32, #tpu.memory_space<vmem>>
    %dma_wait3A_131 = arith.constant 0 : i32
    %dma_wait3A_132 = arith.constant 0 : i32
    %dma_wait3A_133 = tpu.memref_slice %arg6[%dma_wait3A_131, %dma_wait3A_132] : memref<16384x64xf32, #tpu.memory_space<hbm>> -> memref<128x64xf32, #tpu.memory_space<hbm>>
    %dma_wait3A_134 = arith.constant 0 : i32
    %dma_wait3A_135 = arith.constant 0 : i32
    %dma_wait3A_136 = tpu.memref_slice %arg9[%dma_wait3A_126, %dma_wait3A_134, %dma_wait3A_135] : memref<2x128x64xf32, #tpu.memory_space<vmem>> -> memref<1x128x64xf32, #tpu.memory_space<vmem>>
    %dma_wait3A_137 = tpu.memref_squeeze %dma_wait3A_136 : memref<1x128x64xf32, #tpu.memory_space<vmem>> -> memref<128x64xf32, #tpu.memory_space<vmem>>
    %dma_wait3A_138 = arith.constant 0 : i32
    %dma_wait3A_139 = arith.constant 0 : i32
    %dma_wait3A_140 = tpu.memref_slice %arg6[%dma_wait3A_138, %dma_wait3A_139] : memref<16384x64xf32, #tpu.memory_space<hbm>> -> memref<128x64xf32, #tpu.memory_space<hbm>>
    tpu.wait_dma2 semaphore(%arg12 : memref<!tpu.dma_semaphore, #tpu.memory_space<semaphore_mem>>) src(%dma_wait3A_140 : memref<128x64xf32, #tpu.memory_space<hbm>>) dst(%dma_wait3A_137 : memref<128x64xf32, #tpu.memory_space<vmem>>)
    %dma_wait3A_141 = arith.constant 0 : i32
    %dma_wait3A_142 = arith.constant 0 : i32
    %dma_wait3A_143 = arith.constant 0 : i32
    %dma_wait3A_144 = tpu.memref_slice %arg10[%dma_wait3A_141, %dma_wait3A_142, %dma_wait3A_143] : memref<2x128x64xf32, #tpu.memory_space<vmem>> -> memref<1x128x64xf32, #tpu.memory_space<vmem>>
    %dma_wait3A_145 = tpu.memref_squeeze %dma_wait3A_144 : memref<1x128x64xf32, #tpu.memory_space<vmem>> -> memref<128x64xf32, #tpu.memory_space<vmem>>
    %dma_wait3A_146 = arith.constant 0 : i32
    %dma_wait3A_147 = arith.constant 0 : i32
    %dma_wait3A_148 = tpu.memref_slice %arg6[%dma_wait3A_146, %dma_wait3A_147] : memref<16384x64xf32, #tpu.memory_space<hbm>> -> memref<128x64xf32, #tpu.memory_space<hbm>>
    %dma_wait3A_149 = arith.constant 0 : i32
    %dma_wait3A_150 = arith.constant 0 : i32
    %dma_wait3A_151 = tpu.memref_slice %arg10[%dma_wait3A_141, %dma_wait3A_149, %dma_wait3A_150] : memref<2x128x64xf32, #tpu.memory_space<vmem>> -> memref<1x128x64xf32, #tpu.memory_space<vmem>>
    %dma_wait3A_152 = tpu.memref_squeeze %dma_wait3A_151 : memref<1x128x64xf32, #tpu.memory_space<vmem>> -> memref<128x64xf32, #tpu.memory_space<vmem>>
    %dma_wait3A_153 = arith.constant 0 : i32
    %dma_wait3A_154 = arith.constant 0 : i32
    %dma_wait3A_155 = tpu.memref_slice %arg6[%dma_wait3A_153, %dma_wait3A_154] : memref<16384x64xf32, #tpu.memory_space<hbm>> -> memref<128x64xf32, #tpu.memory_space<hbm>>
    tpu.wait_dma2 semaphore(%arg14 : memref<!tpu.dma_semaphore, #tpu.memory_space<semaphore_mem>>) src(%dma_wait3A_155 : memref<128x64xf32, #tpu.memory_space<hbm>>) dst(%dma_wait3A_152 : memref<128x64xf32, #tpu.memory_space<vmem>>)
    %add3A_156 = arith.constant 0 : i32
    %add3A_157 = arith.addi %mul3A_2, %add3A_156 : i32
    %dma_wait3A_158 = arith.constant 0 : i32
    %dma_wait3A_159 = arith.constant 0 : i32
    %dma_wait3A_160 = arith.constant 0 : i32
    %dma_wait3A_161 = tpu.memref_slice %arg11[%dma_wait3A_158, %dma_wait3A_159, %dma_wait3A_160] : memref<2x128x64xf32, #tpu.memory_space<vmem>> -> memref<1x128x64xf32, #tpu.memory_space<vmem>>
    %dma_wait3A_162 = tpu.memref_squeeze %dma_wait3A_161 : memref<1x128x64xf32, #tpu.memory_space<vmem>> -> memref<128x64xf32, #tpu.memory_space<vmem>>
    %dma_wait3A_163 = arith.constant 0 : i32
    %dma_wait3A_164 = tpu.memref_slice %arg6[%add3A_157, %dma_wait3A_163] : memref<16384x64xf32, #tpu.memory_space<hbm>> -> memref<128x64xf32, #tpu.memory_space<hbm>>
    %dma_wait3A_165 = arith.constant 0 : i32
    %dma_wait3A_166 = tpu.memref_slice %arg6[%add3A_157, %dma_wait3A_165] : memref<16384x64xf32, #tpu.memory_space<hbm>> -> memref<128x64xf32, #tpu.memory_space<hbm>>
    %dma_wait3A_167 = arith.constant 0 : i32
    %dma_wait3A_168 = arith.constant 0 : i32
    %dma_wait3A_169 = tpu.memref_slice %arg11[%dma_wait3A_158, %dma_wait3A_167, %dma_wait3A_168] : memref<2x128x64xf32, #tpu.memory_space<vmem>> -> memref<1x128x64xf32, #tpu.memory_space<vmem>>
    %dma_wait3A_170 = tpu.memref_squeeze %dma_wait3A_169 : memref<1x128x64xf32, #tpu.memory_space<vmem>> -> memref<128x64xf32, #tpu.memory_space<vmem>>
    tpu.wait_dma2 semaphore(%arg16 : memref<!tpu.dma_semaphore, #tpu.memory_space<semaphore_mem>>) src(%dma_wait3A_170 : memref<128x64xf32, #tpu.memory_space<vmem>>) dst(%dma_wait3A_166 : memref<128x64xf32, #tpu.memory_space<hbm>>)
    %scan3A_171 = arith.constant 0 : i32
    %scan3A_172 = arith.constant 0 : i32
    %scan3A_173 = arith.constant 128 : i32
    %scan3A_174 = arith.addi %scan3A_172, %scan3A_173 : i32
    %scan3A_175 = arith.constant 1 : i32
    scf.for %scan3A_288 = %scan3A_172 to %scan3A_174 step %scan3A_175  : i32 {
      %get3A = arith.constant 0 : i32
      %get3A_289 = arith.index_cast %get3A : i32 to index
      %get3A_290 = arith.index_cast %scan3A_288 : i32 to index
      %get3A_291 = arith.constant 0 : index
      %get3A_292 = tpu.vector_load %arg9[%get3A_289, %get3A_290, %get3A_291] {strides = array<i32>} : memref<2x128x64xf32, #tpu.memory_space<vmem>>, vector<1x1x16xf32>,
      %get3A_293 = vector.shape_cast %get3A_292 : vector<1x1x16xf32> to vector<16xf32>
      %get3A_294 = arith.constant 0 : i32
      %get3A_295 = arith.index_cast %get3A_294 : i32 to index
      %get3A_296 = arith.index_cast %scan3A_288 : i32 to index
      %get3A_297 = arith.constant 0 : index
      %get3A_298 = tpu.vector_load %arg10[%get3A_295, %get3A_296, %get3A_297] {strides = array<i32>} : memref<2x128x64xf32, #tpu.memory_space<vmem>>, vector<1x1x16xf32>,
      %get3A_299 = vector.shape_cast %get3A_298 : vector<1x1x16xf32> to vector<16xf32>
      %mul3A_300 = arith.mulf %get3A_293, %get3A_299 : vector<16xf32>
      %swap3A = arith.constant 0 : i32
      %swap3A_301 = arith.index_cast %swap3A : i32 to index
      %swap3A_302 = arith.index_cast %scan3A_288 : i32 to index
      %swap3A_303 = arith.constant 0 : index
      %swap3A_304 = tpu.vector_load %arg11[%swap3A_301, %swap3A_302, %swap3A_303] {strides = array<i32>} : memref<2x128x64xf32, #tpu.memory_space<vmem>>, vector<1x1x16xf32>,
      %swap3A_305 = vector.shape_cast %swap3A_304 : vector<1x1x16xf32> to vector<16xf32>
      %swap3A_306 = vector.shape_cast %mul3A_300 : vector<16xf32> to vector<1x1x16xf32>
      tpu.vector_store %arg11[%swap3A_301, %swap3A_302, %swap3A_303], %swap3A_306 {strides = array<i32>} : memref<2x128x64xf32, #tpu.memory_space<vmem>>, vector<1x1x16xf32>,
      %get3A_307 = arith.constant 0 : i32
      %get3A_308 = arith.index_cast %get3A_307 : i32 to index
      %get3A_309 = arith.index_cast %scan3A_288 : i32 to index
      %get3A_310 = arith.constant 16 : index
      %get3A_311 = tpu.vector_load %arg9[%get3A_308, %get3A_309, %get3A_310] {strides = array<i32>} : memref<2x128x64xf32, #tpu.memory_space<vmem>>, vector<1x1x16xf32>,
      %get3A_312 = vector.shape_cast %get3A_311 : vector<1x1x16xf32> to vector<16xf32>
      %get3A_313 = arith.constant 0 : i32
      %get3A_314 = arith.index_cast %get3A_313 : i32 to index
      %get3A_315 = arith.index_cast %scan3A_288 : i32 to index
      %get3A_316 = arith.constant 16 : index
      %get3A_317 = tpu.vector_load %arg10[%get3A_314, %get3A_315, %get3A_316] {strides = array<i32>} : memref<2x128x64xf32, #tpu.memory_space<vmem>>, vector<1x1x16xf32>,
      %get3A_318 = vector.shape_cast %get3A_317 : vector<1x1x16xf32> to vector<16xf32>
      %mul3A_319 = arith.mulf %get3A_312, %get3A_318 : vector<16xf32>
      %swap3A_320 = arith.constant 0 : i32
      %swap3A_321 = arith.index_cast %swap3A_320 : i32 to index
      %swap3A_322 = arith.index_cast %scan3A_288 : i32 to index
      %swap3A_323 = arith.constant 16 : index
      %swap3A_324 = tpu.vector_load %arg11[%swap3A_321, %swap3A_322, %swap3A_323] {strides = array<i32>} : memref<2x128x64xf32, #tpu.memory_space<vmem>>, vector<1x1x16xf32>,
      %swap3A_325 = vector.shape_cast %swap3A_324 : vector<1x1x16xf32> to vector<16xf32>
      %swap3A_326 = vector.shape_cast %mul3A_319 : vector<16xf32> to vector<1x1x16xf32>
      tpu.vector_store %arg11[%swap3A_321, %swap3A_322, %swap3A_323], %swap3A_326 {strides = array<i32>} : memref<2x128x64xf32, #tpu.memory_space<vmem>>, vector<1x1x16xf32>,
      %get3A_327 = arith.constant 0 : i32
      %get3A_328 = arith.index_cast %get3A_327 : i32 to index
      %get3A_329 = arith.index_cast %scan3A_288 : i32 to index
      %get3A_330 = arith.constant 32 : index
      %get3A_331 = tpu.vector_load %arg9[%get3A_328, %get3A_329, %get3A_330] {strides = array<i32>} : memref<2x128x64xf32, #tpu.memory_space<vmem>>, vector<1x1x16xf32>,
      %get3A_332 = vector.shape_cast %get3A_331 : vector<1x1x16xf32> to vector<16xf32>
      %get3A_333 = arith.constant 0 : i32
      %get3A_334 = arith.index_cast %get3A_333 : i32 to index
      %get3A_335 = arith.index_cast %scan3A_288 : i32 to index
      %get3A_336 = arith.constant 32 : index
      %get3A_337 = tpu.vector_load %arg10[%get3A_334, %get3A_335, %get3A_336] {strides = array<i32>} : memref<2x128x64xf32, #tpu.memory_space<vmem>>, vector<1x1x16xf32>,
      %get3A_338 = vector.shape_cast %get3A_337 : vector<1x1x16xf32> to vector<16xf32>
      %mul3A_339 = arith.mulf %get3A_332, %get3A_338 : vector<16xf32>
      %swap3A_340 = arith.constant 0 : i32
      %swap3A_341 = arith.index_cast %swap3A_340 : i32 to index
      %swap3A_342 = arith.index_cast %scan3A_288 : i32 to index
      %swap3A_343 = arith.constant 32 : index
      %swap3A_344 = tpu.vector_load %arg11[%swap3A_341, %swap3A_342, %swap3A_343] {strides = array<i32>} : memref<2x128x64xf32, #tpu.memory_space<vmem>>, vector<1x1x16xf32>,
      %swap3A_345 = vector.shape_cast %swap3A_344 : vector<1x1x16xf32> to vector<16xf32>
      %swap3A_346 = vector.shape_cast %mul3A_339 : vector<16xf32> to vector<1x1x16xf32>
      tpu.vector_store %arg11[%swap3A_341, %swap3A_342, %swap3A_343], %swap3A_346 {strides = array<i32>} : memref<2x128x64xf32, #tpu.memory_space<vmem>>, vector<1x1x16xf32>,
      %get3A_347 = arith.constant 0 : i32
      %get3A_348 = arith.index_cast %get3A_347 : i32 to index
      %get3A_349 = arith.index_cast %scan3A_288 : i32 to index
      %get3A_350 = arith.constant 48 : index
      %get3A_351 = tpu.vector_load %arg9[%get3A_348, %get3A_349, %get3A_350] {strides = array<i32>} : memref<2x128x64xf32, #tpu.memory_space<vmem>>, vector<1x1x16xf32>,
      %get3A_352 = vector.shape_cast %get3A_351 : vector<1x1x16xf32> to vector<16xf32>
      %get3A_353 = arith.constant 0 : i32
      %get3A_354 = arith.index_cast %get3A_353 : i32 to index
      %get3A_355 = arith.index_cast %scan3A_288 : i32 to index
      %get3A_356 = arith.constant 48 : index
      %get3A_357 = tpu.vector_load %arg10[%get3A_354, %get3A_355, %get3A_356] {strides = array<i32>} : memref<2x128x64xf32, #tpu.memory_space<vmem>>, vector<1x1x16xf32>,
      %get3A_358 = vector.shape_cast %get3A_357 : vector<1x1x16xf32> to vector<16xf32>
      %mul3A_359 = arith.mulf %get3A_352, %get3A_358 : vector<16xf32>
      %swap3A_360 = arith.constant 0 : i32
      %swap3A_361 = arith.index_cast %swap3A_360 : i32 to index
      %swap3A_362 = arith.index_cast %scan3A_288 : i32 to index
      %swap3A_363 = arith.constant 48 : index
      %swap3A_364 = tpu.vector_load %arg11[%swap3A_361, %swap3A_362, %swap3A_363] {strides = array<i32>} : memref<2x128x64xf32, #tpu.memory_space<vmem>>, vector<1x1x16xf32>,
      %swap3A_365 = vector.shape_cast %swap3A_364 : vector<1x1x16xf32> to vector<16xf32>
      %swap3A_366 = vector.shape_cast %mul3A_359 : vector<16xf32> to vector<1x1x16xf32>
      tpu.vector_store %arg11[%swap3A_361, %swap3A_362, %swap3A_363], %swap3A_366 {strides = array<i32>} : memref<2x128x64xf32, #tpu.memory_space<vmem>>, vector<1x1x16xf32>,
    }
    %scan3A_176 = arith.constant 128 : i32
    %add3A_177 = arith.constant 256 : i32
    %add3A_178 = arith.addi %mul3A_2, %add3A_177 : i32
    %dma_start3A_179 = arith.constant 0 : i32
    %dma_start3A_180 = arith.constant 0 : i32
    %dma_start3A_181 = arith.constant 0 : i32
    %dma_start3A_182 = tpu.memref_slice %arg11[%dma_start3A_179, %dma_start3A_180, %dma_start3A_181] : memref<2x128x64xf32, #tpu.memory_space<vmem>> -> memref<1x128x64xf32, #tpu.memory_space<vmem>>
    %dma_start3A_183 = tpu.memref_squeeze %dma_start3A_182 : memref<1x128x64xf32, #tpu.memory_space<vmem>> -> memref<128x64xf32, #tpu.memory_space<vmem>>
    %dma_start3A_184 = arith.constant 0 : i32
    %dma_start3A_185 = tpu.memref_slice %arg6[%add3A_178, %dma_start3A_184] : memref<16384x64xf32, #tpu.memory_space<hbm>> -> memref<128x64xf32, #tpu.memory_space<hbm>>
    %dma_start3A_186 = arith.constant 0 : i32
    %dma_start3A_187 = tpu.memref_slice %arg6[%add3A_178, %dma_start3A_186] : memref<16384x64xf32, #tpu.memory_space<hbm>> -> memref<128x64xf32, #tpu.memory_space<hbm>>
    %dma_start3A_188 = arith.constant 0 : i32
    %dma_start3A_189 = arith.constant 0 : i32
    %dma_start3A_190 = tpu.memref_slice %arg11[%dma_start3A_179, %dma_start3A_188, %dma_start3A_189] : memref<2x128x64xf32, #tpu.memory_space<vmem>> -> memref<1x128x64xf32, #tpu.memory_space<vmem>>
    %dma_start3A_191 = tpu.memref_squeeze %dma_start3A_190 : memref<1x128x64xf32, #tpu.memory_space<vmem>> -> memref<128x64xf32, #tpu.memory_space<vmem>>
    tpu.enqueue_dma source(%dma_start3A_191 : memref<128x64xf32, #tpu.memory_space<vmem>>) target(%dma_start3A_187 : memref<128x64xf32, #tpu.memory_space<hbm>>) target_semaphore(%arg16 : memref<!tpu.dma_semaphore, #tpu.memory_space<semaphore_mem>>)
    %dma_wait3A_192 = arith.constant 1 : i32
    %dma_wait3A_193 = arith.constant 0 : i32
    %dma_wait3A_194 = arith.constant 0 : i32
    %dma_wait3A_195 = tpu.memref_slice %arg9[%dma_wait3A_192, %dma_wait3A_193, %dma_wait3A_194] : memref<2x128x64xf32, #tpu.memory_space<vmem>> -> memref<1x128x64xf32, #tpu.memory_space<vmem>>
    %dma_wait3A_196 = tpu.memref_squeeze %dma_wait3A_195 : memref<1x128x64xf32, #tpu.memory_space<vmem>> -> memref<128x64xf32, #tpu.memory_space<vmem>>
    %dma_wait3A_197 = arith.constant 0 : i32
    %dma_wait3A_198 = arith.constant 0 : i32
    %dma_wait3A_199 = tpu.memref_slice %arg6[%dma_wait3A_197, %dma_wait3A_198] : memref<16384x64xf32, #tpu.memory_space<hbm>> -> memref<128x64xf32, #tpu.memory_space<hbm>>
    %dma_wait3A_200 = arith.constant 0 : i32
    %dma_wait3A_201 = arith.constant 0 : i32
    %dma_wait3A_202 = tpu.memref_slice %arg9[%dma_wait3A_192, %dma_wait3A_200, %dma_wait3A_201] : memref<2x128x64xf32, #tpu.memory_space<vmem>> -> memref<1x128x64xf32, #tpu.memory_space<vmem>>
    %dma_wait3A_203 = tpu.memref_squeeze %dma_wait3A_202 : memref<1x128x64xf32, #tpu.memory_space<vmem>> -> memref<128x64xf32, #tpu.memory_space<vmem>>
    %dma_wait3A_204 = arith.constant 0 : i32
    %dma_wait3A_205 = arith.constant 0 : i32
    %dma_wait3A_206 = tpu.memref_slice %arg6[%dma_wait3A_204, %dma_wait3A_205] : memref<16384x64xf32, #tpu.memory_space<hbm>> -> memref<128x64xf32, #tpu.memory_space<hbm>>
    tpu.wait_dma2 semaphore(%arg13 : memref<!tpu.dma_semaphore, #tpu.memory_space<semaphore_mem>>) src(%dma_wait3A_206 : memref<128x64xf32, #tpu.memory_space<hbm>>) dst(%dma_wait3A_203 : memref<128x64xf32, #tpu.memory_space<vmem>>)
    %dma_wait3A_207 = arith.constant 1 : i32
    %dma_wait3A_208 = arith.constant 0 : i32
    %dma_wait3A_209 = arith.constant 0 : i32
    %dma_wait3A_210 = tpu.memref_slice %arg10[%dma_wait3A_207, %dma_wait3A_208, %dma_wait3A_209] : memref<2x128x64xf32, #tpu.memory_space<vmem>> -> memref<1x128x64xf32, #tpu.memory_space<vmem>>
    %dma_wait3A_211 = tpu.memref_squeeze %dma_wait3A_210 : memref<1x128x64xf32, #tpu.memory_space<vmem>> -> memref<128x64xf32, #tpu.memory_space<vmem>>
    %dma_wait3A_212 = arith.constant 0 : i32
    %dma_wait3A_213 = arith.constant 0 : i32
    %dma_wait3A_214 = tpu.memref_slice %arg6[%dma_wait3A_212, %dma_wait3A_213] : memref<16384x64xf32, #tpu.memory_space<hbm>> -> memref<128x64xf32, #tpu.memory_space<hbm>>
    %dma_wait3A_215 = arith.constant 0 : i32
    %dma_wait3A_216 = arith.constant 0 : i32
    %dma_wait3A_217 = tpu.memref_slice %arg10[%dma_wait3A_207, %dma_wait3A_215, %dma_wait3A_216] : memref<2x128x64xf32, #tpu.memory_space<vmem>> -> memref<1x128x64xf32, #tpu.memory_space<vmem>>
    %dma_wait3A_218 = tpu.memref_squeeze %dma_wait3A_217 : memref<1x128x64xf32, #tpu.memory_space<vmem>> -> memref<128x64xf32, #tpu.memory_space<vmem>>
    %dma_wait3A_219 = arith.constant 0 : i32
    %dma_wait3A_220 = arith.constant 0 : i32
    %dma_wait3A_221 = tpu.memref_slice %arg6[%dma_wait3A_219, %dma_wait3A_220] : memref<16384x64xf32, #tpu.memory_space<hbm>> -> memref<128x64xf32, #tpu.memory_space<hbm>>
    tpu.wait_dma2 semaphore(%arg15 : memref<!tpu.dma_semaphore, #tpu.memory_space<semaphore_mem>>) src(%dma_wait3A_221 : memref<128x64xf32, #tpu.memory_space<hbm>>) dst(%dma_wait3A_218 : memref<128x64xf32, #tpu.memory_space<vmem>>)
    %add3A_222 = arith.constant 128 : i32
    %add3A_223 = arith.addi %mul3A_2, %add3A_222 : i32
    %dma_wait3A_224 = arith.constant 1 : i32
    %dma_wait3A_225 = arith.constant 0 : i32
    %dma_wait3A_226 = arith.constant 0 : i32
    %dma_wait3A_227 = tpu.memref_slice %arg11[%dma_wait3A_224, %dma_wait3A_225, %dma_wait3A_226] : memref<2x128x64xf32, #tpu.memory_space<vmem>> -> memref<1x128x64xf32, #tpu.memory_space<vmem>>
    %dma_wait3A_228 = tpu.memref_squeeze %dma_wait3A_227 : memref<1x128x64xf32, #tpu.memory_space<vmem>> -> memref<128x64xf32, #tpu.memory_space<vmem>>
    %dma_wait3A_229 = arith.constant 0 : i32
    %dma_wait3A_230 = tpu.memref_slice %arg6[%add3A_223, %dma_wait3A_229] : memref<16384x64xf32, #tpu.memory_space<hbm>> -> memref<128x64xf32, #tpu.memory_space<hbm>>
    %dma_wait3A_231 = arith.constant 0 : i32
    %dma_wait3A_232 = tpu.memref_slice %arg6[%add3A_223, %dma_wait3A_231] : memref<16384x64xf32, #tpu.memory_space<hbm>> -> memref<128x64xf32, #tpu.memory_space<hbm>>
    %dma_wait3A_233 = arith.constant 0 : i32
    %dma_wait3A_234 = arith.constant 0 : i32
    %dma_wait3A_235 = tpu.memref_slice %arg11[%dma_wait3A_224, %dma_wait3A_233, %dma_wait3A_234] : memref<2x128x64xf32, #tpu.memory_space<vmem>> -> memref<1x128x64xf32, #tpu.memory_space<vmem>>
    %dma_wait3A_236 = tpu.memref_squeeze %dma_wait3A_235 : memref<1x128x64xf32, #tpu.memory_space<vmem>> -> memref<128x64xf32, #tpu.memory_space<vmem>>
    tpu.wait_dma2 semaphore(%arg17 : memref<!tpu.dma_semaphore, #tpu.memory_space<semaphore_mem>>) src(%dma_wait3A_236 : memref<128x64xf32, #tpu.memory_space<vmem>>) dst(%dma_wait3A_232 : memref<128x64xf32, #tpu.memory_space<hbm>>)
    %scan3A_237 = arith.constant 0 : i32
    %scan3A_238 = arith.constant 0 : i32
    %scan3A_239 = arith.constant 128 : i32
    %scan3A_240 = arith.addi %scan3A_238, %scan3A_239 : i32
    %scan3A_241 = arith.constant 1 : i32
    scf.for %scan3A_288 = %scan3A_238 to %scan3A_240 step %scan3A_241  : i32 {
      %get3A = arith.constant 1 : i32
      %get3A_289 = arith.index_cast %get3A : i32 to index
      %get3A_290 = arith.index_cast %scan3A_288 : i32 to index
      %get3A_291 = arith.constant 0 : index
      %get3A_292 = tpu.vector_load %arg9[%get3A_289, %get3A_290, %get3A_291] {strides = array<i32>} : memref<2x128x64xf32, #tpu.memory_space<vmem>>, vector<1x1x16xf32>,
      %get3A_293 = vector.shape_cast %get3A_292 : vector<1x1x16xf32> to vector<16xf32>
      %get3A_294 = arith.constant 1 : i32
      %get3A_295 = arith.index_cast %get3A_294 : i32 to index
      %get3A_296 = arith.index_cast %scan3A_288 : i32 to index
      %get3A_297 = arith.constant 0 : index
      %get3A_298 = tpu.vector_load %arg10[%get3A_295, %get3A_296, %get3A_297] {strides = array<i32>} : memref<2x128x64xf32, #tpu.memory_space<vmem>>, vector<1x1x16xf32>,
      %get3A_299 = vector.shape_cast %get3A_298 : vector<1x1x16xf32> to vector<16xf32>
      %mul3A_300 = arith.mulf %get3A_293, %get3A_299 : vector<16xf32>
      %swap3A = arith.constant 1 : i32
      %swap3A_301 = arith.index_cast %swap3A : i32 to index
      %swap3A_302 = arith.index_cast %scan3A_288 : i32 to index
      %swap3A_303 = arith.constant 0 : index
      %swap3A_304 = tpu.vector_load %arg11[%swap3A_301, %swap3A_302, %swap3A_303] {strides = array<i32>} : memref<2x128x64xf32, #tpu.memory_space<vmem>>, vector<1x1x16xf32>,
      %swap3A_305 = vector.shape_cast %swap3A_304 : vector<1x1x16xf32> to vector<16xf32>
      %swap3A_306 = vector.shape_cast %mul3A_300 : vector<16xf32> to vector<1x1x16xf32>
      tpu.vector_store %arg11[%swap3A_301, %swap3A_302, %swap3A_303], %swap3A_306 {strides = array<i32>} : memref<2x128x64xf32, #tpu.memory_space<vmem>>, vector<1x1x16xf32>,
      %get3A_307 = arith.constant 1 : i32
      %get3A_308 = arith.index_cast %get3A_307 : i32 to index
      %get3A_309 = arith.index_cast %scan3A_288 : i32 to index
      %get3A_310 = arith.constant 16 : index
      %get3A_311 = tpu.vector_load %arg9[%get3A_308, %get3A_309, %get3A_310] {strides = array<i32>} : memref<2x128x64xf32, #tpu.memory_space<vmem>>, vector<1x1x16xf32>,
      %get3A_312 = vector.shape_cast %get3A_311 : vector<1x1x16xf32> to vector<16xf32>
      %get3A_313 = arith.constant 1 : i32
      %get3A_314 = arith.index_cast %get3A_313 : i32 to index
      %get3A_315 = arith.index_cast %scan3A_288 : i32 to index
      %get3A_316 = arith.constant 16 : index
      %get3A_317 = tpu.vector_load %arg10[%get3A_314, %get3A_315, %get3A_316] {strides = array<i32>} : memref<2x128x64xf32, #tpu.memory_space<vmem>>, vector<1x1x16xf32>,
      %get3A_318 = vector.shape_cast %get3A_317 : vector<1x1x16xf32> to vector<16xf32>
      %mul3A_319 = arith.mulf %get3A_312, %get3A_318 : vector<16xf32>
      %swap3A_320 = arith.constant 1 : i32
      %swap3A_321 = arith.index_cast %swap3A_320 : i32 to index
      %swap3A_322 = arith.index_cast %scan3A_288 : i32 to index
      %swap3A_323 = arith.constant 16 : index
      %swap3A_324 = tpu.vector_load %arg11[%swap3A_321, %swap3A_322, %swap3A_323] {strides = array<i32>} : memref<2x128x64xf32, #tpu.memory_space<vmem>>, vector<1x1x16xf32>,
      %swap3A_325 = vector.shape_cast %swap3A_324 : vector<1x1x16xf32> to vector<16xf32>
      %swap3A_326 = vector.shape_cast %mul3A_319 : vector<16xf32> to vector<1x1x16xf32>
      tpu.vector_store %arg11[%swap3A_321, %swap3A_322, %swap3A_323], %swap3A_326 {strides = array<i32>} : memref<2x128x64xf32, #tpu.memory_space<vmem>>, vector<1x1x16xf32>,
      %get3A_327 = arith.constant 1 : i32
      %get3A_328 = arith.index_cast %get3A_327 : i32 to index
      %get3A_329 = arith.index_cast %scan3A_288 : i32 to index
      %get3A_330 = arith.constant 32 : index
      %get3A_331 = tpu.vector_load %arg9[%get3A_328, %get3A_329, %get3A_330] {strides = array<i32>} : memref<2x128x64xf32, #tpu.memory_space<vmem>>, vector<1x1x16xf32>,
      %get3A_332 = vector.shape_cast %get3A_331 : vector<1x1x16xf32> to vector<16xf32>
      %get3A_333 = arith.constant 1 : i32
      %get3A_334 = arith.index_cast %get3A_333 : i32 to index
      %get3A_335 = arith.index_cast %scan3A_288 : i32 to index
      %get3A_336 = arith.constant 32 : index
      %get3A_337 = tpu.vector_load %arg10[%get3A_334, %get3A_335, %get3A_336] {strides = array<i32>} : memref<2x128x64xf32, #tpu.memory_space<vmem>>, vector<1x1x16xf32>,
      %get3A_338 = vector.shape_cast %get3A_337 : vector<1x1x16xf32> to vector<16xf32>
      %mul3A_339 = arith.mulf %get3A_332, %get3A_338 : vector<16xf32>
      %swap3A_340 = arith.constant 1 : i32
      %swap3A_341 = arith.index_cast %swap3A_340 : i32 to index
      %swap3A_342 = arith.index_cast %scan3A_288 : i32 to index
      %swap3A_343 = arith.constant 32 : index
      %swap3A_344 = tpu.vector_load %arg11[%swap3A_341, %swap3A_342, %swap3A_343] {strides = array<i32>} : memref<2x128x64xf32, #tpu.memory_space<vmem>>, vector<1x1x16xf32>,
      %swap3A_345 = vector.shape_cast %swap3A_344 : vector<1x1x16xf32> to vector<16xf32>
      %swap3A_346 = vector.shape_cast %mul3A_339 : vector<16xf32> to vector<1x1x16xf32>
      tpu.vector_store %arg11[%swap3A_341, %swap3A_342, %swap3A_343], %swap3A_346 {strides = array<i32>} : memref<2x128x64xf32, #tpu.memory_space<vmem>>, vector<1x1x16xf32>,
      %get3A_347 = arith.constant 1 : i32
      %get3A_348 = arith.index_cast %get3A_347 : i32 to index
      %get3A_349 = arith.index_cast %scan3A_288 : i32 to index
      %get3A_350 = arith.constant 48 : index
      %get3A_351 = tpu.vector_load %arg9[%get3A_348, %get3A_349, %get3A_350] {strides = array<i32>} : memref<2x128x64xf32, #tpu.memory_space<vmem>>, vector<1x1x16xf32>,
      %get3A_352 = vector.shape_cast %get3A_351 : vector<1x1x16xf32> to vector<16xf32>
      %get3A_353 = arith.constant 1 : i32
      %get3A_354 = arith.index_cast %get3A_353 : i32 to index
      %get3A_355 = arith.index_cast %scan3A_288 : i32 to index
      %get3A_356 = arith.constant 48 : index
      %get3A_357 = tpu.vector_load %arg10[%get3A_354, %get3A_355, %get3A_356] {strides = array<i32>} : memref<2x128x64xf32, #tpu.memory_space<vmem>>, vector<1x1x16xf32>,
      %get3A_358 = vector.shape_cast %get3A_357 : vector<1x1x16xf32> to vector<16xf32>
      %mul3A_359 = arith.mulf %get3A_352, %get3A_358 : vector<16xf32>
      %swap3A_360 = arith.constant 1 : i32
      %swap3A_361 = arith.index_cast %swap3A_360 : i32 to index
      %swap3A_362 = arith.index_cast %scan3A_288 : i32 to index
      %swap3A_363 = arith.constant 48 : index
      %swap3A_364 = tpu.vector_load %arg11[%swap3A_361, %swap3A_362, %swap3A_363] {strides = array<i32>} : memref<2x128x64xf32, #tpu.memory_space<vmem>>, vector<1x1x16xf32>,
      %swap3A_365 = vector.shape_cast %swap3A_364 : vector<1x1x16xf32> to vector<16xf32>
      %swap3A_366 = vector.shape_cast %mul3A_359 : vector<16xf32> to vector<1x1x16xf32>
      tpu.vector_store %arg11[%swap3A_361, %swap3A_362, %swap3A_363], %swap3A_366 {strides = array<i32>} : memref<2x128x64xf32, #tpu.memory_space<vmem>>, vector<1x1x16xf32>,
    }
    %scan3A_242 = arith.constant 128 : i32
    %add3A_243 = arith.constant 384 : i32
    %add3A_244 = arith.addi %mul3A_2, %add3A_243 : i32
    %dma_start3A_245 = arith.constant 1 : i32
    %dma_start3A_246 = arith.constant 0 : i32
    %dma_start3A_247 = arith.constant 0 : i32
    %dma_start3A_248 = tpu.memref_slice %arg11[%dma_start3A_245, %dma_start3A_246, %dma_start3A_247] : memref<2x128x64xf32, #tpu.memory_space<vmem>> -> memref<1x128x64xf32, #tpu.memory_space<vmem>>
    %dma_start3A_249 = tpu.memref_squeeze %dma_start3A_248 : memref<1x128x64xf32, #tpu.memory_space<vmem>> -> memref<128x64xf32, #tpu.memory_space<vmem>>
    %dma_start3A_250 = arith.constant 0 : i32
    %dma_start3A_251 = tpu.memref_slice %arg6[%add3A_244, %dma_start3A_250] : memref<16384x64xf32, #tpu.memory_space<hbm>> -> memref<128x64xf32, #tpu.memory_space<hbm>>
    %dma_start3A_252 = arith.constant 0 : i32
    %dma_start3A_253 = tpu.memref_slice %arg6[%add3A_244, %dma_start3A_252] : memref<16384x64xf32, #tpu.memory_space<hbm>> -> memref<128x64xf32, #tpu.memory_space<hbm>>
    %dma_start3A_254 = arith.constant 0 : i32
    %dma_start3A_255 = arith.constant 0 : i32
    %dma_start3A_256 = tpu.memref_slice %arg11[%dma_start3A_245, %dma_start3A_254, %dma_start3A_255] : memref<2x128x64xf32, #tpu.memory_space<vmem>> -> memref<1x128x64xf32, #tpu.memory_space<vmem>>
    %dma_start3A_257 = tpu.memref_squeeze %dma_start3A_256 : memref<1x128x64xf32, #tpu.memory_space<vmem>> -> memref<128x64xf32, #tpu.memory_space<vmem>>
    tpu.enqueue_dma source(%dma_start3A_257 : memref<128x64xf32, #tpu.memory_space<vmem>>) target(%dma_start3A_253 : memref<128x64xf32, #tpu.memory_space<hbm>>) target_semaphore(%arg17 : memref<!tpu.dma_semaphore, #tpu.memory_space<semaphore_mem>>)
    %add3A_258 = arith.constant 256 : i32
    %add3A_259 = arith.addi %mul3A_2, %add3A_258 : i32
    %dma_wait3A_260 = arith.constant 0 : i32
    %dma_wait3A_261 = arith.constant 0 : i32
    %dma_wait3A_262 = arith.constant 0 : i32
    %dma_wait3A_263 = tpu.memref_slice %arg11[%dma_wait3A_260, %dma_wait3A_261, %dma_wait3A_262] : memref<2x128x64xf32, #tpu.memory_space<vmem>> -> memref<1x128x64xf32, #tpu.memory_space<vmem>>
    %dma_wait3A_264 = tpu.memref_squeeze %dma_wait3A_263 : memref<1x128x64xf32, #tpu.memory_space<vmem>> -> memref<128x64xf32, #tpu.memory_space<vmem>>
    %dma_wait3A_265 = arith.constant 0 : i32
    %dma_wait3A_266 = tpu.memref_slice %arg6[%add3A_259, %dma_wait3A_265] : memref<16384x64xf32, #tpu.memory_space<hbm>> -> memref<128x64xf32, #tpu.memory_space<hbm>>
    %dma_wait3A_267 = arith.constant 0 : i32
    %dma_wait3A_268 = tpu.memref_slice %arg6[%add3A_259, %dma_wait3A_267] : memref<16384x64xf32, #tpu.memory_space<hbm>> -> memref<128x64xf32, #tpu.memory_space<hbm>>
    %dma_wait3A_269 = arith.constant 0 : i32
    %dma_wait3A_270 = arith.constant 0 : i32
    %dma_wait3A_271 = tpu.memref_slice %arg11[%dma_wait3A_260, %dma_wait3A_269, %dma_wait3A_270] : memref<2x128x64xf32, #tpu.memory_space<vmem>> -> memref<1x128x64xf32, #tpu.memory_space<vmem>>
    %dma_wait3A_272 = tpu.memref_squeeze %dma_wait3A_271 : memref<1x128x64xf32, #tpu.memory_space<vmem>> -> memref<128x64xf32, #tpu.memory_space<vmem>>
    tpu.wait_dma2 semaphore(%arg16 : memref<!tpu.dma_semaphore, #tpu.memory_space<semaphore_mem>>) src(%dma_wait3A_272 : memref<128x64xf32, #tpu.memory_space<vmem>>) dst(%dma_wait3A_268 : memref<128x64xf32, #tpu.memory_space<hbm>>)
    %add3A_273 = arith.constant 384 : i32
    %add3A_274 = arith.addi %mul3A_2, %add3A_273 : i32
    %dma_wait3A_275 = arith.constant 1 : i32
    %dma_wait3A_276 = arith.constant 0 : i32
    %dma_wait3A_277 = arith.constant 0 : i32
    %dma_wait3A_278 = tpu.memref_slice %arg11[%dma_wait3A_275, %dma_wait3A_276, %dma_wait3A_277] : memref<2x128x64xf32, #tpu.memory_space<vmem>> -> memref<1x128x64xf32, #tpu.memory_space<vmem>>
    %dma_wait3A_279 = tpu.memref_squeeze %dma_wait3A_278 : memref<1x128x64xf32, #tpu.memory_space<vmem>> -> memref<128x64xf32, #tpu.memory_space<vmem>>
    %dma_wait3A_280 = arith.constant 0 : i32
    %dma_wait3A_281 = tpu.memref_slice %arg6[%add3A_274, %dma_wait3A_280] : memref<16384x64xf32, #tpu.memory_space<hbm>> -> memref<128x64xf32, #tpu.memory_space<hbm>>
    %dma_wait3A_282 = arith.constant 0 : i32
    %dma_wait3A_283 = tpu.memref_slice %arg6[%add3A_274, %dma_wait3A_282] : memref<16384x64xf32, #tpu.memory_space<hbm>> -> memref<128x64xf32, #tpu.memory_space<hbm>>
    %dma_wait3A_284 = arith.constant 0 : i32
    %dma_wait3A_285 = arith.constant 0 : i32
    %dma_wait3A_286 = tpu.memref_slice %arg11[%dma_wait3A_275, %dma_wait3A_284, %dma_wait3A_285] : memref<2x128x64xf32, #tpu.memory_space<vmem>> -> memref<1x128x64xf32, #tpu.memory_space<vmem>>
    %dma_wait3A_287 = tpu.memref_squeeze %dma_wait3A_286 : memref<1x128x64xf32, #tpu.memory_space<vmem>> -> memref<128x64xf32, #tpu.memory_space<vmem>>
    tpu.wait_dma2 semaphore(%arg17 : memref<!tpu.dma_semaphore, #tpu.memory_space<semaphore_mem>>) src(%dma_wait3A_287 : memref<128x64xf32, #tpu.memory_space<vmem>>) dst(%dma_wait3A_283 : memref<128x64xf32, #tpu.memory_space<hbm>>)
    return
  }
}

</mosaic_0001>

<sc_bundles>
// kernel: kernel.3.cloned.1.call-start
scs
__scs_entry_jumppad:
0x0: {  	(pc) =	sbr.rel $0x88, $3  }
0x1: {  	(tag) =	ssettag $0x0;
	lr =	simm.s32 $0x1  }
0x2: {  	[smem:$0x3F9D] =	sst lr;
	_ =	strace $0xD0000000  }
0x3: {  	_ = 	snop  }
0x4: {  	_ = 	snop  }
0x5: {  	_ = 	snop  }
0x6: {  	_ = 	snop  }
0x7: {  	_ = 	snop  }
__scs_overlays_trampoline_lowered:
0x8: {  	[smem:$0x3FAC] =	sst s0  }
0x9: {  	[smem:$0x3FAD] =	sst s1  }
0xa: {  	[smem:$0x3FAE] =	sst s2  }
0xb: {  	[smem:$0x3FAF] =	sst s3  }
0xc: {  	[smem:$0x3FB0] =	sst s4  }
0xd: {  	[smem:$0x3FB1] =	sst s5  }
0xe: {  	[smem:$0x3FB2] =	sst s6  }
0xf: {  	[smem:$0x3FB3] =	sst s7  }
0x10: {  	[smem:$0x3FB4] =	sst s8  }
0x11: {  	[smem:$0x3FB5] =	sst s9;
	s0 =	simm.s32 @!p0 $0x0  }
0x12: {  	s1 =	sld [smem:$0x3F9B];
	s0 =	simm.s32 @p0 $0x1  }
0x13: {  	[smem:$0x3FB6] =	sst s0;
	s0 =	simm.s32 @!p1 $0x0  }
0x14: {  	s2 =	sld [smem:$0x3F9A];
	s0 =	simm.s32 @p1 $0x1  }
0x15: {  	[smem:$0x3FB7] =	sst s0;
	s0 =	simm.s32 @!p2 $0x0  }
0x16: {  	s3 =	sld [smem:$0x3FDB];
	s0 =	simm.s32 @p2 $0x1  }
0x17: {  	s4 =	simm.s32 $0x1BF5;
	[smem:$0x3FB9] =	sst s0  }
0x18: {  	s0 =	sld [smem:$0x3F9C];
	_ =	swait.ge [sflag:s4], $0x0  }
0x19: {  	s7 =	sld [smem:$0x3F9D]  }
0x1a: {  	s8 =	sadd.s32 $0xFFFFE003, lr  }
0x1b: {  	s9 =	sadd.s32 $0xFFFFFEF7, lr;
	s5 =	simm.s32 $0xFFFFFFFF;
	p2 =	slt.u32 s8, $0xFFFFF086  }
0x1c: {  	p1 =	slt.u32 s9, $0xF7A;
	s5 =	simm.s32 @!p2 $0x0  }
0x1d: {  	s5 =	simm.s32 @p1 $0x1;
	p0 =	seq.s32 s7, s2  }
0x1e: {  	s7 =	smul.u32 @!p0 $0xF7A, s2;
	p2 =	seq.s32 @!p0 s5, $0x0  }
0x1f: {  	s9 =	smul.u32 $0xF7A, s1;
	s8 =	simm.s32 @!p0 $0x1BF5;
	p2 =	por !p2, p0  }
0x20: {  	[sflag:s8] =	ssyncset.s32 @!p0 $0xFFFFF086;
	s6 =	sadd.s32 @!p0 s3, s7;
	s7 =	simm.s32 @!p0 $0x108  }
0x21: {  	s3 =	sadd.s32 s3, s9;
	s6 =	sadd.s32 @!p0 $0x88, s6;
	s7 =	simm.s32 @p2 $0x1082  }
0x22: {  	[simem:s7], [sflag:s8] =	dma.local @!p0 [hbm:s6], $0xF7A  }
0x23: {  	s9 =	sor.u32 $0xD0000000, s2;
	s6 =	simm.s32 $0x108;
	_ =	swait.ge @!p0 [sflag:s8], $0x0  }
0x24: {  	s3 =	sadd.s32 $0x88, s3;
	s6 =	simm.s32 @!p1 $0x1082;
	[sflag:s4] =	ssyncset.s32 $0xFFFFF086  }
0x25: {  	[simem:s6], [sflag:s4] =	dma.local [hbm:s3], $0xF7A  }
0x26: {  	[smem:$0x3F9D] =	sst s1;
	(tag) =	ssettag s2;
	_ =	strace s9  }
0x27: {  	s1 =	sld [smem:$0x3FAD]  }
0x28: {  	s2 =	sld [smem:$0x3FAE]  }
0x29: {  	s4 =	sld [smem:$0x3FB0]  }
0x2a: {  	p0 =	seq.s32 s5, $0x0;
	s5 =	sld [smem:$0x3FB1]  }
0x2b: {  	s6 =	sld [smem:$0x3FB2]  }
0x2c: {  	s7 =	sld [smem:$0x3FB3]  }
0x2d: {  	s3 =	simm.s32 $0x108;
	s8 =	sld [smem:$0x3FB4]  }
0x2e: {  	s3 =	simm.s32 @!p0 $0x1082;
	s9 =	sld [smem:$0x3FB5]  }
0x2f: {  	lr =	sadd.s32 s0, s3;
	s0 =	sld [smem:$0x3FAC]  }
0x30: {  	s3 =	sld [smem:$0x3FAF]  }
0x31: {  	[smem:$0x3FB8] =	sst s10  }
0x32: {  	s10 =	sld [smem:$0x3FB6];
	_ =	sdelay $0x3  }
0x33: {  	p0 =	seq.s32 s10, $0x1;
	s10 =	sld [smem:$0x3FB8];
	_ =	sdelay $0x3  }
0x34: {  	[smem:$0x3FB8] =	sst s10  }
0x35: {  	s10 =	sld [smem:$0x3FB7];
	_ =	sdelay $0x3  }
0x36: {  	p1 =	seq.s32 s10, $0x1;
	s10 =	sld [smem:$0x3FB8];
	_ =	sdelay $0x3  }
0x37: {  	[smem:$0x3FB8] =	sst s10  }
0x38: {  	s10 =	sld [smem:$0x3FB9]  }
0x39: {  	_ = 	snop;
	(pc) =	sbr.ind lr, $3  }
0x3a: {  	_ = 	snop  }
0x3b: {  	_ = 	snop  }
0x3c: {  	p2 =	seq.s32 s10, $0x1;
	s10 =	sld [smem:$0x3FB8]  }
0x3d: {  	_ =	shalt  }
0x3e: {  	_ =	shalt  }
0x3f: {  	_ =	shalt  }
0x40: {  	_ =	shalt  }
0x41: {  	_ =	shalt  }
0x42: {  	_ =	shalt  }
0x43: {  	_ =	shalt  }
0x44: {  	_ =	shalt  }
0x45: {  	_ =	shalt  }
0x46: {  	_ =	shalt  }
0x47: {  	_ =	shalt  }
0x48: {  	_ =	shalt  }
0x49: {  	_ =	shalt  }
0x4a: {  	_ =	shalt  }
0x4b: {  	_ =	shalt  }
0x4c: {  	_ =	shalt  }
0x4d: {  	_ =	shalt  }
0x4e: {  	_ =	shalt  }
0x4f: {  	_ =	shalt  }
0x50: {  	_ =	shalt  }
0x51: {  	_ =	shalt  }
0x52: {  	_ =	shalt  }
0x53: {  	_ =	shalt  }
0x54: {  	_ =	shalt  }
0x55: {  	_ =	shalt  }
0x56: {  	_ =	shalt  }
0x57: {  	_ =	shalt  }
0x58: {  	_ =	shalt  }
0x59: {  	_ =	shalt  }
0x5a: {  	_ =	shalt  }
0x5b: {  	_ =	shalt  }
0x5c: {  	_ =	shalt  }
0x5d: {  	_ =	shalt  }
0x5e: {  	_ =	shalt  }
0x5f: {  	_ =	shalt  }
0x60: {  	_ =	shalt  }
0x61: {  	_ =	shalt  }
0x62: {  	_ =	shalt  }
0x63: {  	_ =	shalt  }
0x64: {  	_ =	shalt  }
0x65: {  	_ =	shalt  }
0x66: {  	_ =	shalt  }
0x67: {  	_ =	shalt  }
0x68: {  	_ =	shalt  }
0x69: {  	_ =	shalt  }
0x6a: {  	_ =	shalt  }
0x6b: {  	_ =	shalt  }
0x6c: {  	_ =	shalt  }
0x6d: {  	_ =	shalt  }
0x6e: {  	_ =	shalt  }
0x6f: {  	_ =	shalt  }
0x70: {  	_ =	shalt  }
0x71: {  	_ =	shalt  }
0x72: {  	_ =	shalt  }
0x73: {  	_ =	shalt  }
0x74: {  	_ =	shalt  }
0x75: {  	_ =	shalt  }
0x76: {  	_ =	shalt  }
0x77: {  	_ =	shalt  }
0x78: {  	_ =	shalt  }
0x79: {  	_ =	shalt  }
0x7a: {  	_ =	shalt  }
0x7b: {  	_ =	shalt  }
0x7c: {  	_ =	shalt  }
0x7d: {  	_ =	shalt  }
0x7e: {  	_ =	shalt  }
0x7f: {  	_ =	shalt  }
0x80: {  	_ =	shalt  }
0x81: {  	_ =	shalt  }
0x82: {  	_ =	shalt  }
0x83: {  	_ =	shalt  }
0x84: {  	_ =	shalt  }
0x85: {  	_ =	shalt  }
0x86: {  	_ =	shalt  }
0x87: {  	_ =	shalt  }
.Lfunc_end0:
.L_simem_size_0:
called_computation_lowered:
.L_overlay_start_0:
0x88: {  	s2 =	sld [smem:$0x3FD9]  }
0x89: {  	s3 =	sld [smem:$0x3FFE];
	_ =	sdelay $0x1  }
0x8a: {  	s1 =	srdreg.scid  }
0x8b: {  	s0 =	sand.u32 $0x1, s1  }
0x8c: {  	s17 =	sshll.u32 s0, $0xA;
	s2 =	sadd.s32 s3, s2  }
0x8d: {  	s2 =	sadd.s32 s2, s17  }
0x8e: {  	[smem:$0x3FC4] =	sst s2  }
0x8f: {  	_ = 	snop  }
0x90: {  	s2 =	sld [smem:$0x3FC9]  }
0x91: {  	s18 =	sld [smem:$0x3FC8];
	(tm) =	ssettm $0x1  }
0x92: {  	s4 =	sld [smem:$0x3FFB];
	_ =	sdelay $0x3  }
0x93: {  	_ =	strace s4  }
0x94: {  	s4 =	sld [smem:$0x3FFC];
	_ =	sdelay $0x3  }
0x95: {  	_ =	strace s4  }
0x96: {  	s4 =	sld [smem:$0x3FFD];
	_ =	sdelay $0x3  }
0x97: {  	_ =	strace s4  }
0x98: {  	_ =	strace $0x8FFFFFFF  }
0x99: {  	s19 =	sld [smem:$0x3FDB];
	_ =	sdelay $0x1  }
0x9a: {  	s5 =	simm.s32 $_scs_section_size  }
0x9b: {  	s6 =	simm.s32 $_size__tile_overlayer_lowered;
	s7 =	simm.s32 $_tile_overlayer_lowered  }
0x9c: {  	s22 =	simm.s32 $0x1BFF;
	s21 =	sshll.u32 s7, $0x1;
	s4 =	sadd.s32 s5, s19  }
0x9d: {  	s8 =	simm.s32 $0x0;
	s20 =	sshll.u32 s6, $0x1;
	s6 =	sadd.s32 s21, s4  }
0x9e: {  	[timem:s8], [sflag:s22] =	dma.local [hbm:s6], s20  }
0x9f: {  	_ =	swait.ge [sflag:s22], s20  }
0xa0: {  	s5 =	ssub.s32 $0x0, s20;
	[sflag:s22] =	ssyncset.done $0x0  }
0xa1: {  	[sflag:s22] =	ssyncadd.s32 s5;
	_ =	sdelay $0x1  }
0xa2: {  	s23 =	simm.s32 $0x1B8B  }
0xa3: {  	_ =	swait.ge [sflag:s23], $0x1  }
0xa4: {  	[sflag:s23] =	ssyncset.done $0x0  }
0xa5: {  	s25 =	simm.s32 $0x1B8E;
	s24 =	sld [smem:$0x3FFE];
	[sflag:s23] =	ssyncadd.s32 $0xFFFFFFFF  }
0xa6: {  	s26 =	simm.s32 $execute0_lowered;
	[smem:$0x3FD2] =	sst s25  }
0xa7: {  	s6 =	sshll.u32 s26, $0x1;
	_ =	strace $0x80000046;
	[dreg:$0x1] =	wrdreg $0xFFFFFFFF  }
0xa8: {  	s28 =	simm.s32 $_size_execute0_lowered;
	s4 =	sadd.s32 s4, s6;
	[dreg:$0x0] =	wrdreg $0x0  }
0xa9: {  	s6 =	sshll.u32 s28, $0x1;
	[dreg:$0x2] =	wrdreg s4  }
0xaa: {  	[dreg:$0x3] =	wrdreg s6  }
0xab: {  	[dreg:$0x4] =	wrdreg $0xC0  }
0xac: {  	_ =	task [dreg:s8], $0x5FFFF  }
0xad: {  	[dreg:$0x1] =	wrdreg $0xFFFFFFFF  }
0xae: {  	[dreg:$0x0] =	wrdreg $0x60  }
0xaf: {  	[dreg:$0x2] =	wrdreg s2  }
0xb0: {  	[dreg:$0x3] =	wrdreg s18  }
0xb1: {  	[dreg:$0x4] =	wrdreg s24  }
0xb2: {  	[dreg:$0x5] =	wrdreg $0x9  }
0xb3: {  	_ =	task.clear_ibuf [dreg:s8], $0x6FFFF;
	_ =	strace $0x90000046  }
0xb4: {  	s29 =	simm.s32 $0x9;
	_ =	strace $0x80000048  }
0xb5: {  	_ =	swait.ge [sflag:s29], $0x1  }
0xb6: {  	[sflag:s29] =	ssyncadd.s32 $0xFFFFFFFF  }
0xb7: {  	_ =	strace $0x90000048  }
0xb8: {  	_ =	sfence  }
0xb9: {  	s30 =	sld [smem:$0x0];
	_ =	sdelay $0x2  }
0xba: {  	s31 =	sshll.u32 s1, $0xD;
	s1 =	sshrl.u32 s1, $0x2  }
0xbb: {  	s3 =	sand.u32 $0x4000, s31;
	s1 =	sadd.s32 s1, s30  }
0xbc: {  	s0 =	sor.u32 s3, s0;
	s1 =	sshll.u32 s1, $0x11  }
0xbd: {  	s0 =	sor.u32 s1, s0  }
0xbe: {  	s0 =	sadd.s32 $0x8F2B, s0  }
0xbf: {  	[sflag:s0] =	ssyncadd.remote.s32 $0x1  }
0xc0: {  	_ =	sfence.sel $0xFFFF  }
0xc1: {  	[dreg:$0x0] =	wrdreg $0xFFFFFFFF;
	(pc) =	sbr.abs _section_cstart, $3  }
0xc2: {  	[dreg:$0x1] =	wrdreg $0xFFFFFFFF  }
0xc3: {  	_ =	task.clear_ibuf [dreg:s8], $0x2FFFF;
	_ =	strace $0x9FFFFFFF  }
0xc4: {  	(tm) =	ssettm $0x7FFFFFFF  }
0xc5: {  	_ =	shalt  }
tec
execute0_lowered:
.L_overlay_start_1:
0x0: {  	(tag) =	ssettag $0x1  }
0x1: {  	s0 =	rddreg [dreg:$0x0]  }
0x2: {  	s1 =	rddreg [dreg:$0x1]  }
0x3: {  	s5 =	rddreg [dreg:$0x2];
	s3 =	srdreg.scid  }
0x4: {  	s2 =	simm.s32 $0x0;
	s4 =	stileid.u32;
	s6 =	sand.u32 $0x1, s3  }
0x5: {  	[smem:$0x7FF] =	sst s2;
	s4 =	sshll.u32 s4, $0xA;
	s7 =	sshll.u32 s6, $0x9  }
0x6: {  	s3 =	sadd.s32 $0x400, s5;
	_ =	strace $0x80000047;
	s7 =	sor.u32 s7, s4  }
0x7: {  	s6 =	ssub.s32 $0x2, s6;
	s8 =	sshll.u32 s7, $0x4;
	s7 =	sshrl.u32 s7, $0x3  }
0x8: {  	s4 =	sadd.s32 $0xF42800, s5;
	s24 =	sshrl.u32 s6, $0x1;
	s0 =	sadd.s32 s0, s7  }
0x9: {  	s6 =	ssub.s32 s6, s24;
	s26 =	sadd.s32 s1, s7;
	[smem:$0x7F7] =	sst s0  }
0xa: {  	s5 =	sadd.s32 s8, s5;
	s31 =	smax.u32 s6, $0x1;
	[smem:$0x7F9] =	sst s26  }
0xb: {  	s25 =	sadd.s32 $0x1E84C00, s5;
	[smem:$0x7FD] =	sst s31  }
0xc: {  	s28 =	sadd.s32 $0x1E85400, s5;
	[smem:$0x7F8] =	sst s25  }
0xd: {  	s29 =	sadd.s32 $0x1E85C00, s5;
	[smem:$0x7FA] =	sst s28  }
0xe: {  	s30 =	sadd.s32 $0x1E86400, s5;
	[smem:$0x7FB] =	sst s29  }
0xf: {  	s1 =	simm.s32 $0x0;
	[smem:$0x7FC] =	sst s30  }
.LBB2_1:
0x10: {  	s0 =	sld [smem:$0x7F7];
	_ =	sdelay $0x1  }
0x11: {  	[smem:$0x7F6] =	sst s1;
	s5 =	simm.s32 $0x7  }
0x12: {  	[tilespmem:s2], [sflag:$0x7] =	stream.linear.gather [hbm4b:s0+s2], $0x200, $0x38;
	[tilespmem:$0x18400] =	vst v63  }
0x13: {  	_ =	swait.ge [sflag:s5], $0x200  }
0x14: {  	s18 =	sld [smem:$0x7F9]  }
0x15: {  	[sflag:s5] =	ssyncset.done $0x0  }
0x16: {  	s17 =	simm.s32 $0x200;
	[sflag:s5] =	ssyncadd.s32 $0xFFFFFE00  }
0x17: {  	[tilespmem:s17], [sflag:$0x7] =	stream.linear.gather [hbm4b:s18+s2], $0x200, $0x38;
	[tilespmem:$0x18400] =	vst v63  }
0x18: {  	_ =	swait.ge [sflag:s5], $0x200  }
0x19: {  	[sflag:s5] =	ssyncset.done $0x0  }
0x1a: {  	[sflag:s5] =	ssyncadd.s32 $0xFFFFFE00  }
0x1b: {  	v0 =	vld [tilespmem:s2+$0x0]  }
0x1c: {  	v1 =	vld [tilespmem:s17+$0x0];
	_ =	sdelay $0x3  }
0x1d: {  	v0 =	vshll.u32 v0, $0x4  }
0x1e: {  	v1 =	vshll.u32 v1, $0x4;
	(v2sf) =	vpush v0, $0x0  }
0x1f: {  	(v2sf) =	vpush v1, $0x0  }
0x20: {  	(v2sf) =	vpush v0, $0x1;
	_ =	sdelay $0x1  }
0x21: {  	(v2sf) =	vpush v1, $0x1;
	_ =	sdelay $0x1  }
0x22: {  	(v2sf) =	vpush v0, $0x2;
	_ =	sdelay $0x1  }
0x23: {  	(v2sf) =	vpush v1, $0x2;
	_ =	sdelay $0x1  }
0x24: {  	s23 =	simm.s32 $0x2000;
	s22 =	simm.s32 $0x0;
	(v2sf) =	vpush v0, $0x3  }
0x25: {  	s19 =	simm.s32 $0x8400;
	s7 =	simm.s32 $0x680;
	s6 =	simm.s32 $0x400  }
0x26: {  	s8 =	simm.s32 $0x600;
	s1 =	simm.s32 $0x8900;
	s10 =	simm.s32 $0x580  }
0x27: {  	s11 =	simm.s32 $0x8580;
	s13 =	simm.s32 $0x8A00;
	s25 =	simm.s32 $0x480  }
0x28: {  	s14 =	simm.s32 $0x500;
	s29 =	simm.s32 $0x10;
	s30 =	simm.s32 $0x210  }
0x29: {  	s28 =	simm.s32 $0x0;
	s0 =	simm.s32 $0x880;
	s9 =	spop (v2sf);
	(v2sf) =	vpush v1, $0x3  }
0x2a: {  	s5 =	simm.s32 $0x8980;
	s9 =	sand.u32 $0x1FFFFFF0, s9;
	s12 =	spop (v2sf)  }
0x2b: {  	s9 =	sadd.s32 s3, s9;
	s20 =	sand.u32 $0x1FFFFFF0, s12;
	s21 =	spop (v2sf)  }
0x2c: {  	(v2sf) =	vpush v0, $0x4;
	[tilespmem:s6], [sflag:$0x1] =	stream.linear.gather [hbm4b:s9+s2], $0x80, $0x38;
	[tilespmem:$0x18400] =	vst v63  }
0x2d: {  	(v2sf) =	vpush v1, $0x4;
	s6 =	sadd.s32 s4, s20;
	s9 =	sand.u32 $0x1FFFFFF0, s21;
	s24 =	spop (v2sf)  }
0x2e: {  	[tilespmem:s19], [sflag:$0x3] =	stream.linear.gather [hbm4b:s6+s2], $0x80, $0x38;
	[tilespmem:$0x18400] =	vst v63  }
0x2f: {  	(v2sf) =	vpush v0, $0x5;
	s26 =	sadd.s32 s3, s9;
	s31 =	sand.u32 $0x1FFFFFF0, s24;
	s12 =	spop (v2sf)  }
0x30: {  	[tilespmem:s25], [sflag:$0x1] =	stream.linear.gather [hbm4b:s26+s2], $0x80, $0x38;
	[tilespmem:$0x18400] =	vst v63  }
0x31: {  	(v2sf) =	vpush v1, $0x5;
	s6 =	simm.s32 $0x8480;
	s9 =	sadd.s32 s4, s31;
	s15 =	spop (v2sf)  }
0x32: {  	[tilespmem:s6], [sflag:$0x3] =	stream.linear.gather [hbm4b:s9+s2], $0x80, $0x38;
	[tilespmem:$0x18400] =	vst v63  }
0x33: {  	s17 =	simm.s32 $0x8500;
	(v2sf) =	vpush v0, $0x6;
	s16 =	spop (v2sf);
	s6 =	sand.u32 $0x1FFFFFF0, s12  }
0x34: {  	s19 =	sand.u32 $0x1FFFFFF0, s16;
	s9 =	sand.u32 $0x1FFFFFF0, s15;
	s6 =	sadd.s32 s3, s6  }
0x35: {  	(v2sf) =	vpush v1, $0x6;
	[tilespmem:s14], [sflag:$0x1] =	stream.linear.gather [hbm4b:s6+s2], $0x80, $0x38;
	[tilespmem:$0x18400] =	vst v63  }
0x36: {  	s20 =	simm.s32 $0x8600;
	s24 =	sadd.s32 s3, s19;
	s18 =	sadd.s32 s4, s9  }
0x37: {  	[tilespmem:s17], [sflag:$0x3] =	stream.linear.gather [hbm4b:s18+s2], $0x80, $0x38;
	[tilespmem:$0x18400] =	vst v63  }
0x38: {  	s15 =	simm.s32 $0x8A80;
	s12 =	simm.s32 $0x8780;
	s21 =	spop (v2sf)  }
0x39: {  	(v2sf) =	vpush v0, $0x7;
	[tilespmem:s10], [sflag:$0x1] =	stream.linear.gather [hbm4b:s24+s2], $0x80, $0x38;
	[tilespmem:$0x18400] =	vst v63  }
0x3a: {  	s14 =	simm.s32 $0xA80;
	s6 =	simm.s32 $0x8680;
	s25 =	sand.u32 $0x1FFFFFF0, s21  }
0x3b: {  	s17 =	simm.s32 $0x700;
	(v2sf) =	vpush v1, $0x7;
	s26 =	spop (v2sf);
	s9 =	sadd.s32 s4, s25  }
0x3c: {  	s10 =	sand.u32 $0x1FFFFFF0, s26;
	s31 =	spop (v2sf);
	(v2sf) =	vpush v0, $0x8;
	s25 =	simm.s32 $0x8700  }
0x3d: {  	[tilespmem:s11], [sflag:$0x3] =	stream.linear.gather [hbm4b:s9+s2], $0x80, $0x38;
	[tilespmem:$0x18400] =	vst v63  }
0x3e: {  	s10 =	sadd.s32 s3, s10;
	s16 =	sand.u32 $0x1FFFFFF0, s31;
	s18 =	spop (v2sf);
	(v2sf) =	vpush v1, $0x8  }
0x3f: {  	(v2sf) =	vpush v0, $0x9;
	[tilespmem:s8], [sflag:$0x1] =	stream.linear.gather [hbm4b:s10+s2], $0x80, $0x38;
	[tilespmem:$0x18400] =	vst v63  }
0x40: {  	s11 =	sadd.s32 s4, s16;
	s19 =	spop (v2sf);
	s10 =	sand.u32 $0x1FFFFFF0, s18  }
0x41: {  	(v2sf) =	vpush v1, $0x9;
	[tilespmem:s20], [sflag:$0x3] =	stream.linear.gather [hbm4b:s11+s2], $0x80, $0x38;
	[tilespmem:$0x18400] =	vst v63  }
0x42: {  	s10 =	sadd.s32 s3, s10;
	s11 =	sand.u32 $0x1FFFFFF0, s19;
	s20 =	spop (v2sf)  }
0x43: {  	(v2sf) =	vpush v0, $0xA;
	[tilespmem:s7], [sflag:$0x1] =	stream.linear.gather [hbm4b:s10+s2], $0x80, $0x38;
	[tilespmem:$0x18400] =	vst v63  }
0x44: {  	s21 =	sadd.s32 s4, s11;
	s24 =	sand.u32 $0x1FFFFFF0, s20;
	s26 =	spop (v2sf)  }
0x45: {  	(v2sf) =	vpush v1, $0xA;
	[tilespmem:s6], [sflag:$0x3] =	stream.linear.gather [hbm4b:s21+s2], $0x80, $0x38;
	[tilespmem:$0x18400] =	vst v63  }
0x46: {  	s8 =	simm.s32 $0x8880;
	s10 =	sadd.s32 s3, s24;
	s9 =	sand.u32 $0x1FFFFFF0, s26  }
0x47: {  	[tilespmem:s17], [sflag:$0x1] =	stream.linear.gather [hbm4b:s10+s2], $0x80, $0x38;
	[tilespmem:$0x18400] =	vst v63  }
0x48: {  	s20 =	simm.s32 $0x8800;
	s9 =	sadd.s32 s4, s9;
	s31 =	spop (v2sf)  }
0x49: {  	(v2sf) =	vpush v0, $0xB;
	[tilespmem:s25], [sflag:$0x3] =	stream.linear.gather [hbm4b:s9+s2], $0x80, $0x38;
	[tilespmem:$0x18400] =	vst v63  }
0x4a: {  	s17 =	simm.s32 $0x800;
	s10 =	sand.u32 $0x1FFFFFF0, s31;
	s6 =	spop (v2sf)  }
0x4b: {  	s9 =	simm.s32 $0x780;
	(v2sf) =	vpush v1, $0xB;
	s10 =	sadd.s32 s3, s10;
	s16 =	spop (v2sf)  }
0x4c: {  	[tilespmem:s9], [sflag:$0x1] =	stream.linear.gather [hbm4b:s10+s2], $0x80, $0x38;
	[tilespmem:$0x18400] =	vst v63  }
0x4d: {  	s25 =	simm.s32 $0x900;
	s11 =	sand.u32 $0x1FFFFFF0, s6;
	s18 =	spop (v2sf)  }
0x4e: {  	s10 =	sadd.s32 s4, s11;
	s9 =	sand.u32 $0x1FFFFFF0, s16;
	s19 =	spop (v2sf)  }
0x4f: {  	(v2sf) =	vpush v0, $0xC;
	[tilespmem:s12], [sflag:$0x3] =	stream.linear.gather [hbm4b:s10+s2], $0x80, $0x38;
	[tilespmem:$0x18400] =	vst v63  }
0x50: {  	s9 =	sadd.s32 s3, s9;
	s10 =	sand.u32 $0x1FFFFFF0, s18;
	s26 =	spop (v2sf)  }
0x51: {  	(v2sf) =	vpush v1, $0xC;
	[tilespmem:s17], [sflag:$0x1] =	stream.linear.gather [hbm4b:s9+s2], $0x80, $0x38;
	[tilespmem:$0x18400] =	vst v63  }
0x52: {  	s24 =	sand.u32 $0x1FFFFFF0, s19;
	s21 =	sadd.s32 s4, s10;
	s31 =	spop (v2sf)  }
0x53: {  	[tilespmem:s20], [sflag:$0x3] =	stream.linear.gather [hbm4b:s21+s2], $0x80, $0x38;
	[tilespmem:$0x18400] =	vst v63  }
0x54: {  	s10 =	sadd.s32 s3, s24;
	s9 =	sand.u32 $0x1FFFFFF0, s26;
	s6 =	spop (v2sf)  }
0x55: {  	[tilespmem:s0], [sflag:$0x1] =	stream.linear.gather [hbm4b:s10+s2], $0x80, $0x38;
	[tilespmem:$0x18400] =	vst v63  }
0x56: {  	s9 =	sadd.s32 s4, s9;
	s16 =	sand.u32 $0x1FFFFFF0, s6;
	s10 =	sand.u32 $0x1FFFFFF0, s31  }
0x57: {  	[tilespmem:s8], [sflag:$0x3] =	stream.linear.gather [hbm4b:s9+s2], $0x80, $0x38;
	[tilespmem:$0x18400] =	vst v63  }
0x58: {  	s21 =	simm.s32 $0x980;
	s12 =	sadd.s32 s3, s10;
	s17 =	spop (v2sf)  }
0x59: {  	[tilespmem:s25], [sflag:$0x1] =	stream.linear.gather [hbm4b:s12+s2], $0x80, $0x38;
	[tilespmem:$0x18400] =	vst v63  }
0x5a: {  	s18 =	sadd.s32 s4, s16;
	s19 =	sand.u32 $0x1FFFFFF0, s17;
	s20 =	spop (v2sf)  }
0x5b: {  	(v2sf) =	vpush v0, $0xD;
	[tilespmem:s1], [sflag:$0x3] =	stream.linear.gather [hbm4b:s18+s2], $0x80, $0x38;
	[tilespmem:$0x18400] =	vst v63  }
0x5c: {  	s0 =	simm.s32 $0xA00;
	(v2sf) =	vpush v1, $0xD;
	s24 =	sadd.s32 s3, s19;
	s25 =	sand.u32 $0x1FFFFFF0, s20  }
0x5d: {  	(v2sf) =	vpush v0, $0xE;
	[tilespmem:s21], [sflag:$0x1] =	stream.linear.gather [hbm4b:s24+s2], $0x80, $0x38;
	[tilespmem:$0x18400] =	vst v63  }
0x5e: {  	s12 =	simm.s32 $0x8B00;
	s26 =	sadd.s32 s4, s25;
	(v2sf) =	vpush v1, $0xE;
	s31 =	spop (v2sf)  }
0x5f: {  	(v2sf) =	vpush v0, $0xF;
	[tilespmem:s5], [sflag:$0x3] =	stream.linear.gather [hbm4b:s26+s2], $0x80, $0x38;
	[tilespmem:$0x18400] =	vst v63  }
0x60: {  	s1 =	simm.s32 $0xB00;
	s7 =	spop (v2sf);
	(v2sf) =	vpush v1, $0xF;
	s5 =	sand.u32 $0x1FFFFFF0, s31  }
.LBB2_2:
0x61: {  	_ =	sdelay $0x4  }
0x62: {  	s5 =	sadd.s32 s3, s5;
	s7 =	sand.u32 $0x1FFFFFF0, s7  }
0x63: {  	[tilespmem:s0], [sflag:$0x1] =	stream.linear.gather [hbm4b:s5+s28], $0x80, $0x38;
	[tilespmem:$0x18400] =	vst v63  }
0x64: {  	s25 =	sadd.s32 s4, s7  }
0x65: {  	[tilespmem:s13], [sflag:$0x3] =	stream.linear.gather [hbm4b:s25+s28], $0x80, $0x38;
	[tilespmem:$0x18400] =	vst v63  }
0x66: {  	s8 =	spop (v2sf)  }
0x67: {  	s26 =	sand.u32 $0x1FFFFFF0, s8;
	s31 =	spop (v2sf)  }
0x68: {  	s6 =	sadd.s32 s3, s26;
	s8 =	sand.u32 $0x1FFFFFF0, s31;
	s9 =	spop (v2sf)  }
0x69: {  	[tilespmem:s14], [sflag:$0x1] =	stream.linear.gather [hbm4b:s6+s28], $0x80, $0x38;
	[tilespmem:$0x18400] =	vst v63  }
0x6a: {  	s10 =	sadd.s32 s4, s8;
	s11 =	sand.u32 $0x1FFFFFF0, s9;
	s6 =	spop (v2sf)  }
0x6b: {  	[tilespmem:s15], [sflag:$0x3] =	stream.linear.gather [hbm4b:s10+s28], $0x80, $0x38;
	[tilespmem:$0x18400] =	vst v63  }
0x6c: {  	s13 =	sadd.s32 s3, s11;
	s14 =	sand.u32 $0x1FFFFFF0, s6;
	s15 =	spop (v2sf)  }
0x6d: {  	[tilespmem:s1], [sflag:$0x1] =	stream.linear.gather [hbm4b:s13+s28], $0x80, $0x38;
	[tilespmem:$0x18400] =	vst v63  }
0x6e: {  	s16 =	sadd.s32 s4, s14;
	s17 =	sand.u32 $0x1FFFFFF0, s15;
	s18 =	spop (v2sf)  }
0x6f: {  	[tilespmem:s12], [sflag:$0x3] =	stream.linear.gather [hbm4b:s16+s28], $0x80, $0x38;
	[tilespmem:$0x18400] =	vst v63  }
0x70: {  	s19 =	sadd.s32 $0xB80, s22;
	s1 =	sadd.s32 s3, s17;
	s5 =	sand.u32 $0x1FFFFFF0, s18  }
0x71: {  	[tilespmem:s19], [sflag:$0x1] =	stream.linear.gather [hbm4b:s1+s28], $0x80, $0x38;
	[tilespmem:$0x18400] =	vst v63  }
0x72: {  	s20 =	sadd.s32 $0x8B80, s22;
	s21 =	sadd.s32 s4, s5  }
0x73: {  	[tilespmem:s20], [sflag:$0x3] =	stream.linear.gather [hbm4b:s21+s28], $0x80, $0x38;
	[tilespmem:$0x18400] =	vst v63  }
0x74: {  	v0 =	vld [tilespmem:s29+$0x0]  }
0x75: {  	v2 =	vld [tilespmem:s30+$0x0];
	_ =	sdelay $0x3  }
0x76: {  	s22 =	smov.u32 s23;
	v1 =	vshll.u32 v0, $0x4  }
0x77: {  	s22 =	sshra.s32 s22, $0x2;
	v63 =	vshll.u32 v2, $0x4;
	(v2sf) =	vpush v1, $0x0  }
0x78: {  	p0 =	sne.s32 s23, $0xE000;
	s0 =	sadd.s32 $0x880, s22;
	(v2sf) =	vpush v63, $0x0  }
0x79: {  	s23 =	sadd.s32 $0x2000, s23;
	s24 =	sadd.s32 $0x8900, s22;
	[dreg:$0xc] =	wrdreg s0;
	(v2sf) =	vpush v1, $0x1  }
0x7a: {  	s7 =	sadd.s32 $0x680, s22;
	[dreg:$0x4] =	wrdreg s24;
	s25 =	sadd.s32 $0x8A00, s22  }
0x7b: {  	s24 =	sadd.s32 $0x580, s22;
	[dreg:$0x18] =	wrdreg s25;
	s26 =	sadd.s32 $0xA80, s22;
	(v2sf) =	vpush v63, $0x1  }
0x7c: {  	s0 =	sadd.s32 $0xA00, s22;
	s31 =	sadd.s32 $0x8980, s22;
	[smem:$0x7F3] =	sst s26  }
0x7d: {  	s25 =	sadd.s32 $0x8480, s22;
	[dreg:$0x8] =	wrdreg s31;
	s8 =	sadd.s32 $0x900, s22;
	(v2sf) =	vpush v1, $0x2  }
0x7e: {  	s9 =	sadd.s32 $0x8800, s22;
	s26 =	sadd.s32 $0x480, s22;
	[dreg:$0x10] =	wrdreg s8  }
0x7f: {  	s6 =	sadd.s32 $0x400, s22;
	s11 =	sadd.s32 $0x8500, s22;
	[dreg:$0x1c] =	wrdreg s9;
	(v2sf) =	vpush v63, $0x2  }
0x80: {  	s8 =	sadd.s32 $0x980, s22;
	s14 =	sadd.s32 $0x8700, s22;
	s10 =	sadd.s32 $0x8780, s22  }
0x81: {  	s15 =	sadd.s32 $0x8A80, s22;
	[smem:$0x7F4] =	sst s10;
	s18 =	sadd.s32 $0x500, s22;
	(v2sf) =	vpush v1, $0x3  }
0x82: {  	s17 =	sadd.s32 $0x8680, s22;
	s13 =	sadd.s32 $0x780, s22;
	s12 =	sadd.s32 $0x800, s22  }
0x83: {  	s5 =	sadd.s32 $0x8400, s22;
	s16 =	sadd.s32 $0x700, s22;
	[smem:$0x7F5] =	sst s12;
	(v2sf) =	vpush v63, $0x3  }
0x84: {  	s12 =	sadd.s32 $0x8B00, s22;
	s19 =	sadd.s32 $0x600, s22;
	s1 =	sadd.s32 $0x8880, s22  }
0x85: {  	[dreg:$0x14] =	wrdreg s1;
	s1 =	sadd.s32 $0xB00, s22;
	s28 =	simm.s32 $0x0;
	(v2sf) =	vpush v1, $0x4  }
0x86: {  	s21 =	sadd.s32 $0x8580, s22;
	s20 =	sadd.s32 $0x8600, s22;
	s31 =	spop (v2sf)  }
0x87: {  	s29 =	sadd.s32 $0x10, s29;
	s31 =	sand.u32 $0x1FFFFFF0, s31;
	s9 =	spop (v2sf);
	(v2sf) =	vpush v63, $0x4  }
0x88: {  	s31 =	sadd.s32 s3, s31;
	s9 =	sand.u32 $0x1FFFFFF0, s9;
	s10 =	spop (v2sf)  }
0x89: {  	(v2sf) =	vpush v1, $0x5;
	[tilespmem:s6], [sflag:$0x1] =	stream.linear.gather [hbm4b:s31+s28], $0x80, $0x38;
	[tilespmem:$0x18400] =	vst v63  }
0x8a: {  	s9 =	sadd.s32 s4, s9;
	s10 =	sand.u32 $0x1FFFFFF0, s10;
	s31 =	spop (v2sf);
	(v2sf) =	vpush v63, $0x5  }
0x8b: {  	[tilespmem:s5], [sflag:$0x3] =	stream.linear.gather [hbm4b:s9+s28], $0x80, $0x38;
	[tilespmem:$0x18400] =	vst v63  }
0x8c: {  	s9 =	sadd.s32 s3, s10;
	s10 =	sand.u32 $0x1FFFFFF0, s31;
	s31 =	spop (v2sf);
	(v2sf) =	vpush v1, $0x6  }
0x8d: {  	[tilespmem:s26], [sflag:$0x1] =	stream.linear.gather [hbm4b:s9+s28], $0x80, $0x38;
	[tilespmem:$0x18400] =	vst v63  }
0x8e: {  	s10 =	sadd.s32 s4, s10;
	s26 =	sand.u32 $0x1FFFFFF0, s31;
	s31 =	spop (v2sf);
	(v2sf) =	vpush v63, $0x6  }
0x8f: {  	[tilespmem:s25], [sflag:$0x3] =	stream.linear.gather [hbm4b:s10+s28], $0x80, $0x38;
	[tilespmem:$0x18400] =	vst v63  }
0x90: {  	s6 =	sadd.s32 s3, s26;
	s9 =	sand.u32 $0x1FFFFFF0, s31;
	s10 =	spop (v2sf)  }
0x91: {  	(v2sf) =	vpush v1, $0x7;
	[tilespmem:s18], [sflag:$0x1] =	stream.linear.gather [hbm4b:s6+s28], $0x80, $0x38;
	[tilespmem:$0x18400] =	vst v63  }
0x92: {  	s25 =	sadd.s32 s4, s9;
	s26 =	sand.u32 $0x1FFFFFF0, s10;
	s31 =	spop (v2sf)  }
0x93: {  	(v2sf) =	vpush v63, $0x7;
	[tilespmem:s11], [sflag:$0x3] =	stream.linear.gather [hbm4b:s25+s28], $0x80, $0x38;
	[tilespmem:$0x18400] =	vst v63  }
0x94: {  	s6 =	sadd.s32 s3, s26;
	s9 =	sand.u32 $0x1FFFFFF0, s31;
	s10 =	spop (v2sf)  }
0x95: {  	(v2sf) =	vpush v1, $0x8;
	[tilespmem:s24], [sflag:$0x1] =	stream.linear.gather [hbm4b:s6+s28], $0x80, $0x38;
	[tilespmem:$0x18400] =	vst v63  }
0x96: {  	s18 =	sand.u32 $0x1FFFFFF0, s10;
	s11 =	sadd.s32 s4, s9;
	s24 =	spop (v2sf)  }
0x97: {  	[tilespmem:s21], [sflag:$0x3] =	stream.linear.gather [hbm4b:s11+s28], $0x80, $0x38;
	[tilespmem:$0x18400] =	vst v63  }
0x98: {  	s30 =	sadd.s32 $0x10, s30;
	s25 =	sadd.s32 s3, s18;
	s31 =	spop (v2sf)  }
0x99: {  	(v2sf) =	vpush v63, $0x8;
	s26 =	sand.u32 $0x1FFFFFF0, s24;
	s9 =	sand.u32 $0x1FFFFFF0, s31;
	s10 =	spop (v2sf)  }
0x9a: {  	(v2sf) =	vpush v1, $0x9;
	[tilespmem:s19], [sflag:$0x1] =	stream.linear.gather [hbm4b:s25+s28], $0x80, $0x38;
	[tilespmem:$0x18400] =	vst v63  }
0x9b: {  	s6 =	sadd.s32 s4, s26;
	s11 =	sadd.s32 s3, s9;
	s19 =	spop (v2sf)  }
0x9c: {  	(v2sf) =	vpush v63, $0x9;
	[tilespmem:s20], [sflag:$0x3] =	stream.linear.gather [hbm4b:s6+s28], $0x80, $0x38;
	[tilespmem:$0x18400] =	vst v63  }
0x9d: {  	s18 =	sand.u32 $0x1FFFFFF0, s10;
	s21 =	sand.u32 $0x1FFFFFF0, s19;
	s24 =	spop (v2sf)  }
0x9e: {  	(v2sf) =	vpush v1, $0xA;
	[tilespmem:s7], [sflag:$0x1] =	stream.linear.gather [hbm4b:s11+s28], $0x80, $0x38;
	[tilespmem:$0x18400] =	vst v63  }
0x9f: {  	s20 =	sadd.s32 s4, s18;
	s25 =	sadd.s32 s3, s21;
	s26 =	sand.u32 $0x1FFFFFF0, s24  }
0xa0: {  	s21 =	sld [smem:$0x7F4];
	s31 =	spop (v2sf);
	s6 =	sadd.s32 s4, s26  }
0xa1: {  	[tilespmem:s17], [sflag:$0x3] =	stream.linear.gather [hbm4b:s20+s28], $0x80, $0x38;
	[tilespmem:$0x18400] =	vst v63  }
0xa2: {  	(v2sf) =	vpush v63, $0xA;
	s9 =	sand.u32 $0x1FFFFFF0, s31;
	s10 =	spop (v2sf);
	s31 =	sld [smem:$0x7F5]  }
0xa3: {  	[tilespmem:s16], [sflag:$0x1] =	stream.linear.gather [hbm4b:s25+s28], $0x80, $0x38;
	[tilespmem:$0x18400] =	vst v63  }
0xa4: {  	(v2sf) =	vpush v1, $0xB;
	s11 =	sadd.s32 s3, s9;
	s17 =	spop (v2sf);
	s16 =	sand.u32 $0x1FFFFFF0, s10  }
0xa5: {  	[tilespmem:s14], [sflag:$0x3] =	stream.linear.gather [hbm4b:s6+s28], $0x80, $0x38;
	[tilespmem:$0x18400] =	vst v63  }
0xa6: {  	s19 =	sand.u32 $0x1FFFFFF0, s17;
	s17 =	rddreg [dreg:$0x1c];
	s18 =	sadd.s32 s4, s16  }
0xa7: {  	[tilespmem:s13], [sflag:$0x1] =	stream.linear.gather [hbm4b:s11+s28], $0x80, $0x38;
	[tilespmem:$0x18400] =	vst v63  }
0xa8: {  	(v2sf) =	vpush v63, $0xB;
	s24 =	sadd.s32 s3, s19;
	s14 =	sld [smem:$0x7F3];
	s20 =	spop (v2sf)  }
0xa9: {  	(v2sf) =	vpush v1, $0xC;
	s13 =	rddreg [dreg:$0x18];
	s25 =	sand.u32 $0x1FFFFFF0, s20;
	s26 =	spop (v2sf)  }
0xaa: {  	[tilespmem:s21], [sflag:$0x3] =	stream.linear.gather [hbm4b:s18+s28], $0x80, $0x38;
	[tilespmem:$0x18400] =	vst v63  }
0xab: {  	(v2sf) =	vpush v63, $0xC;
	s10 =	sadd.s32 s4, s25;
	s11 =	sand.u32 $0x1FFFFFF0, s26;
	s16 =	spop (v2sf)  }
0xac: {  	[tilespmem:s31], [sflag:$0x1] =	stream.linear.gather [hbm4b:s24+s28], $0x80, $0x38;
	[tilespmem:$0x18400] =	vst v63  }
0xad: {  	s21 =	rddreg [dreg:$0xc];
	s19 =	sand.u32 $0x1FFFFFF0, s16;
	s20 =	spop (v2sf)  }
0xae: {  	[tilespmem:s17], [sflag:$0x3] =	stream.linear.gather [hbm4b:s10+s28], $0x80, $0x38;
	[tilespmem:$0x18400] =	vst v63  }
0xaf: {  	s18 =	sadd.s32 s3, s11;
	s24 =	sadd.s32 s4, s19;
	s25 =	sand.u32 $0x1FFFFFF0, s20  }
0xb0: {  	[tilespmem:s21], [sflag:$0x1] =	stream.linear.gather [hbm4b:s18+s28], $0x80, $0x38;
	[tilespmem:$0x18400] =	vst v63  }
0xb1: {  	s31 =	rddreg [dreg:$0x14];
	s26 =	spop (v2sf);
	s10 =	sadd.s32 s3, s25  }
0xb2: {  	[tilespmem:s31], [sflag:$0x3] =	stream.linear.gather [hbm4b:s24+s28], $0x80, $0x38;
	[tilespmem:$0x18400] =	vst v63  }
0xb3: {  	s17 =	rddreg [dreg:$0x10];
	s11 =	sand.u32 $0x1FFFFFF0, s26;
	s16 =	spop (v2sf)  }
0xb4: {  	[tilespmem:s17], [sflag:$0x1] =	stream.linear.gather [hbm4b:s10+s28], $0x80, $0x38;
	[tilespmem:$0x18400] =	vst v63  }
0xb5: {  	s18 =	sadd.s32 s4, s11;
	s21 =	rddreg [dreg:$0x4];
	s19 =	sand.u32 $0x1FFFFFF0, s16  }
0xb6: {  	(v2sf) =	vpush v1, $0xD;
	[tilespmem:s21], [sflag:$0x3] =	stream.linear.gather [hbm4b:s18+s28], $0x80, $0x38;
	[tilespmem:$0x18400] =	vst v63  }
.Ltmp0:
0xb7: {  	(v2sf) =	vpush v63, $0xD;
	s20 =	spop (v2sf);
	s24 =	sadd.s32 s3, s19;
	(pc) =	sbr.rel @p0 .LBB2_2-.Ltmp0, $4  }
0xb8: {  	(v2sf) =	vpush v1, $0xE;
	s25 =	sand.u32 $0x1FFFFFF0, s20;
	s26 =	spop (v2sf);
	s31 =	rddreg [dreg:$0x8]  }
0xb9: {  	(v2sf) =	vpush v63, $0xE;
	[tilespmem:s8], [sflag:$0x1] =	stream.linear.gather [hbm4b:s24+s28], $0x80, $0x38;
	[tilespmem:$0x18400] =	vst v63  }
0xba: {  	(v2sf) =	vpush v1, $0xF;
	s6 =	sadd.s32 s4, s25;
	s5 =	sand.u32 $0x1FFFFFF0, s26;
	s7 =	spop (v2sf)  }
0xbb: {  	(v2sf) =	vpush v63, $0xF;
	[tilespmem:s31], [sflag:$0x3] =	stream.linear.gather [hbm4b:s6+s28], $0x80, $0x38;
	[tilespmem:$0x18400] =	vst v63  }
0xbc: {  	_ =	sdelay $0x4  }
0xbd: {  	s5 =	sadd.s32 s3, s5;
	s6 =	sand.u32 $0x1FFFFFF0, s7  }
0xbe: {  	[tilespmem:s0], [sflag:$0x1] =	stream.linear.gather [hbm4b:s5+s28], $0x80, $0x38;
	[tilespmem:$0x18400] =	vst v63  }
0xbf: {  	s26 =	sadd.s32 s4, s6  }
0xc0: {  	[tilespmem:s13], [sflag:$0x3] =	stream.linear.gather [hbm4b:s26+s28], $0x80, $0x38;
	[tilespmem:$0x18400] =	vst v63  }
0xc1: {  	s25 =	spop (v2sf)  }
0xc2: {  	s30 =	sand.u32 $0x1FFFFFF0, s25;
	s31 =	spop (v2sf)  }
0xc3: {  	s5 =	sadd.s32 s3, s30;
	s7 =	sand.u32 $0x1FFFFFF0, s31;
	s8 =	spop (v2sf)  }
0xc4: {  	[tilespmem:s14], [sflag:$0x1] =	stream.linear.gather [hbm4b:s5+s28], $0x80, $0x38;
	[tilespmem:$0x18400] =	vst v63  }
0xc5: {  	s9 =	sadd.s32 s4, s7;
	s10 =	sand.u32 $0x1FFFFFF0, s8;
	s11 =	spop (v2sf)  }
0xc6: {  	[tilespmem:s15], [sflag:$0x3] =	stream.linear.gather [hbm4b:s9+s28], $0x80, $0x38;
	[tilespmem:$0x18400] =	vst v63  }
0xc7: {  	s13 =	sadd.s32 s3, s10;
	s14 =	sand.u32 $0x1FFFFFF0, s11;
	s15 =	spop (v2sf)  }
0xc8: {  	[tilespmem:s1], [sflag:$0x1] =	stream.linear.gather [hbm4b:s13+s28], $0x80, $0x38;
	[tilespmem:$0x18400] =	vst v63  }
0xc9: {  	s16 =	sadd.s32 s4, s14;
	s17 =	sand.u32 $0x1FFFFFF0, s15;
	s18 =	spop (v2sf)  }
0xca: {  	[tilespmem:s12], [sflag:$0x3] =	stream.linear.gather [hbm4b:s16+s28], $0x80, $0x38;
	[tilespmem:$0x18400] =	vst v63  }
0xcb: {  	s19 =	sadd.s32 $0xB80, s22;
	s1 =	sadd.s32 s3, s17;
	s5 =	sand.u32 $0x1FFFFFF0, s18  }
0xcc: {  	[tilespmem:s19], [sflag:$0x1] =	stream.linear.gather [hbm4b:s1+s28], $0x80, $0x38;
	[tilespmem:$0x18400] =	vst v63  }
0xcd: {  	s20 =	sadd.s32 $0x8B80, s22;
	s22 =	simm.s32 $0x80;
	s21 =	sadd.s32 s4, s5  }
0xce: {  	[tilespmem:s20], [sflag:$0x3] =	stream.linear.gather [hbm4b:s21+s28], $0x80, $0x38;
	[tilespmem:$0x18400] =	vst v63  }
0xcf: {  	s23 =	simm.s32 $0x280;
	v0 =	vld [tilespmem:s22+$0x0]  }
0xd0: {  	v2 =	vld [tilespmem:s23+$0x0];
	_ =	sdelay $0x3  }
0xd1: {  	v1 =	vshll.u32 v0, $0x4  }
0xd2: {  	v63 =	vshll.u32 v2, $0x4;
	(v2sf) =	vpush v1, $0x0  }
0xd3: {  	(v2sf) =	vpush v63, $0x0  }
0xd4: {  	(v2sf) =	vpush v1, $0x1;
	_ =	sdelay $0x1  }
0xd5: {  	(v2sf) =	vpush v63, $0x1  }
0xd6: {  	(v2sf) =	vpush v1, $0x2;
	_ =	sdelay $0x1  }
0xd7: {  	(v2sf) =	vpush v63, $0x2;
	_ =	sdelay $0x1  }
0xd8: {  	(v2sf) =	vpush v1, $0x3  }
0xd9: {  	s24 =	simm.s32 $0xC400  }
0xda: {  	s29 =	simm.s32 $0x90;
	s0 =	simm.s32 $0xC900;
	s25 =	simm.s32 $0x4400  }
0xdb: {  	s7 =	simm.s32 $0xC580;
	s10 =	simm.s32 $0x4580;
	s9 =	simm.s32 $0x4600  }
0xdc: {  	s13 =	simm.s32 $0x4480;
	s18 =	simm.s32 $0x4500;
	s5 =	simm.s32 $0x4680;
	(v2sf) =	vpush v63, $0x3  }
0xdd: {  	s16 =	simm.s32 $0xC480;
	s12 =	simm.s32 $0x4780;
	s1 =	simm.s32 $0x4880  }
0xde: {  	s21 =	simm.s32 $0xC500;
	s28 =	simm.s32 $0x290;
	s8 =	spop (v2sf)  }
0xdf: {  	s23 =	simm.s32 $0x2000;
	s8 =	sand.u32 $0x1FFFFFF0, s8;
	s11 =	spop (v2sf)  }
0xe0: {  	(v2sf) =	vpush v1, $0x4;
	s8 =	sadd.s32 s3, s8;
	s26 =	sand.u32 $0x1FFFFFF0, s11;
	s30 =	spop (v2sf)  }
0xe1: {  	(v2sf) =	vpush v63, $0x4;
	[tilespmem:s25], [sflag:$0x2] =	stream.linear.gather [hbm4b:s8+s2], $0x80, $0x38;
	[tilespmem:$0x18400] =	vst v63  }
0xe2: {  	s22 =	simm.s32 $0x0;
	s8 =	sadd.s32 s4, s26;
	s31 =	spop (v2sf)  }
0xe3: {  	s11 =	sand.u32 $0x1FFFFFF0, s30;
	(v2sf) =	vpush v1, $0x5;
	s30 =	simm.s32 $0xC600;
	s17 =	spop (v2sf)  }
0xe4: {  	[tilespmem:s24], [sflag:$0x4] =	stream.linear.gather [hbm4b:s8+s2], $0x80, $0x38;
	[tilespmem:$0x18400] =	vst v63  }
0xe5: {  	s14 =	sadd.s32 s3, s11;
	s15 =	sand.u32 $0x1FFFFFF0, s31;
	(v2sf) =	vpush v63, $0x5;
	s19 =	spop (v2sf)  }
0xe6: {  	[tilespmem:s13], [sflag:$0x2] =	stream.linear.gather [hbm4b:s14+s2], $0x80, $0x38;
	[tilespmem:$0x18400] =	vst v63  }
0xe7: {  	s11 =	sadd.s32 s4, s15;
	(v2sf) =	vpush v1, $0x6;
	s8 =	sand.u32 $0x1FFFFFF0, s17;
	s20 =	spop (v2sf)  }
0xe8: {  	[tilespmem:s16], [sflag:$0x4] =	stream.linear.gather [hbm4b:s11+s2], $0x80, $0x38;
	[tilespmem:$0x18400] =	vst v63  }
0xe9: {  	s8 =	sadd.s32 s3, s8;
	(v2sf) =	vpush v63, $0x6;
	s25 =	sand.u32 $0x1FFFFFF0, s20;
	s11 =	sand.u32 $0x1FFFFFF0, s19  }
0xea: {  	[tilespmem:s18], [sflag:$0x2] =	stream.linear.gather [hbm4b:s8+s2], $0x80, $0x38;
	[tilespmem:$0x18400] =	vst v63  }
0xeb: {  	s13 =	simm.s32 $0xCA00;
	s26 =	spop (v2sf);
	s24 =	sadd.s32 s4, s11  }
0xec: {  	(v2sf) =	vpush v1, $0x7;
	[tilespmem:s21], [sflag:$0x4] =	stream.linear.gather [hbm4b:s24+s2], $0x80, $0x38;
	[tilespmem:$0x18400] =	vst v63  }
0xed: {  	s14 =	simm.s32 $0x4A80;
	s16 =	simm.s32 $0xC680;
	s11 =	sadd.s32 s3, s25  }
0xee: {  	(v2sf) =	vpush v63, $0x7;
	[tilespmem:s10], [sflag:$0x2] =	stream.linear.gather [hbm4b:s11+s2], $0x80, $0x38;
	[tilespmem:$0x18400] =	vst v63  }
0xef: {  	s8 =	sand.u32 $0x1FFFFFF0, s26;
	s18 =	simm.s32 $0x4700;
	s31 =	spop (v2sf)  }
0xf0: {  	s8 =	sadd.s32 s4, s8;
	s11 =	sand.u32 $0x1FFFFFF0, s31;
	s6 =	spop (v2sf)  }
0xf1: {  	[tilespmem:s7], [sflag:$0x4] =	stream.linear.gather [hbm4b:s8+s2], $0x80, $0x38;
	[tilespmem:$0x18400] =	vst v63  }
0xf2: {  	(v2sf) =	vpush v1, $0x8;
	s11 =	sadd.s32 s3, s11;
	s15 =	sand.u32 $0x1FFFFFF0, s6;
	s17 =	spop (v2sf)  }
0xf3: {  	[tilespmem:s9], [sflag:$0x2] =	stream.linear.gather [hbm4b:s11+s2], $0x80, $0x38;
	[tilespmem:$0x18400] =	vst v63  }
0xf4: {  	(v2sf) =	vpush v63, $0x8;
	s8 =	sadd.s32 s4, s15;
	s9 =	sand.u32 $0x1FFFFFF0, s17;
	s19 =	spop (v2sf)  }
0xf5: {  	s11 =	simm.s32 $0xCA80;
	s17 =	simm.s32 $0xC780;
	s9 =	sadd.s32 s3, s9  }
0xf6: {  	(v2sf) =	vpush v1, $0x9;
	s10 =	sand.u32 $0x1FFFFFF0, s19;
	s20 =	spop (v2sf);
	s19 =	simm.s32 $0x4800  }
0xf7: {  	[tilespmem:s30], [sflag:$0x4] =	stream.linear.gather [hbm4b:s8+s2], $0x80, $0x38;
	[tilespmem:$0x18400] =	vst v63  }
0xf8: {  	(v2sf) =	vpush v63, $0x9;
	s21 =	sadd.s32 s4, s10;
	s24 =	sand.u32 $0x1FFFFFF0, s20;
	s25 =	spop (v2sf)  }
0xf9: {  	s30 =	simm.s32 $0xC700;
	s10 =	simm.s32 $0xCB00;
	s26 =	sadd.s32 s3, s24  }
0xfa: {  	(v2sf) =	vpush v1, $0xA;
	[tilespmem:s5], [sflag:$0x2] =	stream.linear.gather [hbm4b:s9+s2], $0x80, $0x38;
	[tilespmem:$0x18400] =	vst v63  }
0xfb: {  	s7 =	sand.u32 $0x1FFFFFF0, s25;
	s31 =	spop (v2sf);
	s24 =	simm.s32 $0xC800  }
0xfc: {  	(v2sf) =	vpush v63, $0xA;
	[tilespmem:s16], [sflag:$0x4] =	stream.linear.gather [hbm4b:s21+s2], $0x80, $0x38;
	[tilespmem:$0x18400] =	vst v63  }
0xfd: {  	s5 =	simm.s32 $0xC980;
	s9 =	sand.u32 $0x1FFFFFF0, s31;
	s6 =	spop (v2sf)  }
0xfe: {  	(v2sf) =	vpush v1, $0xB;
	[tilespmem:s18], [sflag:$0x2] =	stream.linear.gather [hbm4b:s26+s2], $0x80, $0x38;
	[tilespmem:$0x18400] =	vst v63  }
0xff: {  	s7 =	sadd.s32 s4, s7;
	s15 =	sadd.s32 s3, s9;
	s16 =	sand.u32 $0x1FFFFFF0, s6  }
0x100: {  	(v2sf) =	vpush v63, $0xB;
	[tilespmem:s30], [sflag:$0x4] =	stream.linear.gather [hbm4b:s7+s2], $0x80, $0x38;
	[tilespmem:$0x18400] =	vst v63  }
0x101: {  	s6 =	simm.s32 $0x4900;
	s9 =	sadd.s32 s4, s16;
	s18 =	spop (v2sf)  }
0x102: {  	[tilespmem:s12], [sflag:$0x2] =	stream.linear.gather [hbm4b:s15+s2], $0x80, $0x38;
	[tilespmem:$0x18400] =	vst v63  }
0x103: {  	s30 =	simm.s32 $0xC880;
	s8 =	sand.u32 $0x1FFFFFF0, s18;
	s20 =	spop (v2sf)  }
0x104: {  	(v2sf) =	vpush v1, $0xC;
	[tilespmem:s17], [sflag:$0x4] =	stream.linear.gather [hbm4b:s9+s2], $0x80, $0x38;
	[tilespmem:$0x18400] =	vst v63  }
0x105: {  	s8 =	sadd.s32 s3, s8;
	s9 =	sand.u32 $0x1FFFFFF0, s20;
	s21 =	spop (v2sf)  }
0x106: {  	(v2sf) =	vpush v63, $0xC;
	[tilespmem:s19], [sflag:$0x2] =	stream.linear.gather [hbm4b:s8+s2], $0x80, $0x38;
	[tilespmem:$0x18400] =	vst v63  }
0x107: {  	s25 =	sadd.s32 s4, s9;
	s26 =	sand.u32 $0x1FFFFFF0, s21;
	s31 =	spop (v2sf)  }
0x108: {  	[tilespmem:s24], [sflag:$0x4] =	stream.linear.gather [hbm4b:s25+s2], $0x80, $0x38;
	[tilespmem:$0x18400] =	vst v63  }
0x109: {  	s9 =	sadd.s32 s3, s26;
	s8 =	sand.u32 $0x1FFFFFF0, s31;
	s12 =	spop (v2sf)  }
0x10a: {  	[tilespmem:s1], [sflag:$0x2] =	stream.linear.gather [hbm4b:s9+s2], $0x80, $0x38;
	[tilespmem:$0x18400] =	vst v63  }
0x10b: {  	s8 =	sadd.s32 s4, s8;
	s15 =	spop (v2sf);
	s9 =	sand.u32 $0x1FFFFFF0, s12  }
0x10c: {  	[tilespmem:s30], [sflag:$0x4] =	stream.linear.gather [hbm4b:s8+s2], $0x80, $0x38;
	[tilespmem:$0x18400] =	vst v63  }
0x10d: {  	s17 =	sand.u32 $0x1FFFFFF0, s15;
	s18 =	spop (v2sf);
	s16 =	sadd.s32 s3, s9  }
0x10e: {  	[tilespmem:s6], [sflag:$0x2] =	stream.linear.gather [hbm4b:s16+s2], $0x80, $0x38;
	[tilespmem:$0x18400] =	vst v63  }
0x10f: {  	s19 =	sadd.s32 s4, s17;
	s20 =	sand.u32 $0x1FFFFFF0, s18;
	s21 =	spop (v2sf)  }
0x110: {  	(v2sf) =	vpush v1, $0xD;
	[tilespmem:s0], [sflag:$0x4] =	stream.linear.gather [hbm4b:s19+s2], $0x80, $0x38;
	[tilespmem:$0x18400] =	vst v63  }
0x111: {  	s24 =	simm.s32 $0x4980;
	(v2sf) =	vpush v63, $0xD;
	s25 =	sadd.s32 s3, s20;
	s26 =	sand.u32 $0x1FFFFFF0, s21  }
0x112: {  	(v2sf) =	vpush v1, $0xE;
	[tilespmem:s24], [sflag:$0x2] =	stream.linear.gather [hbm4b:s25+s2], $0x80, $0x38;
	[tilespmem:$0x18400] =	vst v63  }
0x113: {  	s1 =	simm.s32 $0x4A00;
	(v2sf) =	vpush v63, $0xE;
	s30 =	sadd.s32 s4, s26;
	s31 =	spop (v2sf)  }
0x114: {  	(v2sf) =	vpush v1, $0xF;
	[tilespmem:s5], [sflag:$0x4] =	stream.linear.gather [hbm4b:s30+s2], $0x80, $0x38;
	[tilespmem:$0x18400] =	vst v63  }
0x115: {  	(v2sf) =	vpush v63, $0xF;
	s0 =	simm.s32 $0x4B00;
	s7 =	spop (v2sf);
	s5 =	sand.u32 $0x1FFFFFF0, s31  }
.LBB2_4:
0x116: {  	_ =	sdelay $0x4  }
0x117: {  	s5 =	sadd.s32 s3, s5;
	s7 =	sand.u32 $0x1FFFFFF0, s7  }
0x118: {  	[tilespmem:s1], [sflag:$0x2] =	stream.linear.gather [hbm4b:s5+s2], $0x80, $0x38;
	[tilespmem:$0x18400] =	vst v63  }
0x119: {  	s19 =	sadd.s32 s4, s7  }
0x11a: {  	[tilespmem:s13], [sflag:$0x4] =	stream.linear.gather [hbm4b:s19+s2], $0x80, $0x38;
	[tilespmem:$0x18400] =	vst v63  }
0x11b: {  	s8 =	spop (v2sf)  }
0x11c: {  	s20 =	sand.u32 $0x1FFFFFF0, s8;
	s21 =	spop (v2sf)  }
0x11d: {  	s24 =	sadd.s32 s3, s20;
	s25 =	sand.u32 $0x1FFFFFF0, s21;
	s6 =	spop (v2sf)  }
0x11e: {  	[tilespmem:s14], [sflag:$0x2] =	stream.linear.gather [hbm4b:s24+s2], $0x80, $0x38;
	[tilespmem:$0x18400] =	vst v63  }
0x11f: {  	s26 =	sadd.s32 s4, s25;
	s30 =	sand.u32 $0x1FFFFFF0, s6;
	s31 =	spop (v2sf)  }
0x120: {  	[tilespmem:s11], [sflag:$0x4] =	stream.linear.gather [hbm4b:s26+s2], $0x80, $0x38;
	[tilespmem:$0x18400] =	vst v63  }
0x121: {  	s5 =	sadd.s32 s3, s30;
	s7 =	sand.u32 $0x1FFFFFF0, s31;
	s8 =	spop (v2sf)  }
0x122: {  	[tilespmem:s0], [sflag:$0x2] =	stream.linear.gather [hbm4b:s5+s2], $0x80, $0x38;
	[tilespmem:$0x18400] =	vst v63  }
0x123: {  	s9 =	sadd.s32 s4, s7;
	s11 =	sand.u32 $0x1FFFFFF0, s8;
	s12 =	spop (v2sf)  }
0x124: {  	[tilespmem:s10], [sflag:$0x4] =	stream.linear.gather [hbm4b:s9+s2], $0x80, $0x38;
	[tilespmem:$0x18400] =	vst v63  }
0x125: {  	s13 =	sadd.s32 $0x4B80, s22;
	s1 =	sadd.s32 s3, s11;
	s5 =	sand.u32 $0x1FFFFFF0, s12  }
0x126: {  	[tilespmem:s13], [sflag:$0x2] =	stream.linear.gather [hbm4b:s1+s2], $0x80, $0x38;
	[tilespmem:$0x18400] =	vst v63  }
0x127: {  	s14 =	sadd.s32 $0xCB80, s22;
	s15 =	sadd.s32 s4, s5  }
0x128: {  	[tilespmem:s14], [sflag:$0x4] =	stream.linear.gather [hbm4b:s15+s2], $0x80, $0x38;
	[tilespmem:$0x18400] =	vst v63  }
0x129: {  	v0 =	vld [tilespmem:s29+$0x0]  }
0x12a: {  	v2 =	vld [tilespmem:s28+$0x0];
	_ =	sdelay $0x3  }
0x12b: {  	v1 =	vshll.u32 v0, $0x4  }
0x12c: {  	v63 =	vshll.u32 v2, $0x4;
	(v2sf) =	vpush v1, $0x0  }
0x12d: {  	s16 =	smov.u32 s23;
	(v2sf) =	vpush v63, $0x0  }
0x12e: {  	p0 =	sne.s32 s23, $0xE000;
	s23 =	sadd.s32 $0x2000, s23;
	s22 =	sshra.s32 s16, $0x2;
	(v2sf) =	vpush v1, $0x1  }
0x12f: {  	s18 =	sadd.s32 $0xC400, s22;
	s6 =	sadd.s32 $0x4400, s22;
	s19 =	sadd.s32 $0x4600, s22  }
0x130: {  	s17 =	sadd.s32 $0xC900, s22;
	s31 =	sadd.s32 $0x4580, s22;
	s21 =	sadd.s32 $0xC580, s22;
	(v2sf) =	vpush v63, $0x1  }
0x131: {  	s20 =	sadd.s32 $0xCA00, s22;
	s24 =	sadd.s32 $0x4A80, s22;
	[dreg:$0x5] =	wrdreg s17  }
0x132: {  	s16 =	sadd.s32 $0x4700, s22;
	s25 =	sadd.s32 $0xC980, s22;
	[dreg:$0x19] =	wrdreg s20;
	(v2sf) =	vpush v1, $0x2  }
0x133: {  	s30 =	sadd.s32 $0x4900, s22;
	s7 =	sadd.s32 $0x4680, s22;
	[smem:$0x7F1] =	sst s24  }
0x134: {  	s20 =	sadd.s32 $0xC600, s22;
	s24 =	sadd.s32 $0xC500, s22;
	[dreg:$0x9] =	wrdreg s25;
	(v2sf) =	vpush v63, $0x2  }
0x135: {  	s17 =	sadd.s32 $0xC680, s22;
	s26 =	sadd.s32 $0xC880, s22;
	[dreg:$0x11] =	wrdreg s30  }
0x136: {  	s25 =	sadd.s32 $0x4480, s22;
	s8 =	sadd.s32 $0x4800, s22;
	[dreg:$0x15] =	wrdreg s26;
	(v2sf) =	vpush v1, $0x3  }
0x137: {  	s11 =	sadd.s32 $0xCA80, s22;
	[smem:$0x7F2] =	sst s8;
	s0 =	sadd.s32 $0x4880, s22  }
0x138: {  	s8 =	sadd.s32 $0x4980, s22;
	s12 =	sadd.s32 $0xC780, s22;
	[dreg:$0xd] =	wrdreg s0;
	(v2sf) =	vpush v63, $0x3  }
0x139: {  	s5 =	sadd.s32 $0xC480, s22;
	s0 =	sadd.s32 $0x4B00, s22;
	s1 =	sadd.s32 $0xC800, s22  }
0x13a: {  	s10 =	sadd.s32 $0xCB00, s22;
	s13 =	sadd.s32 $0x4780, s22;
	[dreg:$0x1d] =	wrdreg s1;
	(v2sf) =	vpush v1, $0x4  }
0x13b: {  	s1 =	sadd.s32 $0x4A00, s22;
	s15 =	sadd.s32 $0x4500, s22;
	s9 =	spop (v2sf)  }
0x13c: {  	s14 =	sadd.s32 $0xC700, s22;
	s26 =	sand.u32 $0x1FFFFFF0, s9;
	s30 =	spop (v2sf);
	(v2sf) =	vpush v63, $0x4  }
0x13d: {  	s26 =	sadd.s32 s3, s26;
	s30 =	sand.u32 $0x1FFFFFF0, s30;
	s9 =	spop (v2sf)  }
0x13e: {  	(v2sf) =	vpush v1, $0x5;
	[tilespmem:s6], [sflag:$0x2] =	stream.linear.gather [hbm4b:s26+s2], $0x80, $0x38;
	[tilespmem:$0x18400] =	vst v63  }
0x13f: {  	s26 =	sadd.s32 s4, s30;
	s9 =	sand.u32 $0x1FFFFFF0, s9;
	s30 =	spop (v2sf)  }
0x140: {  	(v2sf) =	vpush v63, $0x5;
	[tilespmem:s18], [sflag:$0x4] =	stream.linear.gather [hbm4b:s26+s2], $0x80, $0x38;
	[tilespmem:$0x18400] =	vst v63  }
0x141: {  	s18 =	sadd.s32 s3, s9;
	s26 =	sand.u32 $0x1FFFFFF0, s30;
	s30 =	spop (v2sf);
	(v2sf) =	vpush v1, $0x6  }
0x142: {  	[tilespmem:s25], [sflag:$0x2] =	stream.linear.gather [hbm4b:s18+s2], $0x80, $0x38;
	[tilespmem:$0x18400] =	vst v63  }
0x143: {  	s25 =	sadd.s32 s4, s26;
	s26 =	sand.u32 $0x1FFFFFF0, s30;
	s30 =	spop (v2sf);
	(v2sf) =	vpush v63, $0x6  }
0x144: {  	[tilespmem:s5], [sflag:$0x4] =	stream.linear.gather [hbm4b:s25+s2], $0x80, $0x38;
	[tilespmem:$0x18400] =	vst v63  }
0x145: {  	s6 =	sadd.s32 s3, s26;
	s9 =	sand.u32 $0x1FFFFFF0, s30;
	s18 =	spop (v2sf)  }
0x146: {  	[tilespmem:s15], [sflag:$0x2] =	stream.linear.gather [hbm4b:s6+s2], $0x80, $0x38;
	[tilespmem:$0x18400] =	vst v63  }
0x147: {  	(v2sf) =	vpush v1, $0x7;
	s25 =	sadd.s32 s4, s9;
	s26 =	sand.u32 $0x1FFFFFF0, s18;
	s30 =	spop (v2sf)  }
0x148: {  	(v2sf) =	vpush v63, $0x7;
	[tilespmem:s24], [sflag:$0x4] =	stream.linear.gather [hbm4b:s25+s2], $0x80, $0x38;
	[tilespmem:$0x18400] =	vst v63  }
0x149: {  	s9 =	sand.u32 $0x1FFFFFF0, s30;
	s6 =	sadd.s32 s3, s26;
	s15 =	spop (v2sf)  }
0x14a: {  	(v2sf) =	vpush v1, $0x8;
	[tilespmem:s31], [sflag:$0x2] =	stream.linear.gather [hbm4b:s6+s2], $0x80, $0x38;
	[tilespmem:$0x18400] =	vst v63  }
0x14b: {  	s18 =	sadd.s32 s4, s9;
	s24 =	sand.u32 $0x1FFFFFF0, s15;
	s25 =	spop (v2sf)  }
0x14c: {  	[tilespmem:s21], [sflag:$0x4] =	stream.linear.gather [hbm4b:s18+s2], $0x80, $0x38;
	[tilespmem:$0x18400] =	vst v63  }
0x14d: {  	s28 =	sadd.s32 $0x10, s28;
	s26 =	sadd.s32 s3, s24;
	s31 =	spop (v2sf)  }
0x14e: {  	(v2sf) =	vpush v63, $0x8;
	[tilespmem:s19], [sflag:$0x2] =	stream.linear.gather [hbm4b:s26+s2], $0x80, $0x38;
	[tilespmem:$0x18400] =	vst v63  }
0x14f: {  	s29 =	sadd.s32 $0x10, s29;
	s30 =	sand.u32 $0x1FFFFFF0, s25;
	s19 =	spop (v2sf)  }
0x150: {  	(v2sf) =	vpush v1, $0x9;
	s15 =	sadd.s32 s4, s30;
	s18 =	sand.u32 $0x1FFFFFF0, s31;
	s25 =	spop (v2sf)  }
0x151: {  	[tilespmem:s20], [sflag:$0x4] =	stream.linear.gather [hbm4b:s15+s2], $0x80, $0x38;
	[tilespmem:$0x18400] =	vst v63  }
0x152: {  	s21 =	sadd.s32 s3, s18;
	s24 =	sand.u32 $0x1FFFFFF0, s19;
	s31 =	spop (v2sf)  }
0x153: {  	(v2sf) =	vpush v63, $0x9;
	[tilespmem:s7], [sflag:$0x2] =	stream.linear.gather [hbm4b:s21+s2], $0x80, $0x38;
	[tilespmem:$0x18400] =	vst v63  }
0x154: {  	s26 =	sadd.s32 s4, s24;
	s30 =	sand.u32 $0x1FFFFFF0, s25;
	s15 =	sand.u32 $0x1FFFFFF0, s31  }
0x155: {  	(v2sf) =	vpush v1, $0xA;
	[tilespmem:s17], [sflag:$0x4] =	stream.linear.gather [hbm4b:s26+s2], $0x80, $0x38;
	[tilespmem:$0x18400] =	vst v63  }
0x156: {  	s7 =	sadd.s32 s3, s30;
	s18 =	sadd.s32 s4, s15;
	s17 =	spop (v2sf)  }
0x157: {  	(v2sf) =	vpush v63, $0xA;
	s15 =	sld [smem:$0x7F2];
	s19 =	sand.u32 $0x1FFFFFF0, s17;
	s20 =	spop (v2sf)  }
0x158: {  	[tilespmem:s16], [sflag:$0x2] =	stream.linear.gather [hbm4b:s7+s2], $0x80, $0x38;
	[tilespmem:$0x18400] =	vst v63  }
0x159: {  	s21 =	sadd.s32 s3, s19;
	s25 =	spop (v2sf);
	s19 =	rddreg [dreg:$0x1d]  }
0x15a: {  	[tilespmem:s14], [sflag:$0x4] =	stream.linear.gather [hbm4b:s18+s2], $0x80, $0x38;
	[tilespmem:$0x18400] =	vst v63  }
0x15b: {  	(v2sf) =	vpush v1, $0xB;
	s24 =	sand.u32 $0x1FFFFFF0, s20;
	s30 =	sand.u32 $0x1FFFFFF0, s25;
	s25 =	rddreg [dreg:$0xd]  }
0x15c: {  	[tilespmem:s13], [sflag:$0x2] =	stream.linear.gather [hbm4b:s21+s2], $0x80, $0x38;
	[tilespmem:$0x18400] =	vst v63  }
0x15d: {  	(v2sf) =	vpush v63, $0xB;
	s26 =	sadd.s32 s4, s24;
	s14 =	sld [smem:$0x7F1];
	s31 =	spop (v2sf)  }
0x15e: {  	(v2sf) =	vpush v1, $0xC;
	[tilespmem:s12], [sflag:$0x4] =	stream.linear.gather [hbm4b:s26+s2], $0x80, $0x38;
	[tilespmem:$0x18400] =	vst v63  }
0x15f: {  	s7 =	sadd.s32 s3, s30;
	s9 =	sand.u32 $0x1FFFFFF0, s31;
	s12 =	spop (v2sf)  }
0x160: {  	s13 =	rddreg [dreg:$0x19];
	(v2sf) =	vpush v63, $0xC;
	s16 =	sadd.s32 s4, s9;
	s17 =	sand.u32 $0x1FFFFFF0, s12  }
0x161: {  	[tilespmem:s15], [sflag:$0x2] =	stream.linear.gather [hbm4b:s7+s2], $0x80, $0x38;
	[tilespmem:$0x18400] =	vst v63  }
0x162: {  	s18 =	spop (v2sf);
	s12 =	rddreg [dreg:$0x15];
	s20 =	sadd.s32 s3, s17  }
0x163: {  	[tilespmem:s19], [sflag:$0x4] =	stream.linear.gather [hbm4b:s16+s2], $0x80, $0x38;
	[tilespmem:$0x18400] =	vst v63  }
0x164: {  	s21 =	sand.u32 $0x1FFFFFF0, s18;
	s24 =	spop (v2sf);
	s18 =	rddreg [dreg:$0x11]  }
0x165: {  	[tilespmem:s25], [sflag:$0x2] =	stream.linear.gather [hbm4b:s20+s2], $0x80, $0x38;
	[tilespmem:$0x18400] =	vst v63  }
0x166: {  	s26 =	sadd.s32 s4, s21;
	s30 =	sand.u32 $0x1FFFFFF0, s24;
	s31 =	spop (v2sf)  }
0x167: {  	[tilespmem:s12], [sflag:$0x4] =	stream.linear.gather [hbm4b:s26+s2], $0x80, $0x38;
	[tilespmem:$0x18400] =	vst v63  }
0x168: {  	s24 =	rddreg [dreg:$0x5];
	s15 =	sadd.s32 s3, s30;
	s16 =	sand.u32 $0x1FFFFFF0, s31  }
0x169: {  	[tilespmem:s18], [sflag:$0x2] =	stream.linear.gather [hbm4b:s15+s2], $0x80, $0x38;
	[tilespmem:$0x18400] =	vst v63  }
0x16a: {  	s31 =	rddreg [dreg:$0x9];
	s19 =	sadd.s32 s4, s16;
	s17 =	spop (v2sf)  }
0x16b: {  	(v2sf) =	vpush v1, $0xD;
	[tilespmem:s24], [sflag:$0x4] =	stream.linear.gather [hbm4b:s19+s2], $0x80, $0x38;
	[tilespmem:$0x18400] =	vst v63  }
.Ltmp1:
0x16c: {  	(v2sf) =	vpush v63, $0xD;
	s20 =	sand.u32 $0x1FFFFFF0, s17;
	s21 =	spop (v2sf);
	(pc) =	sbr.rel @p0 .LBB2_4-.Ltmp1, $4  }
0x16d: {  	(v2sf) =	vpush v1, $0xE;
	s25 =	sadd.s32 s3, s20;
	s26 =	sand.u32 $0x1FFFFFF0, s21;
	s30 =	spop (v2sf)  }
0x16e: {  	(v2sf) =	vpush v63, $0xE;
	[tilespmem:s8], [sflag:$0x2] =	stream.linear.gather [hbm4b:s25+s2], $0x80, $0x38;
	[tilespmem:$0x18400] =	vst v63  }
0x16f: {  	(v2sf) =	vpush v1, $0xF;
	s6 =	sadd.s32 s4, s26;
	s5 =	sand.u32 $0x1FFFFFF0, s30;
	s7 =	spop (v2sf)  }
0x170: {  	(v2sf) =	vpush v63, $0xF;
	[tilespmem:s31], [sflag:$0x4] =	stream.linear.gather [hbm4b:s6+s2], $0x80, $0x38;
	[tilespmem:$0x18400] =	vst v63  }
0x171: {  	_ =	sdelay $0x4  }
0x172: {  	s5 =	sadd.s32 s3, s5;
	s6 =	sand.u32 $0x1FFFFFF0, s7  }
0x173: {  	[tilespmem:s1], [sflag:$0x2] =	stream.linear.gather [hbm4b:s5+s2], $0x80, $0x38;
	[tilespmem:$0x18400] =	vst v63  }
0x174: {  	s6 =	sadd.s32 s4, s6  }
0x175: {  	[tilespmem:s13], [sflag:$0x4] =	stream.linear.gather [hbm4b:s6+s2], $0x80, $0x38;
	[tilespmem:$0x18400] =	vst v63  }
0x176: {  	s31 =	spop (v2sf)  }
0x177: {  	s8 =	sand.u32 $0x1FFFFFF0, s31;
	s9 =	spop (v2sf)  }
0x178: {  	s12 =	sadd.s32 s3, s8;
	s13 =	sand.u32 $0x1FFFFFF0, s9;
	s15 =	spop (v2sf)  }
0x179: {  	[tilespmem:s14], [sflag:$0x2] =	stream.linear.gather [hbm4b:s12+s2], $0x80, $0x38;
	[tilespmem:$0x18400] =	vst v63  }
0x17a: {  	s16 =	sadd.s32 s4, s13;
	s17 =	sand.u32 $0x1FFFFFF0, s15;
	s18 =	spop (v2sf)  }
0x17b: {  	[tilespmem:s11], [sflag:$0x4] =	stream.linear.gather [hbm4b:s16+s2], $0x80, $0x38;
	[tilespmem:$0x18400] =	vst v63  }
0x17c: {  	s19 =	sadd.s32 s3, s17;
	s20 =	sand.u32 $0x1FFFFFF0, s18;
	s21 =	spop (v2sf)  }
0x17d: {  	[tilespmem:s0], [sflag:$0x2] =	stream.linear.gather [hbm4b:s19+s2], $0x80, $0x38;
	[tilespmem:$0x18400] =	vst v63  }
0x17e: {  	s23 =	sadd.s32 s4, s20;
	s24 =	sand.u32 $0x1FFFFFF0, s21;
	s25 =	spop (v2sf)  }
0x17f: {  	[tilespmem:s10], [sflag:$0x4] =	stream.linear.gather [hbm4b:s23+s2], $0x80, $0x38;
	[tilespmem:$0x18400] =	vst v63  }
0x180: {  	s26 =	sadd.s32 $0x4B80, s22;
	s1 =	sadd.s32 s3, s24;
	s5 =	sand.u32 $0x1FFFFFF0, s25  }
0x181: {  	[tilespmem:s26], [sflag:$0x2] =	stream.linear.gather [hbm4b:s1+s2], $0x80, $0x38;
	[tilespmem:$0x18400] =	vst v63  }
0x182: {  	s28 =	sadd.s32 $0xCB80, s22;
	s30 =	simm.s32 $0x1;
	s29 =	sadd.s32 s4, s5  }
0x183: {  	[tilespmem:s28], [sflag:$0x4] =	stream.linear.gather [hbm4b:s29+s2], $0x80, $0x38;
	[tilespmem:$0x18400] =	vst v63  }
0x184: {  	_ =	swait.ge [sflag:s30], $0x4000  }
0x185: {  	[sflag:s30] =	ssyncset.done $0x0  }
0x186: {  	s31 =	simm.s32 $0x3;
	[sflag:s30] =	ssyncadd.s32 $0xFFFFC000  }
0x187: {  	_ =	swait.ge [sflag:s31], $0x4000  }
0x188: {  	[sflag:s31] =	ssyncset.done $0x0  }
0x189: {  	s0 =	simm.s32 $0x0;
	[sflag:s31] =	ssyncadd.s32 $0xFFFFC000  }
0x18a: {  	v2 =	vld [tilespmem:s0+$0x430]  }
0x18b: {  	v4 =	vld [tilespmem:s0+$0x8430]  }
0x18c: {  	v5 =	vld [tilespmem:s0+$0x400]  }
0x18d: {  	v6 =	vld [tilespmem:s0+$0x8400]  }
0x18e: {  	v1 =	vld [tilespmem:s0+$0x410]  }
0x18f: {  	v3 =	vld [tilespmem:s0+$0x8410]  }
0x190: {  	v0 =	vld [tilespmem:s0+$0x420];
	v7 =	vmul.f32 v4, v2  }
0x191: {  	s1 =	simm.s32 $0x80;
	v4 =	vld [tilespmem:s0+$0x8420]  }
0x192: {  	s5 =	simm.s32 $0x400;
	v2 =	vld [tilespmem:s1+$0x430];
	v5 =	vmul.f32 v6, v5;
	[tilespmem:s0+$0x10430] =	vst v7  }
.LBB2_6:
0x193: {  	p0 =	sne.s32 s5, $0xFE00;
	v6 =	vld [tilespmem:s1+$0x8430]  }
0x194: {  	v7 =	vld [tilespmem:s1+$0x400];
	[tilespmem:s0+$0x10400] =	vst v5;
	v3 =	vmul.f32 v3, v1  }
0x195: {  	v5 =	vld [tilespmem:s1+$0x8400]  }
.Ltmp2:
0x196: {  	v1 =	vld [tilespmem:s1+$0x410];
	[tilespmem:s0+$0x10410] =	vst v3;
	v4 =	vmul.f32 v4, v0;
	(pc) =	sbr.rel @p0 .LBB2_6-.Ltmp2, $4  }
0x197: {  	v3 =	vld [tilespmem:s1+$0x8410]  }
0x198: {  	v0 =	vld [tilespmem:s1+$0x420];
	v6 =	vmul.f32 v6, v2;
	[tilespmem:s0+$0x10420] =	vst v4;
	s0 =	smov.u32 s1  }
0x199: {  	s1 =	sshra.s32 s5, $0x2;
	v4 =	vld [tilespmem:s0+$0x8420]  }
0x19a: {  	s5 =	sadd.s32 $0x200, s5;
	v2 =	vld [tilespmem:s1+$0x430];
	v5 =	vmul.f32 v5, v7;
	[tilespmem:s0+$0x10430] =	vst v6  }
0x19b: {  	v6 =	vld [tilespmem:s1+$0x8430]  }
0x19c: {  	v7 =	vld [tilespmem:s1+$0x400];
	[tilespmem:s0+$0x10400] =	vst v5;
	v1 =	vmul.f32 v3, v1  }
0x19d: {  	v60 =	vld [tilespmem:s1+$0x8400]  }
0x19e: {  	v5 =	vld [tilespmem:s1+$0x410];
	[tilespmem:s0+$0x10410] =	vst v1;
	v0 =	vmul.f32 v4, v0  }
0x19f: {  	v1 =	vld [tilespmem:s1+$0x8410]  }
0x1a0: {  	v61 =	vld [tilespmem:s1+$0x420];
	[tilespmem:s0+$0x10420] =	vst v0  }
0x1a1: {  	v0 =	vld [tilespmem:s1+$0x8420];
	_ =	sdelay $0x1  }
0x1a2: {  	v2 =	vmul.f32 v6, v2  }
0x1a3: {  	v3 =	vmul.f32 v60, v7  }
0x1a4: {  	[tilespmem:s1+$0x10430] =	vst v2;
	v1 =	vmul.f32 v1, v5  }
0x1a5: {  	s8 =	sld [smem:$0x7F8];
	[tilespmem:s1+$0x10400] =	vst v3;
	v0 =	vmul.f32 v0, v61  }
0x1a6: {  	[tilespmem:s1+$0x10410] =	vst v1  }
0x1a7: {  	s7 =	simm.s32 $0x0;
	s5 =	simm.s32 $0x10400;
	s9 =	simm.s32 $0x100;
	[tilespmem:s1+$0x10420] =	vst v0  }
0x1a8: {  	[hbm4b:s8+s7] =	stream.linear.scatter [tilespmem:s5], [sflag:$0x5], $0x4000, $0x38;
	[tilespmem:$0x18400] =	vst v63  }
0x1a9: {  	s10 =	simm.s32 $0x300;
	v0 =	vld [tilespmem:s9+$0x0]  }
0x1aa: {  	v2 =	vld [tilespmem:s10+$0x0];
	_ =	sdelay $0x3  }
0x1ab: {  	v62 =	vshll.u32 v0, $0x4  }
0x1ac: {  	v63 =	vshll.u32 v2, $0x4;
	(v2sf) =	vpush v62, $0x0  }
0x1ad: {  	(v2sf) =	vpush v63, $0x0  }
0x1ae: {  	(v2sf) =	vpush v62, $0x1;
	_ =	sdelay $0x1  }
0x1af: {  	(v2sf) =	vpush v63, $0x1  }
0x1b0: {  	(v2sf) =	vpush v62, $0x2;
	_ =	sdelay $0x1  }
0x1b1: {  	(v2sf) =	vpush v63, $0x2;
	_ =	sdelay $0x1  }
0x1b2: {  	(v2sf) =	vpush v62, $0x3  }
0x1b3: {  	s23 =	simm.s32 $0x2000  }
0x1b4: {  	s22 =	simm.s32 $0x0;
	s6 =	simm.s32 $0x8400;
	s13 =	simm.s32 $0x480  }
0x1b5: {  	s16 =	simm.s32 $0x8480;
	s18 =	simm.s32 $0x500;
	s21 =	simm.s32 $0x8500  }
0x1b6: {  	s30 =	simm.s32 $0x8600;
	s28 =	simm.s32 $0x310;
	s29 =	simm.s32 $0x110  }
0x1b7: {  	s0 =	simm.s32 $0x8900;
	s1 =	simm.s32 $0x880;
	s5 =	simm.s32 $0x680  }
0x1b8: {  	s7 =	simm.s32 $0x400;
	s9 =	simm.s32 $0x600;
	s8 =	spop (v2sf);
	(v2sf) =	vpush v63, $0x3  }
0x1b9: {  	s10 =	simm.s32 $0x580;
	s8 =	sand.u32 $0x1FFFFFF0, s8;
	s11 =	spop (v2sf)  }
0x1ba: {  	(v2sf) =	vpush v62, $0x4;
	s8 =	sadd.s32 s3, s8;
	s11 =	sand.u32 $0x1FFFFFF0, s11;
	s12 =	spop (v2sf)  }
0x1bb: {  	(v2sf) =	vpush v63, $0x4;
	[tilespmem:s7], [sflag:$0x1] =	stream.linear.gather [hbm4b:s8+s2], $0x80, $0x38;
	[tilespmem:$0x18400] =	vst v63  }
0x1bc: {  	s8 =	sadd.s32 s4, s11;
	s11 =	sand.u32 $0x1FFFFFF0, s12;
	s12 =	spop (v2sf)  }
0x1bd: {  	s7 =	simm.s32 $0x8580;
	(v2sf) =	vpush v62, $0x5;
	s14 =	sadd.s32 s3, s11;
	s17 =	spop (v2sf)  }
0x1be: {  	[tilespmem:s6], [sflag:$0x3] =	stream.linear.gather [hbm4b:s8+s2], $0x80, $0x38;
	[tilespmem:$0x18400] =	vst v63  }
0x1bf: {  	s15 =	sand.u32 $0x1FFFFFF0, s12;
	(v2sf) =	vpush v63, $0x5;
	s12 =	simm.s32 $0x780;
	s19 =	spop (v2sf)  }
0x1c0: {  	(v2sf) =	vpush v62, $0x6;
	[tilespmem:s13], [sflag:$0x1] =	stream.linear.gather [hbm4b:s14+s2], $0x80, $0x38;
	[tilespmem:$0x18400] =	vst v63  }
0x1c1: {  	s11 =	sadd.s32 s4, s15;
	s8 =	sand.u32 $0x1FFFFFF0, s17;
	s20 =	spop (v2sf)  }
0x1c2: {  	[tilespmem:s16], [sflag:$0x3] =	stream.linear.gather [hbm4b:s11+s2], $0x80, $0x38;
	[tilespmem:$0x18400] =	vst v63  }
0x1c3: {  	s8 =	sadd.s32 s3, s8;
	s25 =	sand.u32 $0x1FFFFFF0, s20;
	s11 =	sand.u32 $0x1FFFFFF0, s19  }
0x1c4: {  	(v2sf) =	vpush v63, $0x6;
	[tilespmem:s18], [sflag:$0x1] =	stream.linear.gather [hbm4b:s8+s2], $0x80, $0x38;
	[tilespmem:$0x18400] =	vst v63  }
0x1c5: {  	s13 =	simm.s32 $0x8A00;
	s14 =	simm.s32 $0xA80;
	s24 =	sadd.s32 s4, s11  }
0x1c6: {  	[tilespmem:s21], [sflag:$0x3] =	stream.linear.gather [hbm4b:s24+s2], $0x80, $0x38;
	[tilespmem:$0x18400] =	vst v63  }
0x1c7: {  	s16 =	simm.s32 $0x8680;
	s11 =	sadd.s32 s3, s25;
	s26 =	spop (v2sf)  }
0x1c8: {  	(v2sf) =	vpush v62, $0x7;
	[tilespmem:s10], [sflag:$0x1] =	stream.linear.gather [hbm4b:s11+s2], $0x80, $0x38;
	[tilespmem:$0x18400] =	vst v63  }
0x1c9: {  	s18 =	simm.s32 $0x700;
	s8 =	sand.u32 $0x1FFFFFF0, s26;
	s31 =	spop (v2sf)  }
0x1ca: {  	s8 =	sadd.s32 s4, s8;
	s11 =	sand.u32 $0x1FFFFFF0, s31;
	s6 =	spop (v2sf)  }
0x1cb: {  	(v2sf) =	vpush v63, $0x7;
	[tilespmem:s7], [sflag:$0x3] =	stream.linear.gather [hbm4b:s8+s2], $0x80, $0x38;
	[tilespmem:$0x18400] =	vst v63  }
0x1cc: {  	(v2sf) =	vpush v62, $0x8;
	s11 =	sadd.s32 s3, s11;
	s15 =	sand.u32 $0x1FFFFFF0, s6;
	s17 =	spop (v2sf)  }
0x1cd: {  	[tilespmem:s9], [sflag:$0x1] =	stream.linear.gather [hbm4b:s11+s2], $0x80, $0x38;
	[tilespmem:$0x18400] =	vst v63  }
0x1ce: {  	(v2sf) =	vpush v63, $0x8;
	s8 =	sadd.s32 s4, s15;
	s19 =	spop (v2sf);
	s9 =	sand.u32 $0x1FFFFFF0, s17  }
0x1cf: {  	s10 =	sand.u32 $0x1FFFFFF0, s19;
	s20 =	spop (v2sf);
	s11 =	simm.s32 $0x8A80  }
0x1d0: {  	(v2sf) =	vpush v62, $0x9;
	[tilespmem:s30], [sflag:$0x3] =	stream.linear.gather [hbm4b:s8+s2], $0x80, $0x38;
	[tilespmem:$0x18400] =	vst v63  }
0x1d1: {  	s17 =	simm.s32 $0x8780;
	s19 =	simm.s32 $0x800;
	s9 =	sadd.s32 s3, s9  }
0x1d2: {  	(v2sf) =	vpush v63, $0x9;
	[tilespmem:s5], [sflag:$0x1] =	stream.linear.gather [hbm4b:s9+s2], $0x80, $0x38;
	[tilespmem:$0x18400] =	vst v63  }
0x1d3: {  	s21 =	sadd.s32 s4, s10;
	s24 =	sand.u32 $0x1FFFFFF0, s20;
	s25 =	spop (v2sf)  }
0x1d4: {  	(v2sf) =	vpush v62, $0xA;
	[tilespmem:s16], [sflag:$0x3] =	stream.linear.gather [hbm4b:s21+s2], $0x80, $0x38;
	[tilespmem:$0x18400] =	vst v63  }
0x1d5: {  	s10 =	simm.s32 $0x8B00;
	s26 =	sadd.s32 s3, s24;
	s7 =	sand.u32 $0x1FFFFFF0, s25  }
0x1d6: {  	(v2sf) =	vpush v63, $0xA;
	[tilespmem:s18], [sflag:$0x1] =	stream.linear.gather [hbm4b:s26+s2], $0x80, $0x38;
	[tilespmem:$0x18400] =	vst v63  }
0x1d7: {  	s30 =	simm.s32 $0x8700;
	s7 =	sadd.s32 s4, s7;
	s31 =	spop (v2sf)  }
0x1d8: {  	(v2sf) =	vpush v62, $0xB;
	[tilespmem:s30], [sflag:$0x3] =	stream.linear.gather [hbm4b:s7+s2], $0x80, $0x38;
	[tilespmem:$0x18400] =	vst v63  }
0x1d9: {  	s24 =	simm.s32 $0x8800;
	s5 =	simm.s32 $0x8980;
	s9 =	sand.u32 $0x1FFFFFF0, s31  }
0x1da: {  	s30 =	simm.s32 $0x8880;
	s6 =	spop (v2sf);
	(v2sf) =	vpush v63, $0xB;
	s15 =	sadd.s32 s3, s9  }
0x1db: {  	s16 =	sand.u32 $0x1FFFFFF0, s6;
	s18 =	spop (v2sf);
	s6 =	simm.s32 $0x900  }
0x1dc: {  	[tilespmem:s12], [sflag:$0x1] =	stream.linear.gather [hbm4b:s15+s2], $0x80, $0x38;
	[tilespmem:$0x18400] =	vst v63  }
0x1dd: {  	s9 =	sadd.s32 s4, s16;
	s8 =	sand.u32 $0x1FFFFFF0, s18;
	s20 =	spop (v2sf)  }
0x1de: {  	(v2sf) =	vpush v62, $0xC;
	[tilespmem:s17], [sflag:$0x3] =	stream.linear.gather [hbm4b:s9+s2], $0x80, $0x38;
	[tilespmem:$0x18400] =	vst v63  }
0x1df: {  	s8 =	sadd.s32 s3, s8;
	s21 =	spop (v2sf);
	s9 =	sand.u32 $0x1FFFFFF0, s20  }
0x1e0: {  	(v2sf) =	vpush v63, $0xC;
	[tilespmem:s19], [sflag:$0x1] =	stream.linear.gather [hbm4b:s8+s2], $0x80, $0x38;
	[tilespmem:$0x18400] =	vst v63  }
0x1e1: {  	s26 =	sand.u32 $0x1FFFFFF0, s21;
	s31 =	spop (v2sf);
	s25 =	sadd.s32 s4, s9  }
0x1e2: {  	[tilespmem:s24], [sflag:$0x3] =	stream.linear.gather [hbm4b:s25+s2], $0x80, $0x38;
	[tilespmem:$0x18400] =	vst v63  }
0x1e3: {  	s9 =	sadd.s32 s3, s26;
	s12 =	spop (v2sf);
	s8 =	sand.u32 $0x1FFFFFF0, s31  }
0x1e4: {  	[tilespmem:s1], [sflag:$0x1] =	stream.linear.gather [hbm4b:s9+s2], $0x80, $0x38;
	[tilespmem:$0x18400] =	vst v63  }
0x1e5: {  	s15 =	spop (v2sf);
	s8 =	sadd.s32 s4, s8;
	s9 =	sand.u32 $0x1FFFFFF0, s12  }
0x1e6: {  	[tilespmem:s30], [sflag:$0x3] =	stream.linear.gather [hbm4b:s8+s2], $0x80, $0x38;
	[tilespmem:$0x18400] =	vst v63  }
0x1e7: {  	s17 =	sand.u32 $0x1FFFFFF0, s15;
	s16 =	sadd.s32 s3, s9;
	s18 =	spop (v2sf)  }
0x1e8: {  	[tilespmem:s6], [sflag:$0x1] =	stream.linear.gather [hbm4b:s16+s2], $0x80, $0x38;
	[tilespmem:$0x18400] =	vst v63  }
0x1e9: {  	s19 =	sadd.s32 s4, s17;
	s20 =	sand.u32 $0x1FFFFFF0, s18;
	s21 =	spop (v2sf)  }
0x1ea: {  	(v2sf) =	vpush v62, $0xD;
	[tilespmem:s0], [sflag:$0x3] =	stream.linear.gather [hbm4b:s19+s2], $0x80, $0x38;
	[tilespmem:$0x18400] =	vst v63  }
0x1eb: {  	s24 =	simm.s32 $0x980;
	(v2sf) =	vpush v63, $0xD;
	s25 =	sadd.s32 s3, s20;
	s26 =	sand.u32 $0x1FFFFFF0, s21  }
0x1ec: {  	(v2sf) =	vpush v62, $0xE;
	[tilespmem:s24], [sflag:$0x1] =	stream.linear.gather [hbm4b:s25+s2], $0x80, $0x38;
	[tilespmem:$0x18400] =	vst v63  }
0x1ed: {  	s1 =	simm.s32 $0xA00;
	s30 =	sadd.s32 s4, s26;
	(v2sf) =	vpush v63, $0xE;
	s31 =	spop (v2sf)  }
0x1ee: {  	(v2sf) =	vpush v62, $0xF;
	[tilespmem:s5], [sflag:$0x3] =	stream.linear.gather [hbm4b:s30+s2], $0x80, $0x38;
	[tilespmem:$0x18400] =	vst v63  }
0x1ef: {  	s0 =	simm.s32 $0xB00;
	s7 =	spop (v2sf);
	(v2sf) =	vpush v63, $0xF;
	s5 =	sand.u32 $0x1FFFFFF0, s31  }
.LBB2_8:
0x1f0: {  	_ =	sdelay $0x4  }
0x1f1: {  	s5 =	sadd.s32 s3, s5;
	s7 =	sand.u32 $0x1FFFFFF0, s7  }
0x1f2: {  	[tilespmem:s1], [sflag:$0x1] =	stream.linear.gather [hbm4b:s5+s2], $0x80, $0x38;
	[tilespmem:$0x18400] =	vst v63  }
0x1f3: {  	s19 =	sadd.s32 s4, s7  }
0x1f4: {  	[tilespmem:s13], [sflag:$0x3] =	stream.linear.gather [hbm4b:s19+s2], $0x80, $0x38;
	[tilespmem:$0x18400] =	vst v63  }
0x1f5: {  	s8 =	spop (v2sf)  }
0x1f6: {  	s20 =	sand.u32 $0x1FFFFFF0, s8;
	s21 =	spop (v2sf)  }
0x1f7: {  	s24 =	sadd.s32 s3, s20;
	s25 =	sand.u32 $0x1FFFFFF0, s21;
	s6 =	spop (v2sf)  }
0x1f8: {  	[tilespmem:s14], [sflag:$0x1] =	stream.linear.gather [hbm4b:s24+s2], $0x80, $0x38;
	[tilespmem:$0x18400] =	vst v63  }
0x1f9: {  	s26 =	sadd.s32 s4, s25;
	s30 =	sand.u32 $0x1FFFFFF0, s6;
	s31 =	spop (v2sf)  }
0x1fa: {  	[tilespmem:s11], [sflag:$0x3] =	stream.linear.gather [hbm4b:s26+s2], $0x80, $0x38;
	[tilespmem:$0x18400] =	vst v63  }
0x1fb: {  	s5 =	sadd.s32 s3, s30;
	s7 =	sand.u32 $0x1FFFFFF0, s31;
	s8 =	spop (v2sf)  }
0x1fc: {  	[tilespmem:s0], [sflag:$0x1] =	stream.linear.gather [hbm4b:s5+s2], $0x80, $0x38;
	[tilespmem:$0x18400] =	vst v63  }
0x1fd: {  	s9 =	sadd.s32 s4, s7;
	s11 =	sand.u32 $0x1FFFFFF0, s8;
	s12 =	spop (v2sf)  }
0x1fe: {  	[tilespmem:s10], [sflag:$0x3] =	stream.linear.gather [hbm4b:s9+s2], $0x80, $0x38;
	[tilespmem:$0x18400] =	vst v63  }
0x1ff: {  	s13 =	sadd.s32 $0xB80, s22;
	s1 =	sadd.s32 s3, s11;
	s5 =	sand.u32 $0x1FFFFFF0, s12  }
0x200: {  	[tilespmem:s13], [sflag:$0x1] =	stream.linear.gather [hbm4b:s1+s2], $0x80, $0x38;
	[tilespmem:$0x18400] =	vst v63  }
0x201: {  	s14 =	sadd.s32 $0x8B80, s22;
	s15 =	sadd.s32 s4, s5  }
0x202: {  	[tilespmem:s14], [sflag:$0x3] =	stream.linear.gather [hbm4b:s15+s2], $0x80, $0x38;
	[tilespmem:$0x18400] =	vst v63  }
0x203: {  	v0 =	vld [tilespmem:s29+$0x0]  }
0x204: {  	v2 =	vld [tilespmem:s28+$0x0];
	_ =	sdelay $0x3  }
0x205: {  	v1 =	vshll.u32 v0, $0x4  }
0x206: {  	v63 =	vshll.u32 v2, $0x4;
	(v2sf) =	vpush v1, $0x0  }
0x207: {  	s16 =	smov.u32 s23;
	(v2sf) =	vpush v63, $0x0  }
0x208: {  	p0 =	sne.s32 s23, $0xE000;
	s23 =	sadd.s32 $0x2000, s23;
	s22 =	sshra.s32 s16, $0x2;
	(v2sf) =	vpush v1, $0x1  }
0x209: {  	s18 =	sadd.s32 $0x8400, s22;
	s6 =	sadd.s32 $0x400, s22;
	s19 =	sadd.s32 $0x600, s22  }
0x20a: {  	s17 =	sadd.s32 $0x8900, s22;
	s31 =	sadd.s32 $0x580, s22;
	s21 =	sadd.s32 $0x8580, s22;
	(v2sf) =	vpush v63, $0x1  }
0x20b: {  	s20 =	sadd.s32 $0x8A00, s22;
	s24 =	sadd.s32 $0xA80, s22;
	[dreg:$0x6] =	wrdreg s17  }
0x20c: {  	s16 =	sadd.s32 $0x700, s22;
	s25 =	sadd.s32 $0x8980, s22;
	[dreg:$0x1a] =	wrdreg s20;
	(v2sf) =	vpush v1, $0x2  }
0x20d: {  	s30 =	sadd.s32 $0x900, s22;
	s7 =	sadd.s32 $0x680, s22;
	[smem:$0x7EF] =	sst s24  }
0x20e: {  	s20 =	sadd.s32 $0x8600, s22;
	s24 =	sadd.s32 $0x8500, s22;
	[dreg:$0xa] =	wrdreg s25;
	(v2sf) =	vpush v63, $0x2  }
0x20f: {  	s17 =	sadd.s32 $0x8680, s22;
	s26 =	sadd.s32 $0x8880, s22;
	[dreg:$0x12] =	wrdreg s30  }
0x210: {  	s25 =	sadd.s32 $0x480, s22;
	s8 =	sadd.s32 $0x800, s22;
	[dreg:$0x16] =	wrdreg s26;
	(v2sf) =	vpush v1, $0x3  }
0x211: {  	s11 =	sadd.s32 $0x8A80, s22;
	[smem:$0x7F0] =	sst s8;
	s0 =	sadd.s32 $0x880, s22  }
0x212: {  	s8 =	sadd.s32 $0x980, s22;
	s12 =	sadd.s32 $0x8780, s22;
	[dreg:$0xe] =	wrdreg s0;
	(v2sf) =	vpush v63, $0x3  }
0x213: {  	s5 =	sadd.s32 $0x8480, s22;
	s0 =	sadd.s32 $0xB00, s22;
	s1 =	sadd.s32 $0x8800, s22  }
0x214: {  	s10 =	sadd.s32 $0x8B00, s22;
	s13 =	sadd.s32 $0x780, s22;
	[dreg:$0x1e] =	wrdreg s1;
	(v2sf) =	vpush v1, $0x4  }
0x215: {  	s1 =	sadd.s32 $0xA00, s22;
	s15 =	sadd.s32 $0x500, s22;
	s9 =	spop (v2sf)  }
0x216: {  	s14 =	sadd.s32 $0x8700, s22;
	s26 =	sand.u32 $0x1FFFFFF0, s9;
	s30 =	spop (v2sf);
	(v2sf) =	vpush v63, $0x4  }
0x217: {  	s26 =	sadd.s32 s3, s26;
	s30 =	sand.u32 $0x1FFFFFF0, s30;
	s9 =	spop (v2sf)  }
0x218: {  	(v2sf) =	vpush v1, $0x5;
	[tilespmem:s6], [sflag:$0x1] =	stream.linear.gather [hbm4b:s26+s2], $0x80, $0x38;
	[tilespmem:$0x18400] =	vst v63  }
0x219: {  	s26 =	sadd.s32 s4, s30;
	s9 =	sand.u32 $0x1FFFFFF0, s9;
	s30 =	spop (v2sf)  }
0x21a: {  	(v2sf) =	vpush v63, $0x5;
	[tilespmem:s18], [sflag:$0x3] =	stream.linear.gather [hbm4b:s26+s2], $0x80, $0x38;
	[tilespmem:$0x18400] =	vst v63  }
0x21b: {  	s18 =	sadd.s32 s3, s9;
	s26 =	sand.u32 $0x1FFFFFF0, s30;
	s30 =	spop (v2sf);
	(v2sf) =	vpush v1, $0x6  }
0x21c: {  	[tilespmem:s25], [sflag:$0x1] =	stream.linear.gather [hbm4b:s18+s2], $0x80, $0x38;
	[tilespmem:$0x18400] =	vst v63  }
0x21d: {  	s25 =	sadd.s32 s4, s26;
	s26 =	sand.u32 $0x1FFFFFF0, s30;
	s30 =	spop (v2sf);
	(v2sf) =	vpush v63, $0x6  }
0x21e: {  	[tilespmem:s5], [sflag:$0x3] =	stream.linear.gather [hbm4b:s25+s2], $0x80, $0x38;
	[tilespmem:$0x18400] =	vst v63  }
0x21f: {  	s6 =	sadd.s32 s3, s26;
	s9 =	sand.u32 $0x1FFFFFF0, s30;
	s18 =	spop (v2sf)  }
0x220: {  	[tilespmem:s15], [sflag:$0x1] =	stream.linear.gather [hbm4b:s6+s2], $0x80, $0x38;
	[tilespmem:$0x18400] =	vst v63  }
0x221: {  	(v2sf) =	vpush v1, $0x7;
	s25 =	sadd.s32 s4, s9;
	s26 =	sand.u32 $0x1FFFFFF0, s18;
	s30 =	spop (v2sf)  }
0x222: {  	(v2sf) =	vpush v63, $0x7;
	[tilespmem:s24], [sflag:$0x3] =	stream.linear.gather [hbm4b:s25+s2], $0x80, $0x38;
	[tilespmem:$0x18400] =	vst v63  }
0x223: {  	s9 =	sand.u32 $0x1FFFFFF0, s30;
	s6 =	sadd.s32 s3, s26;
	s15 =	spop (v2sf)  }
0x224: {  	(v2sf) =	vpush v1, $0x8;
	[tilespmem:s31], [sflag:$0x1] =	stream.linear.gather [hbm4b:s6+s2], $0x80, $0x38;
	[tilespmem:$0x18400] =	vst v63  }
0x225: {  	s18 =	sadd.s32 s4, s9;
	s24 =	sand.u32 $0x1FFFFFF0, s15;
	s25 =	spop (v2sf)  }
0x226: {  	[tilespmem:s21], [sflag:$0x3] =	stream.linear.gather [hbm4b:s18+s2], $0x80, $0x38;
	[tilespmem:$0x18400] =	vst v63  }
0x227: {  	s28 =	sadd.s32 $0x10, s28;
	s26 =	sadd.s32 s3, s24;
	s31 =	spop (v2sf)  }
0x228: {  	(v2sf) =	vpush v63, $0x8;
	[tilespmem:s19], [sflag:$0x1] =	stream.linear.gather [hbm4b:s26+s2], $0x80, $0x38;
	[tilespmem:$0x18400] =	vst v63  }
0x229: {  	s29 =	sadd.s32 $0x10, s29;
	s30 =	sand.u32 $0x1FFFFFF0, s25;
	s19 =	spop (v2sf)  }
0x22a: {  	(v2sf) =	vpush v1, $0x9;
	s15 =	sadd.s32 s4, s30;
	s18 =	sand.u32 $0x1FFFFFF0, s31;
	s25 =	spop (v2sf)  }
0x22b: {  	[tilespmem:s20], [sflag:$0x3] =	stream.linear.gather [hbm4b:s15+s2], $0x80, $0x38;
	[tilespmem:$0x18400] =	vst v63  }
0x22c: {  	s21 =	sadd.s32 s3, s18;
	s24 =	sand.u32 $0x1FFFFFF0, s19;
	s31 =	spop (v2sf)  }
0x22d: {  	(v2sf) =	vpush v63, $0x9;
	[tilespmem:s7], [sflag:$0x1] =	stream.linear.gather [hbm4b:s21+s2], $0x80, $0x38;
	[tilespmem:$0x18400] =	vst v63  }
0x22e: {  	s26 =	sadd.s32 s4, s24;
	s30 =	sand.u32 $0x1FFFFFF0, s25;
	s15 =	sand.u32 $0x1FFFFFF0, s31  }
0x22f: {  	(v2sf) =	vpush v1, $0xA;
	[tilespmem:s17], [sflag:$0x3] =	stream.linear.gather [hbm4b:s26+s2], $0x80, $0x38;
	[tilespmem:$0x18400] =	vst v63  }
0x230: {  	s7 =	sadd.s32 s3, s30;
	s18 =	sadd.s32 s4, s15;
	s17 =	spop (v2sf)  }
0x231: {  	(v2sf) =	vpush v63, $0xA;
	s15 =	sld [smem:$0x7F0];
	s19 =	sand.u32 $0x1FFFFFF0, s17;
	s20 =	spop (v2sf)  }
0x232: {  	[tilespmem:s16], [sflag:$0x1] =	stream.linear.gather [hbm4b:s7+s2], $0x80, $0x38;
	[tilespmem:$0x18400] =	vst v63  }
0x233: {  	s21 =	sadd.s32 s3, s19;
	s25 =	spop (v2sf);
	s19 =	rddreg [dreg:$0x1e]  }
0x234: {  	[tilespmem:s14], [sflag:$0x3] =	stream.linear.gather [hbm4b:s18+s2], $0x80, $0x38;
	[tilespmem:$0x18400] =	vst v63  }
0x235: {  	(v2sf) =	vpush v1, $0xB;
	s24 =	sand.u32 $0x1FFFFFF0, s20;
	s30 =	sand.u32 $0x1FFFFFF0, s25;
	s25 =	rddreg [dreg:$0xe]  }
0x236: {  	[tilespmem:s13], [sflag:$0x1] =	stream.linear.gather [hbm4b:s21+s2], $0x80, $0x38;
	[tilespmem:$0x18400] =	vst v63  }
0x237: {  	(v2sf) =	vpush v63, $0xB;
	s26 =	sadd.s32 s4, s24;
	s14 =	sld [smem:$0x7EF];
	s31 =	spop (v2sf)  }
0x238: {  	(v2sf) =	vpush v1, $0xC;
	[tilespmem:s12], [sflag:$0x3] =	stream.linear.gather [hbm4b:s26+s2], $0x80, $0x38;
	[tilespmem:$0x18400] =	vst v63  }
0x239: {  	s7 =	sadd.s32 s3, s30;
	s9 =	sand.u32 $0x1FFFFFF0, s31;
	s12 =	spop (v2sf)  }
0x23a: {  	s13 =	rddreg [dreg:$0x1a];
	(v2sf) =	vpush v63, $0xC;
	s16 =	sadd.s32 s4, s9;
	s17 =	sand.u32 $0x1FFFFFF0, s12  }
0x23b: {  	[tilespmem:s15], [sflag:$0x1] =	stream.linear.gather [hbm4b:s7+s2], $0x80, $0x38;
	[tilespmem:$0x18400] =	vst v63  }
0x23c: {  	s18 =	spop (v2sf);
	s12 =	rddreg [dreg:$0x16];
	s20 =	sadd.s32 s3, s17  }
0x23d: {  	[tilespmem:s19], [sflag:$0x3] =	stream.linear.gather [hbm4b:s16+s2], $0x80, $0x38;
	[tilespmem:$0x18400] =	vst v63  }
0x23e: {  	s21 =	sand.u32 $0x1FFFFFF0, s18;
	s24 =	spop (v2sf);
	s18 =	rddreg [dreg:$0x12]  }
0x23f: {  	[tilespmem:s25], [sflag:$0x1] =	stream.linear.gather [hbm4b:s20+s2], $0x80, $0x38;
	[tilespmem:$0x18400] =	vst v63  }
0x240: {  	s26 =	sadd.s32 s4, s21;
	s30 =	sand.u32 $0x1FFFFFF0, s24;
	s31 =	spop (v2sf)  }
0x241: {  	[tilespmem:s12], [sflag:$0x3] =	stream.linear.gather [hbm4b:s26+s2], $0x80, $0x38;
	[tilespmem:$0x18400] =	vst v63  }
0x242: {  	s24 =	rddreg [dreg:$0x6];
	s15 =	sadd.s32 s3, s30;
	s16 =	sand.u32 $0x1FFFFFF0, s31  }
0x243: {  	[tilespmem:s18], [sflag:$0x1] =	stream.linear.gather [hbm4b:s15+s2], $0x80, $0x38;
	[tilespmem:$0x18400] =	vst v63  }
0x244: {  	s31 =	rddreg [dreg:$0xa];
	s19 =	sadd.s32 s4, s16;
	s17 =	spop (v2sf)  }
0x245: {  	(v2sf) =	vpush v1, $0xD;
	[tilespmem:s24], [sflag:$0x3] =	stream.linear.gather [hbm4b:s19+s2], $0x80, $0x38;
	[tilespmem:$0x18400] =	vst v63  }
.Ltmp3:
0x246: {  	(v2sf) =	vpush v63, $0xD;
	s20 =	sand.u32 $0x1FFFFFF0, s17;
	s21 =	spop (v2sf);
	(pc) =	sbr.rel @p0 .LBB2_8-.Ltmp3, $4  }
0x247: {  	(v2sf) =	vpush v1, $0xE;
	s25 =	sadd.s32 s3, s20;
	s26 =	sand.u32 $0x1FFFFFF0, s21;
	s30 =	spop (v2sf)  }
0x248: {  	(v2sf) =	vpush v63, $0xE;
	[tilespmem:s8], [sflag:$0x1] =	stream.linear.gather [hbm4b:s25+s2], $0x80, $0x38;
	[tilespmem:$0x18400] =	vst v63  }
0x249: {  	(v2sf) =	vpush v1, $0xF;
	s6 =	sadd.s32 s4, s26;
	s5 =	sand.u32 $0x1FFFFFF0, s30;
	s7 =	spop (v2sf)  }
0x24a: {  	(v2sf) =	vpush v63, $0xF;
	[tilespmem:s31], [sflag:$0x3] =	stream.linear.gather [hbm4b:s6+s2], $0x80, $0x38;
	[tilespmem:$0x18400] =	vst v63  }
0x24b: {  	_ =	sdelay $0x4  }
0x24c: {  	s5 =	sadd.s32 s3, s5;
	s6 =	sand.u32 $0x1FFFFFF0, s7  }
0x24d: {  	[tilespmem:s1], [sflag:$0x1] =	stream.linear.gather [hbm4b:s5+s2], $0x80, $0x38;
	[tilespmem:$0x18400] =	vst v63  }
0x24e: {  	s6 =	sadd.s32 s4, s6  }
0x24f: {  	[tilespmem:s13], [sflag:$0x3] =	stream.linear.gather [hbm4b:s6+s2], $0x80, $0x38;
	[tilespmem:$0x18400] =	vst v63  }
0x250: {  	s31 =	spop (v2sf)  }
0x251: {  	s8 =	sand.u32 $0x1FFFFFF0, s31;
	s9 =	spop (v2sf)  }
0x252: {  	s12 =	sadd.s32 s3, s8;
	s13 =	sand.u32 $0x1FFFFFF0, s9;
	s15 =	spop (v2sf)  }
0x253: {  	[tilespmem:s14], [sflag:$0x1] =	stream.linear.gather [hbm4b:s12+s2], $0x80, $0x38;
	[tilespmem:$0x18400] =	vst v63  }
0x254: {  	s16 =	sadd.s32 s4, s13;
	s17 =	sand.u32 $0x1FFFFFF0, s15;
	s18 =	spop (v2sf)  }
0x255: {  	[tilespmem:s11], [sflag:$0x3] =	stream.linear.gather [hbm4b:s16+s2], $0x80, $0x38;
	[tilespmem:$0x18400] =	vst v63  }
0x256: {  	s19 =	sadd.s32 s3, s17;
	s20 =	sand.u32 $0x1FFFFFF0, s18;
	s21 =	spop (v2sf)  }
0x257: {  	[tilespmem:s0], [sflag:$0x1] =	stream.linear.gather [hbm4b:s19+s2], $0x80, $0x38;
	[tilespmem:$0x18400] =	vst v63  }
0x258: {  	s23 =	sadd.s32 s4, s20;
	s24 =	sand.u32 $0x1FFFFFF0, s21;
	s25 =	spop (v2sf)  }
0x259: {  	[tilespmem:s10], [sflag:$0x3] =	stream.linear.gather [hbm4b:s23+s2], $0x80, $0x38;
	[tilespmem:$0x18400] =	vst v63  }
0x25a: {  	s26 =	sadd.s32 $0xB80, s22;
	s1 =	sadd.s32 s3, s24;
	s5 =	sand.u32 $0x1FFFFFF0, s25  }
0x25b: {  	[tilespmem:s26], [sflag:$0x1] =	stream.linear.gather [hbm4b:s1+s2], $0x80, $0x38;
	[tilespmem:$0x18400] =	vst v63  }
0x25c: {  	s28 =	sadd.s32 $0x8B80, s22;
	s30 =	simm.s32 $0x2;
	s29 =	sadd.s32 s4, s5  }
0x25d: {  	[tilespmem:s28], [sflag:$0x3] =	stream.linear.gather [hbm4b:s29+s2], $0x80, $0x38;
	[tilespmem:$0x18400] =	vst v63  }
0x25e: {  	_ =	swait.ge [sflag:s30], $0x4000  }
0x25f: {  	[sflag:s30] =	ssyncset.done $0x0  }
0x260: {  	s31 =	simm.s32 $0x4;
	[sflag:s30] =	ssyncadd.s32 $0xFFFFC000  }
0x261: {  	_ =	swait.ge [sflag:s31], $0x4000  }
0x262: {  	[sflag:s31] =	ssyncset.done $0x0  }
0x263: {  	s0 =	simm.s32 $0x0;
	[sflag:s31] =	ssyncadd.s32 $0xFFFFC000  }
0x264: {  	v2 =	vld [tilespmem:s0+$0x4430]  }
0x265: {  	v4 =	vld [tilespmem:s0+$0xC430]  }
0x266: {  	v5 =	vld [tilespmem:s0+$0x4400]  }
0x267: {  	v6 =	vld [tilespmem:s0+$0xC400]  }
0x268: {  	v1 =	vld [tilespmem:s0+$0x4410]  }
0x269: {  	v3 =	vld [tilespmem:s0+$0xC410]  }
0x26a: {  	v0 =	vld [tilespmem:s0+$0x4420];
	v7 =	vmul.f32 v4, v2  }
0x26b: {  	s1 =	simm.s32 $0x80;
	v4 =	vld [tilespmem:s0+$0xC420]  }
0x26c: {  	s5 =	simm.s32 $0x400;
	v2 =	vld [tilespmem:s1+$0x4430];
	v5 =	vmul.f32 v6, v5;
	[tilespmem:s0+$0x14430] =	vst v7  }
.LBB2_10:
0x26d: {  	p0 =	sne.s32 s5, $0xFE00;
	v6 =	vld [tilespmem:s1+$0xC430]  }
0x26e: {  	v7 =	vld [tilespmem:s1+$0x4400];
	[tilespmem:s0+$0x14400] =	vst v5;
	v3 =	vmul.f32 v3, v1  }
0x26f: {  	v5 =	vld [tilespmem:s1+$0xC400]  }
.Ltmp4:
0x270: {  	v1 =	vld [tilespmem:s1+$0x4410];
	[tilespmem:s0+$0x14410] =	vst v3;
	v4 =	vmul.f32 v4, v0;
	(pc) =	sbr.rel @p0 .LBB2_10-.Ltmp4, $4  }
0x271: {  	v3 =	vld [tilespmem:s1+$0xC410]  }
0x272: {  	v0 =	vld [tilespmem:s1+$0x4420];
	v6 =	vmul.f32 v6, v2;
	[tilespmem:s0+$0x14420] =	vst v4;
	s0 =	smov.u32 s1  }
0x273: {  	s1 =	sshra.s32 s5, $0x2;
	v4 =	vld [tilespmem:s0+$0xC420]  }
0x274: {  	s5 =	sadd.s32 $0x200, s5;
	v2 =	vld [tilespmem:s1+$0x4430];
	v5 =	vmul.f32 v5, v7;
	[tilespmem:s0+$0x14430] =	vst v6  }
0x275: {  	v6 =	vld [tilespmem:s1+$0xC430]  }
0x276: {  	v7 =	vld [tilespmem:s1+$0x4400];
	[tilespmem:s0+$0x14400] =	vst v5;
	v1 =	vmul.f32 v3, v1  }
0x277: {  	v60 =	vld [tilespmem:s1+$0xC400]  }
0x278: {  	v5 =	vld [tilespmem:s1+$0x4410];
	[tilespmem:s0+$0x14410] =	vst v1;
	v0 =	vmul.f32 v4, v0  }
0x279: {  	v1 =	vld [tilespmem:s1+$0xC410]  }
0x27a: {  	v61 =	vld [tilespmem:s1+$0x4420];
	[tilespmem:s0+$0x14420] =	vst v0  }
0x27b: {  	v0 =	vld [tilespmem:s1+$0xC420];
	_ =	sdelay $0x1  }
0x27c: {  	v2 =	vmul.f32 v6, v2  }
0x27d: {  	v3 =	vmul.f32 v60, v7  }
0x27e: {  	[tilespmem:s1+$0x14430] =	vst v2;
	v1 =	vmul.f32 v1, v5  }
0x27f: {  	s8 =	sld [smem:$0x7FA];
	[tilespmem:s1+$0x14400] =	vst v3;
	v0 =	vmul.f32 v0, v61  }
0x280: {  	[tilespmem:s1+$0x14410] =	vst v1  }
0x281: {  	s7 =	simm.s32 $0x0;
	s5 =	simm.s32 $0x14400;
	s9 =	simm.s32 $0x180;
	[tilespmem:s1+$0x14420] =	vst v0  }
0x282: {  	[hbm4b:s8+s7] =	stream.linear.scatter [tilespmem:s5], [sflag:$0x6], $0x4000, $0x38;
	[tilespmem:$0x18400] =	vst v63  }
0x283: {  	s10 =	simm.s32 $0x380;
	v0 =	vld [tilespmem:s9+$0x0]  }
0x284: {  	v2 =	vld [tilespmem:s10+$0x0];
	_ =	sdelay $0x3  }
0x285: {  	v62 =	vshll.u32 v0, $0x4  }
0x286: {  	v63 =	vshll.u32 v2, $0x4;
	(v2sf) =	vpush v62, $0x0  }
0x287: {  	(v2sf) =	vpush v63, $0x0  }
0x288: {  	(v2sf) =	vpush v62, $0x1;
	_ =	sdelay $0x1  }
0x289: {  	(v2sf) =	vpush v63, $0x1  }
0x28a: {  	(v2sf) =	vpush v62, $0x2;
	_ =	sdelay $0x1  }
0x28b: {  	(v2sf) =	vpush v63, $0x2;
	_ =	sdelay $0x1  }
0x28c: {  	(v2sf) =	vpush v62, $0x3  }
0x28d: {  	s23 =	simm.s32 $0x2000  }
0x28e: {  	s22 =	simm.s32 $0x0;
	s6 =	simm.s32 $0xC400;
	s13 =	simm.s32 $0x4480  }
0x28f: {  	s16 =	simm.s32 $0xC480;
	s18 =	simm.s32 $0x4500;
	s21 =	simm.s32 $0xC500  }
0x290: {  	s30 =	simm.s32 $0xC600;
	s28 =	simm.s32 $0x390;
	s29 =	simm.s32 $0x190  }
0x291: {  	s0 =	simm.s32 $0xC900;
	s1 =	simm.s32 $0x4880;
	s5 =	simm.s32 $0x4680  }
0x292: {  	s7 =	simm.s32 $0x4400;
	s9 =	simm.s32 $0x4600;
	s8 =	spop (v2sf);
	(v2sf) =	vpush v63, $0x3  }
0x293: {  	s10 =	simm.s32 $0x4580;
	s8 =	sand.u32 $0x1FFFFFF0, s8;
	s11 =	spop (v2sf)  }
0x294: {  	(v2sf) =	vpush v62, $0x4;
	s8 =	sadd.s32 s3, s8;
	s11 =	sand.u32 $0x1FFFFFF0, s11;
	s12 =	spop (v2sf)  }
0x295: {  	(v2sf) =	vpush v63, $0x4;
	[tilespmem:s7], [sflag:$0x2] =	stream.linear.gather [hbm4b:s8+s2], $0x80, $0x38;
	[tilespmem:$0x18400] =	vst v63  }
0x296: {  	s8 =	sadd.s32 s4, s11;
	s11 =	sand.u32 $0x1FFFFFF0, s12;
	s12 =	spop (v2sf)  }
0x297: {  	s7 =	simm.s32 $0xC580;
	(v2sf) =	vpush v62, $0x5;
	s14 =	sadd.s32 s3, s11;
	s17 =	spop (v2sf)  }
0x298: {  	[tilespmem:s6], [sflag:$0x4] =	stream.linear.gather [hbm4b:s8+s2], $0x80, $0x38;
	[tilespmem:$0x18400] =	vst v63  }
0x299: {  	s15 =	sand.u32 $0x1FFFFFF0, s12;
	(v2sf) =	vpush v63, $0x5;
	s12 =	simm.s32 $0x4780;
	s19 =	spop (v2sf)  }
0x29a: {  	(v2sf) =	vpush v62, $0x6;
	[tilespmem:s13], [sflag:$0x2] =	stream.linear.gather [hbm4b:s14+s2], $0x80, $0x38;
	[tilespmem:$0x18400] =	vst v63  }
0x29b: {  	s11 =	sadd.s32 s4, s15;
	s8 =	sand.u32 $0x1FFFFFF0, s17;
	s20 =	spop (v2sf)  }
0x29c: {  	[tilespmem:s16], [sflag:$0x4] =	stream.linear.gather [hbm4b:s11+s2], $0x80, $0x38;
	[tilespmem:$0x18400] =	vst v63  }
0x29d: {  	s8 =	sadd.s32 s3, s8;
	s25 =	sand.u32 $0x1FFFFFF0, s20;
	s11 =	sand.u32 $0x1FFFFFF0, s19  }
0x29e: {  	(v2sf) =	vpush v63, $0x6;
	[tilespmem:s18], [sflag:$0x2] =	stream.linear.gather [hbm4b:s8+s2], $0x80, $0x38;
	[tilespmem:$0x18400] =	vst v63  }
0x29f: {  	s13 =	simm.s32 $0xCA00;
	s14 =	simm.s32 $0x4A80;
	s24 =	sadd.s32 s4, s11  }
0x2a0: {  	[tilespmem:s21], [sflag:$0x4] =	stream.linear.gather [hbm4b:s24+s2], $0x80, $0x38;
	[tilespmem:$0x18400] =	vst v63  }
0x2a1: {  	s16 =	simm.s32 $0xC680;
	s11 =	sadd.s32 s3, s25;
	s26 =	spop (v2sf)  }
0x2a2: {  	(v2sf) =	vpush v62, $0x7;
	[tilespmem:s10], [sflag:$0x2] =	stream.linear.gather [hbm4b:s11+s2], $0x80, $0x38;
	[tilespmem:$0x18400] =	vst v63  }
0x2a3: {  	s18 =	simm.s32 $0x4700;
	s8 =	sand.u32 $0x1FFFFFF0, s26;
	s31 =	spop (v2sf)  }
0x2a4: {  	s8 =	sadd.s32 s4, s8;
	s11 =	sand.u32 $0x1FFFFFF0, s31;
	s6 =	spop (v2sf)  }
0x2a5: {  	(v2sf) =	vpush v63, $0x7;
	[tilespmem:s7], [sflag:$0x4] =	stream.linear.gather [hbm4b:s8+s2], $0x80, $0x38;
	[tilespmem:$0x18400] =	vst v63  }
0x2a6: {  	(v2sf) =	vpush v62, $0x8;
	s11 =	sadd.s32 s3, s11;
	s15 =	sand.u32 $0x1FFFFFF0, s6;
	s17 =	spop (v2sf)  }
0x2a7: {  	[tilespmem:s9], [sflag:$0x2] =	stream.linear.gather [hbm4b:s11+s2], $0x80, $0x38;
	[tilespmem:$0x18400] =	vst v63  }
0x2a8: {  	(v2sf) =	vpush v63, $0x8;
	s8 =	sadd.s32 s4, s15;
	s19 =	spop (v2sf);
	s9 =	sand.u32 $0x1FFFFFF0, s17  }
0x2a9: {  	s10 =	sand.u32 $0x1FFFFFF0, s19;
	s20 =	spop (v2sf);
	s11 =	simm.s32 $0xCA80  }
0x2aa: {  	(v2sf) =	vpush v62, $0x9;
	[tilespmem:s30], [sflag:$0x4] =	stream.linear.gather [hbm4b:s8+s2], $0x80, $0x38;
	[tilespmem:$0x18400] =	vst v63  }
0x2ab: {  	s17 =	simm.s32 $0xC780;
	s19 =	simm.s32 $0x4800;
	s9 =	sadd.s32 s3, s9  }
0x2ac: {  	(v2sf) =	vpush v63, $0x9;
	[tilespmem:s5], [sflag:$0x2] =	stream.linear.gather [hbm4b:s9+s2], $0x80, $0x38;
	[tilespmem:$0x18400] =	vst v63  }
0x2ad: {  	s21 =	sadd.s32 s4, s10;
	s24 =	sand.u32 $0x1FFFFFF0, s20;
	s25 =	spop (v2sf)  }
0x2ae: {  	(v2sf) =	vpush v62, $0xA;
	[tilespmem:s16], [sflag:$0x4] =	stream.linear.gather [hbm4b:s21+s2], $0x80, $0x38;
	[tilespmem:$0x18400] =	vst v63  }
0x2af: {  	s10 =	simm.s32 $0xCB00;
	s26 =	sadd.s32 s3, s24;
	s7 =	sand.u32 $0x1FFFFFF0, s25  }
0x2b0: {  	(v2sf) =	vpush v63, $0xA;
	[tilespmem:s18], [sflag:$0x2] =	stream.linear.gather [hbm4b:s26+s2], $0x80, $0x38;
	[tilespmem:$0x18400] =	vst v63  }
0x2b1: {  	s30 =	simm.s32 $0xC700;
	s7 =	sadd.s32 s4, s7;
	s31 =	spop (v2sf)  }
0x2b2: {  	(v2sf) =	vpush v62, $0xB;
	[tilespmem:s30], [sflag:$0x4] =	stream.linear.gather [hbm4b:s7+s2], $0x80, $0x38;
	[tilespmem:$0x18400] =	vst v63  }
0x2b3: {  	s24 =	simm.s32 $0xC800;
	s5 =	simm.s32 $0xC980;
	s9 =	sand.u32 $0x1FFFFFF0, s31  }
0x2b4: {  	s30 =	simm.s32 $0xC880;
	s6 =	spop (v2sf);
	(v2sf) =	vpush v63, $0xB;
	s15 =	sadd.s32 s3, s9  }
0x2b5: {  	s16 =	sand.u32 $0x1FFFFFF0, s6;
	s18 =	spop (v2sf);
	s6 =	simm.s32 $0x4900  }
0x2b6: {  	[tilespmem:s12], [sflag:$0x2] =	stream.linear.gather [hbm4b:s15+s2], $0x80, $0x38;
	[tilespmem:$0x18400] =	vst v63  }
0x2b7: {  	s9 =	sadd.s32 s4, s16;
	s8 =	sand.u32 $0x1FFFFFF0, s18;
	s20 =	spop (v2sf)  }
0x2b8: {  	(v2sf) =	vpush v62, $0xC;
	[tilespmem:s17], [sflag:$0x4] =	stream.linear.gather [hbm4b:s9+s2], $0x80, $0x38;
	[tilespmem:$0x18400] =	vst v63  }
0x2b9: {  	s8 =	sadd.s32 s3, s8;
	s21 =	spop (v2sf);
	s9 =	sand.u32 $0x1FFFFFF0, s20  }
0x2ba: {  	(v2sf) =	vpush v63, $0xC;
	[tilespmem:s19], [sflag:$0x2] =	stream.linear.gather [hbm4b:s8+s2], $0x80, $0x38;
	[tilespmem:$0x18400] =	vst v63  }
0x2bb: {  	s26 =	sand.u32 $0x1FFFFFF0, s21;
	s31 =	spop (v2sf);
	s25 =	sadd.s32 s4, s9  }
0x2bc: {  	[tilespmem:s24], [sflag:$0x4] =	stream.linear.gather [hbm4b:s25+s2], $0x80, $0x38;
	[tilespmem:$0x18400] =	vst v63  }
0x2bd: {  	s9 =	sadd.s32 s3, s26;
	s12 =	spop (v2sf);
	s8 =	sand.u32 $0x1FFFFFF0, s31  }
0x2be: {  	[tilespmem:s1], [sflag:$0x2] =	stream.linear.gather [hbm4b:s9+s2], $0x80, $0x38;
	[tilespmem:$0x18400] =	vst v63  }
0x2bf: {  	s15 =	spop (v2sf);
	s8 =	sadd.s32 s4, s8;
	s9 =	sand.u32 $0x1FFFFFF0, s12  }
0x2c0: {  	[tilespmem:s30], [sflag:$0x4] =	stream.linear.gather [hbm4b:s8+s2], $0x80, $0x38;
	[tilespmem:$0x18400] =	vst v63  }
0x2c1: {  	s17 =	sand.u32 $0x1FFFFFF0, s15;
	s16 =	sadd.s32 s3, s9;
	s18 =	spop (v2sf)  }
0x2c2: {  	[tilespmem:s6], [sflag:$0x2] =	stream.linear.gather [hbm4b:s16+s2], $0x80, $0x38;
	[tilespmem:$0x18400] =	vst v63  }
0x2c3: {  	s19 =	sadd.s32 s4, s17;
	s20 =	sand.u32 $0x1FFFFFF0, s18;
	s21 =	spop (v2sf)  }
0x2c4: {  	(v2sf) =	vpush v62, $0xD;
	[tilespmem:s0], [sflag:$0x4] =	stream.linear.gather [hbm4b:s19+s2], $0x80, $0x38;
	[tilespmem:$0x18400] =	vst v63  }
0x2c5: {  	s24 =	simm.s32 $0x4980;
	(v2sf) =	vpush v63, $0xD;
	s25 =	sadd.s32 s3, s20;
	s26 =	sand.u32 $0x1FFFFFF0, s21  }
0x2c6: {  	(v2sf) =	vpush v62, $0xE;
	[tilespmem:s24], [sflag:$0x2] =	stream.linear.gather [hbm4b:s25+s2], $0x80, $0x38;
	[tilespmem:$0x18400] =	vst v63  }
0x2c7: {  	s1 =	simm.s32 $0x4A00;
	s30 =	sadd.s32 s4, s26;
	(v2sf) =	vpush v63, $0xE;
	s31 =	spop (v2sf)  }
0x2c8: {  	(v2sf) =	vpush v62, $0xF;
	[tilespmem:s5], [sflag:$0x4] =	stream.linear.gather [hbm4b:s30+s2], $0x80, $0x38;
	[tilespmem:$0x18400] =	vst v63  }
0x2c9: {  	s0 =	simm.s32 $0x4B00;
	s7 =	spop (v2sf);
	(v2sf) =	vpush v63, $0xF;
	s5 =	sand.u32 $0x1FFFFFF0, s31  }
.LBB2_12:
0x2ca: {  	_ =	sdelay $0x4  }
0x2cb: {  	s5 =	sadd.s32 s3, s5;
	s7 =	sand.u32 $0x1FFFFFF0, s7  }
0x2cc: {  	[tilespmem:s1], [sflag:$0x2] =	stream.linear.gather [hbm4b:s5+s2], $0x80, $0x38;
	[tilespmem:$0x18400] =	vst v63  }
0x2cd: {  	s19 =	sadd.s32 s4, s7  }
0x2ce: {  	[tilespmem:s13], [sflag:$0x4] =	stream.linear.gather [hbm4b:s19+s2], $0x80, $0x38;
	[tilespmem:$0x18400] =	vst v63  }
0x2cf: {  	s8 =	spop (v2sf)  }
0x2d0: {  	s20 =	sand.u32 $0x1FFFFFF0, s8;
	s21 =	spop (v2sf)  }
0x2d1: {  	s24 =	sadd.s32 s3, s20;
	s25 =	sand.u32 $0x1FFFFFF0, s21;
	s6 =	spop (v2sf)  }
0x2d2: {  	[tilespmem:s14], [sflag:$0x2] =	stream.linear.gather [hbm4b:s24+s2], $0x80, $0x38;
	[tilespmem:$0x18400] =	vst v63  }
0x2d3: {  	s26 =	sadd.s32 s4, s25;
	s30 =	sand.u32 $0x1FFFFFF0, s6;
	s31 =	spop (v2sf)  }
0x2d4: {  	[tilespmem:s11], [sflag:$0x4] =	stream.linear.gather [hbm4b:s26+s2], $0x80, $0x38;
	[tilespmem:$0x18400] =	vst v63  }
0x2d5: {  	s5 =	sadd.s32 s3, s30;
	s7 =	sand.u32 $0x1FFFFFF0, s31;
	s8 =	spop (v2sf)  }
0x2d6: {  	[tilespmem:s0], [sflag:$0x2] =	stream.linear.gather [hbm4b:s5+s2], $0x80, $0x38;
	[tilespmem:$0x18400] =	vst v63  }
0x2d7: {  	s9 =	sadd.s32 s4, s7;
	s11 =	sand.u32 $0x1FFFFFF0, s8;
	s12 =	spop (v2sf)  }
0x2d8: {  	[tilespmem:s10], [sflag:$0x4] =	stream.linear.gather [hbm4b:s9+s2], $0x80, $0x38;
	[tilespmem:$0x18400] =	vst v63  }
0x2d9: {  	s13 =	sadd.s32 $0x4B80, s22;
	s1 =	sadd.s32 s3, s11;
	s5 =	sand.u32 $0x1FFFFFF0, s12  }
0x2da: {  	[tilespmem:s13], [sflag:$0x2] =	stream.linear.gather [hbm4b:s1+s2], $0x80, $0x38;
	[tilespmem:$0x18400] =	vst v63  }
0x2db: {  	s14 =	sadd.s32 $0xCB80, s22;
	s15 =	sadd.s32 s4, s5  }
0x2dc: {  	[tilespmem:s14], [sflag:$0x4] =	stream.linear.gather [hbm4b:s15+s2], $0x80, $0x38;
	[tilespmem:$0x18400] =	vst v63  }
0x2dd: {  	v0 =	vld [tilespmem:s29+$0x0]  }
0x2de: {  	v2 =	vld [tilespmem:s28+$0x0];
	_ =	sdelay $0x3  }
0x2df: {  	v1 =	vshll.u32 v0, $0x4  }
0x2e0: {  	v63 =	vshll.u32 v2, $0x4;
	(v2sf) =	vpush v1, $0x0  }
0x2e1: {  	s16 =	smov.u32 s23;
	(v2sf) =	vpush v63, $0x0  }
0x2e2: {  	p0 =	sne.s32 s23, $0xE000;
	s23 =	sadd.s32 $0x2000, s23;
	s22 =	sshra.s32 s16, $0x2;
	(v2sf) =	vpush v1, $0x1  }
0x2e3: {  	s18 =	sadd.s32 $0xC400, s22;
	s6 =	sadd.s32 $0x4400, s22;
	s19 =	sadd.s32 $0x4600, s22  }
0x2e4: {  	s17 =	sadd.s32 $0xC900, s22;
	s31 =	sadd.s32 $0x4580, s22;
	s21 =	sadd.s32 $0xC580, s22;
	(v2sf) =	vpush v63, $0x1  }
0x2e5: {  	s20 =	sadd.s32 $0xCA00, s22;
	s24 =	sadd.s32 $0x4A80, s22;
	[dreg:$0x7] =	wrdreg s17  }
0x2e6: {  	s16 =	sadd.s32 $0x4700, s22;
	s25 =	sadd.s32 $0xC980, s22;
	[dreg:$0x1b] =	wrdreg s20;
	(v2sf) =	vpush v1, $0x2  }
0x2e7: {  	s30 =	sadd.s32 $0x4900, s22;
	s7 =	sadd.s32 $0x4680, s22;
	[smem:$0x7ED] =	sst s24  }
0x2e8: {  	s20 =	sadd.s32 $0xC600, s22;
	s24 =	sadd.s32 $0xC500, s22;
	[dreg:$0xb] =	wrdreg s25;
	(v2sf) =	vpush v63, $0x2  }
0x2e9: {  	s17 =	sadd.s32 $0xC680, s22;
	s26 =	sadd.s32 $0xC880, s22;
	[dreg:$0x13] =	wrdreg s30  }
0x2ea: {  	s25 =	sadd.s32 $0x4480, s22;
	s8 =	sadd.s32 $0x4800, s22;
	[dreg:$0x17] =	wrdreg s26;
	(v2sf) =	vpush v1, $0x3  }
0x2eb: {  	s11 =	sadd.s32 $0xCA80, s22;
	[smem:$0x7EE] =	sst s8;
	s0 =	sadd.s32 $0x4880, s22  }
0x2ec: {  	s8 =	sadd.s32 $0x4980, s22;
	s12 =	sadd.s32 $0xC780, s22;
	[dreg:$0xf] =	wrdreg s0;
	(v2sf) =	vpush v63, $0x3  }
0x2ed: {  	s5 =	sadd.s32 $0xC480, s22;
	s0 =	sadd.s32 $0x4B00, s22;
	s1 =	sadd.s32 $0xC800, s22  }
0x2ee: {  	s10 =	sadd.s32 $0xCB00, s22;
	s13 =	sadd.s32 $0x4780, s22;
	[dreg:$0x1f] =	wrdreg s1;
	(v2sf) =	vpush v1, $0x4  }
0x2ef: {  	s1 =	sadd.s32 $0x4A00, s22;
	s15 =	sadd.s32 $0x4500, s22;
	s9 =	spop (v2sf)  }
0x2f0: {  	s14 =	sadd.s32 $0xC700, s22;
	s26 =	sand.u32 $0x1FFFFFF0, s9;
	s30 =	spop (v2sf);
	(v2sf) =	vpush v63, $0x4  }
0x2f1: {  	s26 =	sadd.s32 s3, s26;
	s30 =	sand.u32 $0x1FFFFFF0, s30;
	s9 =	spop (v2sf)  }
0x2f2: {  	(v2sf) =	vpush v1, $0x5;
	[tilespmem:s6], [sflag:$0x2] =	stream.linear.gather [hbm4b:s26+s2], $0x80, $0x38;
	[tilespmem:$0x18400] =	vst v63  }
0x2f3: {  	s26 =	sadd.s32 s4, s30;
	s9 =	sand.u32 $0x1FFFFFF0, s9;
	s30 =	spop (v2sf)  }
0x2f4: {  	(v2sf) =	vpush v63, $0x5;
	[tilespmem:s18], [sflag:$0x4] =	stream.linear.gather [hbm4b:s26+s2], $0x80, $0x38;
	[tilespmem:$0x18400] =	vst v63  }
0x2f5: {  	s18 =	sadd.s32 s3, s9;
	s26 =	sand.u32 $0x1FFFFFF0, s30;
	s30 =	spop (v2sf);
	(v2sf) =	vpush v1, $0x6  }
0x2f6: {  	[tilespmem:s25], [sflag:$0x2] =	stream.linear.gather [hbm4b:s18+s2], $0x80, $0x38;
	[tilespmem:$0x18400] =	vst v63  }
0x2f7: {  	s25 =	sadd.s32 s4, s26;
	s26 =	sand.u32 $0x1FFFFFF0, s30;
	s30 =	spop (v2sf);
	(v2sf) =	vpush v63, $0x6  }
0x2f8: {  	[tilespmem:s5], [sflag:$0x4] =	stream.linear.gather [hbm4b:s25+s2], $0x80, $0x38;
	[tilespmem:$0x18400] =	vst v63  }
0x2f9: {  	s6 =	sadd.s32 s3, s26;
	s9 =	sand.u32 $0x1FFFFFF0, s30;
	s18 =	spop (v2sf)  }
0x2fa: {  	[tilespmem:s15], [sflag:$0x2] =	stream.linear.gather [hbm4b:s6+s2], $0x80, $0x38;
	[tilespmem:$0x18400] =	vst v63  }
0x2fb: {  	(v2sf) =	vpush v1, $0x7;
	s25 =	sadd.s32 s4, s9;
	s26 =	sand.u32 $0x1FFFFFF0, s18;
	s30 =	spop (v2sf)  }
0x2fc: {  	(v2sf) =	vpush v63, $0x7;
	[tilespmem:s24], [sflag:$0x4] =	stream.linear.gather [hbm4b:s25+s2], $0x80, $0x38;
	[tilespmem:$0x18400] =	vst v63  }
0x2fd: {  	s9 =	sand.u32 $0x1FFFFFF0, s30;
	s6 =	sadd.s32 s3, s26;
	s15 =	spop (v2sf)  }
0x2fe: {  	(v2sf) =	vpush v1, $0x8;
	[tilespmem:s31], [sflag:$0x2] =	stream.linear.gather [hbm4b:s6+s2], $0x80, $0x38;
	[tilespmem:$0x18400] =	vst v63  }
0x2ff: {  	s18 =	sadd.s32 s4, s9;
	s24 =	sand.u32 $0x1FFFFFF0, s15;
	s25 =	spop (v2sf)  }
0x300: {  	[tilespmem:s21], [sflag:$0x4] =	stream.linear.gather [hbm4b:s18+s2], $0x80, $0x38;
	[tilespmem:$0x18400] =	vst v63  }
0x301: {  	s28 =	sadd.s32 $0x10, s28;
	s26 =	sadd.s32 s3, s24;
	s31 =	spop (v2sf)  }
0x302: {  	(v2sf) =	vpush v63, $0x8;
	[tilespmem:s19], [sflag:$0x2] =	stream.linear.gather [hbm4b:s26+s2], $0x80, $0x38;
	[tilespmem:$0x18400] =	vst v63  }
0x303: {  	s29 =	sadd.s32 $0x10, s29;
	s30 =	sand.u32 $0x1FFFFFF0, s25;
	s19 =	spop (v2sf)  }
0x304: {  	(v2sf) =	vpush v1, $0x9;
	s15 =	sadd.s32 s4, s30;
	s18 =	sand.u32 $0x1FFFFFF0, s31;
	s25 =	spop (v2sf)  }
0x305: {  	[tilespmem:s20], [sflag:$0x4] =	stream.linear.gather [hbm4b:s15+s2], $0x80, $0x38;
	[tilespmem:$0x18400] =	vst v63  }
0x306: {  	s21 =	sadd.s32 s3, s18;
	s24 =	sand.u32 $0x1FFFFFF0, s19;
	s31 =	spop (v2sf)  }
0x307: {  	(v2sf) =	vpush v63, $0x9;
	[tilespmem:s7], [sflag:$0x2] =	stream.linear.gather [hbm4b:s21+s2], $0x80, $0x38;
	[tilespmem:$0x18400] =	vst v63  }
0x308: {  	s26 =	sadd.s32 s4, s24;
	s30 =	sand.u32 $0x1FFFFFF0, s25;
	s15 =	sand.u32 $0x1FFFFFF0, s31  }
0x309: {  	(v2sf) =	vpush v1, $0xA;
	[tilespmem:s17], [sflag:$0x4] =	stream.linear.gather [hbm4b:s26+s2], $0x80, $0x38;
	[tilespmem:$0x18400] =	vst v63  }
0x30a: {  	s7 =	sadd.s32 s3, s30;
	s18 =	sadd.s32 s4, s15;
	s17 =	spop (v2sf)  }
0x30b: {  	(v2sf) =	vpush v63, $0xA;
	s15 =	sld [smem:$0x7EE];
	s19 =	sand.u32 $0x1FFFFFF0, s17;
	s20 =	spop (v2sf)  }
0x30c: {  	[tilespmem:s16], [sflag:$0x2] =	stream.linear.gather [hbm4b:s7+s2], $0x80, $0x38;
	[tilespmem:$0x18400] =	vst v63  }
0x30d: {  	s21 =	sadd.s32 s3, s19;
	s25 =	spop (v2sf);
	s19 =	rddreg [dreg:$0x1f]  }
0x30e: {  	[tilespmem:s14], [sflag:$0x4] =	stream.linear.gather [hbm4b:s18+s2], $0x80, $0x38;
	[tilespmem:$0x18400] =	vst v63  }
0x30f: {  	(v2sf) =	vpush v1, $0xB;
	s24 =	sand.u32 $0x1FFFFFF0, s20;
	s30 =	sand.u32 $0x1FFFFFF0, s25;
	s25 =	rddreg [dreg:$0xf]  }
0x310: {  	[tilespmem:s13], [sflag:$0x2] =	stream.linear.gather [hbm4b:s21+s2], $0x80, $0x38;
	[tilespmem:$0x18400] =	vst v63  }
0x311: {  	(v2sf) =	vpush v63, $0xB;
	s26 =	sadd.s32 s4, s24;
	s14 =	sld [smem:$0x7ED];
	s31 =	spop (v2sf)  }
0x312: {  	(v2sf) =	vpush v1, $0xC;
	[tilespmem:s12], [sflag:$0x4] =	stream.linear.gather [hbm4b:s26+s2], $0x80, $0x38;
	[tilespmem:$0x18400] =	vst v63  }
0x313: {  	s7 =	sadd.s32 s3, s30;
	s9 =	sand.u32 $0x1FFFFFF0, s31;
	s12 =	spop (v2sf)  }
0x314: {  	s13 =	rddreg [dreg:$0x1b];
	(v2sf) =	vpush v63, $0xC;
	s16 =	sadd.s32 s4, s9;
	s17 =	sand.u32 $0x1FFFFFF0, s12  }
0x315: {  	[tilespmem:s15], [sflag:$0x2] =	stream.linear.gather [hbm4b:s7+s2], $0x80, $0x38;
	[tilespmem:$0x18400] =	vst v63  }
0x316: {  	s18 =	spop (v2sf);
	s12 =	rddreg [dreg:$0x17];
	s20 =	sadd.s32 s3, s17  }
0x317: {  	[tilespmem:s19], [sflag:$0x4] =	stream.linear.gather [hbm4b:s16+s2], $0x80, $0x38;
	[tilespmem:$0x18400] =	vst v63  }
0x318: {  	s21 =	sand.u32 $0x1FFFFFF0, s18;
	s24 =	spop (v2sf);
	s18 =	rddreg [dreg:$0x13]  }
0x319: {  	[tilespmem:s25], [sflag:$0x2] =	stream.linear.gather [hbm4b:s20+s2], $0x80, $0x38;
	[tilespmem:$0x18400] =	vst v63  }
0x31a: {  	s26 =	sadd.s32 s4, s21;
	s30 =	sand.u32 $0x1FFFFFF0, s24;
	s31 =	spop (v2sf)  }
0x31b: {  	[tilespmem:s12], [sflag:$0x4] =	stream.linear.gather [hbm4b:s26+s2], $0x80, $0x38;
	[tilespmem:$0x18400] =	vst v63  }
0x31c: {  	s24 =	rddreg [dreg:$0x7];
	s15 =	sadd.s32 s3, s30;
	s16 =	sand.u32 $0x1FFFFFF0, s31  }
0x31d: {  	[tilespmem:s18], [sflag:$0x2] =	stream.linear.gather [hbm4b:s15+s2], $0x80, $0x38;
	[tilespmem:$0x18400] =	vst v63  }
0x31e: {  	s31 =	rddreg [dreg:$0xb];
	s19 =	sadd.s32 s4, s16;
	s17 =	spop (v2sf)  }
0x31f: {  	(v2sf) =	vpush v1, $0xD;
	[tilespmem:s24], [sflag:$0x4] =	stream.linear.gather [hbm4b:s19+s2], $0x80, $0x38;
	[tilespmem:$0x18400] =	vst v63  }
.Ltmp5:
0x320: {  	(v2sf) =	vpush v63, $0xD;
	s20 =	sand.u32 $0x1FFFFFF0, s17;
	s21 =	spop (v2sf);
	(pc) =	sbr.rel @p0 .LBB2_12-.Ltmp5, $4  }
0x321: {  	(v2sf) =	vpush v1, $0xE;
	s25 =	sadd.s32 s3, s20;
	s26 =	sand.u32 $0x1FFFFFF0, s21;
	s30 =	spop (v2sf)  }
0x322: {  	(v2sf) =	vpush v63, $0xE;
	[tilespmem:s8], [sflag:$0x2] =	stream.linear.gather [hbm4b:s25+s2], $0x80, $0x38;
	[tilespmem:$0x18400] =	vst v63  }
0x323: {  	(v2sf) =	vpush v1, $0xF;
	s6 =	sadd.s32 s4, s26;
	s5 =	sand.u32 $0x1FFFFFF0, s30;
	s7 =	spop (v2sf)  }
0x324: {  	(v2sf) =	vpush v63, $0xF;
	[tilespmem:s31], [sflag:$0x4] =	stream.linear.gather [hbm4b:s6+s2], $0x80, $0x38;
	[tilespmem:$0x18400] =	vst v63  }
0x325: {  	_ =	sdelay $0x4  }
0x326: {  	s5 =	sadd.s32 s3, s5;
	s6 =	sand.u32 $0x1FFFFFF0, s7  }
0x327: {  	[tilespmem:s1], [sflag:$0x2] =	stream.linear.gather [hbm4b:s5+s2], $0x80, $0x38;
	[tilespmem:$0x18400] =	vst v63  }
0x328: {  	s6 =	sadd.s32 s4, s6  }
0x329: {  	[tilespmem:s13], [sflag:$0x4] =	stream.linear.gather [hbm4b:s6+s2], $0x80, $0x38;
	[tilespmem:$0x18400] =	vst v63  }
0x32a: {  	s31 =	spop (v2sf)  }
0x32b: {  	s8 =	sand.u32 $0x1FFFFFF0, s31;
	s9 =	spop (v2sf)  }
0x32c: {  	s12 =	sadd.s32 s3, s8;
	s13 =	sand.u32 $0x1FFFFFF0, s9;
	s15 =	spop (v2sf)  }
0x32d: {  	[tilespmem:s14], [sflag:$0x2] =	stream.linear.gather [hbm4b:s12+s2], $0x80, $0x38;
	[tilespmem:$0x18400] =	vst v63  }
0x32e: {  	s16 =	sadd.s32 s4, s13;
	s17 =	sand.u32 $0x1FFFFFF0, s15;
	s18 =	spop (v2sf)  }
0x32f: {  	[tilespmem:s11], [sflag:$0x4] =	stream.linear.gather [hbm4b:s16+s2], $0x80, $0x38;
	[tilespmem:$0x18400] =	vst v63  }
0x330: {  	s19 =	sadd.s32 s3, s17;
	s20 =	sand.u32 $0x1FFFFFF0, s18;
	s21 =	spop (v2sf)  }
0x331: {  	[tilespmem:s0], [sflag:$0x2] =	stream.linear.gather [hbm4b:s19+s2], $0x80, $0x38;
	[tilespmem:$0x18400] =	vst v63  }
0x332: {  	s23 =	sadd.s32 s4, s20;
	s24 =	sand.u32 $0x1FFFFFF0, s21;
	s25 =	spop (v2sf)  }
0x333: {  	[tilespmem:s10], [sflag:$0x4] =	stream.linear.gather [hbm4b:s23+s2], $0x80, $0x38;
	[tilespmem:$0x18400] =	vst v63  }
0x334: {  	s26 =	sadd.s32 $0x4B80, s22;
	s1 =	sadd.s32 s3, s24;
	s5 =	sand.u32 $0x1FFFFFF0, s25  }
0x335: {  	[tilespmem:s26], [sflag:$0x2] =	stream.linear.gather [hbm4b:s1+s2], $0x80, $0x38;
	[tilespmem:$0x18400] =	vst v63  }
0x336: {  	s28 =	sadd.s32 $0xCB80, s22;
	s30 =	simm.s32 $0x1;
	s29 =	sadd.s32 s4, s5  }
0x337: {  	[tilespmem:s28], [sflag:$0x4] =	stream.linear.gather [hbm4b:s29+s2], $0x80, $0x38;
	[tilespmem:$0x18400] =	vst v63  }
0x338: {  	_ =	swait.ge [sflag:s30], $0x4000  }
0x339: {  	[sflag:s30] =	ssyncset.done $0x0  }
0x33a: {  	s31 =	simm.s32 $0x3;
	[sflag:s30] =	ssyncadd.s32 $0xFFFFC000  }
0x33b: {  	_ =	swait.ge [sflag:s31], $0x4000  }
0x33c: {  	[sflag:s31] =	ssyncset.done $0x0  }
0x33d: {  	s6 =	simm.s32 $0x5;
	[sflag:s31] =	ssyncadd.s32 $0xFFFFC000  }
0x33e: {  	_ =	swait.ge [sflag:s6], $0x4000  }
0x33f: {  	[sflag:s6] =	ssyncset.done $0x0  }
0x340: {  	s0 =	simm.s32 $0x0;
	[sflag:s6] =	ssyncadd.s32 $0xFFFFC000  }
0x341: {  	v2 =	vld [tilespmem:s0+$0x430]  }
0x342: {  	v4 =	vld [tilespmem:s0+$0x8430]  }
0x343: {  	v5 =	vld [tilespmem:s0+$0x400]  }
0x344: {  	v6 =	vld [tilespmem:s0+$0x8400]  }
0x345: {  	v1 =	vld [tilespmem:s0+$0x410]  }
0x346: {  	v3 =	vld [tilespmem:s0+$0x8410]  }
0x347: {  	v0 =	vld [tilespmem:s0+$0x420];
	v7 =	vmul.f32 v4, v2  }
0x348: {  	s1 =	simm.s32 $0x80;
	v4 =	vld [tilespmem:s0+$0x8420]  }
0x349: {  	s5 =	simm.s32 $0x400;
	v2 =	vld [tilespmem:s1+$0x430];
	v5 =	vmul.f32 v6, v5;
	[tilespmem:s0+$0x10430] =	vst v7  }
.LBB2_14:
0x34a: {  	p0 =	sne.s32 s5, $0xFE00;
	v6 =	vld [tilespmem:s1+$0x8430]  }
0x34b: {  	v7 =	vld [tilespmem:s1+$0x400];
	[tilespmem:s0+$0x10400] =	vst v5;
	v3 =	vmul.f32 v3, v1  }
0x34c: {  	v5 =	vld [tilespmem:s1+$0x8400]  }
.Ltmp6:
0x34d: {  	v1 =	vld [tilespmem:s1+$0x410];
	[tilespmem:s0+$0x10410] =	vst v3;
	v4 =	vmul.f32 v4, v0;
	(pc) =	sbr.rel @p0 .LBB2_14-.Ltmp6, $4  }
0x34e: {  	v3 =	vld [tilespmem:s1+$0x8410]  }
0x34f: {  	v0 =	vld [tilespmem:s1+$0x420];
	v6 =	vmul.f32 v6, v2;
	[tilespmem:s0+$0x10420] =	vst v4;
	s0 =	smov.u32 s1  }
0x350: {  	s1 =	sshra.s32 s5, $0x2;
	v4 =	vld [tilespmem:s0+$0x8420]  }
0x351: {  	s5 =	sadd.s32 $0x200, s5;
	v2 =	vld [tilespmem:s1+$0x430];
	v5 =	vmul.f32 v5, v7;
	[tilespmem:s0+$0x10430] =	vst v6  }
0x352: {  	v6 =	vld [tilespmem:s1+$0x8430]  }
0x353: {  	v7 =	vld [tilespmem:s1+$0x400];
	[tilespmem:s0+$0x10400] =	vst v5;
	v1 =	vmul.f32 v3, v1  }
0x354: {  	v3 =	vld [tilespmem:s1+$0x8400]  }
0x355: {  	v5 =	vld [tilespmem:s1+$0x410];
	[tilespmem:s0+$0x10410] =	vst v1;
	v0 =	vmul.f32 v4, v0  }
0x356: {  	v1 =	vld [tilespmem:s1+$0x8410]  }
0x357: {  	v4 =	vld [tilespmem:s1+$0x420];
	[tilespmem:s0+$0x10420] =	vst v0  }
0x358: {  	v0 =	vld [tilespmem:s1+$0x8420];
	_ =	sdelay $0x1  }
0x359: {  	v2 =	vmul.f32 v6, v2  }
0x35a: {  	v3 =	vmul.f32 v3, v7  }
0x35b: {  	[tilespmem:s1+$0x10430] =	vst v2;
	v1 =	vmul.f32 v1, v5  }
0x35c: {  	s29 =	sld [smem:$0x7FB];
	[tilespmem:s1+$0x10400] =	vst v3;
	v0 =	vmul.f32 v0, v4  }
0x35d: {  	[tilespmem:s1+$0x10410] =	vst v1  }
0x35e: {  	s28 =	simm.s32 $0x0;
	s5 =	simm.s32 $0x10400;
	s30 =	simm.s32 $0x2;
	[tilespmem:s1+$0x10420] =	vst v0  }
0x35f: {  	[hbm4b:s29+s28] =	stream.linear.scatter [tilespmem:s5], [sflag:$0x5], $0x4000, $0x38;
	[tilespmem:$0x18400] =	vst v63  }
0x360: {  	_ =	swait.ge [sflag:s30], $0x4000  }
0x361: {  	[sflag:s30] =	ssyncset.done $0x0  }
0x362: {  	s31 =	simm.s32 $0x4;
	[sflag:s30] =	ssyncadd.s32 $0xFFFFC000  }
0x363: {  	_ =	swait.ge [sflag:s31], $0x4000  }
0x364: {  	[sflag:s31] =	ssyncset.done $0x0  }
0x365: {  	s7 =	simm.s32 $0x6;
	[sflag:s31] =	ssyncadd.s32 $0xFFFFC000  }
0x366: {  	_ =	swait.ge [sflag:s7], $0x4000  }
0x367: {  	[sflag:s7] =	ssyncset.done $0x0  }
0x368: {  	s0 =	simm.s32 $0x0;
	[sflag:s7] =	ssyncadd.s32 $0xFFFFC000  }
0x369: {  	v2 =	vld [tilespmem:s0+$0x4430]  }
0x36a: {  	v4 =	vld [tilespmem:s0+$0xC430]  }
0x36b: {  	v5 =	vld [tilespmem:s0+$0x4400]  }
0x36c: {  	v6 =	vld [tilespmem:s0+$0xC400]  }
0x36d: {  	v1 =	vld [tilespmem:s0+$0x4410]  }
0x36e: {  	v3 =	vld [tilespmem:s0+$0xC410]  }
0x36f: {  	v0 =	vld [tilespmem:s0+$0x4420];
	v7 =	vmul.f32 v4, v2  }
0x370: {  	s1 =	simm.s32 $0x80;
	v4 =	vld [tilespmem:s0+$0xC420]  }
0x371: {  	s5 =	simm.s32 $0x400;
	v2 =	vld [tilespmem:s1+$0x4430];
	v5 =	vmul.f32 v6, v5;
	[tilespmem:s0+$0x14430] =	vst v7  }
.LBB2_16:
0x372: {  	p0 =	sne.s32 s5, $0xFE00;
	v6 =	vld [tilespmem:s1+$0xC430]  }
0x373: {  	v7 =	vld [tilespmem:s1+$0x4400];
	[tilespmem:s0+$0x14400] =	vst v5;
	v3 =	vmul.f32 v3, v1  }
0x374: {  	v5 =	vld [tilespmem:s1+$0xC400]  }
.Ltmp7:
0x375: {  	v1 =	vld [tilespmem:s1+$0x4410];
	[tilespmem:s0+$0x14410] =	vst v3;
	v4 =	vmul.f32 v4, v0;
	(pc) =	sbr.rel @p0 .LBB2_16-.Ltmp7, $4  }
0x376: {  	v3 =	vld [tilespmem:s1+$0xC410]  }
0x377: {  	v0 =	vld [tilespmem:s1+$0x4420];
	v6 =	vmul.f32 v6, v2;
	[tilespmem:s0+$0x14420] =	vst v4;
	s0 =	smov.u32 s1  }
0x378: {  	s1 =	sshra.s32 s5, $0x2;
	v4 =	vld [tilespmem:s0+$0xC420]  }
0x379: {  	s5 =	sadd.s32 $0x200, s5;
	v2 =	vld [tilespmem:s1+$0x4430];
	v5 =	vmul.f32 v5, v7;
	[tilespmem:s0+$0x14430] =	vst v6  }
0x37a: {  	v6 =	vld [tilespmem:s1+$0xC430]  }
0x37b: {  	v7 =	vld [tilespmem:s1+$0x4400];
	[tilespmem:s0+$0x14400] =	vst v5;
	v1 =	vmul.f32 v3, v1  }
0x37c: {  	v62 =	vld [tilespmem:s1+$0xC400]  }
0x37d: {  	v5 =	vld [tilespmem:s1+$0x4410];
	[tilespmem:s0+$0x14410] =	vst v1;
	v0 =	vmul.f32 v4, v0  }
0x37e: {  	v1 =	vld [tilespmem:s1+$0xC410]  }
0x37f: {  	v63 =	vld [tilespmem:s1+$0x4420];
	[tilespmem:s0+$0x14420] =	vst v0  }
0x380: {  	v0 =	vld [tilespmem:s1+$0xC420];
	_ =	sdelay $0x1  }
0x381: {  	v2 =	vmul.f32 v6, v2  }
0x382: {  	v3 =	vmul.f32 v62, v7  }
0x383: {  	[tilespmem:s1+$0x14430] =	vst v2;
	v1 =	vmul.f32 v1, v5  }
0x384: {  	s28 =	sld [smem:$0x7FC];
	[tilespmem:s1+$0x14400] =	vst v3;
	v0 =	vmul.f32 v0, v63  }
0x385: {  	[tilespmem:s1+$0x14410] =	vst v1  }
0x386: {  	s29 =	simm.s32 $0x14400;
	[tilespmem:s1+$0x14420] =	vst v0  }
0x387: {  	[hbm4b:s28+s2] =	stream.linear.scatter [tilespmem:s29], [sflag:$0x6], $0x4000, $0x38;
	[tilespmem:$0x18400] =	vst v63  }
0x388: {  	_ =	swait.ge [sflag:s6], $0x4000  }
0x389: {  	[sflag:s6] =	ssyncset.done $0x0  }
0x38a: {  	[sflag:s6] =	ssyncadd.s32 $0xFFFFC000  }
0x38b: {  	_ =	swait.ge [sflag:s7], $0x4000  }
0x38c: {  	s30 =	sld [smem:$0x7F6]  }
0x38d: {  	s31 =	sld [smem:$0x7FD];
	_ =	sdelay $0x1  }
0x38e: {  	s1 =	sadd.s32 $0x1, s30  }
0x38f: {  	p0 =	sne.s32 s1, s31  }
.Ltmp8:
0x390: {  	_ = 	snop;
	(pc) =	sbr.rel @p0 .LBB2_1-.Ltmp8, $3  }
0x391: {  	_ =	sdelay $0x1  }
0x392: {  	[sflag:s7] =	ssyncset.done $0x0  }
0x393: {  	[sflag:s7] =	ssyncadd.s32 $0xFFFFC000  }
0x394: {  	_ =	sfence.sel $0x180000  }
0x395: {  	[bflag:$0x0] =	sbarrier.arrive $0xFFFF  }
0x396: {  	_ =	strace $0x90000047  }
0x397: {  	s0 =	stileid.u32;
	[bflag:$0x2] =	sbarrier.arrive $0xFFFF  }
0x398: {  	p0 =	sne.s32 s0, $0x0;
	s0 =	rddreg [dreg:$0x3]  }
0x399: {  	s0 =	sadd.s32 @!p0 $0x100000, s0  }
0x39a: {  	[sflag:s0] =	ssyncadd.tile.s32 @!p0 $0x1;
	_ =	shalt  }
.Lfunc_end2:
_tile_overlayer_lowered:
.L_overlay_start_2:
0x39b: {  	(tag) =	ssettag $0x2  }
0x39c: {  	s0 =	rddreg [dreg:$0x0];
	s2 =	stileid.u32  }
0x39d: {  	s1 =	rddreg [dreg:$0x1];
	p0 =	sne.s32 s2, $0x0  }
0x39e: {  	s3 =	rddreg [dreg:$0x2];
	[bflag:$0x3] =	sbarrier.arrive $0xFFFF;
	s2 =	simm.s32 @!p0 $0x1C07  }
0x39f: {  	[timem:s3], [sflag:s2] =	dma.local @!p0 [hbm:s0], s1  }
0x3a0: {  	s0 =	simm.s32 @!p0 $0x7  }
0x3a1: {  	_ =	swait.ge @!p0 [sflag:s0], s1  }
0x3a2: {  	s1 =	ssub.s32 @!p0 $0x0, s1;
	[sflag:s0] =	ssyncset.done @!p0 $0x0  }
0x3a3: {  	[sflag:s0] =	ssyncadd.s32 @!p0 s1  }
0x3a4: {  	[bflag:$0x3] =	sbarrier.arrive $0xFFFF  }
0x3a5: {  	_ =	shalt  }

</sc_bundles>
